<compile_context>
chip_gen: v7x
topology: tpu7x:2x2x1
jax: 0.10.2.dev20260603
libtpu: 0.0.44.dev20260713+nightly
codegen_flags: <defaults>
</compile_context>

<pallas_src>
import functools

import jax
import jax.numpy as jnp
from jax import lax
from jax.experimental import pallas as pl
from jax.experimental.pallas import tpu as pltpu
from jax.experimental.pallas import tpu_sc as plsc

HIDDEN = 1024
INTER = 2048
HEADS = 8
RET = 128
E = 65536
NK = 256
K = 8

T_TOTAL = 4096
NC = 2
NS = 16
NW = NC * NS
TPW = T_TOTAL // NW
RPT = HEADS * K
GC = 16
NG = RPT // GC
CH = HIDDEN // 16
LANES = 16



_STEPS = TPW * NG


def _expert_body(x_hbm, idx_hbm, g_hbm, de_hbm, ue_hbm, out_hbm,
                 idx_v, g_v, x_v, de_b, ue_b, out_v,
                 sd0, sd1, su0, su1, sx, sg, so):
    wid = lax.axis_index("s") * NC + lax.axis_index("c")
    t0 = wid * TPW

    pltpu.sync_copy(idx_hbm.at[pl.ds(t0, TPW)], idx_v)

    sems_d = (sd0, sd1)
    sems_u = (su0, su1)

    def gather_handles(s, buf):
        t = s // NG
        gi = lax.rem(s, NG)
        isl = idx_v.at[t, pl.ds(gi * GC, GC)]
        hd = pltpu.make_async_copy(de_hbm.at[isl], de_b.at[buf], sems_d[buf])
        hu = pltpu.make_async_copy(ue_hbm.at[isl], ue_b.at[buf], sems_u[buf])
        return hd, hu

    def fire(s, buf):
        @pl.when(s < _STEPS)
        def _():
            hd, hu = gather_handles(s, buf)
            hd.start()
            hu.start()

    def x_handle(t):
        return pltpu.make_async_copy(x_hbm.at[t0 + t], x_v, sx)

    def g_handle(t):
        return pltpu.make_async_copy(g_hbm.at[t0 + t], g_v, sg)

    def out_handle(t):
        return pltpu.make_async_copy(out_v, out_hbm.at[t0 + t], so)

    def dot_group(t, gi, buf):
        def body(c, accs):
            sl = pl.ds(c * LANES, LANES)
            xc = x_v[sl]
            return tuple(accs[r] + xc * de_b[buf, r, sl] for r in range(GC))
        zero = jnp.zeros((LANES,), jnp.float32)
        accs = lax.fori_loop(0, CH, body, (zero,) * GC, unroll=2)
        gv = g_v[pl.ds(gi * GC, GC)]
        wspl = []
        for r in range(GC):
            s = jnp.sum(accs[r])
            a = jnp.broadcast_to(s * gv[r], (LANES,))
            sig = 1.0 / (1.0 + jnp.exp(jnp.broadcast_to(-s, (LANES,))))
            wspl.append(a * sig)
        return wspl

    def accum_group(buf, gi, wspl):
        first = gi == 0

        def body(c, _):
            sl = pl.ds(c * LANES, LANES)
            acc = out_v[sl]
            acc = jnp.where(first, jnp.zeros((LANES,), jnp.float32), acc)
            parts = []
            for j in range(4):
                p = wspl[j] * ue_b[buf, j, sl]
                for r in range(j + 4, GC, 4):
                    p = p + wspl[r] * ue_b[buf, r, sl]
                parts.append(p)
            out_v[sl] = acc + ((parts[0] + parts[1]) + (parts[2] + parts[3]))
            return 0

        lax.fori_loop(0, CH, body, 0, unroll=2)

    def step(s, buf):
        t = s // NG
        gi = lax.rem(s, NG)
        hd, hu = gather_handles(s, buf)
        hd.wait()

        @pl.when(jnp.logical_and(gi == 0, t > 0))
        def _():
            out_handle(t - 1).wait()

        wspl = dot_group(t, gi, buf)

        @pl.when(jnp.logical_and(gi == NG - 1, t + 1 < TPW))
        def _():
            x_handle(t + 1).start()
            g_handle(t + 1).start()

        hu.wait()
        accum_group(buf, gi, wspl)

        @pl.when(gi == NG - 1)
        def _():
            out_handle(t).start()

        @pl.when(jnp.logical_and(gi == NG - 1, t + 1 < TPW))
        def _():
            x_handle(t + 1).wait()
            g_handle(t + 1).wait()

    fire(0, 0)
    pltpu.sync_copy(x_hbm.at[t0], x_v)
    pltpu.sync_copy(g_hbm.at[t0], g_v)

    def loop_body(i, _):
        s0 = 2 * i
        fire(s0 + 1, 1)
        step(s0, 0)
        fire(s0 + 2, 0)
        step(s0 + 1, 1)
        return 0

    lax.fori_loop(0, _STEPS // 2, loop_body, 0)
    out_handle(TPW - 1).wait()


def _expert_pallas(x, idx, gates, down_embed, up_embed):
    mesh = plsc.VectorSubcoreMesh(core_axis_name="c", subcore_axis_name="s")
    fn = functools.partial(
        pl.kernel,
        mesh=mesh,
        compiler_params=pltpu.CompilerParams(needs_layout_passes=False),
        out_type=jax.ShapeDtypeStruct((T_TOTAL, HIDDEN), jnp.float32),
        scratch_types=[
            pltpu.VMEM((TPW, RPT), jnp.int32),
            pltpu.VMEM((RPT,), jnp.float32),
            pltpu.VMEM((HIDDEN,), jnp.float32),
            pltpu.VMEM((2, GC, HIDDEN), jnp.float32),
            pltpu.VMEM((2, GC, HIDDEN), jnp.float32),
            pltpu.VMEM((HIDDEN,), jnp.float32),
            pltpu.SemaphoreType.DMA,
            pltpu.SemaphoreType.DMA,
            pltpu.SemaphoreType.DMA,
            pltpu.SemaphoreType.DMA,
            pltpu.SemaphoreType.DMA,
            pltpu.SemaphoreType.DMA,
            pltpu.SemaphoreType.DMA,
        ],
    )(_expert_body)
    return fn(x, idx, gates, down_embed, up_embed)



_BT_ROUTE = 256
_NEG = -3.0e38


def _route_body(xt_ref, wqt_ref, kt_ref, idx_ref, g_ref):
    xt = xt_ref[...]
    qt = jnp.dot(wqt_ref[...], xt, preferred_element_type=jnp.float32)

    sims = []
    for p in range(2):
        for h in range(HEADS):
            qph = qt[p * (HEADS * 64) + h * 64:
                     p * (HEADS * 64) + (h + 1) * 64]
            sims.append(jnp.dot(kt_ref[p, h], qph,
                                preferred_element_type=jnp.float32))
    sim = jnp.stack(sims, axis=0)

    row = jax.lax.broadcasted_iota(jnp.int32, (16, NK, _BT_ROUTE), 1)
    s = sim
    sc1 = []
    ix1 = []
    for _ in range(K):
        m = jnp.max(s, axis=1)
        hit = s == m[:, None, :]
        pos = jnp.min(jnp.where(hit, row, NK), axis=1)
        sc1.append(m)
        ix1.append(pos)
        s = jnp.where(row == pos[:, None, :], _NEG, s)
    sc1 = jnp.stack(sc1, axis=1)
    ix1 = jnp.stack(ix1, axis=1)

    sx, sy = sc1[:HEADS], sc1[HEADS:]
    ixx, ixy = ix1[:HEADS], ix1[HEADS:]

    all_sc = (sx[:, :, None, :] + sy[:, None, :, :]).reshape(HEADS, K * K, _BT_ROUTE)
    all_ix = (ixx[:, :, None, :] * NK + ixy[:, None, :, :]).reshape(HEADS, K * K, _BT_ROUTE)

    row2 = jax.lax.broadcasted_iota(jnp.int32, (HEADS, K * K, _BT_ROUTE), 1)
    s = all_sc
    sc2 = []
    ix2 = []
    for _ in range(K):
        m = jnp.max(s, axis=1)
        hit = s == m[:, None, :]
        pos = jnp.min(jnp.where(hit, row2, K * K), axis=1)
        sel = row2 == pos[:, None, :]
        e = jnp.sum(jnp.where(sel, all_ix, 0), axis=1)
        sc2.append(m)
        ix2.append(e)
        s = jnp.where(sel, _NEG, s)
    sc2 = jnp.stack(sc2, axis=1)
    ix2 = jnp.stack(ix2, axis=1)

    mm = jnp.max(sc2, axis=1, keepdims=True)
    ex = jnp.exp(sc2 - mm)
    gates = ex / jnp.sum(ex, axis=1, keepdims=True)

    idx_ref[...] = ix2.reshape(RPT, _BT_ROUTE)
    g_ref[...] = gates.reshape(RPT, _BT_ROUTE)


def _route_pallas(x, W_q, keys_p):
    T = x.shape[0]
    kt = jnp.transpose(keys_p, (2, 0, 1, 3))
    idx_t, gates_t = pl.pallas_call(
        _route_body,
        grid=(T // _BT_ROUTE,),
        in_specs=[
            pl.BlockSpec((HIDDEN, _BT_ROUTE), lambda i: (0, i)),
            pl.BlockSpec((HEADS * RET, HIDDEN), lambda i: (0, 0)),
            pl.BlockSpec((2, HEADS, NK, RET // 2), lambda i: (0, 0, 0, 0)),
        ],
        out_specs=[
            pl.BlockSpec((RPT, _BT_ROUTE), lambda i: (0, i)),
            pl.BlockSpec((RPT, _BT_ROUTE), lambda i: (0, i)),
        ],
        out_shape=[
            jax.ShapeDtypeStruct((RPT, T), jnp.int32),
            jax.ShapeDtypeStruct((RPT, T), jnp.float32),
        ],
    )(x.T, W_q.T, kt)
    return idx_t.T, gates_t.T



def _mlp_body(x_ref, wg_ref, wu_ref, wd_ref, add_ref, o_ref):
    x = x_ref[...].astype(jnp.bfloat16)
    g = jnp.dot(x, wg_ref[...], preferred_element_type=jnp.float32)
    u = jnp.dot(x, wu_ref[...], preferred_element_type=jnp.float32)
    h = ((g * jax.nn.sigmoid(g)) * u).astype(jnp.bfloat16)
    o_ref[...] = jnp.dot(h, wd_ref[...], preferred_element_type=jnp.float32) + add_ref[...]


def _mlp_pallas(x, W_gate, W_up, W_down, add):
    T = x.shape[0]
    BT = 512
    return pl.pallas_call(
        _mlp_body,
        grid=(T // BT,),
        in_specs=[
            pl.BlockSpec((BT, HIDDEN), lambda i: (i, 0)),
            pl.BlockSpec((HIDDEN, INTER), lambda i: (0, 0)),
            pl.BlockSpec((HIDDEN, INTER), lambda i: (0, 0)),
            pl.BlockSpec((INTER, HIDDEN), lambda i: (0, 0)),
            pl.BlockSpec((BT, HIDDEN), lambda i: (i, 0)),
        ],
        out_specs=pl.BlockSpec((BT, HIDDEN), lambda i: (i, 0)),
        out_shape=jax.ShapeDtypeStruct((T, HIDDEN), jnp.float32),
    )(x, W_gate.astype(jnp.bfloat16), W_up.astype(jnp.bfloat16),
      W_down.astype(jnp.bfloat16), add)



def kernel(hidden_states, W_q, keys_p, down_embed, up_embed, W_gate, W_up, W_down):
    bsz, seq_len, _ = hidden_states.shape
    T = bsz * seq_len
    x = hidden_states.reshape(T, HIDDEN)

    idx_flat, gates_flat = _route_pallas(x, W_q, keys_p)

    experts = _expert_pallas(x, idx_flat, gates_flat, down_embed, up_embed)

    out = _mlp_pallas(x, W_gate, W_up, W_down, experts)
    return out.reshape(bsz, seq_len, HIDDEN)

# --- scband reference (transcript-rebuilt; emitter-appended) ---
"""Pipeline reference for scband-doge-cdmo-e-66872640799384 (READ-ONLY COPY).

The authoritative reference and input builder live on the scoring server;
editing this copy changes nothing except your own understanding.
"""

import jax, jax.numpy as jnp
import numpy as np

HIDDEN = 1024
INTER = 2048
HEADS = 8
RET = 128
E = 65536
NK = 256
K = 8


def setup_inputs(seed: int = 0) -> dict:
    key = jax.random.key(seed)
    ks = jax.random.split(key, 8)
    hidden_states = jax.random.normal(ks[0], (2, 2048, HIDDEN), dtype=jnp.float32)
    W_q = jax.random.normal(ks[1], (HIDDEN, HEADS * RET), dtype=jnp.float32) * 0.02
    keys_p = jax.random.normal(ks[2], (HEADS, NK, 2, RET // 2), dtype=jnp.float32) * 0.02
    down_embed = jax.random.normal(ks[3], (E, HIDDEN), dtype=jnp.float32) * 0.02
    up_embed = jax.random.normal(ks[4], (E, HIDDEN), dtype=jnp.float32) * 0.02
    W_gate = jax.random.normal(ks[5], (HIDDEN, INTER), dtype=jnp.float32) * 0.02
    W_up = jax.random.normal(ks[6], (HIDDEN, INTER), dtype=jnp.float32) * 0.02
    W_down = jax.random.normal(ks[7], (INTER, HIDDEN), dtype=jnp.float32) * 0.02
    return {"hidden_states": hidden_states, "W_q": W_q, "keys_p": keys_p,
            "down_embed": down_embed, "up_embed": up_embed,
            "W_gate": W_gate, "W_up": W_up, "W_down": W_down}


def reference(hidden_states, W_q, keys_p, down_embed, up_embed, W_gate, W_up, W_down):
    bsz, seq_len, _ = hidden_states.shape
    # product-key retrieval
    q = hidden_states @ W_q                                   # (b, t, H*RET)
    q = q.reshape(bsz, seq_len, 2, HEADS, RET // 2)
    q = jnp.transpose(q, (2, 0, 1, 3, 4))                      # (p, b, t, h, n)
    sim = jnp.einsum('pbthn,hkpn->pbthk', q, keys_p)           # (p, b, t, h, NK)
    scores, indices = jax.lax.top_k(sim, K)                    # over last dim
    scores_x, scores_y = scores[0], scores[1]
    indices_x, indices_y = indices[0], indices[1]
    all_scores = scores_x[..., :, None] + scores_y[..., None, :]
    all_scores = all_scores.reshape(*scores_x.shape[:-1], K * K)
    all_indices = indices_x[..., :, None] * NK + indices_y[..., None, :]
    all_indices = all_indices.reshape(*indices_x.shape[:-1], K * K)
    sc, pk_idx = jax.lax.top_k(all_scores, K)                  # (b, t, h, K)
    idx = jnp.take_along_axis(all_indices, pk_idx, axis=-1)    # (b, t, h, K)
    # expert embedding gathers (memory bound)
    de = jnp.take(down_embed, idx, axis=0)                     # (b, t, h, K, d)
    ue = jnp.take(up_embed, idx, axis=0)                       # (b, t, h, K, d)
    w = jnp.einsum('btd,bthkd->bthk', hidden_states, de)
    w = jax.nn.silu(w) * jax.nn.softmax(sc, axis=-1)
    experts_states = jnp.einsum('bthk,bthkd->btd', w, ue)
    # dense MLP path
    mlp = (jax.nn.silu(hidden_states @ W_gate) * (hidden_states @ W_up)) @ W_down
    return mlp + experts_states

if __name__ == "__main__":
    import jax
    _d = setup_inputs()
    print(jax.jit(kernel)(*tuple(_d.values())))

</pallas_src>

<mosaic_0001>
#map = affine_map<(d0, d1) -> (0, 0)>
module attributes {stable_mosaic.version = 14 : i64} {
  func.func @_expert_body(%arg0: i32, %arg1: i32, %arg2: memref<4096x1024xf32, #tpu.memory_space<hbm>>, %arg3: memref<4096x64xi32, #tpu.memory_space<hbm>>, %arg4: memref<4096x64xf32, #tpu.memory_space<hbm>>, %arg5: memref<65536x1024xf32, #tpu.memory_space<hbm>>, %arg6: memref<65536x1024xf32, #tpu.memory_space<hbm>>, %arg7: memref<4096x1024xf32, #tpu.memory_space<hbm>>, %arg8: memref<128x64xi32, #tpu.memory_space<vmem>>, %arg9: memref<64xf32, #tpu.memory_space<vmem>>, %arg10: memref<1024xf32, #tpu.memory_space<vmem>>, %arg11: memref<2x16x1024xf32, #tpu.memory_space<vmem>>, %arg12: memref<2x16x1024xf32, #tpu.memory_space<vmem>>, %arg13: memref<1024xf32, #tpu.memory_space<vmem>>, %arg14: memref<!tpu.dma_semaphore, #tpu.memory_space<semaphore_mem>>, %arg15: memref<!tpu.dma_semaphore, #tpu.memory_space<semaphore_mem>>, %arg16: memref<!tpu.dma_semaphore, #tpu.memory_space<semaphore_mem>>, %arg17: memref<!tpu.dma_semaphore, #tpu.memory_space<semaphore_mem>>, %arg18: memref<!tpu.dma_semaphore, #tpu.memory_space<semaphore_mem>>, %arg19: memref<!tpu.dma_semaphore, #tpu.memory_space<semaphore_mem>>, %arg20: memref<!tpu.dma_semaphore, #tpu.memory_space<semaphore_mem>>) attributes {dimension_semantics = [#tpu.dimension_semantics<core_parallel>, #tpu.dimension_semantics<subcore_parallel>], iteration_bounds = array<i64: 2, 16>, scalar_prefetch = 0 : i64, scratch_operands = 13 : i64, tpu.core_type = #tpu.core_type<sc_vector_subcore>, window_params = [{transform_indices = #map}, {transform_indices = #map}, {transform_indices = #map}, {transform_indices = #map}, {transform_indices = #map}, {transform_indices = #map}]} {
    %mul3A = arith.constant 2 : i32
    %mul3A_0 = arith.muli %arg1, %mul3A : i32
    %add3A = arith.addi %mul3A_0, %arg0 : i32
    %mul3A_1 = arith.constant 128 : i32
    %mul3A_2 = arith.muli %add3A, %mul3A_1 : i32
    "tpu.region"() ({
      %run_scoped3A = tpu.sem_alloc : memref<!tpu.dma_semaphore, #tpu.memory_space<semaphore_mem>>
      %dma_start3A_41 = arith.constant 0 : i32
      %dma_start3A_42 = tpu.memref_slice %arg3[%mul3A_2, %dma_start3A_41] : memref<4096x64xi32, #tpu.memory_space<hbm>> -> memref<128x64xi32, #tpu.memory_space<hbm>>
      %dma_start3A_43 = arith.constant 0 : i32
      %dma_start3A_44 = tpu.memref_slice %arg3[%mul3A_2, %dma_start3A_43] : memref<4096x64xi32, #tpu.memory_space<hbm>> -> memref<128x64xi32, #tpu.memory_space<hbm>>
      tpu.enqueue_dma source(%dma_start3A_44 : memref<128x64xi32, #tpu.memory_space<hbm>>) target(%arg8 : memref<128x64xi32, #tpu.memory_space<vmem>>) target_semaphore(%run_scoped3A : memref<!tpu.dma_semaphore, #tpu.memory_space<semaphore_mem>>)
      %dma_wait3A_45 = arith.constant 0 : i32
      %dma_wait3A_46 = tpu.memref_slice %arg3[%mul3A_2, %dma_wait3A_45] : memref<4096x64xi32, #tpu.memory_space<hbm>> -> memref<128x64xi32, #tpu.memory_space<hbm>>
      %dma_wait3A_47 = arith.constant 0 : i32
      %dma_wait3A_48 = tpu.memref_slice %arg3[%mul3A_2, %dma_wait3A_47] : memref<4096x64xi32, #tpu.memory_space<hbm>> -> memref<128x64xi32, #tpu.memory_space<hbm>>
      tpu.wait_dma2 semaphore(%run_scoped3A : memref<!tpu.dma_semaphore, #tpu.memory_space<semaphore_mem>>) src(%dma_wait3A_48 : memref<128x64xi32, #tpu.memory_space<hbm>>) dst(%arg8 : memref<128x64xi32, #tpu.memory_space<vmem>>)
      tpu.yield
    }) : () -> ()
    %rem3A = arith.constant 0 : i32
    %rem3A_3 = arith.constant 4 : i32
    %rem3A_4 = arith.remsi %rem3A, %rem3A_3 : i32
    %mul3A_5 = arith.constant 16 : i32
    %mul3A_6 = arith.muli %rem3A_4, %mul3A_5 : i32
    %dma_start3A = arith.constant 0 : i32
    %dma_start3A_7 = arith.constant 0 : i32
    %dma_start3A_8 = arith.constant 0 : i32
    %dma_start3A_9 = arith.constant 0 : i32
    %dma_start3A_10 = tpu.memref_slice %arg11[%dma_start3A_7, %dma_start3A_8, %dma_start3A_9] : memref<2x16x1024xf32, #tpu.memory_space<vmem>> -> memref<1x16x1024xf32, #tpu.memory_space<vmem>>
    %dma_start3A_11 = tpu.memref_squeeze %dma_start3A_10 : memref<1x16x1024xf32, #tpu.memory_space<vmem>> -> memref<16x1024xf32, #tpu.memory_space<vmem>>
    %dma_start3A_12 = tpu.memref_slice %arg8[%dma_start3A, %mul3A_6] : memref<128x64xi32, #tpu.memory_space<vmem>> -> memref<1x16xi32, #tpu.memory_space<vmem>>
    %dma_start3A_13 = tpu.memref_squeeze %dma_start3A_12 : memref<1x16xi32, #tpu.memory_space<vmem>> -> memref<16xi32, #tpu.memory_space<vmem>>
    %dma_start3A_14 = arith.constant 0 : i32
    %dma_start3A_15 = arith.constant 0 : i32
    %dma_start3A_16 = tpu.memref_slice %arg5[%dma_start3A_14, %dma_start3A_15] : memref<65536x1024xf32, #tpu.memory_space<hbm>> -> memref<65536x1024xf32, #tpu.memory_space<hbm>>
    tpu.enqueue_indirect_dma source(%dma_start3A_16 : memref<65536x1024xf32, #tpu.memory_space<hbm>>) target(%dma_start3A_11 : memref<16x1024xf32, #tpu.memory_space<vmem>>) offsets(%dma_start3A_13 : memref<16xi32, #tpu.memory_space<vmem>>) semaphore(%arg14 : memref<!tpu.dma_semaphore, #tpu.memory_space<semaphore_mem>>)
    %dma_start3A_17 = arith.constant 0 : i32
    %dma_start3A_18 = arith.constant 0 : i32
    %dma_start3A_19 = arith.constant 0 : i32
    %dma_start3A_20 = arith.constant 0 : i32
    %dma_start3A_21 = tpu.memref_slice %arg12[%dma_start3A_18, %dma_start3A_19, %dma_start3A_20] : memref<2x16x1024xf32, #tpu.memory_space<vmem>> -> memref<1x16x1024xf32, #tpu.memory_space<vmem>>
    %dma_start3A_22 = tpu.memref_squeeze %dma_start3A_21 : memref<1x16x1024xf32, #tpu.memory_space<vmem>> -> memref<16x1024xf32, #tpu.memory_space<vmem>>
    %dma_start3A_23 = tpu.memref_slice %arg8[%dma_start3A_17, %mul3A_6] : memref<128x64xi32, #tpu.memory_space<vmem>> -> memref<1x16xi32, #tpu.memory_space<vmem>>
    %dma_start3A_24 = tpu.memref_squeeze %dma_start3A_23 : memref<1x16xi32, #tpu.memory_space<vmem>> -> memref<16xi32, #tpu.memory_space<vmem>>
    %dma_start3A_25 = arith.constant 0 : i32
    %dma_start3A_26 = arith.constant 0 : i32
    %dma_start3A_27 = tpu.memref_slice %arg6[%dma_start3A_25, %dma_start3A_26] : memref<65536x1024xf32, #tpu.memory_space<hbm>> -> memref<65536x1024xf32, #tpu.memory_space<hbm>>
    tpu.enqueue_indirect_dma source(%dma_start3A_27 : memref<65536x1024xf32, #tpu.memory_space<hbm>>) target(%dma_start3A_22 : memref<16x1024xf32, #tpu.memory_space<vmem>>) offsets(%dma_start3A_24 : memref<16xi32, #tpu.memory_space<vmem>>) semaphore(%arg16 : memref<!tpu.dma_semaphore, #tpu.memory_space<semaphore_mem>>)
    "tpu.region"() ({
      %run_scoped3A = tpu.sem_alloc : memref<!tpu.dma_semaphore, #tpu.memory_space<semaphore_mem>>
      %dma_start3A_41 = arith.constant 0 : i32
      %dma_start3A_42 = tpu.memref_slice %arg2[%mul3A_2, %dma_start3A_41] : memref<4096x1024xf32, #tpu.memory_space<hbm>> -> memref<1x1024xf32, #tpu.memory_space<hbm>>
      %dma_start3A_43 = tpu.memref_squeeze %dma_start3A_42 : memref<1x1024xf32, #tpu.memory_space<hbm>> -> memref<1024xf32, #tpu.memory_space<hbm>>
      %dma_start3A_44 = arith.constant 0 : i32
      %dma_start3A_45 = tpu.memref_slice %arg2[%mul3A_2, %dma_start3A_44] : memref<4096x1024xf32, #tpu.memory_space<hbm>> -> memref<1x1024xf32, #tpu.memory_space<hbm>>
      %dma_start3A_46 = tpu.memref_squeeze %dma_start3A_45 : memref<1x1024xf32, #tpu.memory_space<hbm>> -> memref<1024xf32, #tpu.memory_space<hbm>>
      tpu.enqueue_dma source(%dma_start3A_46 : memref<1024xf32, #tpu.memory_space<hbm>>) target(%arg10 : memref<1024xf32, #tpu.memory_space<vmem>>) target_semaphore(%run_scoped3A : memref<!tpu.dma_semaphore, #tpu.memory_space<semaphore_mem>>)
      %dma_wait3A_47 = arith.constant 0 : i32
      %dma_wait3A_48 = tpu.memref_slice %arg2[%mul3A_2, %dma_wait3A_47] : memref<4096x1024xf32, #tpu.memory_space<hbm>> -> memref<1x1024xf32, #tpu.memory_space<hbm>>
      %dma_wait3A_49 = tpu.memref_squeeze %dma_wait3A_48 : memref<1x1024xf32, #tpu.memory_space<hbm>> -> memref<1024xf32, #tpu.memory_space<hbm>>
      %dma_wait3A_50 = arith.constant 0 : i32
      %dma_wait3A_51 = tpu.memref_slice %arg2[%mul3A_2, %dma_wait3A_50] : memref<4096x1024xf32, #tpu.memory_space<hbm>> -> memref<1x1024xf32, #tpu.memory_space<hbm>>
      %dma_wait3A_52 = tpu.memref_squeeze %dma_wait3A_51 : memref<1x1024xf32, #tpu.memory_space<hbm>> -> memref<1024xf32, #tpu.memory_space<hbm>>
      tpu.wait_dma2 semaphore(%run_scoped3A : memref<!tpu.dma_semaphore, #tpu.memory_space<semaphore_mem>>) src(%dma_wait3A_52 : memref<1024xf32, #tpu.memory_space<hbm>>) dst(%arg10 : memref<1024xf32, #tpu.memory_space<vmem>>)
      tpu.yield
    }) : () -> ()
    "tpu.region"() ({
      %run_scoped3A = tpu.sem_alloc : memref<!tpu.dma_semaphore, #tpu.memory_space<semaphore_mem>>
      %dma_start3A_41 = arith.constant 0 : i32
      %dma_start3A_42 = tpu.memref_slice %arg4[%mul3A_2, %dma_start3A_41] : memref<4096x64xf32, #tpu.memory_space<hbm>> -> memref<1x64xf32, #tpu.memory_space<hbm>>
      %dma_start3A_43 = tpu.memref_squeeze %dma_start3A_42 : memref<1x64xf32, #tpu.memory_space<hbm>> -> memref<64xf32, #tpu.memory_space<hbm>>
      %dma_start3A_44 = arith.constant 0 : i32
      %dma_start3A_45 = tpu.memref_slice %arg4[%mul3A_2, %dma_start3A_44] : memref<4096x64xf32, #tpu.memory_space<hbm>> -> memref<1x64xf32, #tpu.memory_space<hbm>>
      %dma_start3A_46 = tpu.memref_squeeze %dma_start3A_45 : memref<1x64xf32, #tpu.memory_space<hbm>> -> memref<64xf32, #tpu.memory_space<hbm>>
      tpu.enqueue_dma source(%dma_start3A_46 : memref<64xf32, #tpu.memory_space<hbm>>) target(%arg9 : memref<64xf32, #tpu.memory_space<vmem>>) target_semaphore(%run_scoped3A : memref<!tpu.dma_semaphore, #tpu.memory_space<semaphore_mem>>)
      %dma_wait3A_47 = arith.constant 0 : i32
      %dma_wait3A_48 = tpu.memref_slice %arg4[%mul3A_2, %dma_wait3A_47] : memref<4096x64xf32, #tpu.memory_space<hbm>> -> memref<1x64xf32, #tpu.memory_space<hbm>>
      %dma_wait3A_49 = tpu.memref_squeeze %dma_wait3A_48 : memref<1x64xf32, #tpu.memory_space<hbm>> -> memref<64xf32, #tpu.memory_space<hbm>>
      %dma_wait3A_50 = arith.constant 0 : i32
      %dma_wait3A_51 = tpu.memref_slice %arg4[%mul3A_2, %dma_wait3A_50] : memref<4096x64xf32, #tpu.memory_space<hbm>> -> memref<1x64xf32, #tpu.memory_space<hbm>>
      %dma_wait3A_52 = tpu.memref_squeeze %dma_wait3A_51 : memref<1x64xf32, #tpu.memory_space<hbm>> -> memref<64xf32, #tpu.memory_space<hbm>>
      tpu.wait_dma2 semaphore(%run_scoped3A : memref<!tpu.dma_semaphore, #tpu.memory_space<semaphore_mem>>) src(%dma_wait3A_52 : memref<64xf32, #tpu.memory_space<hbm>>) dst(%arg9 : memref<64xf32, #tpu.memory_space<vmem>>)
      tpu.yield
    }) : () -> ()
    %scan3A = arith.constant 0 : i32
    %scan3A_28 = arith.constant 0 : i32
    %scan3A_29 = arith.constant 256 : i32
    %scan3A_30 = arith.addi %scan3A_28, %scan3A_29 : i32
    %scan3A_31 = arith.constant 1 : i32
    %scan3A_32 = scf.for %scan3A_41 = %scan3A_28 to %scan3A_30 step %scan3A_31 iter_args(%scan3A_42 = %scan3A) -> (i32)  : i32 {
      %mul3A_43 = arith.constant 2 : i32
      %mul3A_44 = arith.muli %mul3A_43, %scan3A_41 : i32
      %add3A_45 = arith.constant 1 : i32
      %add3A_46 = arith.addi %mul3A_44, %add3A_45 : i32
      %lt3A = arith.constant 512 : i32
      %lt3A_47 = arith.cmpi slt, %add3A_46, %lt3A : i32
      %convert_element_type3A = arith.extui %lt3A_47 : i1 to i32
      %cond3A = arith.constant 0 : i32
      %cond3A_48 = arith.cmpi ne, %convert_element_type3A, %cond3A : i32
      scf.if %cond3A_48 {
        %jit3A_907 = arith.constant 4 : i32
        %div3A_908 = arith.divsi %add3A_46, %jit3A_907 : i32
        %sign3A_909 = arith.constant 0 : i32
        %sign3A_910 = arith.cmpi sgt, %add3A_46, %sign3A_909 : i32
        %sign3A_911 = arith.extui %sign3A_910 : i1 to i32
        %sign3A_912 = arith.constant 0 : i32
        %sign3A_913 = arith.cmpi slt, %add3A_46, %sign3A_912 : i32
        %sign3A_914 = arith.extui %sign3A_913 : i1 to i32
        %sign3A_915 = arith.subi %sign3A_911, %sign3A_914 : i32
        %sign3A_916 = arith.constant 0 : i32
        %sign3A_917 = arith.cmpi sgt, %jit3A_907, %sign3A_916 : i32
        %sign3A_918 = arith.extui %sign3A_917 : i1 to i32
        %sign3A_919 = arith.constant 0 : i32
        %sign3A_920 = arith.cmpi slt, %jit3A_907, %sign3A_919 : i32
        %sign3A_921 = arith.extui %sign3A_920 : i1 to i32
        %sign3A_922 = arith.subi %sign3A_918, %sign3A_921 : i32
        %ne3A_923 = arith.cmpi ne, %sign3A_915, %sign3A_922 : i32
        %rem3A_924 = arith.remsi %add3A_46, %jit3A_907 : i32
        %ne3A_925 = arith.constant 0 : i32
        %ne3A_926 = arith.cmpi ne, %rem3A_924, %ne3A_925 : i32
        %and3A_927 = arith.andi %ne3A_923, %ne3A_926 : i1
        %sub3A_928 = arith.constant 1 : i32
        %sub3A_929 = arith.subi %div3A_908, %sub3A_928 : i32
        %select_n3A_930 = arith.select %and3A_927, %sub3A_929, %div3A_908 : i32
        %rem3A_931 = arith.constant 4 : i32
        %rem3A_932 = arith.remsi %add3A_46, %rem3A_931 : i32
        %mul3A_933 = arith.constant 16 : i32
        %mul3A_934 = arith.muli %rem3A_932, %mul3A_933 : i32
        %dma_start3A_935 = arith.constant 1 : i32
        %dma_start3A_936 = arith.constant 0 : i32
        %dma_start3A_937 = arith.constant 0 : i32
        %dma_start3A_938 = tpu.memref_slice %arg11[%dma_start3A_935, %dma_start3A_936, %dma_start3A_937] : memref<2x16x1024xf32, #tpu.memory_space<vmem>> -> memref<1x16x1024xf32, #tpu.memory_space<vmem>>
        %dma_start3A_939 = tpu.memref_squeeze %dma_start3A_938 : memref<1x16x1024xf32, #tpu.memory_space<vmem>> -> memref<16x1024xf32, #tpu.memory_space<vmem>>
        %dma_start3A_940 = tpu.memref_slice %arg8[%select_n3A_930, %mul3A_934] : memref<128x64xi32, #tpu.memory_space<vmem>> -> memref<1x16xi32, #tpu.memory_space<vmem>>
        %dma_start3A_941 = tpu.memref_squeeze %dma_start3A_940 : memref<1x16xi32, #tpu.memory_space<vmem>> -> memref<16xi32, #tpu.memory_space<vmem>>
        %dma_start3A_942 = arith.constant 0 : i32
        %dma_start3A_943 = arith.constant 0 : i32
        %dma_start3A_944 = tpu.memref_slice %arg5[%dma_start3A_942, %dma_start3A_943] : memref<65536x1024xf32, #tpu.memory_space<hbm>> -> memref<65536x1024xf32, #tpu.memory_space<hbm>>
        tpu.enqueue_indirect_dma source(%dma_start3A_944 : memref<65536x1024xf32, #tpu.memory_space<hbm>>) target(%dma_start3A_939 : memref<16x1024xf32, #tpu.memory_space<vmem>>) offsets(%dma_start3A_941 : memref<16xi32, #tpu.memory_space<vmem>>) semaphore(%arg15 : memref<!tpu.dma_semaphore, #tpu.memory_space<semaphore_mem>>)
        %dma_start3A_945 = arith.constant 1 : i32
        %dma_start3A_946 = arith.constant 0 : i32
        %dma_start3A_947 = arith.constant 0 : i32
        %dma_start3A_948 = tpu.memref_slice %arg12[%dma_start3A_945, %dma_start3A_946, %dma_start3A_947] : memref<2x16x1024xf32, #tpu.memory_space<vmem>> -> memref<1x16x1024xf32, #tpu.memory_space<vmem>>
        %dma_start3A_949 = tpu.memref_squeeze %dma_start3A_948 : memref<1x16x1024xf32, #tpu.memory_space<vmem>> -> memref<16x1024xf32, #tpu.memory_space<vmem>>
        %dma_start3A_950 = tpu.memref_slice %arg8[%select_n3A_930, %mul3A_934] : memref<128x64xi32, #tpu.memory_space<vmem>> -> memref<1x16xi32, #tpu.memory_space<vmem>>
        %dma_start3A_951 = tpu.memref_squeeze %dma_start3A_950 : memref<1x16xi32, #tpu.memory_space<vmem>> -> memref<16xi32, #tpu.memory_space<vmem>>
        %dma_start3A_952 = arith.constant 0 : i32
        %dma_start3A_953 = arith.constant 0 : i32
        %dma_start3A_954 = tpu.memref_slice %arg6[%dma_start3A_952, %dma_start3A_953] : memref<65536x1024xf32, #tpu.memory_space<hbm>> -> memref<65536x1024xf32, #tpu.memory_space<hbm>>
        tpu.enqueue_indirect_dma source(%dma_start3A_954 : memref<65536x1024xf32, #tpu.memory_space<hbm>>) target(%dma_start3A_949 : memref<16x1024xf32, #tpu.memory_space<vmem>>) offsets(%dma_start3A_951 : memref<16xi32, #tpu.memory_space<vmem>>) semaphore(%arg17 : memref<!tpu.dma_semaphore, #tpu.memory_space<semaphore_mem>>)
      } else {
      }
      %jit3A = arith.constant 4 : i32
      %div3A = arith.divsi %mul3A_44, %jit3A : i32
      %sign3A = arith.constant 0 : i32
      %sign3A_49 = arith.cmpi sgt, %mul3A_44, %sign3A : i32
      %sign3A_50 = arith.extui %sign3A_49 : i1 to i32
      %sign3A_51 = arith.constant 0 : i32
      %sign3A_52 = arith.cmpi slt, %mul3A_44, %sign3A_51 : i32
      %sign3A_53 = arith.extui %sign3A_52 : i1 to i32
      %sign3A_54 = arith.subi %sign3A_50, %sign3A_53 : i32
      %sign3A_55 = arith.constant 0 : i32
      %sign3A_56 = arith.cmpi sgt, %jit3A, %sign3A_55 : i32
      %sign3A_57 = arith.extui %sign3A_56 : i1 to i32
      %sign3A_58 = arith.constant 0 : i32
      %sign3A_59 = arith.cmpi slt, %jit3A, %sign3A_58 : i32
      %sign3A_60 = arith.extui %sign3A_59 : i1 to i32
      %sign3A_61 = arith.subi %sign3A_57, %sign3A_60 : i32
      %ne3A = arith.cmpi ne, %sign3A_54, %sign3A_61 : i32
      %rem3A_62 = arith.remsi %mul3A_44, %jit3A : i32
      %ne3A_63 = arith.constant 0 : i32
      %ne3A_64 = arith.cmpi ne, %rem3A_62, %ne3A_63 : i32
      %and3A = arith.andi %ne3A, %ne3A_64 : i1
      %sub3A = arith.constant 1 : i32
      %sub3A_65 = arith.subi %div3A, %sub3A : i32
      %select_n3A = arith.select %and3A, %sub3A_65, %div3A : i32
      %rem3A_66 = arith.constant 4 : i32
      %rem3A_67 = arith.remsi %mul3A_44, %rem3A_66 : i32
      %jit3A_68 = arith.constant 4 : i32
      %div3A_69 = arith.divsi %mul3A_44, %jit3A_68 : i32
      %sign3A_70 = arith.constant 0 : i32
      %sign3A_71 = arith.cmpi sgt, %mul3A_44, %sign3A_70 : i32
      %sign3A_72 = arith.extui %sign3A_71 : i1 to i32
      %sign3A_73 = arith.constant 0 : i32
      %sign3A_74 = arith.cmpi slt, %mul3A_44, %sign3A_73 : i32
      %sign3A_75 = arith.extui %sign3A_74 : i1 to i32
      %sign3A_76 = arith.subi %sign3A_72, %sign3A_75 : i32
      %sign3A_77 = arith.constant 0 : i32
      %sign3A_78 = arith.cmpi sgt, %jit3A_68, %sign3A_77 : i32
      %sign3A_79 = arith.extui %sign3A_78 : i1 to i32
      %sign3A_80 = arith.constant 0 : i32
      %sign3A_81 = arith.cmpi slt, %jit3A_68, %sign3A_80 : i32
      %sign3A_82 = arith.extui %sign3A_81 : i1 to i32
      %sign3A_83 = arith.subi %sign3A_79, %sign3A_82 : i32
      %ne3A_84 = arith.cmpi ne, %sign3A_76, %sign3A_83 : i32
      %rem3A_85 = arith.remsi %mul3A_44, %jit3A_68 : i32
      %ne3A_86 = arith.constant 0 : i32
      %ne3A_87 = arith.cmpi ne, %rem3A_85, %ne3A_86 : i32
      %and3A_88 = arith.andi %ne3A_84, %ne3A_87 : i1
      %sub3A_89 = arith.constant 1 : i32
      %sub3A_90 = arith.subi %div3A_69, %sub3A_89 : i32
      %select_n3A_91 = arith.select %and3A_88, %sub3A_90, %div3A_69 : i32
      %rem3A_92 = arith.constant 4 : i32
      %rem3A_93 = arith.remsi %mul3A_44, %rem3A_92 : i32
      %mul3A_94 = arith.constant 16 : i32
      %mul3A_95 = arith.muli %rem3A_93, %mul3A_94 : i32
      %dma_wait3A_96 = arith.constant 0 : i32
      %dma_wait3A_97 = arith.constant 0 : i32
      %dma_wait3A_98 = arith.constant 0 : i32
      %dma_wait3A_99 = tpu.memref_slice %arg11[%dma_wait3A_96, %dma_wait3A_97, %dma_wait3A_98] : memref<2x16x1024xf32, #tpu.memory_space<vmem>> -> memref<1x16x1024xf32, #tpu.memory_space<vmem>>
      %dma_wait3A_100 = tpu.memref_squeeze %dma_wait3A_99 : memref<1x16x1024xf32, #tpu.memory_space<vmem>> -> memref<16x1024xf32, #tpu.memory_space<vmem>>
      %dma_wait3A_101 = tpu.memref_slice %arg8[%select_n3A_91, %mul3A_95] : memref<128x64xi32, #tpu.memory_space<vmem>> -> memref<1x16xi32, #tpu.memory_space<vmem>>
      %dma_wait3A_102 = tpu.memref_squeeze %dma_wait3A_101 : memref<1x16xi32, #tpu.memory_space<vmem>> -> memref<16xi32, #tpu.memory_space<vmem>>
      %dma_wait3A_103 = arith.constant 0 : i32
      %dma_wait3A_104 = arith.constant 0 : i32
      %dma_wait3A_105 = tpu.memref_slice %arg5[%dma_wait3A_103, %dma_wait3A_104] : memref<65536x1024xf32, #tpu.memory_space<hbm>> -> memref<65536x1024xf32, #tpu.memory_space<hbm>>
      tpu.wait_indirect_dma semaphore(%arg14 : memref<!tpu.dma_semaphore, #tpu.memory_space<semaphore_mem>>) src(%dma_wait3A_105 : memref<65536x1024xf32, #tpu.memory_space<hbm>>) dst(%dma_wait3A_100 : memref<16x1024xf32, #tpu.memory_space<vmem>>)
      %eq3A = arith.constant 0 : i32
      %eq3A_106 = arith.cmpi eq, %rem3A_67, %eq3A : i32
      %gt3A = arith.constant 0 : i32
      %gt3A_107 = arith.cmpi sgt, %select_n3A, %gt3A : i32
      %and3A_108 = arith.andi %eq3A_106, %gt3A_107 : i1
      %convert_element_type3A_109 = arith.extui %and3A_108 : i1 to i32
      %cond3A_110 = arith.constant 0 : i32
      %cond3A_111 = arith.cmpi ne, %convert_element_type3A_109, %cond3A_110 : i32
      scf.if %cond3A_111 {
        %sub3A_907 = arith.constant 1 : i32
        %sub3A_908 = arith.subi %select_n3A, %sub3A_907 : i32
        %add3A_909 = arith.addi %mul3A_2, %sub3A_908 : i32
        %dma_wait3A_910 = arith.constant 0 : i32
        %dma_wait3A_911 = tpu.memref_slice %arg7[%add3A_909, %dma_wait3A_910] : memref<4096x1024xf32, #tpu.memory_space<hbm>> -> memref<1x1024xf32, #tpu.memory_space<hbm>>
        %dma_wait3A_912 = tpu.memref_squeeze %dma_wait3A_911 : memref<1x1024xf32, #tpu.memory_space<hbm>> -> memref<1024xf32, #tpu.memory_space<hbm>>
        %dma_wait3A_913 = arith.constant 0 : i32
        %dma_wait3A_914 = tpu.memref_slice %arg7[%add3A_909, %dma_wait3A_913] : memref<4096x1024xf32, #tpu.memory_space<hbm>> -> memref<1x1024xf32, #tpu.memory_space<hbm>>
        %dma_wait3A_915 = tpu.memref_squeeze %dma_wait3A_914 : memref<1x1024xf32, #tpu.memory_space<hbm>> -> memref<1024xf32, #tpu.memory_space<hbm>>
        tpu.wait_dma2 semaphore(%arg20 : memref<!tpu.dma_semaphore, #tpu.memory_space<semaphore_mem>>) src(%arg13 : memref<1024xf32, #tpu.memory_space<vmem>>) dst(%dma_wait3A_915 : memref<1024xf32, #tpu.memory_space<hbm>>)
      } else {
      }
      %broadcast_in_dim3A = arith.constant 0.000000e+00 : f32
      %broadcast_in_dim3A_112 = vector.broadcast %broadcast_in_dim3A : f32 to vector<16xf32>
      %scan3A_113 = arith.constant 0 : i32
      %scan3A_114 = arith.constant 64 : i32
      %scan3A_115 = arith.addi %scan3A_113, %scan3A_114 : i32
      %scan3A_116 = arith.constant 2 : i32
      %scan3A_117:16 = scf.for %scan3A_907 = %scan3A_113 to %scan3A_115 step %scan3A_116 iter_args(%scan3A_908 = %broadcast_in_dim3A_112, %scan3A_909 = %broadcast_in_dim3A_112, %scan3A_910 = %broadcast_in_dim3A_112, %scan3A_911 = %broadcast_in_dim3A_112, %scan3A_912 = %broadcast_in_dim3A_112, %scan3A_913 = %broadcast_in_dim3A_112, %scan3A_914 = %broadcast_in_dim3A_112, %scan3A_915 = %broadcast_in_dim3A_112, %scan3A_916 = %broadcast_in_dim3A_112, %scan3A_917 = %broadcast_in_dim3A_112, %scan3A_918 = %broadcast_in_dim3A_112, %scan3A_919 = %broadcast_in_dim3A_112, %scan3A_920 = %broadcast_in_dim3A_112, %scan3A_921 = %broadcast_in_dim3A_112, %scan3A_922 = %broadcast_in_dim3A_112, %scan3A_923 = %broadcast_in_dim3A_112) -> (vector<16xf32>, vector<16xf32>, vector<16xf32>, vector<16xf32>, vector<16xf32>, vector<16xf32>, vector<16xf32>, vector<16xf32>, vector<16xf32>, vector<16xf32>, vector<16xf32>, vector<16xf32>, vector<16xf32>, vector<16xf32>, vector<16xf32>, vector<16xf32>)  : i32 {
        %mul3A_924 = arith.constant 16 : i32
        %mul3A_925 = arith.muli %scan3A_907, %mul3A_924 : i32
        %get3A_926 = arith.index_cast %mul3A_925 : i32 to index
        %get3A_927 = tpu.vector_load %arg10[%get3A_926] {strides = array<i32>} : memref<1024xf32, #tpu.memory_space<vmem>>, vector<16xf32>,
        %get3A_928 = arith.constant 0 : i32
        %get3A_929 = arith.constant 0 : i32
        %get3A_930 = arith.index_cast %get3A_928 : i32 to index
        %get3A_931 = arith.index_cast %get3A_929 : i32 to index
        %get3A_932 = arith.index_cast %mul3A_925 : i32 to index
        %get3A_933 = tpu.vector_load %arg11[%get3A_930, %get3A_931, %get3A_932] {strides = array<i32>} : memref<2x16x1024xf32, #tpu.memory_space<vmem>>, vector<16xf32>,
        %mul3A_934 = arith.mulf %get3A_927, %get3A_933 : vector<16xf32>
        %add3A_935 = arith.addf %scan3A_908, %mul3A_934 : vector<16xf32>
        %get3A_936 = arith.constant 0 : i32
        %get3A_937 = arith.constant 1 : i32
        %get3A_938 = arith.index_cast %get3A_936 : i32 to index
        %get3A_939 = arith.index_cast %get3A_937 : i32 to index
        %get3A_940 = arith.index_cast %mul3A_925 : i32 to index
        %get3A_941 = tpu.vector_load %arg11[%get3A_938, %get3A_939, %get3A_940] {strides = array<i32>} : memref<2x16x1024xf32, #tpu.memory_space<vmem>>, vector<16xf32>,
        %mul3A_942 = arith.mulf %get3A_927, %get3A_941 : vector<16xf32>
        %add3A_943 = arith.addf %scan3A_909, %mul3A_942 : vector<16xf32>
        %get3A_944 = arith.constant 0 : i32
        %get3A_945 = arith.constant 2 : i32
        %get3A_946 = arith.index_cast %get3A_944 : i32 to index
        %get3A_947 = arith.index_cast %get3A_945 : i32 to index
        %get3A_948 = arith.index_cast %mul3A_925 : i32 to index
        %get3A_949 = tpu.vector_load %arg11[%get3A_946, %get3A_947, %get3A_948] {strides = array<i32>} : memref<2x16x1024xf32, #tpu.memory_space<vmem>>, vector<16xf32>,
        %mul3A_950 = arith.mulf %get3A_927, %get3A_949 : vector<16xf32>
        %add3A_951 = arith.addf %scan3A_910, %mul3A_950 : vector<16xf32>
        %get3A_952 = arith.constant 0 : i32
        %get3A_953 = arith.constant 3 : i32
        %get3A_954 = arith.index_cast %get3A_952 : i32 to index
        %get3A_955 = arith.index_cast %get3A_953 : i32 to index
        %get3A_956 = arith.index_cast %mul3A_925 : i32 to index
        %get3A_957 = tpu.vector_load %arg11[%get3A_954, %get3A_955, %get3A_956] {strides = array<i32>} : memref<2x16x1024xf32, #tpu.memory_space<vmem>>, vector<16xf32>,
        %mul3A_958 = arith.mulf %get3A_927, %get3A_957 : vector<16xf32>
        %add3A_959 = arith.addf %scan3A_911, %mul3A_958 : vector<16xf32>
        %get3A_960 = arith.constant 0 : i32
        %get3A_961 = arith.constant 4 : i32
        %get3A_962 = arith.index_cast %get3A_960 : i32 to index
        %get3A_963 = arith.index_cast %get3A_961 : i32 to index
        %get3A_964 = arith.index_cast %mul3A_925 : i32 to index
        %get3A_965 = tpu.vector_load %arg11[%get3A_962, %get3A_963, %get3A_964] {strides = array<i32>} : memref<2x16x1024xf32, #tpu.memory_space<vmem>>, vector<16xf32>,
        %mul3A_966 = arith.mulf %get3A_927, %get3A_965 : vector<16xf32>
        %add3A_967 = arith.addf %scan3A_912, %mul3A_966 : vector<16xf32>
        %get3A_968 = arith.constant 0 : i32
        %get3A_969 = arith.constant 5 : i32
        %get3A_970 = arith.index_cast %get3A_968 : i32 to index
        %get3A_971 = arith.index_cast %get3A_969 : i32 to index
        %get3A_972 = arith.index_cast %mul3A_925 : i32 to index
        %get3A_973 = tpu.vector_load %arg11[%get3A_970, %get3A_971, %get3A_972] {strides = array<i32>} : memref<2x16x1024xf32, #tpu.memory_space<vmem>>, vector<16xf32>,
        %mul3A_974 = arith.mulf %get3A_927, %get3A_973 : vector<16xf32>
        %add3A_975 = arith.addf %scan3A_913, %mul3A_974 : vector<16xf32>
        %get3A_976 = arith.constant 0 : i32
        %get3A_977 = arith.constant 6 : i32
        %get3A_978 = arith.index_cast %get3A_976 : i32 to index
        %get3A_979 = arith.index_cast %get3A_977 : i32 to index
        %get3A_980 = arith.index_cast %mul3A_925 : i32 to index
        %get3A_981 = tpu.vector_load %arg11[%get3A_978, %get3A_979, %get3A_980] {strides = array<i32>} : memref<2x16x1024xf32, #tpu.memory_space<vmem>>, vector<16xf32>,
        %mul3A_982 = arith.mulf %get3A_927, %get3A_981 : vector<16xf32>
        %add3A_983 = arith.addf %scan3A_914, %mul3A_982 : vector<16xf32>
        %get3A_984 = arith.constant 0 : i32
        %get3A_985 = arith.constant 7 : i32
        %get3A_986 = arith.index_cast %get3A_984 : i32 to index
        %get3A_987 = arith.index_cast %get3A_985 : i32 to index
        %get3A_988 = arith.index_cast %mul3A_925 : i32 to index
        %get3A_989 = tpu.vector_load %arg11[%get3A_986, %get3A_987, %get3A_988] {strides = array<i32>} : memref<2x16x1024xf32, #tpu.memory_space<vmem>>, vector<16xf32>,
        %mul3A_990 = arith.mulf %get3A_927, %get3A_989 : vector<16xf32>
        %add3A_991 = arith.addf %scan3A_915, %mul3A_990 : vector<16xf32>
        %get3A_992 = arith.constant 0 : i32
        %get3A_993 = arith.constant 8 : i32
        %get3A_994 = arith.index_cast %get3A_992 : i32 to index
        %get3A_995 = arith.index_cast %get3A_993 : i32 to index
        %get3A_996 = arith.index_cast %mul3A_925 : i32 to index
        %get3A_997 = tpu.vector_load %arg11[%get3A_994, %get3A_995, %get3A_996] {strides = array<i32>} : memref<2x16x1024xf32, #tpu.memory_space<vmem>>, vector<16xf32>,
        %mul3A_998 = arith.mulf %get3A_927, %get3A_997 : vector<16xf32>
        %add3A_999 = arith.addf %scan3A_916, %mul3A_998 : vector<16xf32>
        %get3A_1000 = arith.constant 0 : i32
        %get3A_1001 = arith.constant 9 : i32
        %get3A_1002 = arith.index_cast %get3A_1000 : i32 to index
        %get3A_1003 = arith.index_cast %get3A_1001 : i32 to index
        %get3A_1004 = arith.index_cast %mul3A_925 : i32 to index
        %get3A_1005 = tpu.vector_load %arg11[%get3A_1002, %get3A_1003, %get3A_1004] {strides = array<i32>} : memref<2x16x1024xf32, #tpu.memory_space<vmem>>, vector<16xf32>,
        %mul3A_1006 = arith.mulf %get3A_927, %get3A_1005 : vector<16xf32>
        %add3A_1007 = arith.addf %scan3A_917, %mul3A_1006 : vector<16xf32>
        %get3A_1008 = arith.constant 0 : i32
        %get3A_1009 = arith.constant 10 : i32
        %get3A_1010 = arith.index_cast %get3A_1008 : i32 to index
        %get3A_1011 = arith.index_cast %get3A_1009 : i32 to index
        %get3A_1012 = arith.index_cast %mul3A_925 : i32 to index
        %get3A_1013 = tpu.vector_load %arg11[%get3A_1010, %get3A_1011, %get3A_1012] {strides = array<i32>} : memref<2x16x1024xf32, #tpu.memory_space<vmem>>, vector<16xf32>,
        %mul3A_1014 = arith.mulf %get3A_927, %get3A_1013 : vector<16xf32>
        %add3A_1015 = arith.addf %scan3A_918, %mul3A_1014 : vector<16xf32>
        %get3A_1016 = arith.constant 0 : i32
        %get3A_1017 = arith.constant 11 : i32
        %get3A_1018 = arith.index_cast %get3A_1016 : i32 to index
        %get3A_1019 = arith.index_cast %get3A_1017 : i32 to index
        %get3A_1020 = arith.index_cast %mul3A_925 : i32 to index
        %get3A_1021 = tpu.vector_load %arg11[%get3A_1018, %get3A_1019, %get3A_1020] {strides = array<i32>} : memref<2x16x1024xf32, #tpu.memory_space<vmem>>, vector<16xf32>,
        %mul3A_1022 = arith.mulf %get3A_927, %get3A_1021 : vector<16xf32>
        %add3A_1023 = arith.addf %scan3A_919, %mul3A_1022 : vector<16xf32>
        %get3A_1024 = arith.constant 0 : i32
        %get3A_1025 = arith.constant 12 : i32
        %get3A_1026 = arith.index_cast %get3A_1024 : i32 to index
        %get3A_1027 = arith.index_cast %get3A_1025 : i32 to index
        %get3A_1028 = arith.index_cast %mul3A_925 : i32 to index
        %get3A_1029 = tpu.vector_load %arg11[%get3A_1026, %get3A_1027, %get3A_1028] {strides = array<i32>} : memref<2x16x1024xf32, #tpu.memory_space<vmem>>, vector<16xf32>,
        %mul3A_1030 = arith.mulf %get3A_927, %get3A_1029 : vector<16xf32>
        %add3A_1031 = arith.addf %scan3A_920, %mul3A_1030 : vector<16xf32>
        %get3A_1032 = arith.constant 0 : i32
        %get3A_1033 = arith.constant 13 : i32
        %get3A_1034 = arith.index_cast %get3A_1032 : i32 to index
        %get3A_1035 = arith.index_cast %get3A_1033 : i32 to index
        %get3A_1036 = arith.index_cast %mul3A_925 : i32 to index
        %get3A_1037 = tpu.vector_load %arg11[%get3A_1034, %get3A_1035, %get3A_1036] {strides = array<i32>} : memref<2x16x1024xf32, #tpu.memory_space<vmem>>, vector<16xf32>,
        %mul3A_1038 = arith.mulf %get3A_927, %get3A_1037 : vector<16xf32>
        %add3A_1039 = arith.addf %scan3A_921, %mul3A_1038 : vector<16xf32>
        %get3A_1040 = arith.constant 0 : i32
        %get3A_1041 = arith.constant 14 : i32
        %get3A_1042 = arith.index_cast %get3A_1040 : i32 to index
        %get3A_1043 = arith.index_cast %get3A_1041 : i32 to index
        %get3A_1044 = arith.index_cast %mul3A_925 : i32 to index
        %get3A_1045 = tpu.vector_load %arg11[%get3A_1042, %get3A_1043, %get3A_1044] {strides = array<i32>} : memref<2x16x1024xf32, #tpu.memory_space<vmem>>, vector<16xf32>,
        %mul3A_1046 = arith.mulf %get3A_927, %get3A_1045 : vector<16xf32>
        %add3A_1047 = arith.addf %scan3A_922, %mul3A_1046 : vector<16xf32>
        %get3A_1048 = arith.constant 0 : i32
        %get3A_1049 = arith.constant 15 : i32
        %get3A_1050 = arith.index_cast %get3A_1048 : i32 to index
        %get3A_1051 = arith.index_cast %get3A_1049 : i32 to index
        %get3A_1052 = arith.index_cast %mul3A_925 : i32 to index
        %get3A_1053 = tpu.vector_load %arg11[%get3A_1050, %get3A_1051, %get3A_1052] {strides = array<i32>} : memref<2x16x1024xf32, #tpu.memory_space<vmem>>, vector<16xf32>,
        %mul3A_1054 = arith.mulf %get3A_927, %get3A_1053 : vector<16xf32>
        %add3A_1055 = arith.addf %scan3A_923, %mul3A_1054 : vector<16xf32>
        %scan3A_1056 = arith.constant 1 : i32
        %scan3A_1057 = arith.addi %scan3A_907, %scan3A_1056 : i32
        %mul3A_1058 = arith.constant 16 : i32
        %mul3A_1059 = arith.muli %scan3A_1057, %mul3A_1058 : i32
        %get3A_1060 = arith.index_cast %mul3A_1059 : i32 to index
        %get3A_1061 = tpu.vector_load %arg10[%get3A_1060] {strides = array<i32>} : memref<1024xf32, #tpu.memory_space<vmem>>, vector<16xf32>,
        %get3A_1062 = arith.constant 0 : i32
        %get3A_1063 = arith.constant 0 : i32
        %get3A_1064 = arith.index_cast %get3A_1062 : i32 to index
        %get3A_1065 = arith.index_cast %get3A_1063 : i32 to index
        %get3A_1066 = arith.index_cast %mul3A_1059 : i32 to index
        %get3A_1067 = tpu.vector_load %arg11[%get3A_1064, %get3A_1065, %get3A_1066] {strides = array<i32>} : memref<2x16x1024xf32, #tpu.memory_space<vmem>>, vector<16xf32>,
        %mul3A_1068 = arith.mulf %get3A_1061, %get3A_1067 : vector<16xf32>
        %add3A_1069 = arith.addf %add3A_935, %mul3A_1068 : vector<16xf32>
        %get3A_1070 = arith.constant 0 : i32
        %get3A_1071 = arith.constant 1 : i32
        %get3A_1072 = arith.index_cast %get3A_1070 : i32 to index
        %get3A_1073 = arith.index_cast %get3A_1071 : i32 to index
        %get3A_1074 = arith.index_cast %mul3A_1059 : i32 to index
        %get3A_1075 = tpu.vector_load %arg11[%get3A_1072, %get3A_1073, %get3A_1074] {strides = array<i32>} : memref<2x16x1024xf32, #tpu.memory_space<vmem>>, vector<16xf32>,
        %mul3A_1076 = arith.mulf %get3A_1061, %get3A_1075 : vector<16xf32>
        %add3A_1077 = arith.addf %add3A_943, %mul3A_1076 : vector<16xf32>
        %get3A_1078 = arith.constant 0 : i32
        %get3A_1079 = arith.constant 2 : i32
        %get3A_1080 = arith.index_cast %get3A_1078 : i32 to index
        %get3A_1081 = arith.index_cast %get3A_1079 : i32 to index
        %get3A_1082 = arith.index_cast %mul3A_1059 : i32 to index
        %get3A_1083 = tpu.vector_load %arg11[%get3A_1080, %get3A_1081, %get3A_1082] {strides = array<i32>} : memref<2x16x1024xf32, #tpu.memory_space<vmem>>, vector<16xf32>,
        %mul3A_1084 = arith.mulf %get3A_1061, %get3A_1083 : vector<16xf32>
        %add3A_1085 = arith.addf %add3A_951, %mul3A_1084 : vector<16xf32>
        %get3A_1086 = arith.constant 0 : i32
        %get3A_1087 = arith.constant 3 : i32
        %get3A_1088 = arith.index_cast %get3A_1086 : i32 to index
        %get3A_1089 = arith.index_cast %get3A_1087 : i32 to index
        %get3A_1090 = arith.index_cast %mul3A_1059 : i32 to index
        %get3A_1091 = tpu.vector_load %arg11[%get3A_1088, %get3A_1089, %get3A_1090] {strides = array<i32>} : memref<2x16x1024xf32, #tpu.memory_space<vmem>>, vector<16xf32>,
        %mul3A_1092 = arith.mulf %get3A_1061, %get3A_1091 : vector<16xf32>
        %add3A_1093 = arith.addf %add3A_959, %mul3A_1092 : vector<16xf32>
        %get3A_1094 = arith.constant 0 : i32
        %get3A_1095 = arith.constant 4 : i32
        %get3A_1096 = arith.index_cast %get3A_1094 : i32 to index
        %get3A_1097 = arith.index_cast %get3A_1095 : i32 to index
        %get3A_1098 = arith.index_cast %mul3A_1059 : i32 to index
        %get3A_1099 = tpu.vector_load %arg11[%get3A_1096, %get3A_1097, %get3A_1098] {strides = array<i32>} : memref<2x16x1024xf32, #tpu.memory_space<vmem>>, vector<16xf32>,
        %mul3A_1100 = arith.mulf %get3A_1061, %get3A_1099 : vector<16xf32>
        %add3A_1101 = arith.addf %add3A_967, %mul3A_1100 : vector<16xf32>
        %get3A_1102 = arith.constant 0 : i32
        %get3A_1103 = arith.constant 5 : i32
        %get3A_1104 = arith.index_cast %get3A_1102 : i32 to index
        %get3A_1105 = arith.index_cast %get3A_1103 : i32 to index
        %get3A_1106 = arith.index_cast %mul3A_1059 : i32 to index
        %get3A_1107 = tpu.vector_load %arg11[%get3A_1104, %get3A_1105, %get3A_1106] {strides = array<i32>} : memref<2x16x1024xf32, #tpu.memory_space<vmem>>, vector<16xf32>,
        %mul3A_1108 = arith.mulf %get3A_1061, %get3A_1107 : vector<16xf32>
        %add3A_1109 = arith.addf %add3A_975, %mul3A_1108 : vector<16xf32>
        %get3A_1110 = arith.constant 0 : i32
        %get3A_1111 = arith.constant 6 : i32
        %get3A_1112 = arith.index_cast %get3A_1110 : i32 to index
        %get3A_1113 = arith.index_cast %get3A_1111 : i32 to index
        %get3A_1114 = arith.index_cast %mul3A_1059 : i32 to index
        %get3A_1115 = tpu.vector_load %arg11[%get3A_1112, %get3A_1113, %get3A_1114] {strides = array<i32>} : memref<2x16x1024xf32, #tpu.memory_space<vmem>>, vector<16xf32>,
        %mul3A_1116 = arith.mulf %get3A_1061, %get3A_1115 : vector<16xf32>
        %add3A_1117 = arith.addf %add3A_983, %mul3A_1116 : vector<16xf32>
        %get3A_1118 = arith.constant 0 : i32
        %get3A_1119 = arith.constant 7 : i32
        %get3A_1120 = arith.index_cast %get3A_1118 : i32 to index
        %get3A_1121 = arith.index_cast %get3A_1119 : i32 to index
        %get3A_1122 = arith.index_cast %mul3A_1059 : i32 to index
        %get3A_1123 = tpu.vector_load %arg11[%get3A_1120, %get3A_1121, %get3A_1122] {strides = array<i32>} : memref<2x16x1024xf32, #tpu.memory_space<vmem>>, vector<16xf32>,
        %mul3A_1124 = arith.mulf %get3A_1061, %get3A_1123 : vector<16xf32>
        %add3A_1125 = arith.addf %add3A_991, %mul3A_1124 : vector<16xf32>
        %get3A_1126 = arith.constant 0 : i32
        %get3A_1127 = arith.constant 8 : i32
        %get3A_1128 = arith.index_cast %get3A_1126 : i32 to index
        %get3A_1129 = arith.index_cast %get3A_1127 : i32 to index
        %get3A_1130 = arith.index_cast %mul3A_1059 : i32 to index
        %get3A_1131 = tpu.vector_load %arg11[%get3A_1128, %get3A_1129, %get3A_1130] {strides = array<i32>} : memref<2x16x1024xf32, #tpu.memory_space<vmem>>, vector<16xf32>,
        %mul3A_1132 = arith.mulf %get3A_1061, %get3A_1131 : vector<16xf32>
        %add3A_1133 = arith.addf %add3A_999, %mul3A_1132 : vector<16xf32>
        %get3A_1134 = arith.constant 0 : i32
        %get3A_1135 = arith.constant 9 : i32
        %get3A_1136 = arith.index_cast %get3A_1134 : i32 to index
        %get3A_1137 = arith.index_cast %get3A_1135 : i32 to index
        %get3A_1138 = arith.index_cast %mul3A_1059 : i32 to index
        %get3A_1139 = tpu.vector_load %arg11[%get3A_1136, %get3A_1137, %get3A_1138] {strides = array<i32>} : memref<2x16x1024xf32, #tpu.memory_space<vmem>>, vector<16xf32>,
        %mul3A_1140 = arith.mulf %get3A_1061, %get3A_1139 : vector<16xf32>
        %add3A_1141 = arith.addf %add3A_1007, %mul3A_1140 : vector<16xf32>
        %get3A_1142 = arith.constant 0 : i32
        %get3A_1143 = arith.constant 10 : i32
        %get3A_1144 = arith.index_cast %get3A_1142 : i32 to index
        %get3A_1145 = arith.index_cast %get3A_1143 : i32 to index
        %get3A_1146 = arith.index_cast %mul3A_1059 : i32 to index
        %get3A_1147 = tpu.vector_load %arg11[%get3A_1144, %get3A_1145, %get3A_1146] {strides = array<i32>} : memref<2x16x1024xf32, #tpu.memory_space<vmem>>, vector<16xf32>,
        %mul3A_1148 = arith.mulf %get3A_1061, %get3A_1147 : vector<16xf32>
        %add3A_1149 = arith.addf %add3A_1015, %mul3A_1148 : vector<16xf32>
        %get3A_1150 = arith.constant 0 : i32
        %get3A_1151 = arith.constant 11 : i32
        %get3A_1152 = arith.index_cast %get3A_1150 : i32 to index
        %get3A_1153 = arith.index_cast %get3A_1151 : i32 to index
        %get3A_1154 = arith.index_cast %mul3A_1059 : i32 to index
        %get3A_1155 = tpu.vector_load %arg11[%get3A_1152, %get3A_1153, %get3A_1154] {strides = array<i32>} : memref<2x16x1024xf32, #tpu.memory_space<vmem>>, vector<16xf32>,
        %mul3A_1156 = arith.mulf %get3A_1061, %get3A_1155 : vector<16xf32>
        %add3A_1157 = arith.addf %add3A_1023, %mul3A_1156 : vector<16xf32>
        %get3A_1158 = arith.constant 0 : i32
        %get3A_1159 = arith.constant 12 : i32
        %get3A_1160 = arith.index_cast %get3A_1158 : i32 to index
        %get3A_1161 = arith.index_cast %get3A_1159 : i32 to index
        %get3A_1162 = arith.index_cast %mul3A_1059 : i32 to index
        %get3A_1163 = tpu.vector_load %arg11[%get3A_1160, %get3A_1161, %get3A_1162] {strides = array<i32>} : memref<2x16x1024xf32, #tpu.memory_space<vmem>>, vector<16xf32>,
        %mul3A_1164 = arith.mulf %get3A_1061, %get3A_1163 : vector<16xf32>
        %add3A_1165 = arith.addf %add3A_1031, %mul3A_1164 : vector<16xf32>
        %get3A_1166 = arith.constant 0 : i32
        %get3A_1167 = arith.constant 13 : i32
        %get3A_1168 = arith.index_cast %get3A_1166 : i32 to index
        %get3A_1169 = arith.index_cast %get3A_1167 : i32 to index
        %get3A_1170 = arith.index_cast %mul3A_1059 : i32 to index
        %get3A_1171 = tpu.vector_load %arg11[%get3A_1168, %get3A_1169, %get3A_1170] {strides = array<i32>} : memref<2x16x1024xf32, #tpu.memory_space<vmem>>, vector<16xf32>,
        %mul3A_1172 = arith.mulf %get3A_1061, %get3A_1171 : vector<16xf32>
        %add3A_1173 = arith.addf %add3A_1039, %mul3A_1172 : vector<16xf32>
        %get3A_1174 = arith.constant 0 : i32
        %get3A_1175 = arith.constant 14 : i32
        %get3A_1176 = arith.index_cast %get3A_1174 : i32 to index
        %get3A_1177 = arith.index_cast %get3A_1175 : i32 to index
        %get3A_1178 = arith.index_cast %mul3A_1059 : i32 to index
        %get3A_1179 = tpu.vector_load %arg11[%get3A_1176, %get3A_1177, %get3A_1178] {strides = array<i32>} : memref<2x16x1024xf32, #tpu.memory_space<vmem>>, vector<16xf32>,
        %mul3A_1180 = arith.mulf %get3A_1061, %get3A_1179 : vector<16xf32>
        %add3A_1181 = arith.addf %add3A_1047, %mul3A_1180 : vector<16xf32>
        %get3A_1182 = arith.constant 0 : i32
        %get3A_1183 = arith.constant 15 : i32
        %get3A_1184 = arith.index_cast %get3A_1182 : i32 to index
        %get3A_1185 = arith.index_cast %get3A_1183 : i32 to index
        %get3A_1186 = arith.index_cast %mul3A_1059 : i32 to index
        %get3A_1187 = tpu.vector_load %arg11[%get3A_1184, %get3A_1185, %get3A_1186] {strides = array<i32>} : memref<2x16x1024xf32, #tpu.memory_space<vmem>>, vector<16xf32>,
        %mul3A_1188 = arith.mulf %get3A_1061, %get3A_1187 : vector<16xf32>
        %add3A_1189 = arith.addf %add3A_1055, %mul3A_1188 : vector<16xf32>
        scf.yield %add3A_1069, %add3A_1077, %add3A_1085, %add3A_1093, %add3A_1101, %add3A_1109, %add3A_1117, %add3A_1125, %add3A_1133, %add3A_1141, %add3A_1149, %add3A_1157, %add3A_1165, %add3A_1173, %add3A_1181, %add3A_1189 : vector<16xf32>, vector<16xf32>, vector<16xf32>, vector<16xf32>, vector<16xf32>, vector<16xf32>, vector<16xf32>, vector<16xf32>, vector<16xf32>, vector<16xf32>, vector<16xf32>, vector<16xf32>, vector<16xf32>, vector<16xf32>, vector<16xf32>, vector<16xf32>
      }
      %scan3A_118 = arith.constant 64 : i32
      %mul3A_119 = arith.constant 16 : i32
      %mul3A_120 = arith.muli %rem3A_67, %mul3A_119 : i32
      %get3A = arith.index_cast %mul3A_120 : i32 to index
      %get3A_121 = tpu.vector_load %arg9[%get3A] {strides = array<i32>} : memref<64xf32, #tpu.memory_space<vmem>>, vector<16xf32>,
      %reduce_sum3A = arith.constant true
      %reduce_sum3A_122 = vector.broadcast %reduce_sum3A : i1 to vector<16xi1>
      %reduce_sum3A_123 = tpu.scan <sum>, %scan3A_117#0 masked %reduce_sum3A_122 : vector<16xf32>, vector<16xi1> -> vector<16xf32>
      %reduce_sum3A_124 = vector.extract %reduce_sum3A_123[15] : f32 from vector<16xf32>
      %slice3A = vector.extract_strided_slice %get3A_121 {offsets = [0], sizes = [1], strides = [1]} : vector<16xf32> to vector<1xf32>
      %squeeze3A = vector.extract %slice3A[0] : f32 from vector<1xf32>
      %mul3A_125 = arith.mulf %reduce_sum3A_124, %squeeze3A : f32
      %broadcast_in_dim3A_126 = vector.broadcast %mul3A_125 : f32 to vector<16xf32>
      %neg3A = arith.constant 0.000000e+00 : f32
      %neg3A_127 = arith.subf %neg3A, %reduce_sum3A_124 : f32
      %broadcast_in_dim3A_128 = vector.broadcast %neg3A_127 : f32 to vector<16xf32>
      %exp3A = math.exp %broadcast_in_dim3A_128 : vector<16xf32>
      %add3A_129 = arith.constant 1.000000e+00 : f32
      %add3A_130 = vector.broadcast %add3A_129 : f32 to vector<16xf32>
      %add3A_131 = arith.addf %add3A_130, %exp3A : vector<16xf32>
      %div3A_132 = arith.constant 1.000000e+00 : f32
      %div3A_133 = vector.broadcast %div3A_132 : f32 to vector<16xf32>
      %div3A_134 = arith.divf %div3A_133, %add3A_131 : vector<16xf32>
      %mul3A_135 = arith.mulf %broadcast_in_dim3A_126, %div3A_134 : vector<16xf32>
      %reduce_sum3A_136 = arith.constant true
      %reduce_sum3A_137 = vector.broadcast %reduce_sum3A_136 : i1 to vector<16xi1>
      %reduce_sum3A_138 = tpu.scan <sum>, %scan3A_117#1 masked %reduce_sum3A_137 : vector<16xf32>, vector<16xi1> -> vector<16xf32>
      %reduce_sum3A_139 = vector.extract %reduce_sum3A_138[15] : f32 from vector<16xf32>
      %slice3A_140 = vector.extract_strided_slice %get3A_121 {offsets = [1], sizes = [1], strides = [1]} : vector<16xf32> to vector<1xf32>
      %squeeze3A_141 = vector.extract %slice3A_140[0] : f32 from vector<1xf32>
      %mul3A_142 = arith.mulf %reduce_sum3A_139, %squeeze3A_141 : f32
      %broadcast_in_dim3A_143 = vector.broadcast %mul3A_142 : f32 to vector<16xf32>
      %neg3A_144 = arith.constant 0.000000e+00 : f32
      %neg3A_145 = arith.subf %neg3A_144, %reduce_sum3A_139 : f32
      %broadcast_in_dim3A_146 = vector.broadcast %neg3A_145 : f32 to vector<16xf32>
      %exp3A_147 = math.exp %broadcast_in_dim3A_146 : vector<16xf32>
      %add3A_148 = arith.constant 1.000000e+00 : f32
      %add3A_149 = vector.broadcast %add3A_148 : f32 to vector<16xf32>
      %add3A_150 = arith.addf %add3A_149, %exp3A_147 : vector<16xf32>
      %div3A_151 = arith.constant 1.000000e+00 : f32
      %div3A_152 = vector.broadcast %div3A_151 : f32 to vector<16xf32>
      %div3A_153 = arith.divf %div3A_152, %add3A_150 : vector<16xf32>
      %mul3A_154 = arith.mulf %broadcast_in_dim3A_143, %div3A_153 : vector<16xf32>
      %reduce_sum3A_155 = arith.constant true
      %reduce_sum3A_156 = vector.broadcast %reduce_sum3A_155 : i1 to vector<16xi1>
      %reduce_sum3A_157 = tpu.scan <sum>, %scan3A_117#2 masked %reduce_sum3A_156 : vector<16xf32>, vector<16xi1> -> vector<16xf32>
      %reduce_sum3A_158 = vector.extract %reduce_sum3A_157[15] : f32 from vector<16xf32>
      %slice3A_159 = vector.extract_strided_slice %get3A_121 {offsets = [2], sizes = [1], strides = [1]} : vector<16xf32> to vector<1xf32>
      %squeeze3A_160 = vector.extract %slice3A_159[0] : f32 from vector<1xf32>
      %mul3A_161 = arith.mulf %reduce_sum3A_158, %squeeze3A_160 : f32
      %broadcast_in_dim3A_162 = vector.broadcast %mul3A_161 : f32 to vector<16xf32>
      %neg3A_163 = arith.constant 0.000000e+00 : f32
      %neg3A_164 = arith.subf %neg3A_163, %reduce_sum3A_158 : f32
      %broadcast_in_dim3A_165 = vector.broadcast %neg3A_164 : f32 to vector<16xf32>
      %exp3A_166 = math.exp %broadcast_in_dim3A_165 : vector<16xf32>
      %add3A_167 = arith.constant 1.000000e+00 : f32
      %add3A_168 = vector.broadcast %add3A_167 : f32 to vector<16xf32>
      %add3A_169 = arith.addf %add3A_168, %exp3A_166 : vector<16xf32>
      %div3A_170 = arith.constant 1.000000e+00 : f32
      %div3A_171 = vector.broadcast %div3A_170 : f32 to vector<16xf32>
      %div3A_172 = arith.divf %div3A_171, %add3A_169 : vector<16xf32>
      %mul3A_173 = arith.mulf %broadcast_in_dim3A_162, %div3A_172 : vector<16xf32>
      %reduce_sum3A_174 = arith.constant true
      %reduce_sum3A_175 = vector.broadcast %reduce_sum3A_174 : i1 to vector<16xi1>
      %reduce_sum3A_176 = tpu.scan <sum>, %scan3A_117#3 masked %reduce_sum3A_175 : vector<16xf32>, vector<16xi1> -> vector<16xf32>
      %reduce_sum3A_177 = vector.extract %reduce_sum3A_176[15] : f32 from vector<16xf32>
      %slice3A_178 = vector.extract_strided_slice %get3A_121 {offsets = [3], sizes = [1], strides = [1]} : vector<16xf32> to vector<1xf32>
      %squeeze3A_179 = vector.extract %slice3A_178[0] : f32 from vector<1xf32>
      %mul3A_180 = arith.mulf %reduce_sum3A_177, %squeeze3A_179 : f32
      %broadcast_in_dim3A_181 = vector.broadcast %mul3A_180 : f32 to vector<16xf32>
      %neg3A_182 = arith.constant 0.000000e+00 : f32
      %neg3A_183 = arith.subf %neg3A_182, %reduce_sum3A_177 : f32
      %broadcast_in_dim3A_184 = vector.broadcast %neg3A_183 : f32 to vector<16xf32>
      %exp3A_185 = math.exp %broadcast_in_dim3A_184 : vector<16xf32>
      %add3A_186 = arith.constant 1.000000e+00 : f32
      %add3A_187 = vector.broadcast %add3A_186 : f32 to vector<16xf32>
      %add3A_188 = arith.addf %add3A_187, %exp3A_185 : vector<16xf32>
      %div3A_189 = arith.constant 1.000000e+00 : f32
      %div3A_190 = vector.broadcast %div3A_189 : f32 to vector<16xf32>
      %div3A_191 = arith.divf %div3A_190, %add3A_188 : vector<16xf32>
      %mul3A_192 = arith.mulf %broadcast_in_dim3A_181, %div3A_191 : vector<16xf32>
      %reduce_sum3A_193 = arith.constant true
      %reduce_sum3A_194 = vector.broadcast %reduce_sum3A_193 : i1 to vector<16xi1>
      %reduce_sum3A_195 = tpu.scan <sum>, %scan3A_117#4 masked %reduce_sum3A_194 : vector<16xf32>, vector<16xi1> -> vector<16xf32>
      %reduce_sum3A_196 = vector.extract %reduce_sum3A_195[15] : f32 from vector<16xf32>
      %slice3A_197 = vector.extract_strided_slice %get3A_121 {offsets = [4], sizes = [1], strides = [1]} : vector<16xf32> to vector<1xf32>
      %squeeze3A_198 = vector.extract %slice3A_197[0] : f32 from vector<1xf32>
      %mul3A_199 = arith.mulf %reduce_sum3A_196, %squeeze3A_198 : f32
      %broadcast_in_dim3A_200 = vector.broadcast %mul3A_199 : f32 to vector<16xf32>
      %neg3A_201 = arith.constant 0.000000e+00 : f32
      %neg3A_202 = arith.subf %neg3A_201, %reduce_sum3A_196 : f32
      %broadcast_in_dim3A_203 = vector.broadcast %neg3A_202 : f32 to vector<16xf32>
      %exp3A_204 = math.exp %broadcast_in_dim3A_203 : vector<16xf32>
      %add3A_205 = arith.constant 1.000000e+00 : f32
      %add3A_206 = vector.broadcast %add3A_205 : f32 to vector<16xf32>
      %add3A_207 = arith.addf %add3A_206, %exp3A_204 : vector<16xf32>
      %div3A_208 = arith.constant 1.000000e+00 : f32
      %div3A_209 = vector.broadcast %div3A_208 : f32 to vector<16xf32>
      %div3A_210 = arith.divf %div3A_209, %add3A_207 : vector<16xf32>
      %mul3A_211 = arith.mulf %broadcast_in_dim3A_200, %div3A_210 : vector<16xf32>
      %reduce_sum3A_212 = arith.constant true
      %reduce_sum3A_213 = vector.broadcast %reduce_sum3A_212 : i1 to vector<16xi1>
      %reduce_sum3A_214 = tpu.scan <sum>, %scan3A_117#5 masked %reduce_sum3A_213 : vector<16xf32>, vector<16xi1> -> vector<16xf32>
      %reduce_sum3A_215 = vector.extract %reduce_sum3A_214[15] : f32 from vector<16xf32>
      %slice3A_216 = vector.extract_strided_slice %get3A_121 {offsets = [5], sizes = [1], strides = [1]} : vector<16xf32> to vector<1xf32>
      %squeeze3A_217 = vector.extract %slice3A_216[0] : f32 from vector<1xf32>
      %mul3A_218 = arith.mulf %reduce_sum3A_215, %squeeze3A_217 : f32
      %broadcast_in_dim3A_219 = vector.broadcast %mul3A_218 : f32 to vector<16xf32>
      %neg3A_220 = arith.constant 0.000000e+00 : f32
      %neg3A_221 = arith.subf %neg3A_220, %reduce_sum3A_215 : f32
      %broadcast_in_dim3A_222 = vector.broadcast %neg3A_221 : f32 to vector<16xf32>
      %exp3A_223 = math.exp %broadcast_in_dim3A_222 : vector<16xf32>
      %add3A_224 = arith.constant 1.000000e+00 : f32
      %add3A_225 = vector.broadcast %add3A_224 : f32 to vector<16xf32>
      %add3A_226 = arith.addf %add3A_225, %exp3A_223 : vector<16xf32>
      %div3A_227 = arith.constant 1.000000e+00 : f32
      %div3A_228 = vector.broadcast %div3A_227 : f32 to vector<16xf32>
      %div3A_229 = arith.divf %div3A_228, %add3A_226 : vector<16xf32>
      %mul3A_230 = arith.mulf %broadcast_in_dim3A_219, %div3A_229 : vector<16xf32>
      %reduce_sum3A_231 = arith.constant true
      %reduce_sum3A_232 = vector.broadcast %reduce_sum3A_231 : i1 to vector<16xi1>
      %reduce_sum3A_233 = tpu.scan <sum>, %scan3A_117#6 masked %reduce_sum3A_232 : vector<16xf32>, vector<16xi1> -> vector<16xf32>
      %reduce_sum3A_234 = vector.extract %reduce_sum3A_233[15] : f32 from vector<16xf32>
      %slice3A_235 = vector.extract_strided_slice %get3A_121 {offsets = [6], sizes = [1], strides = [1]} : vector<16xf32> to vector<1xf32>
      %squeeze3A_236 = vector.extract %slice3A_235[0] : f32 from vector<1xf32>
      %mul3A_237 = arith.mulf %reduce_sum3A_234, %squeeze3A_236 : f32
      %broadcast_in_dim3A_238 = vector.broadcast %mul3A_237 : f32 to vector<16xf32>
      %neg3A_239 = arith.constant 0.000000e+00 : f32
      %neg3A_240 = arith.subf %neg3A_239, %reduce_sum3A_234 : f32
      %broadcast_in_dim3A_241 = vector.broadcast %neg3A_240 : f32 to vector<16xf32>
      %exp3A_242 = math.exp %broadcast_in_dim3A_241 : vector<16xf32>
      %add3A_243 = arith.constant 1.000000e+00 : f32
      %add3A_244 = vector.broadcast %add3A_243 : f32 to vector<16xf32>
      %add3A_245 = arith.addf %add3A_244, %exp3A_242 : vector<16xf32>
      %div3A_246 = arith.constant 1.000000e+00 : f32
      %div3A_247 = vector.broadcast %div3A_246 : f32 to vector<16xf32>
      %div3A_248 = arith.divf %div3A_247, %add3A_245 : vector<16xf32>
      %mul3A_249 = arith.mulf %broadcast_in_dim3A_238, %div3A_248 : vector<16xf32>
      %reduce_sum3A_250 = arith.constant true
      %reduce_sum3A_251 = vector.broadcast %reduce_sum3A_250 : i1 to vector<16xi1>
      %reduce_sum3A_252 = tpu.scan <sum>, %scan3A_117#7 masked %reduce_sum3A_251 : vector<16xf32>, vector<16xi1> -> vector<16xf32>
      %reduce_sum3A_253 = vector.extract %reduce_sum3A_252[15] : f32 from vector<16xf32>
      %slice3A_254 = vector.extract_strided_slice %get3A_121 {offsets = [7], sizes = [1], strides = [1]} : vector<16xf32> to vector<1xf32>
      %squeeze3A_255 = vector.extract %slice3A_254[0] : f32 from vector<1xf32>
      %mul3A_256 = arith.mulf %reduce_sum3A_253, %squeeze3A_255 : f32
      %broadcast_in_dim3A_257 = vector.broadcast %mul3A_256 : f32 to vector<16xf32>
      %neg3A_258 = arith.constant 0.000000e+00 : f32
      %neg3A_259 = arith.subf %neg3A_258, %reduce_sum3A_253 : f32
      %broadcast_in_dim3A_260 = vector.broadcast %neg3A_259 : f32 to vector<16xf32>
      %exp3A_261 = math.exp %broadcast_in_dim3A_260 : vector<16xf32>
      %add3A_262 = arith.constant 1.000000e+00 : f32
      %add3A_263 = vector.broadcast %add3A_262 : f32 to vector<16xf32>
      %add3A_264 = arith.addf %add3A_263, %exp3A_261 : vector<16xf32>
      %div3A_265 = arith.constant 1.000000e+00 : f32
      %div3A_266 = vector.broadcast %div3A_265 : f32 to vector<16xf32>
      %div3A_267 = arith.divf %div3A_266, %add3A_264 : vector<16xf32>
      %mul3A_268 = arith.mulf %broadcast_in_dim3A_257, %div3A_267 : vector<16xf32>
      %reduce_sum3A_269 = arith.constant true
      %reduce_sum3A_270 = vector.broadcast %reduce_sum3A_269 : i1 to vector<16xi1>
      %reduce_sum3A_271 = tpu.scan <sum>, %scan3A_117#8 masked %reduce_sum3A_270 : vector<16xf32>, vector<16xi1> -> vector<16xf32>
      %reduce_sum3A_272 = vector.extract %reduce_sum3A_271[15] : f32 from vector<16xf32>
      %slice3A_273 = vector.extract_strided_slice %get3A_121 {offsets = [8], sizes = [1], strides = [1]} : vector<16xf32> to vector<1xf32>
      %squeeze3A_274 = vector.extract %slice3A_273[0] : f32 from vector<1xf32>
      %mul3A_275 = arith.mulf %reduce_sum3A_272, %squeeze3A_274 : f32
      %broadcast_in_dim3A_276 = vector.broadcast %mul3A_275 : f32 to vector<16xf32>
      %neg3A_277 = arith.constant 0.000000e+00 : f32
      %neg3A_278 = arith.subf %neg3A_277, %reduce_sum3A_272 : f32
      %broadcast_in_dim3A_279 = vector.broadcast %neg3A_278 : f32 to vector<16xf32>
      %exp3A_280 = math.exp %broadcast_in_dim3A_279 : vector<16xf32>
      %add3A_281 = arith.constant 1.000000e+00 : f32
      %add3A_282 = vector.broadcast %add3A_281 : f32 to vector<16xf32>
      %add3A_283 = arith.addf %add3A_282, %exp3A_280 : vector<16xf32>
      %div3A_284 = arith.constant 1.000000e+00 : f32
      %div3A_285 = vector.broadcast %div3A_284 : f32 to vector<16xf32>
      %div3A_286 = arith.divf %div3A_285, %add3A_283 : vector<16xf32>
      %mul3A_287 = arith.mulf %broadcast_in_dim3A_276, %div3A_286 : vector<16xf32>
      %reduce_sum3A_288 = arith.constant true
      %reduce_sum3A_289 = vector.broadcast %reduce_sum3A_288 : i1 to vector<16xi1>
      %reduce_sum3A_290 = tpu.scan <sum>, %scan3A_117#9 masked %reduce_sum3A_289 : vector<16xf32>, vector<16xi1> -> vector<16xf32>
      %reduce_sum3A_291 = vector.extract %reduce_sum3A_290[15] : f32 from vector<16xf32>
      %slice3A_292 = vector.extract_strided_slice %get3A_121 {offsets = [9], sizes = [1], strides = [1]} : vector<16xf32> to vector<1xf32>
      %squeeze3A_293 = vector.extract %slice3A_292[0] : f32 from vector<1xf32>
      %mul3A_294 = arith.mulf %reduce_sum3A_291, %squeeze3A_293 : f32
      %broadcast_in_dim3A_295 = vector.broadcast %mul3A_294 : f32 to vector<16xf32>
      %neg3A_296 = arith.constant 0.000000e+00 : f32
      %neg3A_297 = arith.subf %neg3A_296, %reduce_sum3A_291 : f32
      %broadcast_in_dim3A_298 = vector.broadcast %neg3A_297 : f32 to vector<16xf32>
      %exp3A_299 = math.exp %broadcast_in_dim3A_298 : vector<16xf32>
      %add3A_300 = arith.constant 1.000000e+00 : f32
      %add3A_301 = vector.broadcast %add3A_300 : f32 to vector<16xf32>
      %add3A_302 = arith.addf %add3A_301, %exp3A_299 : vector<16xf32>
      %div3A_303 = arith.constant 1.000000e+00 : f32
      %div3A_304 = vector.broadcast %div3A_303 : f32 to vector<16xf32>
      %div3A_305 = arith.divf %div3A_304, %add3A_302 : vector<16xf32>
      %mul3A_306 = arith.mulf %broadcast_in_dim3A_295, %div3A_305 : vector<16xf32>
      %reduce_sum3A_307 = arith.constant true
      %reduce_sum3A_308 = vector.broadcast %reduce_sum3A_307 : i1 to vector<16xi1>
      %reduce_sum3A_309 = tpu.scan <sum>, %scan3A_117#10 masked %reduce_sum3A_308 : vector<16xf32>, vector<16xi1> -> vector<16xf32>
      %reduce_sum3A_310 = vector.extract %reduce_sum3A_309[15] : f32 from vector<16xf32>
      %slice3A_311 = vector.extract_strided_slice %get3A_121 {offsets = [10], sizes = [1], strides = [1]} : vector<16xf32> to vector<1xf32>
      %squeeze3A_312 = vector.extract %slice3A_311[0] : f32 from vector<1xf32>
      %mul3A_313 = arith.mulf %reduce_sum3A_310, %squeeze3A_312 : f32
      %broadcast_in_dim3A_314 = vector.broadcast %mul3A_313 : f32 to vector<16xf32>
      %neg3A_315 = arith.constant 0.000000e+00 : f32
      %neg3A_316 = arith.subf %neg3A_315, %reduce_sum3A_310 : f32
      %broadcast_in_dim3A_317 = vector.broadcast %neg3A_316 : f32 to vector<16xf32>
      %exp3A_318 = math.exp %broadcast_in_dim3A_317 : vector<16xf32>
      %add3A_319 = arith.constant 1.000000e+00 : f32
      %add3A_320 = vector.broadcast %add3A_319 : f32 to vector<16xf32>
      %add3A_321 = arith.addf %add3A_320, %exp3A_318 : vector<16xf32>
      %div3A_322 = arith.constant 1.000000e+00 : f32
      %div3A_323 = vector.broadcast %div3A_322 : f32 to vector<16xf32>
      %div3A_324 = arith.divf %div3A_323, %add3A_321 : vector<16xf32>
      %mul3A_325 = arith.mulf %broadcast_in_dim3A_314, %div3A_324 : vector<16xf32>
      %reduce_sum3A_326 = arith.constant true
      %reduce_sum3A_327 = vector.broadcast %reduce_sum3A_326 : i1 to vector<16xi1>
      %reduce_sum3A_328 = tpu.scan <sum>, %scan3A_117#11 masked %reduce_sum3A_327 : vector<16xf32>, vector<16xi1> -> vector<16xf32>
      %reduce_sum3A_329 = vector.extract %reduce_sum3A_328[15] : f32 from vector<16xf32>
      %slice3A_330 = vector.extract_strided_slice %get3A_121 {offsets = [11], sizes = [1], strides = [1]} : vector<16xf32> to vector<1xf32>
      %squeeze3A_331 = vector.extract %slice3A_330[0] : f32 from vector<1xf32>
      %mul3A_332 = arith.mulf %reduce_sum3A_329, %squeeze3A_331 : f32
      %broadcast_in_dim3A_333 = vector.broadcast %mul3A_332 : f32 to vector<16xf32>
      %neg3A_334 = arith.constant 0.000000e+00 : f32
      %neg3A_335 = arith.subf %neg3A_334, %reduce_sum3A_329 : f32
      %broadcast_in_dim3A_336 = vector.broadcast %neg3A_335 : f32 to vector<16xf32>
      %exp3A_337 = math.exp %broadcast_in_dim3A_336 : vector<16xf32>
      %add3A_338 = arith.constant 1.000000e+00 : f32
      %add3A_339 = vector.broadcast %add3A_338 : f32 to vector<16xf32>
      %add3A_340 = arith.addf %add3A_339, %exp3A_337 : vector<16xf32>
      %div3A_341 = arith.constant 1.000000e+00 : f32
      %div3A_342 = vector.broadcast %div3A_341 : f32 to vector<16xf32>
      %div3A_343 = arith.divf %div3A_342, %add3A_340 : vector<16xf32>
      %mul3A_344 = arith.mulf %broadcast_in_dim3A_333, %div3A_343 : vector<16xf32>
      %reduce_sum3A_345 = arith.constant true
      %reduce_sum3A_346 = vector.broadcast %reduce_sum3A_345 : i1 to vector<16xi1>
      %reduce_sum3A_347 = tpu.scan <sum>, %scan3A_117#12 masked %reduce_sum3A_346 : vector<16xf32>, vector<16xi1> -> vector<16xf32>
      %reduce_sum3A_348 = vector.extract %reduce_sum3A_347[15] : f32 from vector<16xf32>
      %slice3A_349 = vector.extract_strided_slice %get3A_121 {offsets = [12], sizes = [1], strides = [1]} : vector<16xf32> to vector<1xf32>
      %squeeze3A_350 = vector.extract %slice3A_349[0] : f32 from vector<1xf32>
      %mul3A_351 = arith.mulf %reduce_sum3A_348, %squeeze3A_350 : f32
      %broadcast_in_dim3A_352 = vector.broadcast %mul3A_351 : f32 to vector<16xf32>
      %neg3A_353 = arith.constant 0.000000e+00 : f32
      %neg3A_354 = arith.subf %neg3A_353, %reduce_sum3A_348 : f32
      %broadcast_in_dim3A_355 = vector.broadcast %neg3A_354 : f32 to vector<16xf32>
      %exp3A_356 = math.exp %broadcast_in_dim3A_355 : vector<16xf32>
      %add3A_357 = arith.constant 1.000000e+00 : f32
      %add3A_358 = vector.broadcast %add3A_357 : f32 to vector<16xf32>
      %add3A_359 = arith.addf %add3A_358, %exp3A_356 : vector<16xf32>
      %div3A_360 = arith.constant 1.000000e+00 : f32
      %div3A_361 = vector.broadcast %div3A_360 : f32 to vector<16xf32>
      %div3A_362 = arith.divf %div3A_361, %add3A_359 : vector<16xf32>
      %mul3A_363 = arith.mulf %broadcast_in_dim3A_352, %div3A_362 : vector<16xf32>
      %reduce_sum3A_364 = arith.constant true
      %reduce_sum3A_365 = vector.broadcast %reduce_sum3A_364 : i1 to vector<16xi1>
      %reduce_sum3A_366 = tpu.scan <sum>, %scan3A_117#13 masked %reduce_sum3A_365 : vector<16xf32>, vector<16xi1> -> vector<16xf32>
      %reduce_sum3A_367 = vector.extract %reduce_sum3A_366[15] : f32 from vector<16xf32>
      %slice3A_368 = vector.extract_strided_slice %get3A_121 {offsets = [13], sizes = [1], strides = [1]} : vector<16xf32> to vector<1xf32>
      %squeeze3A_369 = vector.extract %slice3A_368[0] : f32 from vector<1xf32>
      %mul3A_370 = arith.mulf %reduce_sum3A_367, %squeeze3A_369 : f32
      %broadcast_in_dim3A_371 = vector.broadcast %mul3A_370 : f32 to vector<16xf32>
      %neg3A_372 = arith.constant 0.000000e+00 : f32
      %neg3A_373 = arith.subf %neg3A_372, %reduce_sum3A_367 : f32
      %broadcast_in_dim3A_374 = vector.broadcast %neg3A_373 : f32 to vector<16xf32>
      %exp3A_375 = math.exp %broadcast_in_dim3A_374 : vector<16xf32>
      %add3A_376 = arith.constant 1.000000e+00 : f32
      %add3A_377 = vector.broadcast %add3A_376 : f32 to vector<16xf32>
      %add3A_378 = arith.addf %add3A_377, %exp3A_375 : vector<16xf32>
      %div3A_379 = arith.constant 1.000000e+00 : f32
      %div3A_380 = vector.broadcast %div3A_379 : f32 to vector<16xf32>
      %div3A_381 = arith.divf %div3A_380, %add3A_378 : vector<16xf32>
      %mul3A_382 = arith.mulf %broadcast_in_dim3A_371, %div3A_381 : vector<16xf32>
      %reduce_sum3A_383 = arith.constant true
      %reduce_sum3A_384 = vector.broadcast %reduce_sum3A_383 : i1 to vector<16xi1>
      %reduce_sum3A_385 = tpu.scan <sum>, %scan3A_117#14 masked %reduce_sum3A_384 : vector<16xf32>, vector<16xi1> -> vector<16xf32>
      %reduce_sum3A_386 = vector.extract %reduce_sum3A_385[15] : f32 from vector<16xf32>
      %slice3A_387 = vector.extract_strided_slice %get3A_121 {offsets = [14], sizes = [1], strides = [1]} : vector<16xf32> to vector<1xf32>
      %squeeze3A_388 = vector.extract %slice3A_387[0] : f32 from vector<1xf32>
      %mul3A_389 = arith.mulf %reduce_sum3A_386, %squeeze3A_388 : f32
      %broadcast_in_dim3A_390 = vector.broadcast %mul3A_389 : f32 to vector<16xf32>
      %neg3A_391 = arith.constant 0.000000e+00 : f32
      %neg3A_392 = arith.subf %neg3A_391, %reduce_sum3A_386 : f32
      %broadcast_in_dim3A_393 = vector.broadcast %neg3A_392 : f32 to vector<16xf32>
      %exp3A_394 = math.exp %broadcast_in_dim3A_393 : vector<16xf32>
      %add3A_395 = arith.constant 1.000000e+00 : f32
      %add3A_396 = vector.broadcast %add3A_395 : f32 to vector<16xf32>
      %add3A_397 = arith.addf %add3A_396, %exp3A_394 : vector<16xf32>
      %div3A_398 = arith.constant 1.000000e+00 : f32
      %div3A_399 = vector.broadcast %div3A_398 : f32 to vector<16xf32>
      %div3A_400 = arith.divf %div3A_399, %add3A_397 : vector<16xf32>
      %mul3A_401 = arith.mulf %broadcast_in_dim3A_390, %div3A_400 : vector<16xf32>
      %reduce_sum3A_402 = arith.constant true
      %reduce_sum3A_403 = vector.broadcast %reduce_sum3A_402 : i1 to vector<16xi1>
      %reduce_sum3A_404 = tpu.scan <sum>, %scan3A_117#15 masked %reduce_sum3A_403 : vector<16xf32>, vector<16xi1> -> vector<16xf32>
      %reduce_sum3A_405 = vector.extract %reduce_sum3A_404[15] : f32 from vector<16xf32>
      %slice3A_406 = vector.extract_strided_slice %get3A_121 {offsets = [15], sizes = [1], strides = [1]} : vector<16xf32> to vector<1xf32>
      %squeeze3A_407 = vector.extract %slice3A_406[0] : f32 from vector<1xf32>
      %mul3A_408 = arith.mulf %reduce_sum3A_405, %squeeze3A_407 : f32
      %broadcast_in_dim3A_409 = vector.broadcast %mul3A_408 : f32 to vector<16xf32>
      %neg3A_410 = arith.constant 0.000000e+00 : f32
      %neg3A_411 = arith.subf %neg3A_410, %reduce_sum3A_405 : f32
      %broadcast_in_dim3A_412 = vector.broadcast %neg3A_411 : f32 to vector<16xf32>
      %exp3A_413 = math.exp %broadcast_in_dim3A_412 : vector<16xf32>
      %add3A_414 = arith.constant 1.000000e+00 : f32
      %add3A_415 = vector.broadcast %add3A_414 : f32 to vector<16xf32>
      %add3A_416 = arith.addf %add3A_415, %exp3A_413 : vector<16xf32>
      %div3A_417 = arith.constant 1.000000e+00 : f32
      %div3A_418 = vector.broadcast %div3A_417 : f32 to vector<16xf32>
      %div3A_419 = arith.divf %div3A_418, %add3A_416 : vector<16xf32>
      %mul3A_420 = arith.mulf %broadcast_in_dim3A_409, %div3A_419 : vector<16xf32>
      %eq3A_421 = arith.constant 3 : i32
      %eq3A_422 = arith.cmpi eq, %rem3A_67, %eq3A_421 : i32
      %add3A_423 = arith.constant 1 : i32
      %add3A_424 = arith.addi %select_n3A, %add3A_423 : i32
      %lt3A_425 = arith.constant 128 : i32
      %lt3A_426 = arith.cmpi slt, %add3A_424, %lt3A_425 : i32
      %and3A_427 = arith.andi %eq3A_422, %lt3A_426 : i1
      %convert_element_type3A_428 = arith.extui %and3A_427 : i1 to i32
      %cond3A_429 = arith.constant 0 : i32
      %cond3A_430 = arith.cmpi ne, %convert_element_type3A_428, %cond3A_429 : i32
      scf.if %cond3A_430 {
        %add3A_907 = arith.constant 1 : i32
        %add3A_908 = arith.addi %select_n3A, %add3A_907 : i32
        %add3A_909 = arith.addi %mul3A_2, %add3A_908 : i32
        %dma_start3A_910 = arith.constant 0 : i32
        %dma_start3A_911 = tpu.memref_slice %arg2[%add3A_909, %dma_start3A_910] : memref<4096x1024xf32, #tpu.memory_space<hbm>> -> memref<1x1024xf32, #tpu.memory_space<hbm>>
        %dma_start3A_912 = tpu.memref_squeeze %dma_start3A_911 : memref<1x1024xf32, #tpu.memory_space<hbm>> -> memref<1024xf32, #tpu.memory_space<hbm>>
        %dma_start3A_913 = arith.constant 0 : i32
        %dma_start3A_914 = tpu.memref_slice %arg2[%add3A_909, %dma_start3A_913] : memref<4096x1024xf32, #tpu.memory_space<hbm>> -> memref<1x1024xf32, #tpu.memory_space<hbm>>
        %dma_start3A_915 = tpu.memref_squeeze %dma_start3A_914 : memref<1x1024xf32, #tpu.memory_space<hbm>> -> memref<1024xf32, #tpu.memory_space<hbm>>
        tpu.enqueue_dma source(%dma_start3A_915 : memref<1024xf32, #tpu.memory_space<hbm>>) target(%arg10 : memref<1024xf32, #tpu.memory_space<vmem>>) target_semaphore(%arg18 : memref<!tpu.dma_semaphore, #tpu.memory_space<semaphore_mem>>)
        %add3A_916 = arith.constant 1 : i32
        %add3A_917 = arith.addi %select_n3A, %add3A_916 : i32
        %add3A_918 = arith.addi %mul3A_2, %add3A_917 : i32
        %dma_start3A_919 = arith.constant 0 : i32
        %dma_start3A_920 = tpu.memref_slice %arg4[%add3A_918, %dma_start3A_919] : memref<4096x64xf32, #tpu.memory_space<hbm>> -> memref<1x64xf32, #tpu.memory_space<hbm>>
        %dma_start3A_921 = tpu.memref_squeeze %dma_start3A_920 : memref<1x64xf32, #tpu.memory_space<hbm>> -> memref<64xf32, #tpu.memory_space<hbm>>
        %dma_start3A_922 = arith.constant 0 : i32
        %dma_start3A_923 = tpu.memref_slice %arg4[%add3A_918, %dma_start3A_922] : memref<4096x64xf32, #tpu.memory_space<hbm>> -> memref<1x64xf32, #tpu.memory_space<hbm>>
        %dma_start3A_924 = tpu.memref_squeeze %dma_start3A_923 : memref<1x64xf32, #tpu.memory_space<hbm>> -> memref<64xf32, #tpu.memory_space<hbm>>
        tpu.enqueue_dma source(%dma_start3A_924 : memref<64xf32, #tpu.memory_space<hbm>>) target(%arg9 : memref<64xf32, #tpu.memory_space<vmem>>) target_semaphore(%arg19 : memref<!tpu.dma_semaphore, #tpu.memory_space<semaphore_mem>>)
      } else {
      }
      %dma_wait3A_431 = arith.constant 0 : i32
      %dma_wait3A_432 = arith.constant 0 : i32
      %dma_wait3A_433 = arith.constant 0 : i32
      %dma_wait3A_434 = tpu.memref_slice %arg12[%dma_wait3A_431, %dma_wait3A_432, %dma_wait3A_433] : memref<2x16x1024xf32, #tpu.memory_space<vmem>> -> memref<1x16x1024xf32, #tpu.memory_space<vmem>>
      %dma_wait3A_435 = tpu.memref_squeeze %dma_wait3A_434 : memref<1x16x1024xf32, #tpu.memory_space<vmem>> -> memref<16x1024xf32, #tpu.memory_space<vmem>>
      %dma_wait3A_436 = tpu.memref_slice %arg8[%select_n3A_91, %mul3A_95] : memref<128x64xi32, #tpu.memory_space<vmem>> -> memref<1x16xi32, #tpu.memory_space<vmem>>
      %dma_wait3A_437 = tpu.memref_squeeze %dma_wait3A_436 : memref<1x16xi32, #tpu.memory_space<vmem>> -> memref<16xi32, #tpu.memory_space<vmem>>
      %dma_wait3A_438 = arith.constant 0 : i32
      %dma_wait3A_439 = arith.constant 0 : i32
      %dma_wait3A_440 = tpu.memref_slice %arg6[%dma_wait3A_438, %dma_wait3A_439] : memref<65536x1024xf32, #tpu.memory_space<hbm>> -> memref<65536x1024xf32, #tpu.memory_space<hbm>>
      tpu.wait_indirect_dma semaphore(%arg16 : memref<!tpu.dma_semaphore, #tpu.memory_space<semaphore_mem>>) src(%dma_wait3A_440 : memref<65536x1024xf32, #tpu.memory_space<hbm>>) dst(%dma_wait3A_435 : memref<16x1024xf32, #tpu.memory_space<vmem>>)
      %eq3A_441 = arith.constant 0 : i32
      %eq3A_442 = arith.cmpi eq, %rem3A_67, %eq3A_441 : i32
      %scan3A_443 = arith.constant 0 : i32
      %scan3A_444 = arith.constant 0 : i32
      %scan3A_445 = arith.constant 64 : i32
      %scan3A_446 = arith.addi %scan3A_444, %scan3A_445 : i32
      %scan3A_447 = arith.constant 2 : i32
      %scan3A_448 = scf.for %scan3A_907 = %scan3A_444 to %scan3A_446 step %scan3A_447 iter_args(%scan3A_908 = %scan3A_443) -> (i32)  : i32 {
        %mul3A_909 = arith.constant 16 : i32
        %mul3A_910 = arith.muli %scan3A_907, %mul3A_909 : i32
        %get3A_911 = arith.index_cast %mul3A_910 : i32 to index
        %get3A_912 = tpu.vector_load %arg13[%get3A_911] {strides = array<i32>} : memref<1024xf32, #tpu.memory_space<vmem>>, vector<16xf32>,
        %broadcast_in_dim3A_913 = arith.constant 0.000000e+00 : f32
        %broadcast_in_dim3A_914 = vector.broadcast %broadcast_in_dim3A_913 : f32 to vector<16xf32>
        %select_n3A_915 = arith.select %eq3A_442, %broadcast_in_dim3A_914, %get3A_912 : vector<16xf32>
        %get3A_916 = arith.constant 0 : i32
        %get3A_917 = arith.constant 0 : i32
        %get3A_918 = arith.index_cast %get3A_916 : i32 to index
        %get3A_919 = arith.index_cast %get3A_917 : i32 to index
        %get3A_920 = arith.index_cast %mul3A_910 : i32 to index
        %get3A_921 = tpu.vector_load %arg12[%get3A_918, %get3A_919, %get3A_920] {strides = array<i32>} : memref<2x16x1024xf32, #tpu.memory_space<vmem>>, vector<16xf32>,
        %mul3A_922 = arith.mulf %mul3A_135, %get3A_921 : vector<16xf32>
        %get3A_923 = arith.constant 0 : i32
        %get3A_924 = arith.constant 4 : i32
        %get3A_925 = arith.index_cast %get3A_923 : i32 to index
        %get3A_926 = arith.index_cast %get3A_924 : i32 to index
        %get3A_927 = arith.index_cast %mul3A_910 : i32 to index
        %get3A_928 = tpu.vector_load %arg12[%get3A_925, %get3A_926, %get3A_927] {strides = array<i32>} : memref<2x16x1024xf32, #tpu.memory_space<vmem>>, vector<16xf32>,
        %mul3A_929 = arith.mulf %mul3A_211, %get3A_928 : vector<16xf32>
        %add3A_930 = arith.addf %mul3A_922, %mul3A_929 : vector<16xf32>
        %get3A_931 = arith.constant 0 : i32
        %get3A_932 = arith.constant 8 : i32
        %get3A_933 = arith.index_cast %get3A_931 : i32 to index
        %get3A_934 = arith.index_cast %get3A_932 : i32 to index
        %get3A_935 = arith.index_cast %mul3A_910 : i32 to index
        %get3A_936 = tpu.vector_load %arg12[%get3A_933, %get3A_934, %get3A_935] {strides = array<i32>} : memref<2x16x1024xf32, #tpu.memory_space<vmem>>, vector<16xf32>,
        %mul3A_937 = arith.mulf %mul3A_287, %get3A_936 : vector<16xf32>
        %add3A_938 = arith.addf %add3A_930, %mul3A_937 : vector<16xf32>
        %get3A_939 = arith.constant 0 : i32
        %get3A_940 = arith.constant 12 : i32
        %get3A_941 = arith.index_cast %get3A_939 : i32 to index
        %get3A_942 = arith.index_cast %get3A_940 : i32 to index
        %get3A_943 = arith.index_cast %mul3A_910 : i32 to index
        %get3A_944 = tpu.vector_load %arg12[%get3A_941, %get3A_942, %get3A_943] {strides = array<i32>} : memref<2x16x1024xf32, #tpu.memory_space<vmem>>, vector<16xf32>,
        %mul3A_945 = arith.mulf %mul3A_363, %get3A_944 : vector<16xf32>
        %add3A_946 = arith.addf %add3A_938, %mul3A_945 : vector<16xf32>
        %get3A_947 = arith.constant 0 : i32
        %get3A_948 = arith.constant 1 : i32
        %get3A_949 = arith.index_cast %get3A_947 : i32 to index
        %get3A_950 = arith.index_cast %get3A_948 : i32 to index
        %get3A_951 = arith.index_cast %mul3A_910 : i32 to index
        %get3A_952 = tpu.vector_load %arg12[%get3A_949, %get3A_950, %get3A_951] {strides = array<i32>} : memref<2x16x1024xf32, #tpu.memory_space<vmem>>, vector<16xf32>,
        %mul3A_953 = arith.mulf %mul3A_154, %get3A_952 : vector<16xf32>
        %get3A_954 = arith.constant 0 : i32
        %get3A_955 = arith.constant 5 : i32
        %get3A_956 = arith.index_cast %get3A_954 : i32 to index
        %get3A_957 = arith.index_cast %get3A_955 : i32 to index
        %get3A_958 = arith.index_cast %mul3A_910 : i32 to index
        %get3A_959 = tpu.vector_load %arg12[%get3A_956, %get3A_957, %get3A_958] {strides = array<i32>} : memref<2x16x1024xf32, #tpu.memory_space<vmem>>, vector<16xf32>,
        %mul3A_960 = arith.mulf %mul3A_230, %get3A_959 : vector<16xf32>
        %add3A_961 = arith.addf %mul3A_953, %mul3A_960 : vector<16xf32>
        %get3A_962 = arith.constant 0 : i32
        %get3A_963 = arith.constant 9 : i32
        %get3A_964 = arith.index_cast %get3A_962 : i32 to index
        %get3A_965 = arith.index_cast %get3A_963 : i32 to index
        %get3A_966 = arith.index_cast %mul3A_910 : i32 to index
        %get3A_967 = tpu.vector_load %arg12[%get3A_964, %get3A_965, %get3A_966] {strides = array<i32>} : memref<2x16x1024xf32, #tpu.memory_space<vmem>>, vector<16xf32>,
        %mul3A_968 = arith.mulf %mul3A_306, %get3A_967 : vector<16xf32>
        %add3A_969 = arith.addf %add3A_961, %mul3A_968 : vector<16xf32>
        %get3A_970 = arith.constant 0 : i32
        %get3A_971 = arith.constant 13 : i32
        %get3A_972 = arith.index_cast %get3A_970 : i32 to index
        %get3A_973 = arith.index_cast %get3A_971 : i32 to index
        %get3A_974 = arith.index_cast %mul3A_910 : i32 to index
        %get3A_975 = tpu.vector_load %arg12[%get3A_972, %get3A_973, %get3A_974] {strides = array<i32>} : memref<2x16x1024xf32, #tpu.memory_space<vmem>>, vector<16xf32>,
        %mul3A_976 = arith.mulf %mul3A_382, %get3A_975 : vector<16xf32>
        %add3A_977 = arith.addf %add3A_969, %mul3A_976 : vector<16xf32>
        %get3A_978 = arith.constant 0 : i32
        %get3A_979 = arith.constant 2 : i32
        %get3A_980 = arith.index_cast %get3A_978 : i32 to index
        %get3A_981 = arith.index_cast %get3A_979 : i32 to index
        %get3A_982 = arith.index_cast %mul3A_910 : i32 to index
        %get3A_983 = tpu.vector_load %arg12[%get3A_980, %get3A_981, %get3A_982] {strides = array<i32>} : memref<2x16x1024xf32, #tpu.memory_space<vmem>>, vector<16xf32>,
        %mul3A_984 = arith.mulf %mul3A_173, %get3A_983 : vector<16xf32>
        %get3A_985 = arith.constant 0 : i32
        %get3A_986 = arith.constant 6 : i32
        %get3A_987 = arith.index_cast %get3A_985 : i32 to index
        %get3A_988 = arith.index_cast %get3A_986 : i32 to index
        %get3A_989 = arith.index_cast %mul3A_910 : i32 to index
        %get3A_990 = tpu.vector_load %arg12[%get3A_987, %get3A_988, %get3A_989] {strides = array<i32>} : memref<2x16x1024xf32, #tpu.memory_space<vmem>>, vector<16xf32>,
        %mul3A_991 = arith.mulf %mul3A_249, %get3A_990 : vector<16xf32>
        %add3A_992 = arith.addf %mul3A_984, %mul3A_991 : vector<16xf32>
        %get3A_993 = arith.constant 0 : i32
        %get3A_994 = arith.constant 10 : i32
        %get3A_995 = arith.index_cast %get3A_993 : i32 to index
        %get3A_996 = arith.index_cast %get3A_994 : i32 to index
        %get3A_997 = arith.index_cast %mul3A_910 : i32 to index
        %get3A_998 = tpu.vector_load %arg12[%get3A_995, %get3A_996, %get3A_997] {strides = array<i32>} : memref<2x16x1024xf32, #tpu.memory_space<vmem>>, vector<16xf32>,
        %mul3A_999 = arith.mulf %mul3A_325, %get3A_998 : vector<16xf32>
        %add3A_1000 = arith.addf %add3A_992, %mul3A_999 : vector<16xf32>
        %get3A_1001 = arith.constant 0 : i32
        %get3A_1002 = arith.constant 14 : i32
        %get3A_1003 = arith.index_cast %get3A_1001 : i32 to index
        %get3A_1004 = arith.index_cast %get3A_1002 : i32 to index
        %get3A_1005 = arith.index_cast %mul3A_910 : i32 to index
        %get3A_1006 = tpu.vector_load %arg12[%get3A_1003, %get3A_1004, %get3A_1005] {strides = array<i32>} : memref<2x16x1024xf32, #tpu.memory_space<vmem>>, vector<16xf32>,
        %mul3A_1007 = arith.mulf %mul3A_401, %get3A_1006 : vector<16xf32>
        %add3A_1008 = arith.addf %add3A_1000, %mul3A_1007 : vector<16xf32>
        %get3A_1009 = arith.constant 0 : i32
        %get3A_1010 = arith.constant 3 : i32
        %get3A_1011 = arith.index_cast %get3A_1009 : i32 to index
        %get3A_1012 = arith.index_cast %get3A_1010 : i32 to index
        %get3A_1013 = arith.index_cast %mul3A_910 : i32 to index
        %get3A_1014 = tpu.vector_load %arg12[%get3A_1011, %get3A_1012, %get3A_1013] {strides = array<i32>} : memref<2x16x1024xf32, #tpu.memory_space<vmem>>, vector<16xf32>,
        %mul3A_1015 = arith.mulf %mul3A_192, %get3A_1014 : vector<16xf32>
        %get3A_1016 = arith.constant 0 : i32
        %get3A_1017 = arith.constant 7 : i32
        %get3A_1018 = arith.index_cast %get3A_1016 : i32 to index
        %get3A_1019 = arith.index_cast %get3A_1017 : i32 to index
        %get3A_1020 = arith.index_cast %mul3A_910 : i32 to index
        %get3A_1021 = tpu.vector_load %arg12[%get3A_1018, %get3A_1019, %get3A_1020] {strides = array<i32>} : memref<2x16x1024xf32, #tpu.memory_space<vmem>>, vector<16xf32>,
        %mul3A_1022 = arith.mulf %mul3A_268, %get3A_1021 : vector<16xf32>
        %add3A_1023 = arith.addf %mul3A_1015, %mul3A_1022 : vector<16xf32>
        %get3A_1024 = arith.constant 0 : i32
        %get3A_1025 = arith.constant 11 : i32
        %get3A_1026 = arith.index_cast %get3A_1024 : i32 to index
        %get3A_1027 = arith.index_cast %get3A_1025 : i32 to index
        %get3A_1028 = arith.index_cast %mul3A_910 : i32 to index
        %get3A_1029 = tpu.vector_load %arg12[%get3A_1026, %get3A_1027, %get3A_1028] {strides = array<i32>} : memref<2x16x1024xf32, #tpu.memory_space<vmem>>, vector<16xf32>,
        %mul3A_1030 = arith.mulf %mul3A_344, %get3A_1029 : vector<16xf32>
        %add3A_1031 = arith.addf %add3A_1023, %mul3A_1030 : vector<16xf32>
        %get3A_1032 = arith.constant 0 : i32
        %get3A_1033 = arith.constant 15 : i32
        %get3A_1034 = arith.index_cast %get3A_1032 : i32 to index
        %get3A_1035 = arith.index_cast %get3A_1033 : i32 to index
        %get3A_1036 = arith.index_cast %mul3A_910 : i32 to index
        %get3A_1037 = tpu.vector_load %arg12[%get3A_1034, %get3A_1035, %get3A_1036] {strides = array<i32>} : memref<2x16x1024xf32, #tpu.memory_space<vmem>>, vector<16xf32>,
        %mul3A_1038 = arith.mulf %mul3A_420, %get3A_1037 : vector<16xf32>
        %add3A_1039 = arith.addf %add3A_1031, %mul3A_1038 : vector<16xf32>
        %add3A_1040 = arith.addf %add3A_946, %add3A_977 : vector<16xf32>
        %add3A_1041 = arith.addf %add3A_1008, %add3A_1039 : vector<16xf32>
        %add3A_1042 = arith.addf %add3A_1040, %add3A_1041 : vector<16xf32>
        %add3A_1043 = arith.addf %select_n3A_915, %add3A_1042 : vector<16xf32>
        %swap3A = arith.index_cast %mul3A_910 : i32 to index
        %swap3A_1044 = tpu.vector_load %arg13[%swap3A] {strides = array<i32>} : memref<1024xf32, #tpu.memory_space<vmem>>, vector<16xf32>,
        tpu.vector_store %arg13[%swap3A], %add3A_1043 {strides = array<i32>} : memref<1024xf32, #tpu.memory_space<vmem>>, vector<16xf32>,
        %scan3A_1045 = arith.constant 0 : i32
        %scan3A_1046 = arith.constant 1 : i32
        %scan3A_1047 = arith.addi %scan3A_907, %scan3A_1046 : i32
        %mul3A_1048 = arith.constant 16 : i32
        %mul3A_1049 = arith.muli %scan3A_1047, %mul3A_1048 : i32
        %get3A_1050 = arith.index_cast %mul3A_1049 : i32 to index
        %get3A_1051 = tpu.vector_load %arg13[%get3A_1050] {strides = array<i32>} : memref<1024xf32, #tpu.memory_space<vmem>>, vector<16xf32>,
        %broadcast_in_dim3A_1052 = arith.constant 0.000000e+00 : f32
        %broadcast_in_dim3A_1053 = vector.broadcast %broadcast_in_dim3A_1052 : f32 to vector<16xf32>
        %select_n3A_1054 = arith.select %eq3A_442, %broadcast_in_dim3A_1053, %get3A_1051 : vector<16xf32>
        %get3A_1055 = arith.constant 0 : i32
        %get3A_1056 = arith.constant 0 : i32
        %get3A_1057 = arith.index_cast %get3A_1055 : i32 to index
        %get3A_1058 = arith.index_cast %get3A_1056 : i32 to index
        %get3A_1059 = arith.index_cast %mul3A_1049 : i32 to index
        %get3A_1060 = tpu.vector_load %arg12[%get3A_1057, %get3A_1058, %get3A_1059] {strides = array<i32>} : memref<2x16x1024xf32, #tpu.memory_space<vmem>>, vector<16xf32>,
        %mul3A_1061 = arith.mulf %mul3A_135, %get3A_1060 : vector<16xf32>
        %get3A_1062 = arith.constant 0 : i32
        %get3A_1063 = arith.constant 4 : i32
        %get3A_1064 = arith.index_cast %get3A_1062 : i32 to index
        %get3A_1065 = arith.index_cast %get3A_1063 : i32 to index
        %get3A_1066 = arith.index_cast %mul3A_1049 : i32 to index
        %get3A_1067 = tpu.vector_load %arg12[%get3A_1064, %get3A_1065, %get3A_1066] {strides = array<i32>} : memref<2x16x1024xf32, #tpu.memory_space<vmem>>, vector<16xf32>,
        %mul3A_1068 = arith.mulf %mul3A_211, %get3A_1067 : vector<16xf32>
        %add3A_1069 = arith.addf %mul3A_1061, %mul3A_1068 : vector<16xf32>
        %get3A_1070 = arith.constant 0 : i32
        %get3A_1071 = arith.constant 8 : i32
        %get3A_1072 = arith.index_cast %get3A_1070 : i32 to index
        %get3A_1073 = arith.index_cast %get3A_1071 : i32 to index
        %get3A_1074 = arith.index_cast %mul3A_1049 : i32 to index
        %get3A_1075 = tpu.vector_load %arg12[%get3A_1072, %get3A_1073, %get3A_1074] {strides = array<i32>} : memref<2x16x1024xf32, #tpu.memory_space<vmem>>, vector<16xf32>,
        %mul3A_1076 = arith.mulf %mul3A_287, %get3A_1075 : vector<16xf32>
        %add3A_1077 = arith.addf %add3A_1069, %mul3A_1076 : vector<16xf32>
        %get3A_1078 = arith.constant 0 : i32
        %get3A_1079 = arith.constant 12 : i32
        %get3A_1080 = arith.index_cast %get3A_1078 : i32 to index
        %get3A_1081 = arith.index_cast %get3A_1079 : i32 to index
        %get3A_1082 = arith.index_cast %mul3A_1049 : i32 to index
        %get3A_1083 = tpu.vector_load %arg12[%get3A_1080, %get3A_1081, %get3A_1082] {strides = array<i32>} : memref<2x16x1024xf32, #tpu.memory_space<vmem>>, vector<16xf32>,
        %mul3A_1084 = arith.mulf %mul3A_363, %get3A_1083 : vector<16xf32>
        %add3A_1085 = arith.addf %add3A_1077, %mul3A_1084 : vector<16xf32>
        %get3A_1086 = arith.constant 0 : i32
        %get3A_1087 = arith.constant 1 : i32
        %get3A_1088 = arith.index_cast %get3A_1086 : i32 to index
        %get3A_1089 = arith.index_cast %get3A_1087 : i32 to index
        %get3A_1090 = arith.index_cast %mul3A_1049 : i32 to index
        %get3A_1091 = tpu.vector_load %arg12[%get3A_1088, %get3A_1089, %get3A_1090] {strides = array<i32>} : memref<2x16x1024xf32, #tpu.memory_space<vmem>>, vector<16xf32>,
        %mul3A_1092 = arith.mulf %mul3A_154, %get3A_1091 : vector<16xf32>
        %get3A_1093 = arith.constant 0 : i32
        %get3A_1094 = arith.constant 5 : i32
        %get3A_1095 = arith.index_cast %get3A_1093 : i32 to index
        %get3A_1096 = arith.index_cast %get3A_1094 : i32 to index
        %get3A_1097 = arith.index_cast %mul3A_1049 : i32 to index
        %get3A_1098 = tpu.vector_load %arg12[%get3A_1095, %get3A_1096, %get3A_1097] {strides = array<i32>} : memref<2x16x1024xf32, #tpu.memory_space<vmem>>, vector<16xf32>,
        %mul3A_1099 = arith.mulf %mul3A_230, %get3A_1098 : vector<16xf32>
        %add3A_1100 = arith.addf %mul3A_1092, %mul3A_1099 : vector<16xf32>
        %get3A_1101 = arith.constant 0 : i32
        %get3A_1102 = arith.constant 9 : i32
        %get3A_1103 = arith.index_cast %get3A_1101 : i32 to index
        %get3A_1104 = arith.index_cast %get3A_1102 : i32 to index
        %get3A_1105 = arith.index_cast %mul3A_1049 : i32 to index
        %get3A_1106 = tpu.vector_load %arg12[%get3A_1103, %get3A_1104, %get3A_1105] {strides = array<i32>} : memref<2x16x1024xf32, #tpu.memory_space<vmem>>, vector<16xf32>,
        %mul3A_1107 = arith.mulf %mul3A_306, %get3A_1106 : vector<16xf32>
        %add3A_1108 = arith.addf %add3A_1100, %mul3A_1107 : vector<16xf32>
        %get3A_1109 = arith.constant 0 : i32
        %get3A_1110 = arith.constant 13 : i32
        %get3A_1111 = arith.index_cast %get3A_1109 : i32 to index
        %get3A_1112 = arith.index_cast %get3A_1110 : i32 to index
        %get3A_1113 = arith.index_cast %mul3A_1049 : i32 to index
        %get3A_1114 = tpu.vector_load %arg12[%get3A_1111, %get3A_1112, %get3A_1113] {strides = array<i32>} : memref<2x16x1024xf32, #tpu.memory_space<vmem>>, vector<16xf32>,
        %mul3A_1115 = arith.mulf %mul3A_382, %get3A_1114 : vector<16xf32>
        %add3A_1116 = arith.addf %add3A_1108, %mul3A_1115 : vector<16xf32>
        %get3A_1117 = arith.constant 0 : i32
        %get3A_1118 = arith.constant 2 : i32
        %get3A_1119 = arith.index_cast %get3A_1117 : i32 to index
        %get3A_1120 = arith.index_cast %get3A_1118 : i32 to index
        %get3A_1121 = arith.index_cast %mul3A_1049 : i32 to index
        %get3A_1122 = tpu.vector_load %arg12[%get3A_1119, %get3A_1120, %get3A_1121] {strides = array<i32>} : memref<2x16x1024xf32, #tpu.memory_space<vmem>>, vector<16xf32>,
        %mul3A_1123 = arith.mulf %mul3A_173, %get3A_1122 : vector<16xf32>
        %get3A_1124 = arith.constant 0 : i32
        %get3A_1125 = arith.constant 6 : i32
        %get3A_1126 = arith.index_cast %get3A_1124 : i32 to index
        %get3A_1127 = arith.index_cast %get3A_1125 : i32 to index
        %get3A_1128 = arith.index_cast %mul3A_1049 : i32 to index
        %get3A_1129 = tpu.vector_load %arg12[%get3A_1126, %get3A_1127, %get3A_1128] {strides = array<i32>} : memref<2x16x1024xf32, #tpu.memory_space<vmem>>, vector<16xf32>,
        %mul3A_1130 = arith.mulf %mul3A_249, %get3A_1129 : vector<16xf32>
        %add3A_1131 = arith.addf %mul3A_1123, %mul3A_1130 : vector<16xf32>
        %get3A_1132 = arith.constant 0 : i32
        %get3A_1133 = arith.constant 10 : i32
        %get3A_1134 = arith.index_cast %get3A_1132 : i32 to index
        %get3A_1135 = arith.index_cast %get3A_1133 : i32 to index
        %get3A_1136 = arith.index_cast %mul3A_1049 : i32 to index
        %get3A_1137 = tpu.vector_load %arg12[%get3A_1134, %get3A_1135, %get3A_1136] {strides = array<i32>} : memref<2x16x1024xf32, #tpu.memory_space<vmem>>, vector<16xf32>,
        %mul3A_1138 = arith.mulf %mul3A_325, %get3A_1137 : vector<16xf32>
        %add3A_1139 = arith.addf %add3A_1131, %mul3A_1138 : vector<16xf32>
        %get3A_1140 = arith.constant 0 : i32
        %get3A_1141 = arith.constant 14 : i32
        %get3A_1142 = arith.index_cast %get3A_1140 : i32 to index
        %get3A_1143 = arith.index_cast %get3A_1141 : i32 to index
        %get3A_1144 = arith.index_cast %mul3A_1049 : i32 to index
        %get3A_1145 = tpu.vector_load %arg12[%get3A_1142, %get3A_1143, %get3A_1144] {strides = array<i32>} : memref<2x16x1024xf32, #tpu.memory_space<vmem>>, vector<16xf32>,
        %mul3A_1146 = arith.mulf %mul3A_401, %get3A_1145 : vector<16xf32>
        %add3A_1147 = arith.addf %add3A_1139, %mul3A_1146 : vector<16xf32>
        %get3A_1148 = arith.constant 0 : i32
        %get3A_1149 = arith.constant 3 : i32
        %get3A_1150 = arith.index_cast %get3A_1148 : i32 to index
        %get3A_1151 = arith.index_cast %get3A_1149 : i32 to index
        %get3A_1152 = arith.index_cast %mul3A_1049 : i32 to index
        %get3A_1153 = tpu.vector_load %arg12[%get3A_1150, %get3A_1151, %get3A_1152] {strides = array<i32>} : memref<2x16x1024xf32, #tpu.memory_space<vmem>>, vector<16xf32>,
        %mul3A_1154 = arith.mulf %mul3A_192, %get3A_1153 : vector<16xf32>
        %get3A_1155 = arith.constant 0 : i32
        %get3A_1156 = arith.constant 7 : i32
        %get3A_1157 = arith.index_cast %get3A_1155 : i32 to index
        %get3A_1158 = arith.index_cast %get3A_1156 : i32 to index
        %get3A_1159 = arith.index_cast %mul3A_1049 : i32 to index
        %get3A_1160 = tpu.vector_load %arg12[%get3A_1157, %get3A_1158, %get3A_1159] {strides = array<i32>} : memref<2x16x1024xf32, #tpu.memory_space<vmem>>, vector<16xf32>,
        %mul3A_1161 = arith.mulf %mul3A_268, %get3A_1160 : vector<16xf32>
        %add3A_1162 = arith.addf %mul3A_1154, %mul3A_1161 : vector<16xf32>
        %get3A_1163 = arith.constant 0 : i32
        %get3A_1164 = arith.constant 11 : i32
        %get3A_1165 = arith.index_cast %get3A_1163 : i32 to index
        %get3A_1166 = arith.index_cast %get3A_1164 : i32 to index
        %get3A_1167 = arith.index_cast %mul3A_1049 : i32 to index
        %get3A_1168 = tpu.vector_load %arg12[%get3A_1165, %get3A_1166, %get3A_1167] {strides = array<i32>} : memref<2x16x1024xf32, #tpu.memory_space<vmem>>, vector<16xf32>,
        %mul3A_1169 = arith.mulf %mul3A_344, %get3A_1168 : vector<16xf32>
        %add3A_1170 = arith.addf %add3A_1162, %mul3A_1169 : vector<16xf32>
        %get3A_1171 = arith.constant 0 : i32
        %get3A_1172 = arith.constant 15 : i32
        %get3A_1173 = arith.index_cast %get3A_1171 : i32 to index
        %get3A_1174 = arith.index_cast %get3A_1172 : i32 to index
        %get3A_1175 = arith.index_cast %mul3A_1049 : i32 to index
        %get3A_1176 = tpu.vector_load %arg12[%get3A_1173, %get3A_1174, %get3A_1175] {strides = array<i32>} : memref<2x16x1024xf32, #tpu.memory_space<vmem>>, vector<16xf32>,
        %mul3A_1177 = arith.mulf %mul3A_420, %get3A_1176 : vector<16xf32>
        %add3A_1178 = arith.addf %add3A_1170, %mul3A_1177 : vector<16xf32>
        %add3A_1179 = arith.addf %add3A_1085, %add3A_1116 : vector<16xf32>
        %add3A_1180 = arith.addf %add3A_1147, %add3A_1178 : vector<16xf32>
        %add3A_1181 = arith.addf %add3A_1179, %add3A_1180 : vector<16xf32>
        %add3A_1182 = arith.addf %select_n3A_1054, %add3A_1181 : vector<16xf32>
        %swap3A_1183 = arith.index_cast %mul3A_1049 : i32 to index
        %swap3A_1184 = tpu.vector_load %arg13[%swap3A_1183] {strides = array<i32>} : memref<1024xf32, #tpu.memory_space<vmem>>, vector<16xf32>,
        tpu.vector_store %arg13[%swap3A_1183], %add3A_1182 {strides = array<i32>} : memref<1024xf32, #tpu.memory_space<vmem>>, vector<16xf32>,
        %scan3A_1185 = arith.constant 0 : i32
        scf.yield %scan3A_1185 : i32
      }
      %scan3A_449 = arith.constant 64 : i32
      %eq3A_450 = arith.constant 3 : i32
      %eq3A_451 = arith.cmpi eq, %rem3A_67, %eq3A_450 : i32
      %convert_element_type3A_452 = arith.extui %eq3A_451 : i1 to i32
      %cond3A_453 = arith.constant 0 : i32
      %cond3A_454 = arith.cmpi ne, %convert_element_type3A_452, %cond3A_453 : i32
      scf.if %cond3A_454 {
        %add3A_907 = arith.addi %mul3A_2, %select_n3A : i32
        %dma_start3A_908 = arith.constant 0 : i32
        %dma_start3A_909 = tpu.memref_slice %arg7[%add3A_907, %dma_start3A_908] : memref<4096x1024xf32, #tpu.memory_space<hbm>> -> memref<1x1024xf32, #tpu.memory_space<hbm>>
        %dma_start3A_910 = tpu.memref_squeeze %dma_start3A_909 : memref<1x1024xf32, #tpu.memory_space<hbm>> -> memref<1024xf32, #tpu.memory_space<hbm>>
        %dma_start3A_911 = arith.constant 0 : i32
        %dma_start3A_912 = tpu.memref_slice %arg7[%add3A_907, %dma_start3A_911] : memref<4096x1024xf32, #tpu.memory_space<hbm>> -> memref<1x1024xf32, #tpu.memory_space<hbm>>
        %dma_start3A_913 = tpu.memref_squeeze %dma_start3A_912 : memref<1x1024xf32, #tpu.memory_space<hbm>> -> memref<1024xf32, #tpu.memory_space<hbm>>
        tpu.enqueue_dma source(%arg13 : memref<1024xf32, #tpu.memory_space<vmem>>) target(%dma_start3A_913 : memref<1024xf32, #tpu.memory_space<hbm>>) target_semaphore(%arg20 : memref<!tpu.dma_semaphore, #tpu.memory_space<semaphore_mem>>)
      } else {
      }
      %eq3A_455 = arith.constant 3 : i32
      %eq3A_456 = arith.cmpi eq, %rem3A_67, %eq3A_455 : i32
      %add3A_457 = arith.constant 1 : i32
      %add3A_458 = arith.addi %select_n3A, %add3A_457 : i32
      %lt3A_459 = arith.constant 128 : i32
      %lt3A_460 = arith.cmpi slt, %add3A_458, %lt3A_459 : i32
      %and3A_461 = arith.andi %eq3A_456, %lt3A_460 : i1
      %convert_element_type3A_462 = arith.extui %and3A_461 : i1 to i32
      %cond3A_463 = arith.constant 0 : i32
      %cond3A_464 = arith.cmpi ne, %convert_element_type3A_462, %cond3A_463 : i32
      scf.if %cond3A_464 {
        %add3A_907 = arith.constant 1 : i32
        %add3A_908 = arith.addi %select_n3A, %add3A_907 : i32
        %add3A_909 = arith.addi %mul3A_2, %add3A_908 : i32
        %dma_wait3A_910 = arith.constant 0 : i32
        %dma_wait3A_911 = tpu.memref_slice %arg2[%add3A_909, %dma_wait3A_910] : memref<4096x1024xf32, #tpu.memory_space<hbm>> -> memref<1x1024xf32, #tpu.memory_space<hbm>>
        %dma_wait3A_912 = tpu.memref_squeeze %dma_wait3A_911 : memref<1x1024xf32, #tpu.memory_space<hbm>> -> memref<1024xf32, #tpu.memory_space<hbm>>
        %dma_wait3A_913 = arith.constant 0 : i32
        %dma_wait3A_914 = tpu.memref_slice %arg2[%add3A_909, %dma_wait3A_913] : memref<4096x1024xf32, #tpu.memory_space<hbm>> -> memref<1x1024xf32, #tpu.memory_space<hbm>>
        %dma_wait3A_915 = tpu.memref_squeeze %dma_wait3A_914 : memref<1x1024xf32, #tpu.memory_space<hbm>> -> memref<1024xf32, #tpu.memory_space<hbm>>
        tpu.wait_dma2 semaphore(%arg18 : memref<!tpu.dma_semaphore, #tpu.memory_space<semaphore_mem>>) src(%dma_wait3A_915 : memref<1024xf32, #tpu.memory_space<hbm>>) dst(%arg10 : memref<1024xf32, #tpu.memory_space<vmem>>)
        %add3A_916 = arith.constant 1 : i32
        %add3A_917 = arith.addi %select_n3A, %add3A_916 : i32
        %add3A_918 = arith.addi %mul3A_2, %add3A_917 : i32
        %dma_wait3A_919 = arith.constant 0 : i32
        %dma_wait3A_920 = tpu.memref_slice %arg4[%add3A_918, %dma_wait3A_919] : memref<4096x64xf32, #tpu.memory_space<hbm>> -> memref<1x64xf32, #tpu.memory_space<hbm>>
        %dma_wait3A_921 = tpu.memref_squeeze %dma_wait3A_920 : memref<1x64xf32, #tpu.memory_space<hbm>> -> memref<64xf32, #tpu.memory_space<hbm>>
        %dma_wait3A_922 = arith.constant 0 : i32
        %dma_wait3A_923 = tpu.memref_slice %arg4[%add3A_918, %dma_wait3A_922] : memref<4096x64xf32, #tpu.memory_space<hbm>> -> memref<1x64xf32, #tpu.memory_space<hbm>>
        %dma_wait3A_924 = tpu.memref_squeeze %dma_wait3A_923 : memref<1x64xf32, #tpu.memory_space<hbm>> -> memref<64xf32, #tpu.memory_space<hbm>>
        tpu.wait_dma2 semaphore(%arg19 : memref<!tpu.dma_semaphore, #tpu.memory_space<semaphore_mem>>) src(%dma_wait3A_924 : memref<64xf32, #tpu.memory_space<hbm>>) dst(%arg9 : memref<64xf32, #tpu.memory_space<vmem>>)
      } else {
      }
      %add3A_465 = arith.constant 2 : i32
      %add3A_466 = arith.addi %mul3A_44, %add3A_465 : i32
      %lt3A_467 = arith.constant 512 : i32
      %lt3A_468 = arith.cmpi slt, %add3A_466, %lt3A_467 : i32
      %convert_element_type3A_469 = arith.extui %lt3A_468 : i1 to i32
      %cond3A_470 = arith.constant 0 : i32
      %cond3A_471 = arith.cmpi ne, %convert_element_type3A_469, %cond3A_470 : i32
      scf.if %cond3A_471 {
        %jit3A_907 = arith.constant 4 : i32
        %div3A_908 = arith.divsi %add3A_466, %jit3A_907 : i32
        %sign3A_909 = arith.constant 0 : i32
        %sign3A_910 = arith.cmpi sgt, %add3A_466, %sign3A_909 : i32
        %sign3A_911 = arith.extui %sign3A_910 : i1 to i32
        %sign3A_912 = arith.constant 0 : i32
        %sign3A_913 = arith.cmpi slt, %add3A_466, %sign3A_912 : i32
        %sign3A_914 = arith.extui %sign3A_913 : i1 to i32
        %sign3A_915 = arith.subi %sign3A_911, %sign3A_914 : i32
        %sign3A_916 = arith.constant 0 : i32
        %sign3A_917 = arith.cmpi sgt, %jit3A_907, %sign3A_916 : i32
        %sign3A_918 = arith.extui %sign3A_917 : i1 to i32
        %sign3A_919 = arith.constant 0 : i32
        %sign3A_920 = arith.cmpi slt, %jit3A_907, %sign3A_919 : i32
        %sign3A_921 = arith.extui %sign3A_920 : i1 to i32
        %sign3A_922 = arith.subi %sign3A_918, %sign3A_921 : i32
        %ne3A_923 = arith.cmpi ne, %sign3A_915, %sign3A_922 : i32
        %rem3A_924 = arith.remsi %add3A_466, %jit3A_907 : i32
        %ne3A_925 = arith.constant 0 : i32
        %ne3A_926 = arith.cmpi ne, %rem3A_924, %ne3A_925 : i32
        %and3A_927 = arith.andi %ne3A_923, %ne3A_926 : i1
        %sub3A_928 = arith.constant 1 : i32
        %sub3A_929 = arith.subi %div3A_908, %sub3A_928 : i32
        %select_n3A_930 = arith.select %and3A_927, %sub3A_929, %div3A_908 : i32
        %rem3A_931 = arith.constant 4 : i32
        %rem3A_932 = arith.remsi %add3A_466, %rem3A_931 : i32
        %mul3A_933 = arith.constant 16 : i32
        %mul3A_934 = arith.muli %rem3A_932, %mul3A_933 : i32
        %dma_start3A_935 = arith.constant 0 : i32
        %dma_start3A_936 = arith.constant 0 : i32
        %dma_start3A_937 = arith.constant 0 : i32
        %dma_start3A_938 = tpu.memref_slice %arg11[%dma_start3A_935, %dma_start3A_936, %dma_start3A_937] : memref<2x16x1024xf32, #tpu.memory_space<vmem>> -> memref<1x16x1024xf32, #tpu.memory_space<vmem>>
        %dma_start3A_939 = tpu.memref_squeeze %dma_start3A_938 : memref<1x16x1024xf32, #tpu.memory_space<vmem>> -> memref<16x1024xf32, #tpu.memory_space<vmem>>
        %dma_start3A_940 = tpu.memref_slice %arg8[%select_n3A_930, %mul3A_934] : memref<128x64xi32, #tpu.memory_space<vmem>> -> memref<1x16xi32, #tpu.memory_space<vmem>>
        %dma_start3A_941 = tpu.memref_squeeze %dma_start3A_940 : memref<1x16xi32, #tpu.memory_space<vmem>> -> memref<16xi32, #tpu.memory_space<vmem>>
        %dma_start3A_942 = arith.constant 0 : i32
        %dma_start3A_943 = arith.constant 0 : i32
        %dma_start3A_944 = tpu.memref_slice %arg5[%dma_start3A_942, %dma_start3A_943] : memref<65536x1024xf32, #tpu.memory_space<hbm>> -> memref<65536x1024xf32, #tpu.memory_space<hbm>>
        tpu.enqueue_indirect_dma source(%dma_start3A_944 : memref<65536x1024xf32, #tpu.memory_space<hbm>>) target(%dma_start3A_939 : memref<16x1024xf32, #tpu.memory_space<vmem>>) offsets(%dma_start3A_941 : memref<16xi32, #tpu.memory_space<vmem>>) semaphore(%arg14 : memref<!tpu.dma_semaphore, #tpu.memory_space<semaphore_mem>>)
        %dma_start3A_945 = arith.constant 0 : i32
        %dma_start3A_946 = arith.constant 0 : i32
        %dma_start3A_947 = arith.constant 0 : i32
        %dma_start3A_948 = tpu.memref_slice %arg12[%dma_start3A_945, %dma_start3A_946, %dma_start3A_947] : memref<2x16x1024xf32, #tpu.memory_space<vmem>> -> memref<1x16x1024xf32, #tpu.memory_space<vmem>>
        %dma_start3A_949 = tpu.memref_squeeze %dma_start3A_948 : memref<1x16x1024xf32, #tpu.memory_space<vmem>> -> memref<16x1024xf32, #tpu.memory_space<vmem>>
        %dma_start3A_950 = tpu.memref_slice %arg8[%select_n3A_930, %mul3A_934] : memref<128x64xi32, #tpu.memory_space<vmem>> -> memref<1x16xi32, #tpu.memory_space<vmem>>
        %dma_start3A_951 = tpu.memref_squeeze %dma_start3A_950 : memref<1x16xi32, #tpu.memory_space<vmem>> -> memref<16xi32, #tpu.memory_space<vmem>>
        %dma_start3A_952 = arith.constant 0 : i32
        %dma_start3A_953 = arith.constant 0 : i32
        %dma_start3A_954 = tpu.memref_slice %arg6[%dma_start3A_952, %dma_start3A_953] : memref<65536x1024xf32, #tpu.memory_space<hbm>> -> memref<65536x1024xf32, #tpu.memory_space<hbm>>
        tpu.enqueue_indirect_dma source(%dma_start3A_954 : memref<65536x1024xf32, #tpu.memory_space<hbm>>) target(%dma_start3A_949 : memref<16x1024xf32, #tpu.memory_space<vmem>>) offsets(%dma_start3A_951 : memref<16xi32, #tpu.memory_space<vmem>>) semaphore(%arg16 : memref<!tpu.dma_semaphore, #tpu.memory_space<semaphore_mem>>)
      } else {
      }
      %add3A_472 = arith.constant 1 : i32
      %add3A_473 = arith.addi %mul3A_44, %add3A_472 : i32
      %jit3A_474 = arith.constant 4 : i32
      %div3A_475 = arith.divsi %add3A_473, %jit3A_474 : i32
      %sign3A_476 = arith.constant 0 : i32
      %sign3A_477 = arith.cmpi sgt, %add3A_473, %sign3A_476 : i32
      %sign3A_478 = arith.extui %sign3A_477 : i1 to i32
      %sign3A_479 = arith.constant 0 : i32
      %sign3A_480 = arith.cmpi slt, %add3A_473, %sign3A_479 : i32
      %sign3A_481 = arith.extui %sign3A_480 : i1 to i32
      %sign3A_482 = arith.subi %sign3A_478, %sign3A_481 : i32
      %sign3A_483 = arith.constant 0 : i32
      %sign3A_484 = arith.cmpi sgt, %jit3A_474, %sign3A_483 : i32
      %sign3A_485 = arith.extui %sign3A_484 : i1 to i32
      %sign3A_486 = arith.constant 0 : i32
      %sign3A_487 = arith.cmpi slt, %jit3A_474, %sign3A_486 : i32
      %sign3A_488 = arith.extui %sign3A_487 : i1 to i32
      %sign3A_489 = arith.subi %sign3A_485, %sign3A_488 : i32
      %ne3A_490 = arith.cmpi ne, %sign3A_482, %sign3A_489 : i32
      %rem3A_491 = arith.remsi %add3A_473, %jit3A_474 : i32
      %ne3A_492 = arith.constant 0 : i32
      %ne3A_493 = arith.cmpi ne, %rem3A_491, %ne3A_492 : i32
      %and3A_494 = arith.andi %ne3A_490, %ne3A_493 : i1
      %sub3A_495 = arith.constant 1 : i32
      %sub3A_496 = arith.subi %div3A_475, %sub3A_495 : i32
      %select_n3A_497 = arith.select %and3A_494, %sub3A_496, %div3A_475 : i32
      %rem3A_498 = arith.constant 4 : i32
      %rem3A_499 = arith.remsi %add3A_473, %rem3A_498 : i32
      %jit3A_500 = arith.constant 4 : i32
      %div3A_501 = arith.divsi %add3A_473, %jit3A_500 : i32
      %sign3A_502 = arith.constant 0 : i32
      %sign3A_503 = arith.cmpi sgt, %add3A_473, %sign3A_502 : i32
      %sign3A_504 = arith.extui %sign3A_503 : i1 to i32
      %sign3A_505 = arith.constant 0 : i32
      %sign3A_506 = arith.cmpi slt, %add3A_473, %sign3A_505 : i32
      %sign3A_507 = arith.extui %sign3A_506 : i1 to i32
      %sign3A_508 = arith.subi %sign3A_504, %sign3A_507 : i32
      %sign3A_509 = arith.constant 0 : i32
      %sign3A_510 = arith.cmpi sgt, %jit3A_500, %sign3A_509 : i32
      %sign3A_511 = arith.extui %sign3A_510 : i1 to i32
      %sign3A_512 = arith.constant 0 : i32
      %sign3A_513 = arith.cmpi slt, %jit3A_500, %sign3A_512 : i32
      %sign3A_514 = arith.extui %sign3A_513 : i1 to i32
      %sign3A_515 = arith.subi %sign3A_511, %sign3A_514 : i32
      %ne3A_516 = arith.cmpi ne, %sign3A_508, %sign3A_515 : i32
      %rem3A_517 = arith.remsi %add3A_473, %jit3A_500 : i32
      %ne3A_518 = arith.constant 0 : i32
      %ne3A_519 = arith.cmpi ne, %rem3A_517, %ne3A_518 : i32
      %and3A_520 = arith.andi %ne3A_516, %ne3A_519 : i1
      %sub3A_521 = arith.constant 1 : i32
      %sub3A_522 = arith.subi %div3A_501, %sub3A_521 : i32
      %select_n3A_523 = arith.select %and3A_520, %sub3A_522, %div3A_501 : i32
      %rem3A_524 = arith.constant 4 : i32
      %rem3A_525 = arith.remsi %add3A_473, %rem3A_524 : i32
      %mul3A_526 = arith.constant 16 : i32
      %mul3A_527 = arith.muli %rem3A_525, %mul3A_526 : i32
      %dma_wait3A_528 = arith.constant 1 : i32
      %dma_wait3A_529 = arith.constant 0 : i32
      %dma_wait3A_530 = arith.constant 0 : i32
      %dma_wait3A_531 = tpu.memref_slice %arg11[%dma_wait3A_528, %dma_wait3A_529, %dma_wait3A_530] : memref<2x16x1024xf32, #tpu.memory_space<vmem>> -> memref<1x16x1024xf32, #tpu.memory_space<vmem>>
      %dma_wait3A_532 = tpu.memref_squeeze %dma_wait3A_531 : memref<1x16x1024xf32, #tpu.memory_space<vmem>> -> memref<16x1024xf32, #tpu.memory_space<vmem>>
      %dma_wait3A_533 = tpu.memref_slice %arg8[%select_n3A_523, %mul3A_527] : memref<128x64xi32, #tpu.memory_space<vmem>> -> memref<1x16xi32, #tpu.memory_space<vmem>>
      %dma_wait3A_534 = tpu.memref_squeeze %dma_wait3A_533 : memref<1x16xi32, #tpu.memory_space<vmem>> -> memref<16xi32, #tpu.memory_space<vmem>>
      %dma_wait3A_535 = arith.constant 0 : i32
      %dma_wait3A_536 = arith.constant 0 : i32
      %dma_wait3A_537 = tpu.memref_slice %arg5[%dma_wait3A_535, %dma_wait3A_536] : memref<65536x1024xf32, #tpu.memory_space<hbm>> -> memref<65536x1024xf32, #tpu.memory_space<hbm>>
      tpu.wait_indirect_dma semaphore(%arg15 : memref<!tpu.dma_semaphore, #tpu.memory_space<semaphore_mem>>) src(%dma_wait3A_537 : memref<65536x1024xf32, #tpu.memory_space<hbm>>) dst(%dma_wait3A_532 : memref<16x1024xf32, #tpu.memory_space<vmem>>)
      %eq3A_538 = arith.constant 0 : i32
      %eq3A_539 = arith.cmpi eq, %rem3A_499, %eq3A_538 : i32
      %gt3A_540 = arith.constant 0 : i32
      %gt3A_541 = arith.cmpi sgt, %select_n3A_497, %gt3A_540 : i32
      %and3A_542 = arith.andi %eq3A_539, %gt3A_541 : i1
      %convert_element_type3A_543 = arith.extui %and3A_542 : i1 to i32
      %cond3A_544 = arith.constant 0 : i32
      %cond3A_545 = arith.cmpi ne, %convert_element_type3A_543, %cond3A_544 : i32
      scf.if %cond3A_545 {
        %sub3A_907 = arith.constant 1 : i32
        %sub3A_908 = arith.subi %select_n3A_497, %sub3A_907 : i32
        %add3A_909 = arith.addi %mul3A_2, %sub3A_908 : i32
        %dma_wait3A_910 = arith.constant 0 : i32
        %dma_wait3A_911 = tpu.memref_slice %arg7[%add3A_909, %dma_wait3A_910] : memref<4096x1024xf32, #tpu.memory_space<hbm>> -> memref<1x1024xf32, #tpu.memory_space<hbm>>
        %dma_wait3A_912 = tpu.memref_squeeze %dma_wait3A_911 : memref<1x1024xf32, #tpu.memory_space<hbm>> -> memref<1024xf32, #tpu.memory_space<hbm>>
        %dma_wait3A_913 = arith.constant 0 : i32
        %dma_wait3A_914 = tpu.memref_slice %arg7[%add3A_909, %dma_wait3A_913] : memref<4096x1024xf32, #tpu.memory_space<hbm>> -> memref<1x1024xf32, #tpu.memory_space<hbm>>
        %dma_wait3A_915 = tpu.memref_squeeze %dma_wait3A_914 : memref<1x1024xf32, #tpu.memory_space<hbm>> -> memref<1024xf32, #tpu.memory_space<hbm>>
        tpu.wait_dma2 semaphore(%arg20 : memref<!tpu.dma_semaphore, #tpu.memory_space<semaphore_mem>>) src(%arg13 : memref<1024xf32, #tpu.memory_space<vmem>>) dst(%dma_wait3A_915 : memref<1024xf32, #tpu.memory_space<hbm>>)
      } else {
      }
      %broadcast_in_dim3A_546 = arith.constant 0.000000e+00 : f32
      %broadcast_in_dim3A_547 = vector.broadcast %broadcast_in_dim3A_546 : f32 to vector<16xf32>
      %scan3A_548 = arith.constant 0 : i32
      %scan3A_549 = arith.constant 64 : i32
      %scan3A_550 = arith.addi %scan3A_548, %scan3A_549 : i32
      %scan3A_551 = arith.constant 2 : i32
      %scan3A_552:16 = scf.for %scan3A_907 = %scan3A_548 to %scan3A_550 step %scan3A_551 iter_args(%scan3A_908 = %broadcast_in_dim3A_547, %scan3A_909 = %broadcast_in_dim3A_547, %scan3A_910 = %broadcast_in_dim3A_547, %scan3A_911 = %broadcast_in_dim3A_547, %scan3A_912 = %broadcast_in_dim3A_547, %scan3A_913 = %broadcast_in_dim3A_547, %scan3A_914 = %broadcast_in_dim3A_547, %scan3A_915 = %broadcast_in_dim3A_547, %scan3A_916 = %broadcast_in_dim3A_547, %scan3A_917 = %broadcast_in_dim3A_547, %scan3A_918 = %broadcast_in_dim3A_547, %scan3A_919 = %broadcast_in_dim3A_547, %scan3A_920 = %broadcast_in_dim3A_547, %scan3A_921 = %broadcast_in_dim3A_547, %scan3A_922 = %broadcast_in_dim3A_547, %scan3A_923 = %broadcast_in_dim3A_547) -> (vector<16xf32>, vector<16xf32>, vector<16xf32>, vector<16xf32>, vector<16xf32>, vector<16xf32>, vector<16xf32>, vector<16xf32>, vector<16xf32>, vector<16xf32>, vector<16xf32>, vector<16xf32>, vector<16xf32>, vector<16xf32>, vector<16xf32>, vector<16xf32>)  : i32 {
        %mul3A_924 = arith.constant 16 : i32
        %mul3A_925 = arith.muli %scan3A_907, %mul3A_924 : i32
        %get3A_926 = arith.index_cast %mul3A_925 : i32 to index
        %get3A_927 = tpu.vector_load %arg10[%get3A_926] {strides = array<i32>} : memref<1024xf32, #tpu.memory_space<vmem>>, vector<16xf32>,
        %get3A_928 = arith.constant 1 : i32
        %get3A_929 = arith.constant 0 : i32
        %get3A_930 = arith.index_cast %get3A_928 : i32 to index
        %get3A_931 = arith.index_cast %get3A_929 : i32 to index
        %get3A_932 = arith.index_cast %mul3A_925 : i32 to index
        %get3A_933 = tpu.vector_load %arg11[%get3A_930, %get3A_931, %get3A_932] {strides = array<i32>} : memref<2x16x1024xf32, #tpu.memory_space<vmem>>, vector<16xf32>,
        %mul3A_934 = arith.mulf %get3A_927, %get3A_933 : vector<16xf32>
        %add3A_935 = arith.addf %scan3A_908, %mul3A_934 : vector<16xf32>
        %get3A_936 = arith.constant 1 : i32
        %get3A_937 = arith.constant 1 : i32
        %get3A_938 = arith.index_cast %get3A_936 : i32 to index
        %get3A_939 = arith.index_cast %get3A_937 : i32 to index
        %get3A_940 = arith.index_cast %mul3A_925 : i32 to index
        %get3A_941 = tpu.vector_load %arg11[%get3A_938, %get3A_939, %get3A_940] {strides = array<i32>} : memref<2x16x1024xf32, #tpu.memory_space<vmem>>, vector<16xf32>,
        %mul3A_942 = arith.mulf %get3A_927, %get3A_941 : vector<16xf32>
        %add3A_943 = arith.addf %scan3A_909, %mul3A_942 : vector<16xf32>
        %get3A_944 = arith.constant 1 : i32
        %get3A_945 = arith.constant 2 : i32
        %get3A_946 = arith.index_cast %get3A_944 : i32 to index
        %get3A_947 = arith.index_cast %get3A_945 : i32 to index
        %get3A_948 = arith.index_cast %mul3A_925 : i32 to index
        %get3A_949 = tpu.vector_load %arg11[%get3A_946, %get3A_947, %get3A_948] {strides = array<i32>} : memref<2x16x1024xf32, #tpu.memory_space<vmem>>, vector<16xf32>,
        %mul3A_950 = arith.mulf %get3A_927, %get3A_949 : vector<16xf32>
        %add3A_951 = arith.addf %scan3A_910, %mul3A_950 : vector<16xf32>
        %get3A_952 = arith.constant 1 : i32
        %get3A_953 = arith.constant 3 : i32
        %get3A_954 = arith.index_cast %get3A_952 : i32 to index
        %get3A_955 = arith.index_cast %get3A_953 : i32 to index
        %get3A_956 = arith.index_cast %mul3A_925 : i32 to index
        %get3A_957 = tpu.vector_load %arg11[%get3A_954, %get3A_955, %get3A_956] {strides = array<i32>} : memref<2x16x1024xf32, #tpu.memory_space<vmem>>, vector<16xf32>,
        %mul3A_958 = arith.mulf %get3A_927, %get3A_957 : vector<16xf32>
        %add3A_959 = arith.addf %scan3A_911, %mul3A_958 : vector<16xf32>
        %get3A_960 = arith.constant 1 : i32
        %get3A_961 = arith.constant 4 : i32
        %get3A_962 = arith.index_cast %get3A_960 : i32 to index
        %get3A_963 = arith.index_cast %get3A_961 : i32 to index
        %get3A_964 = arith.index_cast %mul3A_925 : i32 to index
        %get3A_965 = tpu.vector_load %arg11[%get3A_962, %get3A_963, %get3A_964] {strides = array<i32>} : memref<2x16x1024xf32, #tpu.memory_space<vmem>>, vector<16xf32>,
        %mul3A_966 = arith.mulf %get3A_927, %get3A_965 : vector<16xf32>
        %add3A_967 = arith.addf %scan3A_912, %mul3A_966 : vector<16xf32>
        %get3A_968 = arith.constant 1 : i32
        %get3A_969 = arith.constant 5 : i32
        %get3A_970 = arith.index_cast %get3A_968 : i32 to index
        %get3A_971 = arith.index_cast %get3A_969 : i32 to index
        %get3A_972 = arith.index_cast %mul3A_925 : i32 to index
        %get3A_973 = tpu.vector_load %arg11[%get3A_970, %get3A_971, %get3A_972] {strides = array<i32>} : memref<2x16x1024xf32, #tpu.memory_space<vmem>>, vector<16xf32>,
        %mul3A_974 = arith.mulf %get3A_927, %get3A_973 : vector<16xf32>
        %add3A_975 = arith.addf %scan3A_913, %mul3A_974 : vector<16xf32>
        %get3A_976 = arith.constant 1 : i32
        %get3A_977 = arith.constant 6 : i32
        %get3A_978 = arith.index_cast %get3A_976 : i32 to index
        %get3A_979 = arith.index_cast %get3A_977 : i32 to index
        %get3A_980 = arith.index_cast %mul3A_925 : i32 to index
        %get3A_981 = tpu.vector_load %arg11[%get3A_978, %get3A_979, %get3A_980] {strides = array<i32>} : memref<2x16x1024xf32, #tpu.memory_space<vmem>>, vector<16xf32>,
        %mul3A_982 = arith.mulf %get3A_927, %get3A_981 : vector<16xf32>
        %add3A_983 = arith.addf %scan3A_914, %mul3A_982 : vector<16xf32>
        %get3A_984 = arith.constant 1 : i32
        %get3A_985 = arith.constant 7 : i32
        %get3A_986 = arith.index_cast %get3A_984 : i32 to index
        %get3A_987 = arith.index_cast %get3A_985 : i32 to index
        %get3A_988 = arith.index_cast %mul3A_925 : i32 to index
        %get3A_989 = tpu.vector_load %arg11[%get3A_986, %get3A_987, %get3A_988] {strides = array<i32>} : memref<2x16x1024xf32, #tpu.memory_space<vmem>>, vector<16xf32>,
        %mul3A_990 = arith.mulf %get3A_927, %get3A_989 : vector<16xf32>
        %add3A_991 = arith.addf %scan3A_915, %mul3A_990 : vector<16xf32>
        %get3A_992 = arith.constant 1 : i32
        %get3A_993 = arith.constant 8 : i32
        %get3A_994 = arith.index_cast %get3A_992 : i32 to index
        %get3A_995 = arith.index_cast %get3A_993 : i32 to index
        %get3A_996 = arith.index_cast %mul3A_925 : i32 to index
        %get3A_997 = tpu.vector_load %arg11[%get3A_994, %get3A_995, %get3A_996] {strides = array<i32>} : memref<2x16x1024xf32, #tpu.memory_space<vmem>>, vector<16xf32>,
        %mul3A_998 = arith.mulf %get3A_927, %get3A_997 : vector<16xf32>
        %add3A_999 = arith.addf %scan3A_916, %mul3A_998 : vector<16xf32>
        %get3A_1000 = arith.constant 1 : i32
        %get3A_1001 = arith.constant 9 : i32
        %get3A_1002 = arith.index_cast %get3A_1000 : i32 to index
        %get3A_1003 = arith.index_cast %get3A_1001 : i32 to index
        %get3A_1004 = arith.index_cast %mul3A_925 : i32 to index
        %get3A_1005 = tpu.vector_load %arg11[%get3A_1002, %get3A_1003, %get3A_1004] {strides = array<i32>} : memref<2x16x1024xf32, #tpu.memory_space<vmem>>, vector<16xf32>,
        %mul3A_1006 = arith.mulf %get3A_927, %get3A_1005 : vector<16xf32>
        %add3A_1007 = arith.addf %scan3A_917, %mul3A_1006 : vector<16xf32>
        %get3A_1008 = arith.constant 1 : i32
        %get3A_1009 = arith.constant 10 : i32
        %get3A_1010 = arith.index_cast %get3A_1008 : i32 to index
        %get3A_1011 = arith.index_cast %get3A_1009 : i32 to index
        %get3A_1012 = arith.index_cast %mul3A_925 : i32 to index
        %get3A_1013 = tpu.vector_load %arg11[%get3A_1010, %get3A_1011, %get3A_1012] {strides = array<i32>} : memref<2x16x1024xf32, #tpu.memory_space<vmem>>, vector<16xf32>,
        %mul3A_1014 = arith.mulf %get3A_927, %get3A_1013 : vector<16xf32>
        %add3A_1015 = arith.addf %scan3A_918, %mul3A_1014 : vector<16xf32>
        %get3A_1016 = arith.constant 1 : i32
        %get3A_1017 = arith.constant 11 : i32
        %get3A_1018 = arith.index_cast %get3A_1016 : i32 to index
        %get3A_1019 = arith.index_cast %get3A_1017 : i32 to index
        %get3A_1020 = arith.index_cast %mul3A_925 : i32 to index
        %get3A_1021 = tpu.vector_load %arg11[%get3A_1018, %get3A_1019, %get3A_1020] {strides = array<i32>} : memref<2x16x1024xf32, #tpu.memory_space<vmem>>, vector<16xf32>,
        %mul3A_1022 = arith.mulf %get3A_927, %get3A_1021 : vector<16xf32>
        %add3A_1023 = arith.addf %scan3A_919, %mul3A_1022 : vector<16xf32>
        %get3A_1024 = arith.constant 1 : i32
        %get3A_1025 = arith.constant 12 : i32
        %get3A_1026 = arith.index_cast %get3A_1024 : i32 to index
        %get3A_1027 = arith.index_cast %get3A_1025 : i32 to index
        %get3A_1028 = arith.index_cast %mul3A_925 : i32 to index
        %get3A_1029 = tpu.vector_load %arg11[%get3A_1026, %get3A_1027, %get3A_1028] {strides = array<i32>} : memref<2x16x1024xf32, #tpu.memory_space<vmem>>, vector<16xf32>,
        %mul3A_1030 = arith.mulf %get3A_927, %get3A_1029 : vector<16xf32>
        %add3A_1031 = arith.addf %scan3A_920, %mul3A_1030 : vector<16xf32>
        %get3A_1032 = arith.constant 1 : i32
        %get3A_1033 = arith.constant 13 : i32
        %get3A_1034 = arith.index_cast %get3A_1032 : i32 to index
        %get3A_1035 = arith.index_cast %get3A_1033 : i32 to index
        %get3A_1036 = arith.index_cast %mul3A_925 : i32 to index
        %get3A_1037 = tpu.vector_load %arg11[%get3A_1034, %get3A_1035, %get3A_1036] {strides = array<i32>} : memref<2x16x1024xf32, #tpu.memory_space<vmem>>, vector<16xf32>,
        %mul3A_1038 = arith.mulf %get3A_927, %get3A_1037 : vector<16xf32>
        %add3A_1039 = arith.addf %scan3A_921, %mul3A_1038 : vector<16xf32>
        %get3A_1040 = arith.constant 1 : i32
        %get3A_1041 = arith.constant 14 : i32
        %get3A_1042 = arith.index_cast %get3A_1040 : i32 to index
        %get3A_1043 = arith.index_cast %get3A_1041 : i32 to index
        %get3A_1044 = arith.index_cast %mul3A_925 : i32 to index
        %get3A_1045 = tpu.vector_load %arg11[%get3A_1042, %get3A_1043, %get3A_1044] {strides = array<i32>} : memref<2x16x1024xf32, #tpu.memory_space<vmem>>, vector<16xf32>,
        %mul3A_1046 = arith.mulf %get3A_927, %get3A_1045 : vector<16xf32>
        %add3A_1047 = arith.addf %scan3A_922, %mul3A_1046 : vector<16xf32>
        %get3A_1048 = arith.constant 1 : i32
        %get3A_1049 = arith.constant 15 : i32
        %get3A_1050 = arith.index_cast %get3A_1048 : i32 to index
        %get3A_1051 = arith.index_cast %get3A_1049 : i32 to index
        %get3A_1052 = arith.index_cast %mul3A_925 : i32 to index
        %get3A_1053 = tpu.vector_load %arg11[%get3A_1050, %get3A_1051, %get3A_1052] {strides = array<i32>} : memref<2x16x1024xf32, #tpu.memory_space<vmem>>, vector<16xf32>,
        %mul3A_1054 = arith.mulf %get3A_927, %get3A_1053 : vector<16xf32>
        %add3A_1055 = arith.addf %scan3A_923, %mul3A_1054 : vector<16xf32>
        %scan3A_1056 = arith.constant 1 : i32
        %scan3A_1057 = arith.addi %scan3A_907, %scan3A_1056 : i32
        %mul3A_1058 = arith.constant 16 : i32
        %mul3A_1059 = arith.muli %scan3A_1057, %mul3A_1058 : i32
        %get3A_1060 = arith.index_cast %mul3A_1059 : i32 to index
        %get3A_1061 = tpu.vector_load %arg10[%get3A_1060] {strides = array<i32>} : memref<1024xf32, #tpu.memory_space<vmem>>, vector<16xf32>,
        %get3A_1062 = arith.constant 1 : i32
        %get3A_1063 = arith.constant 0 : i32
        %get3A_1064 = arith.index_cast %get3A_1062 : i32 to index
        %get3A_1065 = arith.index_cast %get3A_1063 : i32 to index
        %get3A_1066 = arith.index_cast %mul3A_1059 : i32 to index
        %get3A_1067 = tpu.vector_load %arg11[%get3A_1064, %get3A_1065, %get3A_1066] {strides = array<i32>} : memref<2x16x1024xf32, #tpu.memory_space<vmem>>, vector<16xf32>,
        %mul3A_1068 = arith.mulf %get3A_1061, %get3A_1067 : vector<16xf32>
        %add3A_1069 = arith.addf %add3A_935, %mul3A_1068 : vector<16xf32>
        %get3A_1070 = arith.constant 1 : i32
        %get3A_1071 = arith.constant 1 : i32
        %get3A_1072 = arith.index_cast %get3A_1070 : i32 to index
        %get3A_1073 = arith.index_cast %get3A_1071 : i32 to index
        %get3A_1074 = arith.index_cast %mul3A_1059 : i32 to index
        %get3A_1075 = tpu.vector_load %arg11[%get3A_1072, %get3A_1073, %get3A_1074] {strides = array<i32>} : memref<2x16x1024xf32, #tpu.memory_space<vmem>>, vector<16xf32>,
        %mul3A_1076 = arith.mulf %get3A_1061, %get3A_1075 : vector<16xf32>
        %add3A_1077 = arith.addf %add3A_943, %mul3A_1076 : vector<16xf32>
        %get3A_1078 = arith.constant 1 : i32
        %get3A_1079 = arith.constant 2 : i32
        %get3A_1080 = arith.index_cast %get3A_1078 : i32 to index
        %get3A_1081 = arith.index_cast %get3A_1079 : i32 to index
        %get3A_1082 = arith.index_cast %mul3A_1059 : i32 to index
        %get3A_1083 = tpu.vector_load %arg11[%get3A_1080, %get3A_1081, %get3A_1082] {strides = array<i32>} : memref<2x16x1024xf32, #tpu.memory_space<vmem>>, vector<16xf32>,
        %mul3A_1084 = arith.mulf %get3A_1061, %get3A_1083 : vector<16xf32>
        %add3A_1085 = arith.addf %add3A_951, %mul3A_1084 : vector<16xf32>
        %get3A_1086 = arith.constant 1 : i32
        %get3A_1087 = arith.constant 3 : i32
        %get3A_1088 = arith.index_cast %get3A_1086 : i32 to index
        %get3A_1089 = arith.index_cast %get3A_1087 : i32 to index
        %get3A_1090 = arith.index_cast %mul3A_1059 : i32 to index
        %get3A_1091 = tpu.vector_load %arg11[%get3A_1088, %get3A_1089, %get3A_1090] {strides = array<i32>} : memref<2x16x1024xf32, #tpu.memory_space<vmem>>, vector<16xf32>,
        %mul3A_1092 = arith.mulf %get3A_1061, %get3A_1091 : vector<16xf32>
        %add3A_1093 = arith.addf %add3A_959, %mul3A_1092 : vector<16xf32>
        %get3A_1094 = arith.constant 1 : i32
        %get3A_1095 = arith.constant 4 : i32
        %get3A_1096 = arith.index_cast %get3A_1094 : i32 to index
        %get3A_1097 = arith.index_cast %get3A_1095 : i32 to index
        %get3A_1098 = arith.index_cast %mul3A_1059 : i32 to index
        %get3A_1099 = tpu.vector_load %arg11[%get3A_1096, %get3A_1097, %get3A_1098] {strides = array<i32>} : memref<2x16x1024xf32, #tpu.memory_space<vmem>>, vector<16xf32>,
        %mul3A_1100 = arith.mulf %get3A_1061, %get3A_1099 : vector<16xf32>
        %add3A_1101 = arith.addf %add3A_967, %mul3A_1100 : vector<16xf32>
        %get3A_1102 = arith.constant 1 : i32
        %get3A_1103 = arith.constant 5 : i32
        %get3A_1104 = arith.index_cast %get3A_1102 : i32 to index
        %get3A_1105 = arith.index_cast %get3A_1103 : i32 to index
        %get3A_1106 = arith.index_cast %mul3A_1059 : i32 to index
        %get3A_1107 = tpu.vector_load %arg11[%get3A_1104, %get3A_1105, %get3A_1106] {strides = array<i32>} : memref<2x16x1024xf32, #tpu.memory_space<vmem>>, vector<16xf32>,
        %mul3A_1108 = arith.mulf %get3A_1061, %get3A_1107 : vector<16xf32>
        %add3A_1109 = arith.addf %add3A_975, %mul3A_1108 : vector<16xf32>
        %get3A_1110 = arith.constant 1 : i32
        %get3A_1111 = arith.constant 6 : i32
        %get3A_1112 = arith.index_cast %get3A_1110 : i32 to index
        %get3A_1113 = arith.index_cast %get3A_1111 : i32 to index
        %get3A_1114 = arith.index_cast %mul3A_1059 : i32 to index
        %get3A_1115 = tpu.vector_load %arg11[%get3A_1112, %get3A_1113, %get3A_1114] {strides = array<i32>} : memref<2x16x1024xf32, #tpu.memory_space<vmem>>, vector<16xf32>,
        %mul3A_1116 = arith.mulf %get3A_1061, %get3A_1115 : vector<16xf32>
        %add3A_1117 = arith.addf %add3A_983, %mul3A_1116 : vector<16xf32>
        %get3A_1118 = arith.constant 1 : i32
        %get3A_1119 = arith.constant 7 : i32
        %get3A_1120 = arith.index_cast %get3A_1118 : i32 to index
        %get3A_1121 = arith.index_cast %get3A_1119 : i32 to index
        %get3A_1122 = arith.index_cast %mul3A_1059 : i32 to index
        %get3A_1123 = tpu.vector_load %arg11[%get3A_1120, %get3A_1121, %get3A_1122] {strides = array<i32>} : memref<2x16x1024xf32, #tpu.memory_space<vmem>>, vector<16xf32>,
        %mul3A_1124 = arith.mulf %get3A_1061, %get3A_1123 : vector<16xf32>
        %add3A_1125 = arith.addf %add3A_991, %mul3A_1124 : vector<16xf32>
        %get3A_1126 = arith.constant 1 : i32
        %get3A_1127 = arith.constant 8 : i32
        %get3A_1128 = arith.index_cast %get3A_1126 : i32 to index
        %get3A_1129 = arith.index_cast %get3A_1127 : i32 to index
        %get3A_1130 = arith.index_cast %mul3A_1059 : i32 to index
        %get3A_1131 = tpu.vector_load %arg11[%get3A_1128, %get3A_1129, %get3A_1130] {strides = array<i32>} : memref<2x16x1024xf32, #tpu.memory_space<vmem>>, vector<16xf32>,
        %mul3A_1132 = arith.mulf %get3A_1061, %get3A_1131 : vector<16xf32>
        %add3A_1133 = arith.addf %add3A_999, %mul3A_1132 : vector<16xf32>
        %get3A_1134 = arith.constant 1 : i32
        %get3A_1135 = arith.constant 9 : i32
        %get3A_1136 = arith.index_cast %get3A_1134 : i32 to index
        %get3A_1137 = arith.index_cast %get3A_1135 : i32 to index
        %get3A_1138 = arith.index_cast %mul3A_1059 : i32 to index
        %get3A_1139 = tpu.vector_load %arg11[%get3A_1136, %get3A_1137, %get3A_1138] {strides = array<i32>} : memref<2x16x1024xf32, #tpu.memory_space<vmem>>, vector<16xf32>,
        %mul3A_1140 = arith.mulf %get3A_1061, %get3A_1139 : vector<16xf32>
        %add3A_1141 = arith.addf %add3A_1007, %mul3A_1140 : vector<16xf32>
        %get3A_1142 = arith.constant 1 : i32
        %get3A_1143 = arith.constant 10 : i32
        %get3A_1144 = arith.index_cast %get3A_1142 : i32 to index
        %get3A_1145 = arith.index_cast %get3A_1143 : i32 to index
        %get3A_1146 = arith.index_cast %mul3A_1059 : i32 to index
        %get3A_1147 = tpu.vector_load %arg11[%get3A_1144, %get3A_1145, %get3A_1146] {strides = array<i32>} : memref<2x16x1024xf32, #tpu.memory_space<vmem>>, vector<16xf32>,
        %mul3A_1148 = arith.mulf %get3A_1061, %get3A_1147 : vector<16xf32>
        %add3A_1149 = arith.addf %add3A_1015, %mul3A_1148 : vector<16xf32>
        %get3A_1150 = arith.constant 1 : i32
        %get3A_1151 = arith.constant 11 : i32
        %get3A_1152 = arith.index_cast %get3A_1150 : i32 to index
        %get3A_1153 = arith.index_cast %get3A_1151 : i32 to index
        %get3A_1154 = arith.index_cast %mul3A_1059 : i32 to index
        %get3A_1155 = tpu.vector_load %arg11[%get3A_1152, %get3A_1153, %get3A_1154] {strides = array<i32>} : memref<2x16x1024xf32, #tpu.memory_space<vmem>>, vector<16xf32>,
        %mul3A_1156 = arith.mulf %get3A_1061, %get3A_1155 : vector<16xf32>
        %add3A_1157 = arith.addf %add3A_1023, %mul3A_1156 : vector<16xf32>
        %get3A_1158 = arith.constant 1 : i32
        %get3A_1159 = arith.constant 12 : i32
        %get3A_1160 = arith.index_cast %get3A_1158 : i32 to index
        %get3A_1161 = arith.index_cast %get3A_1159 : i32 to index
        %get3A_1162 = arith.index_cast %mul3A_1059 : i32 to index
        %get3A_1163 = tpu.vector_load %arg11[%get3A_1160, %get3A_1161, %get3A_1162] {strides = array<i32>} : memref<2x16x1024xf32, #tpu.memory_space<vmem>>, vector<16xf32>,
        %mul3A_1164 = arith.mulf %get3A_1061, %get3A_1163 : vector<16xf32>
        %add3A_1165 = arith.addf %add3A_1031, %mul3A_1164 : vector<16xf32>
        %get3A_1166 = arith.constant 1 : i32
        %get3A_1167 = arith.constant 13 : i32
        %get3A_1168 = arith.index_cast %get3A_1166 : i32 to index
        %get3A_1169 = arith.index_cast %get3A_1167 : i32 to index
        %get3A_1170 = arith.index_cast %mul3A_1059 : i32 to index
        %get3A_1171 = tpu.vector_load %arg11[%get3A_1168, %get3A_1169, %get3A_1170] {strides = array<i32>} : memref<2x16x1024xf32, #tpu.memory_space<vmem>>, vector<16xf32>,
        %mul3A_1172 = arith.mulf %get3A_1061, %get3A_1171 : vector<16xf32>
        %add3A_1173 = arith.addf %add3A_1039, %mul3A_1172 : vector<16xf32>
        %get3A_1174 = arith.constant 1 : i32
        %get3A_1175 = arith.constant 14 : i32
        %get3A_1176 = arith.index_cast %get3A_1174 : i32 to index
        %get3A_1177 = arith.index_cast %get3A_1175 : i32 to index
        %get3A_1178 = arith.index_cast %mul3A_1059 : i32 to index
        %get3A_1179 = tpu.vector_load %arg11[%get3A_1176, %get3A_1177, %get3A_1178] {strides = array<i32>} : memref<2x16x1024xf32, #tpu.memory_space<vmem>>, vector<16xf32>,
        %mul3A_1180 = arith.mulf %get3A_1061, %get3A_1179 : vector<16xf32>
        %add3A_1181 = arith.addf %add3A_1047, %mul3A_1180 : vector<16xf32>
        %get3A_1182 = arith.constant 1 : i32
        %get3A_1183 = arith.constant 15 : i32
        %get3A_1184 = arith.index_cast %get3A_1182 : i32 to index
        %get3A_1185 = arith.index_cast %get3A_1183 : i32 to index
        %get3A_1186 = arith.index_cast %mul3A_1059 : i32 to index
        %get3A_1187 = tpu.vector_load %arg11[%get3A_1184, %get3A_1185, %get3A_1186] {strides = array<i32>} : memref<2x16x1024xf32, #tpu.memory_space<vmem>>, vector<16xf32>,
        %mul3A_1188 = arith.mulf %get3A_1061, %get3A_1187 : vector<16xf32>
        %add3A_1189 = arith.addf %add3A_1055, %mul3A_1188 : vector<16xf32>
        scf.yield %add3A_1069, %add3A_1077, %add3A_1085, %add3A_1093, %add3A_1101, %add3A_1109, %add3A_1117, %add3A_1125, %add3A_1133, %add3A_1141, %add3A_1149, %add3A_1157, %add3A_1165, %add3A_1173, %add3A_1181, %add3A_1189 : vector<16xf32>, vector<16xf32>, vector<16xf32>, vector<16xf32>, vector<16xf32>, vector<16xf32>, vector<16xf32>, vector<16xf32>, vector<16xf32>, vector<16xf32>, vector<16xf32>, vector<16xf32>, vector<16xf32>, vector<16xf32>, vector<16xf32>, vector<16xf32>
      }
      %scan3A_553 = arith.constant 64 : i32
      %mul3A_554 = arith.constant 16 : i32
      %mul3A_555 = arith.muli %rem3A_499, %mul3A_554 : i32
      %get3A_556 = arith.index_cast %mul3A_555 : i32 to index
      %get3A_557 = tpu.vector_load %arg9[%get3A_556] {strides = array<i32>} : memref<64xf32, #tpu.memory_space<vmem>>, vector<16xf32>,
      %reduce_sum3A_558 = arith.constant true
      %reduce_sum3A_559 = vector.broadcast %reduce_sum3A_558 : i1 to vector<16xi1>
      %reduce_sum3A_560 = tpu.scan <sum>, %scan3A_552#0 masked %reduce_sum3A_559 : vector<16xf32>, vector<16xi1> -> vector<16xf32>
      %reduce_sum3A_561 = vector.extract %reduce_sum3A_560[15] : f32 from vector<16xf32>
      %slice3A_562 = vector.extract_strided_slice %get3A_557 {offsets = [0], sizes = [1], strides = [1]} : vector<16xf32> to vector<1xf32>
      %squeeze3A_563 = vector.extract %slice3A_562[0] : f32 from vector<1xf32>
      %mul3A_564 = arith.mulf %reduce_sum3A_561, %squeeze3A_563 : f32
      %broadcast_in_dim3A_565 = vector.broadcast %mul3A_564 : f32 to vector<16xf32>
      %neg3A_566 = arith.constant 0.000000e+00 : f32
      %neg3A_567 = arith.subf %neg3A_566, %reduce_sum3A_561 : f32
      %broadcast_in_dim3A_568 = vector.broadcast %neg3A_567 : f32 to vector<16xf32>
      %exp3A_569 = math.exp %broadcast_in_dim3A_568 : vector<16xf32>
      %add3A_570 = arith.constant 1.000000e+00 : f32
      %add3A_571 = vector.broadcast %add3A_570 : f32 to vector<16xf32>
      %add3A_572 = arith.addf %add3A_571, %exp3A_569 : vector<16xf32>
      %div3A_573 = arith.constant 1.000000e+00 : f32
      %div3A_574 = vector.broadcast %div3A_573 : f32 to vector<16xf32>
      %div3A_575 = arith.divf %div3A_574, %add3A_572 : vector<16xf32>
      %mul3A_576 = arith.mulf %broadcast_in_dim3A_565, %div3A_575 : vector<16xf32>
      %reduce_sum3A_577 = arith.constant true
      %reduce_sum3A_578 = vector.broadcast %reduce_sum3A_577 : i1 to vector<16xi1>
      %reduce_sum3A_579 = tpu.scan <sum>, %scan3A_552#1 masked %reduce_sum3A_578 : vector<16xf32>, vector<16xi1> -> vector<16xf32>
      %reduce_sum3A_580 = vector.extract %reduce_sum3A_579[15] : f32 from vector<16xf32>
      %slice3A_581 = vector.extract_strided_slice %get3A_557 {offsets = [1], sizes = [1], strides = [1]} : vector<16xf32> to vector<1xf32>
      %squeeze3A_582 = vector.extract %slice3A_581[0] : f32 from vector<1xf32>
      %mul3A_583 = arith.mulf %reduce_sum3A_580, %squeeze3A_582 : f32
      %broadcast_in_dim3A_584 = vector.broadcast %mul3A_583 : f32 to vector<16xf32>
      %neg3A_585 = arith.constant 0.000000e+00 : f32
      %neg3A_586 = arith.subf %neg3A_585, %reduce_sum3A_580 : f32
      %broadcast_in_dim3A_587 = vector.broadcast %neg3A_586 : f32 to vector<16xf32>
      %exp3A_588 = math.exp %broadcast_in_dim3A_587 : vector<16xf32>
      %add3A_589 = arith.constant 1.000000e+00 : f32
      %add3A_590 = vector.broadcast %add3A_589 : f32 to vector<16xf32>
      %add3A_591 = arith.addf %add3A_590, %exp3A_588 : vector<16xf32>
      %div3A_592 = arith.constant 1.000000e+00 : f32
      %div3A_593 = vector.broadcast %div3A_592 : f32 to vector<16xf32>
      %div3A_594 = arith.divf %div3A_593, %add3A_591 : vector<16xf32>
      %mul3A_595 = arith.mulf %broadcast_in_dim3A_584, %div3A_594 : vector<16xf32>
      %reduce_sum3A_596 = arith.constant true
      %reduce_sum3A_597 = vector.broadcast %reduce_sum3A_596 : i1 to vector<16xi1>
      %reduce_sum3A_598 = tpu.scan <sum>, %scan3A_552#2 masked %reduce_sum3A_597 : vector<16xf32>, vector<16xi1> -> vector<16xf32>
      %reduce_sum3A_599 = vector.extract %reduce_sum3A_598[15] : f32 from vector<16xf32>
      %slice3A_600 = vector.extract_strided_slice %get3A_557 {offsets = [2], sizes = [1], strides = [1]} : vector<16xf32> to vector<1xf32>
      %squeeze3A_601 = vector.extract %slice3A_600[0] : f32 from vector<1xf32>
      %mul3A_602 = arith.mulf %reduce_sum3A_599, %squeeze3A_601 : f32
      %broadcast_in_dim3A_603 = vector.broadcast %mul3A_602 : f32 to vector<16xf32>
      %neg3A_604 = arith.constant 0.000000e+00 : f32
      %neg3A_605 = arith.subf %neg3A_604, %reduce_sum3A_599 : f32
      %broadcast_in_dim3A_606 = vector.broadcast %neg3A_605 : f32 to vector<16xf32>
      %exp3A_607 = math.exp %broadcast_in_dim3A_606 : vector<16xf32>
      %add3A_608 = arith.constant 1.000000e+00 : f32
      %add3A_609 = vector.broadcast %add3A_608 : f32 to vector<16xf32>
      %add3A_610 = arith.addf %add3A_609, %exp3A_607 : vector<16xf32>
      %div3A_611 = arith.constant 1.000000e+00 : f32
      %div3A_612 = vector.broadcast %div3A_611 : f32 to vector<16xf32>
      %div3A_613 = arith.divf %div3A_612, %add3A_610 : vector<16xf32>
      %mul3A_614 = arith.mulf %broadcast_in_dim3A_603, %div3A_613 : vector<16xf32>
      %reduce_sum3A_615 = arith.constant true
      %reduce_sum3A_616 = vector.broadcast %reduce_sum3A_615 : i1 to vector<16xi1>
      %reduce_sum3A_617 = tpu.scan <sum>, %scan3A_552#3 masked %reduce_sum3A_616 : vector<16xf32>, vector<16xi1> -> vector<16xf32>
      %reduce_sum3A_618 = vector.extract %reduce_sum3A_617[15] : f32 from vector<16xf32>
      %slice3A_619 = vector.extract_strided_slice %get3A_557 {offsets = [3], sizes = [1], strides = [1]} : vector<16xf32> to vector<1xf32>
      %squeeze3A_620 = vector.extract %slice3A_619[0] : f32 from vector<1xf32>
      %mul3A_621 = arith.mulf %reduce_sum3A_618, %squeeze3A_620 : f32
      %broadcast_in_dim3A_622 = vector.broadcast %mul3A_621 : f32 to vector<16xf32>
      %neg3A_623 = arith.constant 0.000000e+00 : f32
      %neg3A_624 = arith.subf %neg3A_623, %reduce_sum3A_618 : f32
      %broadcast_in_dim3A_625 = vector.broadcast %neg3A_624 : f32 to vector<16xf32>
      %exp3A_626 = math.exp %broadcast_in_dim3A_625 : vector<16xf32>
      %add3A_627 = arith.constant 1.000000e+00 : f32
      %add3A_628 = vector.broadcast %add3A_627 : f32 to vector<16xf32>
      %add3A_629 = arith.addf %add3A_628, %exp3A_626 : vector<16xf32>
      %div3A_630 = arith.constant 1.000000e+00 : f32
      %div3A_631 = vector.broadcast %div3A_630 : f32 to vector<16xf32>
      %div3A_632 = arith.divf %div3A_631, %add3A_629 : vector<16xf32>
      %mul3A_633 = arith.mulf %broadcast_in_dim3A_622, %div3A_632 : vector<16xf32>
      %reduce_sum3A_634 = arith.constant true
      %reduce_sum3A_635 = vector.broadcast %reduce_sum3A_634 : i1 to vector<16xi1>
      %reduce_sum3A_636 = tpu.scan <sum>, %scan3A_552#4 masked %reduce_sum3A_635 : vector<16xf32>, vector<16xi1> -> vector<16xf32>
      %reduce_sum3A_637 = vector.extract %reduce_sum3A_636[15] : f32 from vector<16xf32>
      %slice3A_638 = vector.extract_strided_slice %get3A_557 {offsets = [4], sizes = [1], strides = [1]} : vector<16xf32> to vector<1xf32>
      %squeeze3A_639 = vector.extract %slice3A_638[0] : f32 from vector<1xf32>
      %mul3A_640 = arith.mulf %reduce_sum3A_637, %squeeze3A_639 : f32
      %broadcast_in_dim3A_641 = vector.broadcast %mul3A_640 : f32 to vector<16xf32>
      %neg3A_642 = arith.constant 0.000000e+00 : f32
      %neg3A_643 = arith.subf %neg3A_642, %reduce_sum3A_637 : f32
      %broadcast_in_dim3A_644 = vector.broadcast %neg3A_643 : f32 to vector<16xf32>
      %exp3A_645 = math.exp %broadcast_in_dim3A_644 : vector<16xf32>
      %add3A_646 = arith.constant 1.000000e+00 : f32
      %add3A_647 = vector.broadcast %add3A_646 : f32 to vector<16xf32>
      %add3A_648 = arith.addf %add3A_647, %exp3A_645 : vector<16xf32>
      %div3A_649 = arith.constant 1.000000e+00 : f32
      %div3A_650 = vector.broadcast %div3A_649 : f32 to vector<16xf32>
      %div3A_651 = arith.divf %div3A_650, %add3A_648 : vector<16xf32>
      %mul3A_652 = arith.mulf %broadcast_in_dim3A_641, %div3A_651 : vector<16xf32>
      %reduce_sum3A_653 = arith.constant true
      %reduce_sum3A_654 = vector.broadcast %reduce_sum3A_653 : i1 to vector<16xi1>
      %reduce_sum3A_655 = tpu.scan <sum>, %scan3A_552#5 masked %reduce_sum3A_654 : vector<16xf32>, vector<16xi1> -> vector<16xf32>
      %reduce_sum3A_656 = vector.extract %reduce_sum3A_655[15] : f32 from vector<16xf32>
      %slice3A_657 = vector.extract_strided_slice %get3A_557 {offsets = [5], sizes = [1], strides = [1]} : vector<16xf32> to vector<1xf32>
      %squeeze3A_658 = vector.extract %slice3A_657[0] : f32 from vector<1xf32>
      %mul3A_659 = arith.mulf %reduce_sum3A_656, %squeeze3A_658 : f32
      %broadcast_in_dim3A_660 = vector.broadcast %mul3A_659 : f32 to vector<16xf32>
      %neg3A_661 = arith.constant 0.000000e+00 : f32
      %neg3A_662 = arith.subf %neg3A_661, %reduce_sum3A_656 : f32
      %broadcast_in_dim3A_663 = vector.broadcast %neg3A_662 : f32 to vector<16xf32>
      %exp3A_664 = math.exp %broadcast_in_dim3A_663 : vector<16xf32>
      %add3A_665 = arith.constant 1.000000e+00 : f32
      %add3A_666 = vector.broadcast %add3A_665 : f32 to vector<16xf32>
      %add3A_667 = arith.addf %add3A_666, %exp3A_664 : vector<16xf32>
      %div3A_668 = arith.constant 1.000000e+00 : f32
      %div3A_669 = vector.broadcast %div3A_668 : f32 to vector<16xf32>
      %div3A_670 = arith.divf %div3A_669, %add3A_667 : vector<16xf32>
      %mul3A_671 = arith.mulf %broadcast_in_dim3A_660, %div3A_670 : vector<16xf32>
      %reduce_sum3A_672 = arith.constant true
      %reduce_sum3A_673 = vector.broadcast %reduce_sum3A_672 : i1 to vector<16xi1>
      %reduce_sum3A_674 = tpu.scan <sum>, %scan3A_552#6 masked %reduce_sum3A_673 : vector<16xf32>, vector<16xi1> -> vector<16xf32>
      %reduce_sum3A_675 = vector.extract %reduce_sum3A_674[15] : f32 from vector<16xf32>
      %slice3A_676 = vector.extract_strided_slice %get3A_557 {offsets = [6], sizes = [1], strides = [1]} : vector<16xf32> to vector<1xf32>
      %squeeze3A_677 = vector.extract %slice3A_676[0] : f32 from vector<1xf32>
      %mul3A_678 = arith.mulf %reduce_sum3A_675, %squeeze3A_677 : f32
      %broadcast_in_dim3A_679 = vector.broadcast %mul3A_678 : f32 to vector<16xf32>
      %neg3A_680 = arith.constant 0.000000e+00 : f32
      %neg3A_681 = arith.subf %neg3A_680, %reduce_sum3A_675 : f32
      %broadcast_in_dim3A_682 = vector.broadcast %neg3A_681 : f32 to vector<16xf32>
      %exp3A_683 = math.exp %broadcast_in_dim3A_682 : vector<16xf32>
      %add3A_684 = arith.constant 1.000000e+00 : f32
      %add3A_685 = vector.broadcast %add3A_684 : f32 to vector<16xf32>
      %add3A_686 = arith.addf %add3A_685, %exp3A_683 : vector<16xf32>
      %div3A_687 = arith.constant 1.000000e+00 : f32
      %div3A_688 = vector.broadcast %div3A_687 : f32 to vector<16xf32>
      %div3A_689 = arith.divf %div3A_688, %add3A_686 : vector<16xf32>
      %mul3A_690 = arith.mulf %broadcast_in_dim3A_679, %div3A_689 : vector<16xf32>
      %reduce_sum3A_691 = arith.constant true
      %reduce_sum3A_692 = vector.broadcast %reduce_sum3A_691 : i1 to vector<16xi1>
      %reduce_sum3A_693 = tpu.scan <sum>, %scan3A_552#7 masked %reduce_sum3A_692 : vector<16xf32>, vector<16xi1> -> vector<16xf32>
      %reduce_sum3A_694 = vector.extract %reduce_sum3A_693[15] : f32 from vector<16xf32>
      %slice3A_695 = vector.extract_strided_slice %get3A_557 {offsets = [7], sizes = [1], strides = [1]} : vector<16xf32> to vector<1xf32>
      %squeeze3A_696 = vector.extract %slice3A_695[0] : f32 from vector<1xf32>
      %mul3A_697 = arith.mulf %reduce_sum3A_694, %squeeze3A_696 : f32
      %broadcast_in_dim3A_698 = vector.broadcast %mul3A_697 : f32 to vector<16xf32>
      %neg3A_699 = arith.constant 0.000000e+00 : f32
      %neg3A_700 = arith.subf %neg3A_699, %reduce_sum3A_694 : f32
      %broadcast_in_dim3A_701 = vector.broadcast %neg3A_700 : f32 to vector<16xf32>
      %exp3A_702 = math.exp %broadcast_in_dim3A_701 : vector<16xf32>
      %add3A_703 = arith.constant 1.000000e+00 : f32
      %add3A_704 = vector.broadcast %add3A_703 : f32 to vector<16xf32>
      %add3A_705 = arith.addf %add3A_704, %exp3A_702 : vector<16xf32>
      %div3A_706 = arith.constant 1.000000e+00 : f32
      %div3A_707 = vector.broadcast %div3A_706 : f32 to vector<16xf32>
      %div3A_708 = arith.divf %div3A_707, %add3A_705 : vector<16xf32>
      %mul3A_709 = arith.mulf %broadcast_in_dim3A_698, %div3A_708 : vector<16xf32>
      %reduce_sum3A_710 = arith.constant true
      %reduce_sum3A_711 = vector.broadcast %reduce_sum3A_710 : i1 to vector<16xi1>
      %reduce_sum3A_712 = tpu.scan <sum>, %scan3A_552#8 masked %reduce_sum3A_711 : vector<16xf32>, vector<16xi1> -> vector<16xf32>
      %reduce_sum3A_713 = vector.extract %reduce_sum3A_712[15] : f32 from vector<16xf32>
      %slice3A_714 = vector.extract_strided_slice %get3A_557 {offsets = [8], sizes = [1], strides = [1]} : vector<16xf32> to vector<1xf32>
      %squeeze3A_715 = vector.extract %slice3A_714[0] : f32 from vector<1xf32>
      %mul3A_716 = arith.mulf %reduce_sum3A_713, %squeeze3A_715 : f32
      %broadcast_in_dim3A_717 = vector.broadcast %mul3A_716 : f32 to vector<16xf32>
      %neg3A_718 = arith.constant 0.000000e+00 : f32
      %neg3A_719 = arith.subf %neg3A_718, %reduce_sum3A_713 : f32
      %broadcast_in_dim3A_720 = vector.broadcast %neg3A_719 : f32 to vector<16xf32>
      %exp3A_721 = math.exp %broadcast_in_dim3A_720 : vector<16xf32>
      %add3A_722 = arith.constant 1.000000e+00 : f32
      %add3A_723 = vector.broadcast %add3A_722 : f32 to vector<16xf32>
      %add3A_724 = arith.addf %add3A_723, %exp3A_721 : vector<16xf32>
      %div3A_725 = arith.constant 1.000000e+00 : f32
      %div3A_726 = vector.broadcast %div3A_725 : f32 to vector<16xf32>
      %div3A_727 = arith.divf %div3A_726, %add3A_724 : vector<16xf32>
      %mul3A_728 = arith.mulf %broadcast_in_dim3A_717, %div3A_727 : vector<16xf32>
      %reduce_sum3A_729 = arith.constant true
      %reduce_sum3A_730 = vector.broadcast %reduce_sum3A_729 : i1 to vector<16xi1>
      %reduce_sum3A_731 = tpu.scan <sum>, %scan3A_552#9 masked %reduce_sum3A_730 : vector<16xf32>, vector<16xi1> -> vector<16xf32>
      %reduce_sum3A_732 = vector.extract %reduce_sum3A_731[15] : f32 from vector<16xf32>
      %slice3A_733 = vector.extract_strided_slice %get3A_557 {offsets = [9], sizes = [1], strides = [1]} : vector<16xf32> to vector<1xf32>
      %squeeze3A_734 = vector.extract %slice3A_733[0] : f32 from vector<1xf32>
      %mul3A_735 = arith.mulf %reduce_sum3A_732, %squeeze3A_734 : f32
      %broadcast_in_dim3A_736 = vector.broadcast %mul3A_735 : f32 to vector<16xf32>
      %neg3A_737 = arith.constant 0.000000e+00 : f32
      %neg3A_738 = arith.subf %neg3A_737, %reduce_sum3A_732 : f32
      %broadcast_in_dim3A_739 = vector.broadcast %neg3A_738 : f32 to vector<16xf32>
      %exp3A_740 = math.exp %broadcast_in_dim3A_739 : vector<16xf32>
      %add3A_741 = arith.constant 1.000000e+00 : f32
      %add3A_742 = vector.broadcast %add3A_741 : f32 to vector<16xf32>
      %add3A_743 = arith.addf %add3A_742, %exp3A_740 : vector<16xf32>
      %div3A_744 = arith.constant 1.000000e+00 : f32
      %div3A_745 = vector.broadcast %div3A_744 : f32 to vector<16xf32>
      %div3A_746 = arith.divf %div3A_745, %add3A_743 : vector<16xf32>
      %mul3A_747 = arith.mulf %broadcast_in_dim3A_736, %div3A_746 : vector<16xf32>
      %reduce_sum3A_748 = arith.constant true
      %reduce_sum3A_749 = vector.broadcast %reduce_sum3A_748 : i1 to vector<16xi1>
      %reduce_sum3A_750 = tpu.scan <sum>, %scan3A_552#10 masked %reduce_sum3A_749 : vector<16xf32>, vector<16xi1> -> vector<16xf32>
      %reduce_sum3A_751 = vector.extract %reduce_sum3A_750[15] : f32 from vector<16xf32>
      %slice3A_752 = vector.extract_strided_slice %get3A_557 {offsets = [10], sizes = [1], strides = [1]} : vector<16xf32> to vector<1xf32>
      %squeeze3A_753 = vector.extract %slice3A_752[0] : f32 from vector<1xf32>
      %mul3A_754 = arith.mulf %reduce_sum3A_751, %squeeze3A_753 : f32
      %broadcast_in_dim3A_755 = vector.broadcast %mul3A_754 : f32 to vector<16xf32>
      %neg3A_756 = arith.constant 0.000000e+00 : f32
      %neg3A_757 = arith.subf %neg3A_756, %reduce_sum3A_751 : f32
      %broadcast_in_dim3A_758 = vector.broadcast %neg3A_757 : f32 to vector<16xf32>
      %exp3A_759 = math.exp %broadcast_in_dim3A_758 : vector<16xf32>
      %add3A_760 = arith.constant 1.000000e+00 : f32
      %add3A_761 = vector.broadcast %add3A_760 : f32 to vector<16xf32>
      %add3A_762 = arith.addf %add3A_761, %exp3A_759 : vector<16xf32>
      %div3A_763 = arith.constant 1.000000e+00 : f32
      %div3A_764 = vector.broadcast %div3A_763 : f32 to vector<16xf32>
      %div3A_765 = arith.divf %div3A_764, %add3A_762 : vector<16xf32>
      %mul3A_766 = arith.mulf %broadcast_in_dim3A_755, %div3A_765 : vector<16xf32>
      %reduce_sum3A_767 = arith.constant true
      %reduce_sum3A_768 = vector.broadcast %reduce_sum3A_767 : i1 to vector<16xi1>
      %reduce_sum3A_769 = tpu.scan <sum>, %scan3A_552#11 masked %reduce_sum3A_768 : vector<16xf32>, vector<16xi1> -> vector<16xf32>
      %reduce_sum3A_770 = vector.extract %reduce_sum3A_769[15] : f32 from vector<16xf32>
      %slice3A_771 = vector.extract_strided_slice %get3A_557 {offsets = [11], sizes = [1], strides = [1]} : vector<16xf32> to vector<1xf32>
      %squeeze3A_772 = vector.extract %slice3A_771[0] : f32 from vector<1xf32>
      %mul3A_773 = arith.mulf %reduce_sum3A_770, %squeeze3A_772 : f32
      %broadcast_in_dim3A_774 = vector.broadcast %mul3A_773 : f32 to vector<16xf32>
      %neg3A_775 = arith.constant 0.000000e+00 : f32
      %neg3A_776 = arith.subf %neg3A_775, %reduce_sum3A_770 : f32
      %broadcast_in_dim3A_777 = vector.broadcast %neg3A_776 : f32 to vector<16xf32>
      %exp3A_778 = math.exp %broadcast_in_dim3A_777 : vector<16xf32>
      %add3A_779 = arith.constant 1.000000e+00 : f32
      %add3A_780 = vector.broadcast %add3A_779 : f32 to vector<16xf32>
      %add3A_781 = arith.addf %add3A_780, %exp3A_778 : vector<16xf32>
      %div3A_782 = arith.constant 1.000000e+00 : f32
      %div3A_783 = vector.broadcast %div3A_782 : f32 to vector<16xf32>
      %div3A_784 = arith.divf %div3A_783, %add3A_781 : vector<16xf32>
      %mul3A_785 = arith.mulf %broadcast_in_dim3A_774, %div3A_784 : vector<16xf32>
      %reduce_sum3A_786 = arith.constant true
      %reduce_sum3A_787 = vector.broadcast %reduce_sum3A_786 : i1 to vector<16xi1>
      %reduce_sum3A_788 = tpu.scan <sum>, %scan3A_552#12 masked %reduce_sum3A_787 : vector<16xf32>, vector<16xi1> -> vector<16xf32>
      %reduce_sum3A_789 = vector.extract %reduce_sum3A_788[15] : f32 from vector<16xf32>
      %slice3A_790 = vector.extract_strided_slice %get3A_557 {offsets = [12], sizes = [1], strides = [1]} : vector<16xf32> to vector<1xf32>
      %squeeze3A_791 = vector.extract %slice3A_790[0] : f32 from vector<1xf32>
      %mul3A_792 = arith.mulf %reduce_sum3A_789, %squeeze3A_791 : f32
      %broadcast_in_dim3A_793 = vector.broadcast %mul3A_792 : f32 to vector<16xf32>
      %neg3A_794 = arith.constant 0.000000e+00 : f32
      %neg3A_795 = arith.subf %neg3A_794, %reduce_sum3A_789 : f32
      %broadcast_in_dim3A_796 = vector.broadcast %neg3A_795 : f32 to vector<16xf32>
      %exp3A_797 = math.exp %broadcast_in_dim3A_796 : vector<16xf32>
      %add3A_798 = arith.constant 1.000000e+00 : f32
      %add3A_799 = vector.broadcast %add3A_798 : f32 to vector<16xf32>
      %add3A_800 = arith.addf %add3A_799, %exp3A_797 : vector<16xf32>
      %div3A_801 = arith.constant 1.000000e+00 : f32
      %div3A_802 = vector.broadcast %div3A_801 : f32 to vector<16xf32>
      %div3A_803 = arith.divf %div3A_802, %add3A_800 : vector<16xf32>
      %mul3A_804 = arith.mulf %broadcast_in_dim3A_793, %div3A_803 : vector<16xf32>
      %reduce_sum3A_805 = arith.constant true
      %reduce_sum3A_806 = vector.broadcast %reduce_sum3A_805 : i1 to vector<16xi1>
      %reduce_sum3A_807 = tpu.scan <sum>, %scan3A_552#13 masked %reduce_sum3A_806 : vector<16xf32>, vector<16xi1> -> vector<16xf32>
      %reduce_sum3A_808 = vector.extract %reduce_sum3A_807[15] : f32 from vector<16xf32>
      %slice3A_809 = vector.extract_strided_slice %get3A_557 {offsets = [13], sizes = [1], strides = [1]} : vector<16xf32> to vector<1xf32>
      %squeeze3A_810 = vector.extract %slice3A_809[0] : f32 from vector<1xf32>
      %mul3A_811 = arith.mulf %reduce_sum3A_808, %squeeze3A_810 : f32
      %broadcast_in_dim3A_812 = vector.broadcast %mul3A_811 : f32 to vector<16xf32>
      %neg3A_813 = arith.constant 0.000000e+00 : f32
      %neg3A_814 = arith.subf %neg3A_813, %reduce_sum3A_808 : f32
      %broadcast_in_dim3A_815 = vector.broadcast %neg3A_814 : f32 to vector<16xf32>
      %exp3A_816 = math.exp %broadcast_in_dim3A_815 : vector<16xf32>
      %add3A_817 = arith.constant 1.000000e+00 : f32
      %add3A_818 = vector.broadcast %add3A_817 : f32 to vector<16xf32>
      %add3A_819 = arith.addf %add3A_818, %exp3A_816 : vector<16xf32>
      %div3A_820 = arith.constant 1.000000e+00 : f32
      %div3A_821 = vector.broadcast %div3A_820 : f32 to vector<16xf32>
      %div3A_822 = arith.divf %div3A_821, %add3A_819 : vector<16xf32>
      %mul3A_823 = arith.mulf %broadcast_in_dim3A_812, %div3A_822 : vector<16xf32>
      %reduce_sum3A_824 = arith.constant true
      %reduce_sum3A_825 = vector.broadcast %reduce_sum3A_824 : i1 to vector<16xi1>
      %reduce_sum3A_826 = tpu.scan <sum>, %scan3A_552#14 masked %reduce_sum3A_825 : vector<16xf32>, vector<16xi1> -> vector<16xf32>
      %reduce_sum3A_827 = vector.extract %reduce_sum3A_826[15] : f32 from vector<16xf32>
      %slice3A_828 = vector.extract_strided_slice %get3A_557 {offsets = [14], sizes = [1], strides = [1]} : vector<16xf32> to vector<1xf32>
      %squeeze3A_829 = vector.extract %slice3A_828[0] : f32 from vector<1xf32>
      %mul3A_830 = arith.mulf %reduce_sum3A_827, %squeeze3A_829 : f32
      %broadcast_in_dim3A_831 = vector.broadcast %mul3A_830 : f32 to vector<16xf32>
      %neg3A_832 = arith.constant 0.000000e+00 : f32
      %neg3A_833 = arith.subf %neg3A_832, %reduce_sum3A_827 : f32
      %broadcast_in_dim3A_834 = vector.broadcast %neg3A_833 : f32 to vector<16xf32>
      %exp3A_835 = math.exp %broadcast_in_dim3A_834 : vector<16xf32>
      %add3A_836 = arith.constant 1.000000e+00 : f32
      %add3A_837 = vector.broadcast %add3A_836 : f32 to vector<16xf32>
      %add3A_838 = arith.addf %add3A_837, %exp3A_835 : vector<16xf32>
      %div3A_839 = arith.constant 1.000000e+00 : f32
      %div3A_840 = vector.broadcast %div3A_839 : f32 to vector<16xf32>
      %div3A_841 = arith.divf %div3A_840, %add3A_838 : vector<16xf32>
      %mul3A_842 = arith.mulf %broadcast_in_dim3A_831, %div3A_841 : vector<16xf32>
      %reduce_sum3A_843 = arith.constant true
      %reduce_sum3A_844 = vector.broadcast %reduce_sum3A_843 : i1 to vector<16xi1>
      %reduce_sum3A_845 = tpu.scan <sum>, %scan3A_552#15 masked %reduce_sum3A_844 : vector<16xf32>, vector<16xi1> -> vector<16xf32>
      %reduce_sum3A_846 = vector.extract %reduce_sum3A_845[15] : f32 from vector<16xf32>
      %slice3A_847 = vector.extract_strided_slice %get3A_557 {offsets = [15], sizes = [1], strides = [1]} : vector<16xf32> to vector<1xf32>
      %squeeze3A_848 = vector.extract %slice3A_847[0] : f32 from vector<1xf32>
      %mul3A_849 = arith.mulf %reduce_sum3A_846, %squeeze3A_848 : f32
      %broadcast_in_dim3A_850 = vector.broadcast %mul3A_849 : f32 to vector<16xf32>
      %neg3A_851 = arith.constant 0.000000e+00 : f32
      %neg3A_852 = arith.subf %neg3A_851, %reduce_sum3A_846 : f32
      %broadcast_in_dim3A_853 = vector.broadcast %neg3A_852 : f32 to vector<16xf32>
      %exp3A_854 = math.exp %broadcast_in_dim3A_853 : vector<16xf32>
      %add3A_855 = arith.constant 1.000000e+00 : f32
      %add3A_856 = vector.broadcast %add3A_855 : f32 to vector<16xf32>
      %add3A_857 = arith.addf %add3A_856, %exp3A_854 : vector<16xf32>
      %div3A_858 = arith.constant 1.000000e+00 : f32
      %div3A_859 = vector.broadcast %div3A_858 : f32 to vector<16xf32>
      %div3A_860 = arith.divf %div3A_859, %add3A_857 : vector<16xf32>
      %mul3A_861 = arith.mulf %broadcast_in_dim3A_850, %div3A_860 : vector<16xf32>
      %eq3A_862 = arith.constant 3 : i32
      %eq3A_863 = arith.cmpi eq, %rem3A_499, %eq3A_862 : i32
      %add3A_864 = arith.constant 1 : i32
      %add3A_865 = arith.addi %select_n3A_497, %add3A_864 : i32
      %lt3A_866 = arith.constant 128 : i32
      %lt3A_867 = arith.cmpi slt, %add3A_865, %lt3A_866 : i32
      %and3A_868 = arith.andi %eq3A_863, %lt3A_867 : i1
      %convert_element_type3A_869 = arith.extui %and3A_868 : i1 to i32
      %cond3A_870 = arith.constant 0 : i32
      %cond3A_871 = arith.cmpi ne, %convert_element_type3A_869, %cond3A_870 : i32
      scf.if %cond3A_871 {
        %add3A_907 = arith.constant 1 : i32
        %add3A_908 = arith.addi %select_n3A_497, %add3A_907 : i32
        %add3A_909 = arith.addi %mul3A_2, %add3A_908 : i32
        %dma_start3A_910 = arith.constant 0 : i32
        %dma_start3A_911 = tpu.memref_slice %arg2[%add3A_909, %dma_start3A_910] : memref<4096x1024xf32, #tpu.memory_space<hbm>> -> memref<1x1024xf32, #tpu.memory_space<hbm>>
        %dma_start3A_912 = tpu.memref_squeeze %dma_start3A_911 : memref<1x1024xf32, #tpu.memory_space<hbm>> -> memref<1024xf32, #tpu.memory_space<hbm>>
        %dma_start3A_913 = arith.constant 0 : i32
        %dma_start3A_914 = tpu.memref_slice %arg2[%add3A_909, %dma_start3A_913] : memref<4096x1024xf32, #tpu.memory_space<hbm>> -> memref<1x1024xf32, #tpu.memory_space<hbm>>
        %dma_start3A_915 = tpu.memref_squeeze %dma_start3A_914 : memref<1x1024xf32, #tpu.memory_space<hbm>> -> memref<1024xf32, #tpu.memory_space<hbm>>
        tpu.enqueue_dma source(%dma_start3A_915 : memref<1024xf32, #tpu.memory_space<hbm>>) target(%arg10 : memref<1024xf32, #tpu.memory_space<vmem>>) target_semaphore(%arg18 : memref<!tpu.dma_semaphore, #tpu.memory_space<semaphore_mem>>)
        %add3A_916 = arith.constant 1 : i32
        %add3A_917 = arith.addi %select_n3A_497, %add3A_916 : i32
        %add3A_918 = arith.addi %mul3A_2, %add3A_917 : i32
        %dma_start3A_919 = arith.constant 0 : i32
        %dma_start3A_920 = tpu.memref_slice %arg4[%add3A_918, %dma_start3A_919] : memref<4096x64xf32, #tpu.memory_space<hbm>> -> memref<1x64xf32, #tpu.memory_space<hbm>>
        %dma_start3A_921 = tpu.memref_squeeze %dma_start3A_920 : memref<1x64xf32, #tpu.memory_space<hbm>> -> memref<64xf32, #tpu.memory_space<hbm>>
        %dma_start3A_922 = arith.constant 0 : i32
        %dma_start3A_923 = tpu.memref_slice %arg4[%add3A_918, %dma_start3A_922] : memref<4096x64xf32, #tpu.memory_space<hbm>> -> memref<1x64xf32, #tpu.memory_space<hbm>>
        %dma_start3A_924 = tpu.memref_squeeze %dma_start3A_923 : memref<1x64xf32, #tpu.memory_space<hbm>> -> memref<64xf32, #tpu.memory_space<hbm>>
        tpu.enqueue_dma source(%dma_start3A_924 : memref<64xf32, #tpu.memory_space<hbm>>) target(%arg9 : memref<64xf32, #tpu.memory_space<vmem>>) target_semaphore(%arg19 : memref<!tpu.dma_semaphore, #tpu.memory_space<semaphore_mem>>)
      } else {
      }
      %dma_wait3A_872 = arith.constant 1 : i32
      %dma_wait3A_873 = arith.constant 0 : i32
      %dma_wait3A_874 = arith.constant 0 : i32
      %dma_wait3A_875 = tpu.memref_slice %arg12[%dma_wait3A_872, %dma_wait3A_873, %dma_wait3A_874] : memref<2x16x1024xf32, #tpu.memory_space<vmem>> -> memref<1x16x1024xf32, #tpu.memory_space<vmem>>
      %dma_wait3A_876 = tpu.memref_squeeze %dma_wait3A_875 : memref<1x16x1024xf32, #tpu.memory_space<vmem>> -> memref<16x1024xf32, #tpu.memory_space<vmem>>
      %dma_wait3A_877 = tpu.memref_slice %arg8[%select_n3A_523, %mul3A_527] : memref<128x64xi32, #tpu.memory_space<vmem>> -> memref<1x16xi32, #tpu.memory_space<vmem>>
      %dma_wait3A_878 = tpu.memref_squeeze %dma_wait3A_877 : memref<1x16xi32, #tpu.memory_space<vmem>> -> memref<16xi32, #tpu.memory_space<vmem>>
      %dma_wait3A_879 = arith.constant 0 : i32
      %dma_wait3A_880 = arith.constant 0 : i32
      %dma_wait3A_881 = tpu.memref_slice %arg6[%dma_wait3A_879, %dma_wait3A_880] : memref<65536x1024xf32, #tpu.memory_space<hbm>> -> memref<65536x1024xf32, #tpu.memory_space<hbm>>
      tpu.wait_indirect_dma semaphore(%arg17 : memref<!tpu.dma_semaphore, #tpu.memory_space<semaphore_mem>>) src(%dma_wait3A_881 : memref<65536x1024xf32, #tpu.memory_space<hbm>>) dst(%dma_wait3A_876 : memref<16x1024xf32, #tpu.memory_space<vmem>>)
      %eq3A_882 = arith.constant 0 : i32
      %eq3A_883 = arith.cmpi eq, %rem3A_499, %eq3A_882 : i32
      %scan3A_884 = arith.constant 0 : i32
      %scan3A_885 = arith.constant 0 : i32
      %scan3A_886 = arith.constant 64 : i32
      %scan3A_887 = arith.addi %scan3A_885, %scan3A_886 : i32
      %scan3A_888 = arith.constant 2 : i32
      %scan3A_889 = scf.for %scan3A_907 = %scan3A_885 to %scan3A_887 step %scan3A_888 iter_args(%scan3A_908 = %scan3A_884) -> (i32)  : i32 {
        %mul3A_909 = arith.constant 16 : i32
        %mul3A_910 = arith.muli %scan3A_907, %mul3A_909 : i32
        %get3A_911 = arith.index_cast %mul3A_910 : i32 to index
        %get3A_912 = tpu.vector_load %arg13[%get3A_911] {strides = array<i32>} : memref<1024xf32, #tpu.memory_space<vmem>>, vector<16xf32>,
        %broadcast_in_dim3A_913 = arith.constant 0.000000e+00 : f32
        %broadcast_in_dim3A_914 = vector.broadcast %broadcast_in_dim3A_913 : f32 to vector<16xf32>
        %select_n3A_915 = arith.select %eq3A_883, %broadcast_in_dim3A_914, %get3A_912 : vector<16xf32>
        %get3A_916 = arith.constant 1 : i32
        %get3A_917 = arith.constant 0 : i32
        %get3A_918 = arith.index_cast %get3A_916 : i32 to index
        %get3A_919 = arith.index_cast %get3A_917 : i32 to index
        %get3A_920 = arith.index_cast %mul3A_910 : i32 to index
        %get3A_921 = tpu.vector_load %arg12[%get3A_918, %get3A_919, %get3A_920] {strides = array<i32>} : memref<2x16x1024xf32, #tpu.memory_space<vmem>>, vector<16xf32>,
        %mul3A_922 = arith.mulf %mul3A_576, %get3A_921 : vector<16xf32>
        %get3A_923 = arith.constant 1 : i32
        %get3A_924 = arith.constant 4 : i32
        %get3A_925 = arith.index_cast %get3A_923 : i32 to index
        %get3A_926 = arith.index_cast %get3A_924 : i32 to index
        %get3A_927 = arith.index_cast %mul3A_910 : i32 to index
        %get3A_928 = tpu.vector_load %arg12[%get3A_925, %get3A_926, %get3A_927] {strides = array<i32>} : memref<2x16x1024xf32, #tpu.memory_space<vmem>>, vector<16xf32>,
        %mul3A_929 = arith.mulf %mul3A_652, %get3A_928 : vector<16xf32>
        %add3A_930 = arith.addf %mul3A_922, %mul3A_929 : vector<16xf32>
        %get3A_931 = arith.constant 1 : i32
        %get3A_932 = arith.constant 8 : i32
        %get3A_933 = arith.index_cast %get3A_931 : i32 to index
        %get3A_934 = arith.index_cast %get3A_932 : i32 to index
        %get3A_935 = arith.index_cast %mul3A_910 : i32 to index
        %get3A_936 = tpu.vector_load %arg12[%get3A_933, %get3A_934, %get3A_935] {strides = array<i32>} : memref<2x16x1024xf32, #tpu.memory_space<vmem>>, vector<16xf32>,
        %mul3A_937 = arith.mulf %mul3A_728, %get3A_936 : vector<16xf32>
        %add3A_938 = arith.addf %add3A_930, %mul3A_937 : vector<16xf32>
        %get3A_939 = arith.constant 1 : i32
        %get3A_940 = arith.constant 12 : i32
        %get3A_941 = arith.index_cast %get3A_939 : i32 to index
        %get3A_942 = arith.index_cast %get3A_940 : i32 to index
        %get3A_943 = arith.index_cast %mul3A_910 : i32 to index
        %get3A_944 = tpu.vector_load %arg12[%get3A_941, %get3A_942, %get3A_943] {strides = array<i32>} : memref<2x16x1024xf32, #tpu.memory_space<vmem>>, vector<16xf32>,
        %mul3A_945 = arith.mulf %mul3A_804, %get3A_944 : vector<16xf32>
        %add3A_946 = arith.addf %add3A_938, %mul3A_945 : vector<16xf32>
        %get3A_947 = arith.constant 1 : i32
        %get3A_948 = arith.constant 1 : i32
        %get3A_949 = arith.index_cast %get3A_947 : i32 to index
        %get3A_950 = arith.index_cast %get3A_948 : i32 to index
        %get3A_951 = arith.index_cast %mul3A_910 : i32 to index
        %get3A_952 = tpu.vector_load %arg12[%get3A_949, %get3A_950, %get3A_951] {strides = array<i32>} : memref<2x16x1024xf32, #tpu.memory_space<vmem>>, vector<16xf32>,
        %mul3A_953 = arith.mulf %mul3A_595, %get3A_952 : vector<16xf32>
        %get3A_954 = arith.constant 1 : i32
        %get3A_955 = arith.constant 5 : i32
        %get3A_956 = arith.index_cast %get3A_954 : i32 to index
        %get3A_957 = arith.index_cast %get3A_955 : i32 to index
        %get3A_958 = arith.index_cast %mul3A_910 : i32 to index
        %get3A_959 = tpu.vector_load %arg12[%get3A_956, %get3A_957, %get3A_958] {strides = array<i32>} : memref<2x16x1024xf32, #tpu.memory_space<vmem>>, vector<16xf32>,
        %mul3A_960 = arith.mulf %mul3A_671, %get3A_959 : vector<16xf32>
        %add3A_961 = arith.addf %mul3A_953, %mul3A_960 : vector<16xf32>
        %get3A_962 = arith.constant 1 : i32
        %get3A_963 = arith.constant 9 : i32
        %get3A_964 = arith.index_cast %get3A_962 : i32 to index
        %get3A_965 = arith.index_cast %get3A_963 : i32 to index
        %get3A_966 = arith.index_cast %mul3A_910 : i32 to index
        %get3A_967 = tpu.vector_load %arg12[%get3A_964, %get3A_965, %get3A_966] {strides = array<i32>} : memref<2x16x1024xf32, #tpu.memory_space<vmem>>, vector<16xf32>,
        %mul3A_968 = arith.mulf %mul3A_747, %get3A_967 : vector<16xf32>
        %add3A_969 = arith.addf %add3A_961, %mul3A_968 : vector<16xf32>
        %get3A_970 = arith.constant 1 : i32
        %get3A_971 = arith.constant 13 : i32
        %get3A_972 = arith.index_cast %get3A_970 : i32 to index
        %get3A_973 = arith.index_cast %get3A_971 : i32 to index
        %get3A_974 = arith.index_cast %mul3A_910 : i32 to index
        %get3A_975 = tpu.vector_load %arg12[%get3A_972, %get3A_973, %get3A_974] {strides = array<i32>} : memref<2x16x1024xf32, #tpu.memory_space<vmem>>, vector<16xf32>,
        %mul3A_976 = arith.mulf %mul3A_823, %get3A_975 : vector<16xf32>
        %add3A_977 = arith.addf %add3A_969, %mul3A_976 : vector<16xf32>
        %get3A_978 = arith.constant 1 : i32
        %get3A_979 = arith.constant 2 : i32
        %get3A_980 = arith.index_cast %get3A_978 : i32 to index
        %get3A_981 = arith.index_cast %get3A_979 : i32 to index
        %get3A_982 = arith.index_cast %mul3A_910 : i32 to index
        %get3A_983 = tpu.vector_load %arg12[%get3A_980, %get3A_981, %get3A_982] {strides = array<i32>} : memref<2x16x1024xf32, #tpu.memory_space<vmem>>, vector<16xf32>,
        %mul3A_984 = arith.mulf %mul3A_614, %get3A_983 : vector<16xf32>
        %get3A_985 = arith.constant 1 : i32
        %get3A_986 = arith.constant 6 : i32
        %get3A_987 = arith.index_cast %get3A_985 : i32 to index
        %get3A_988 = arith.index_cast %get3A_986 : i32 to index
        %get3A_989 = arith.index_cast %mul3A_910 : i32 to index
        %get3A_990 = tpu.vector_load %arg12[%get3A_987, %get3A_988, %get3A_989] {strides = array<i32>} : memref<2x16x1024xf32, #tpu.memory_space<vmem>>, vector<16xf32>,
        %mul3A_991 = arith.mulf %mul3A_690, %get3A_990 : vector<16xf32>
        %add3A_992 = arith.addf %mul3A_984, %mul3A_991 : vector<16xf32>
        %get3A_993 = arith.constant 1 : i32
        %get3A_994 = arith.constant 10 : i32
        %get3A_995 = arith.index_cast %get3A_993 : i32 to index
        %get3A_996 = arith.index_cast %get3A_994 : i32 to index
        %get3A_997 = arith.index_cast %mul3A_910 : i32 to index
        %get3A_998 = tpu.vector_load %arg12[%get3A_995, %get3A_996, %get3A_997] {strides = array<i32>} : memref<2x16x1024xf32, #tpu.memory_space<vmem>>, vector<16xf32>,
        %mul3A_999 = arith.mulf %mul3A_766, %get3A_998 : vector<16xf32>
        %add3A_1000 = arith.addf %add3A_992, %mul3A_999 : vector<16xf32>
        %get3A_1001 = arith.constant 1 : i32
        %get3A_1002 = arith.constant 14 : i32
        %get3A_1003 = arith.index_cast %get3A_1001 : i32 to index
        %get3A_1004 = arith.index_cast %get3A_1002 : i32 to index
        %get3A_1005 = arith.index_cast %mul3A_910 : i32 to index
        %get3A_1006 = tpu.vector_load %arg12[%get3A_1003, %get3A_1004, %get3A_1005] {strides = array<i32>} : memref<2x16x1024xf32, #tpu.memory_space<vmem>>, vector<16xf32>,
        %mul3A_1007 = arith.mulf %mul3A_842, %get3A_1006 : vector<16xf32>
        %add3A_1008 = arith.addf %add3A_1000, %mul3A_1007 : vector<16xf32>
        %get3A_1009 = arith.constant 1 : i32
        %get3A_1010 = arith.constant 3 : i32
        %get3A_1011 = arith.index_cast %get3A_1009 : i32 to index
        %get3A_1012 = arith.index_cast %get3A_1010 : i32 to index
        %get3A_1013 = arith.index_cast %mul3A_910 : i32 to index
        %get3A_1014 = tpu.vector_load %arg12[%get3A_1011, %get3A_1012, %get3A_1013] {strides = array<i32>} : memref<2x16x1024xf32, #tpu.memory_space<vmem>>, vector<16xf32>,
        %mul3A_1015 = arith.mulf %mul3A_633, %get3A_1014 : vector<16xf32>
        %get3A_1016 = arith.constant 1 : i32
        %get3A_1017 = arith.constant 7 : i32
        %get3A_1018 = arith.index_cast %get3A_1016 : i32 to index
        %get3A_1019 = arith.index_cast %get3A_1017 : i32 to index
        %get3A_1020 = arith.index_cast %mul3A_910 : i32 to index
        %get3A_1021 = tpu.vector_load %arg12[%get3A_1018, %get3A_1019, %get3A_1020] {strides = array<i32>} : memref<2x16x1024xf32, #tpu.memory_space<vmem>>, vector<16xf32>,
        %mul3A_1022 = arith.mulf %mul3A_709, %get3A_1021 : vector<16xf32>
        %add3A_1023 = arith.addf %mul3A_1015, %mul3A_1022 : vector<16xf32>
        %get3A_1024 = arith.constant 1 : i32
        %get3A_1025 = arith.constant 11 : i32
        %get3A_1026 = arith.index_cast %get3A_1024 : i32 to index
        %get3A_1027 = arith.index_cast %get3A_1025 : i32 to index
        %get3A_1028 = arith.index_cast %mul3A_910 : i32 to index
        %get3A_1029 = tpu.vector_load %arg12[%get3A_1026, %get3A_1027, %get3A_1028] {strides = array<i32>} : memref<2x16x1024xf32, #tpu.memory_space<vmem>>, vector<16xf32>,
        %mul3A_1030 = arith.mulf %mul3A_785, %get3A_1029 : vector<16xf32>
        %add3A_1031 = arith.addf %add3A_1023, %mul3A_1030 : vector<16xf32>
        %get3A_1032 = arith.constant 1 : i32
        %get3A_1033 = arith.constant 15 : i32
        %get3A_1034 = arith.index_cast %get3A_1032 : i32 to index
        %get3A_1035 = arith.index_cast %get3A_1033 : i32 to index
        %get3A_1036 = arith.index_cast %mul3A_910 : i32 to index
        %get3A_1037 = tpu.vector_load %arg12[%get3A_1034, %get3A_1035, %get3A_1036] {strides = array<i32>} : memref<2x16x1024xf32, #tpu.memory_space<vmem>>, vector<16xf32>,
        %mul3A_1038 = arith.mulf %mul3A_861, %get3A_1037 : vector<16xf32>
        %add3A_1039 = arith.addf %add3A_1031, %mul3A_1038 : vector<16xf32>
        %add3A_1040 = arith.addf %add3A_946, %add3A_977 : vector<16xf32>
        %add3A_1041 = arith.addf %add3A_1008, %add3A_1039 : vector<16xf32>
        %add3A_1042 = arith.addf %add3A_1040, %add3A_1041 : vector<16xf32>
        %add3A_1043 = arith.addf %select_n3A_915, %add3A_1042 : vector<16xf32>
        %swap3A = arith.index_cast %mul3A_910 : i32 to index
        %swap3A_1044 = tpu.vector_load %arg13[%swap3A] {strides = array<i32>} : memref<1024xf32, #tpu.memory_space<vmem>>, vector<16xf32>,
        tpu.vector_store %arg13[%swap3A], %add3A_1043 {strides = array<i32>} : memref<1024xf32, #tpu.memory_space<vmem>>, vector<16xf32>,
        %scan3A_1045 = arith.constant 0 : i32
        %scan3A_1046 = arith.constant 1 : i32
        %scan3A_1047 = arith.addi %scan3A_907, %scan3A_1046 : i32
        %mul3A_1048 = arith.constant 16 : i32
        %mul3A_1049 = arith.muli %scan3A_1047, %mul3A_1048 : i32
        %get3A_1050 = arith.index_cast %mul3A_1049 : i32 to index
        %get3A_1051 = tpu.vector_load %arg13[%get3A_1050] {strides = array<i32>} : memref<1024xf32, #tpu.memory_space<vmem>>, vector<16xf32>,
        %broadcast_in_dim3A_1052 = arith.constant 0.000000e+00 : f32
        %broadcast_in_dim3A_1053 = vector.broadcast %broadcast_in_dim3A_1052 : f32 to vector<16xf32>
        %select_n3A_1054 = arith.select %eq3A_883, %broadcast_in_dim3A_1053, %get3A_1051 : vector<16xf32>
        %get3A_1055 = arith.constant 1 : i32
        %get3A_1056 = arith.constant 0 : i32
        %get3A_1057 = arith.index_cast %get3A_1055 : i32 to index
        %get3A_1058 = arith.index_cast %get3A_1056 : i32 to index
        %get3A_1059 = arith.index_cast %mul3A_1049 : i32 to index
        %get3A_1060 = tpu.vector_load %arg12[%get3A_1057, %get3A_1058, %get3A_1059] {strides = array<i32>} : memref<2x16x1024xf32, #tpu.memory_space<vmem>>, vector<16xf32>,
        %mul3A_1061 = arith.mulf %mul3A_576, %get3A_1060 : vector<16xf32>
        %get3A_1062 = arith.constant 1 : i32
        %get3A_1063 = arith.constant 4 : i32
        %get3A_1064 = arith.index_cast %get3A_1062 : i32 to index
        %get3A_1065 = arith.index_cast %get3A_1063 : i32 to index
        %get3A_1066 = arith.index_cast %mul3A_1049 : i32 to index
        %get3A_1067 = tpu.vector_load %arg12[%get3A_1064, %get3A_1065, %get3A_1066] {strides = array<i32>} : memref<2x16x1024xf32, #tpu.memory_space<vmem>>, vector<16xf32>,
        %mul3A_1068 = arith.mulf %mul3A_652, %get3A_1067 : vector<16xf32>
        %add3A_1069 = arith.addf %mul3A_1061, %mul3A_1068 : vector<16xf32>
        %get3A_1070 = arith.constant 1 : i32
        %get3A_1071 = arith.constant 8 : i32
        %get3A_1072 = arith.index_cast %get3A_1070 : i32 to index
        %get3A_1073 = arith.index_cast %get3A_1071 : i32 to index
        %get3A_1074 = arith.index_cast %mul3A_1049 : i32 to index
        %get3A_1075 = tpu.vector_load %arg12[%get3A_1072, %get3A_1073, %get3A_1074] {strides = array<i32>} : memref<2x16x1024xf32, #tpu.memory_space<vmem>>, vector<16xf32>,
        %mul3A_1076 = arith.mulf %mul3A_728, %get3A_1075 : vector<16xf32>
        %add3A_1077 = arith.addf %add3A_1069, %mul3A_1076 : vector<16xf32>
        %get3A_1078 = arith.constant 1 : i32
        %get3A_1079 = arith.constant 12 : i32
        %get3A_1080 = arith.index_cast %get3A_1078 : i32 to index
        %get3A_1081 = arith.index_cast %get3A_1079 : i32 to index
        %get3A_1082 = arith.index_cast %mul3A_1049 : i32 to index
        %get3A_1083 = tpu.vector_load %arg12[%get3A_1080, %get3A_1081, %get3A_1082] {strides = array<i32>} : memref<2x16x1024xf32, #tpu.memory_space<vmem>>, vector<16xf32>,
        %mul3A_1084 = arith.mulf %mul3A_804, %get3A_1083 : vector<16xf32>
        %add3A_1085 = arith.addf %add3A_1077, %mul3A_1084 : vector<16xf32>
        %get3A_1086 = arith.constant 1 : i32
        %get3A_1087 = arith.constant 1 : i32
        %get3A_1088 = arith.index_cast %get3A_1086 : i32 to index
        %get3A_1089 = arith.index_cast %get3A_1087 : i32 to index
        %get3A_1090 = arith.index_cast %mul3A_1049 : i32 to index
        %get3A_1091 = tpu.vector_load %arg12[%get3A_1088, %get3A_1089, %get3A_1090] {strides = array<i32>} : memref<2x16x1024xf32, #tpu.memory_space<vmem>>, vector<16xf32>,
        %mul3A_1092 = arith.mulf %mul3A_595, %get3A_1091 : vector<16xf32>
        %get3A_1093 = arith.constant 1 : i32
        %get3A_1094 = arith.constant 5 : i32
        %get3A_1095 = arith.index_cast %get3A_1093 : i32 to index
        %get3A_1096 = arith.index_cast %get3A_1094 : i32 to index
        %get3A_1097 = arith.index_cast %mul3A_1049 : i32 to index
        %get3A_1098 = tpu.vector_load %arg12[%get3A_1095, %get3A_1096, %get3A_1097] {strides = array<i32>} : memref<2x16x1024xf32, #tpu.memory_space<vmem>>, vector<16xf32>,
        %mul3A_1099 = arith.mulf %mul3A_671, %get3A_1098 : vector<16xf32>
        %add3A_1100 = arith.addf %mul3A_1092, %mul3A_1099 : vector<16xf32>
        %get3A_1101 = arith.constant 1 : i32
        %get3A_1102 = arith.constant 9 : i32
        %get3A_1103 = arith.index_cast %get3A_1101 : i32 to index
        %get3A_1104 = arith.index_cast %get3A_1102 : i32 to index
        %get3A_1105 = arith.index_cast %mul3A_1049 : i32 to index
        %get3A_1106 = tpu.vector_load %arg12[%get3A_1103, %get3A_1104, %get3A_1105] {strides = array<i32>} : memref<2x16x1024xf32, #tpu.memory_space<vmem>>, vector<16xf32>,
        %mul3A_1107 = arith.mulf %mul3A_747, %get3A_1106 : vector<16xf32>
        %add3A_1108 = arith.addf %add3A_1100, %mul3A_1107 : vector<16xf32>
        %get3A_1109 = arith.constant 1 : i32
        %get3A_1110 = arith.constant 13 : i32
        %get3A_1111 = arith.index_cast %get3A_1109 : i32 to index
        %get3A_1112 = arith.index_cast %get3A_1110 : i32 to index
        %get3A_1113 = arith.index_cast %mul3A_1049 : i32 to index
        %get3A_1114 = tpu.vector_load %arg12[%get3A_1111, %get3A_1112, %get3A_1113] {strides = array<i32>} : memref<2x16x1024xf32, #tpu.memory_space<vmem>>, vector<16xf32>,
        %mul3A_1115 = arith.mulf %mul3A_823, %get3A_1114 : vector<16xf32>
        %add3A_1116 = arith.addf %add3A_1108, %mul3A_1115 : vector<16xf32>
        %get3A_1117 = arith.constant 1 : i32
        %get3A_1118 = arith.constant 2 : i32
        %get3A_1119 = arith.index_cast %get3A_1117 : i32 to index
        %get3A_1120 = arith.index_cast %get3A_1118 : i32 to index
        %get3A_1121 = arith.index_cast %mul3A_1049 : i32 to index
        %get3A_1122 = tpu.vector_load %arg12[%get3A_1119, %get3A_1120, %get3A_1121] {strides = array<i32>} : memref<2x16x1024xf32, #tpu.memory_space<vmem>>, vector<16xf32>,
        %mul3A_1123 = arith.mulf %mul3A_614, %get3A_1122 : vector<16xf32>
        %get3A_1124 = arith.constant 1 : i32
        %get3A_1125 = arith.constant 6 : i32
        %get3A_1126 = arith.index_cast %get3A_1124 : i32 to index
        %get3A_1127 = arith.index_cast %get3A_1125 : i32 to index
        %get3A_1128 = arith.index_cast %mul3A_1049 : i32 to index
        %get3A_1129 = tpu.vector_load %arg12[%get3A_1126, %get3A_1127, %get3A_1128] {strides = array<i32>} : memref<2x16x1024xf32, #tpu.memory_space<vmem>>, vector<16xf32>,
        %mul3A_1130 = arith.mulf %mul3A_690, %get3A_1129 : vector<16xf32>
        %add3A_1131 = arith.addf %mul3A_1123, %mul3A_1130 : vector<16xf32>
        %get3A_1132 = arith.constant 1 : i32
        %get3A_1133 = arith.constant 10 : i32
        %get3A_1134 = arith.index_cast %get3A_1132 : i32 to index
        %get3A_1135 = arith.index_cast %get3A_1133 : i32 to index
        %get3A_1136 = arith.index_cast %mul3A_1049 : i32 to index
        %get3A_1137 = tpu.vector_load %arg12[%get3A_1134, %get3A_1135, %get3A_1136] {strides = array<i32>} : memref<2x16x1024xf32, #tpu.memory_space<vmem>>, vector<16xf32>,
        %mul3A_1138 = arith.mulf %mul3A_766, %get3A_1137 : vector<16xf32>
        %add3A_1139 = arith.addf %add3A_1131, %mul3A_1138 : vector<16xf32>
        %get3A_1140 = arith.constant 1 : i32
        %get3A_1141 = arith.constant 14 : i32
        %get3A_1142 = arith.index_cast %get3A_1140 : i32 to index
        %get3A_1143 = arith.index_cast %get3A_1141 : i32 to index
        %get3A_1144 = arith.index_cast %mul3A_1049 : i32 to index
        %get3A_1145 = tpu.vector_load %arg12[%get3A_1142, %get3A_1143, %get3A_1144] {strides = array<i32>} : memref<2x16x1024xf32, #tpu.memory_space<vmem>>, vector<16xf32>,
        %mul3A_1146 = arith.mulf %mul3A_842, %get3A_1145 : vector<16xf32>
        %add3A_1147 = arith.addf %add3A_1139, %mul3A_1146 : vector<16xf32>
        %get3A_1148 = arith.constant 1 : i32
        %get3A_1149 = arith.constant 3 : i32
        %get3A_1150 = arith.index_cast %get3A_1148 : i32 to index
        %get3A_1151 = arith.index_cast %get3A_1149 : i32 to index
        %get3A_1152 = arith.index_cast %mul3A_1049 : i32 to index
        %get3A_1153 = tpu.vector_load %arg12[%get3A_1150, %get3A_1151, %get3A_1152] {strides = array<i32>} : memref<2x16x1024xf32, #tpu.memory_space<vmem>>, vector<16xf32>,
        %mul3A_1154 = arith.mulf %mul3A_633, %get3A_1153 : vector<16xf32>
        %get3A_1155 = arith.constant 1 : i32
        %get3A_1156 = arith.constant 7 : i32
        %get3A_1157 = arith.index_cast %get3A_1155 : i32 to index
        %get3A_1158 = arith.index_cast %get3A_1156 : i32 to index
        %get3A_1159 = arith.index_cast %mul3A_1049 : i32 to index
        %get3A_1160 = tpu.vector_load %arg12[%get3A_1157, %get3A_1158, %get3A_1159] {strides = array<i32>} : memref<2x16x1024xf32, #tpu.memory_space<vmem>>, vector<16xf32>,
        %mul3A_1161 = arith.mulf %mul3A_709, %get3A_1160 : vector<16xf32>
        %add3A_1162 = arith.addf %mul3A_1154, %mul3A_1161 : vector<16xf32>
        %get3A_1163 = arith.constant 1 : i32
        %get3A_1164 = arith.constant 11 : i32
        %get3A_1165 = arith.index_cast %get3A_1163 : i32 to index
        %get3A_1166 = arith.index_cast %get3A_1164 : i32 to index
        %get3A_1167 = arith.index_cast %mul3A_1049 : i32 to index
        %get3A_1168 = tpu.vector_load %arg12[%get3A_1165, %get3A_1166, %get3A_1167] {strides = array<i32>} : memref<2x16x1024xf32, #tpu.memory_space<vmem>>, vector<16xf32>,
        %mul3A_1169 = arith.mulf %mul3A_785, %get3A_1168 : vector<16xf32>
        %add3A_1170 = arith.addf %add3A_1162, %mul3A_1169 : vector<16xf32>
        %get3A_1171 = arith.constant 1 : i32
        %get3A_1172 = arith.constant 15 : i32
        %get3A_1173 = arith.index_cast %get3A_1171 : i32 to index
        %get3A_1174 = arith.index_cast %get3A_1172 : i32 to index
        %get3A_1175 = arith.index_cast %mul3A_1049 : i32 to index
        %get3A_1176 = tpu.vector_load %arg12[%get3A_1173, %get3A_1174, %get3A_1175] {strides = array<i32>} : memref<2x16x1024xf32, #tpu.memory_space<vmem>>, vector<16xf32>,
        %mul3A_1177 = arith.mulf %mul3A_861, %get3A_1176 : vector<16xf32>
        %add3A_1178 = arith.addf %add3A_1170, %mul3A_1177 : vector<16xf32>
        %add3A_1179 = arith.addf %add3A_1085, %add3A_1116 : vector<16xf32>
        %add3A_1180 = arith.addf %add3A_1147, %add3A_1178 : vector<16xf32>
        %add3A_1181 = arith.addf %add3A_1179, %add3A_1180 : vector<16xf32>
        %add3A_1182 = arith.addf %select_n3A_1054, %add3A_1181 : vector<16xf32>
        %swap3A_1183 = arith.index_cast %mul3A_1049 : i32 to index
        %swap3A_1184 = tpu.vector_load %arg13[%swap3A_1183] {strides = array<i32>} : memref<1024xf32, #tpu.memory_space<vmem>>, vector<16xf32>,
        tpu.vector_store %arg13[%swap3A_1183], %add3A_1182 {strides = array<i32>} : memref<1024xf32, #tpu.memory_space<vmem>>, vector<16xf32>,
        %scan3A_1185 = arith.constant 0 : i32
        scf.yield %scan3A_1185 : i32
      }
      %scan3A_890 = arith.constant 64 : i32
      %eq3A_891 = arith.constant 3 : i32
      %eq3A_892 = arith.cmpi eq, %rem3A_499, %eq3A_891 : i32
      %convert_element_type3A_893 = arith.extui %eq3A_892 : i1 to i32
      %cond3A_894 = arith.constant 0 : i32
      %cond3A_895 = arith.cmpi ne, %convert_element_type3A_893, %cond3A_894 : i32
      scf.if %cond3A_895 {
        %add3A_907 = arith.addi %mul3A_2, %select_n3A_497 : i32
        %dma_start3A_908 = arith.constant 0 : i32
        %dma_start3A_909 = tpu.memref_slice %arg7[%add3A_907, %dma_start3A_908] : memref<4096x1024xf32, #tpu.memory_space<hbm>> -> memref<1x1024xf32, #tpu.memory_space<hbm>>
        %dma_start3A_910 = tpu.memref_squeeze %dma_start3A_909 : memref<1x1024xf32, #tpu.memory_space<hbm>> -> memref<1024xf32, #tpu.memory_space<hbm>>
        %dma_start3A_911 = arith.constant 0 : i32
        %dma_start3A_912 = tpu.memref_slice %arg7[%add3A_907, %dma_start3A_911] : memref<4096x1024xf32, #tpu.memory_space<hbm>> -> memref<1x1024xf32, #tpu.memory_space<hbm>>
        %dma_start3A_913 = tpu.memref_squeeze %dma_start3A_912 : memref<1x1024xf32, #tpu.memory_space<hbm>> -> memref<1024xf32, #tpu.memory_space<hbm>>
        tpu.enqueue_dma source(%arg13 : memref<1024xf32, #tpu.memory_space<vmem>>) target(%dma_start3A_913 : memref<1024xf32, #tpu.memory_space<hbm>>) target_semaphore(%arg20 : memref<!tpu.dma_semaphore, #tpu.memory_space<semaphore_mem>>)
      } else {
      }
      %eq3A_896 = arith.constant 3 : i32
      %eq3A_897 = arith.cmpi eq, %rem3A_499, %eq3A_896 : i32
      %add3A_898 = arith.constant 1 : i32
      %add3A_899 = arith.addi %select_n3A_497, %add3A_898 : i32
      %lt3A_900 = arith.constant 128 : i32
      %lt3A_901 = arith.cmpi slt, %add3A_899, %lt3A_900 : i32
      %and3A_902 = arith.andi %eq3A_897, %lt3A_901 : i1
      %convert_element_type3A_903 = arith.extui %and3A_902 : i1 to i32
      %cond3A_904 = arith.constant 0 : i32
      %cond3A_905 = arith.cmpi ne, %convert_element_type3A_903, %cond3A_904 : i32
      scf.if %cond3A_905 {
        %add3A_907 = arith.constant 1 : i32
        %add3A_908 = arith.addi %select_n3A_497, %add3A_907 : i32
        %add3A_909 = arith.addi %mul3A_2, %add3A_908 : i32
        %dma_wait3A_910 = arith.constant 0 : i32
        %dma_wait3A_911 = tpu.memref_slice %arg2[%add3A_909, %dma_wait3A_910] : memref<4096x1024xf32, #tpu.memory_space<hbm>> -> memref<1x1024xf32, #tpu.memory_space<hbm>>
        %dma_wait3A_912 = tpu.memref_squeeze %dma_wait3A_911 : memref<1x1024xf32, #tpu.memory_space<hbm>> -> memref<1024xf32, #tpu.memory_space<hbm>>
        %dma_wait3A_913 = arith.constant 0 : i32
        %dma_wait3A_914 = tpu.memref_slice %arg2[%add3A_909, %dma_wait3A_913] : memref<4096x1024xf32, #tpu.memory_space<hbm>> -> memref<1x1024xf32, #tpu.memory_space<hbm>>
        %dma_wait3A_915 = tpu.memref_squeeze %dma_wait3A_914 : memref<1x1024xf32, #tpu.memory_space<hbm>> -> memref<1024xf32, #tpu.memory_space<hbm>>
        tpu.wait_dma2 semaphore(%arg18 : memref<!tpu.dma_semaphore, #tpu.memory_space<semaphore_mem>>) src(%dma_wait3A_915 : memref<1024xf32, #tpu.memory_space<hbm>>) dst(%arg10 : memref<1024xf32, #tpu.memory_space<vmem>>)
        %add3A_916 = arith.constant 1 : i32
        %add3A_917 = arith.addi %select_n3A_497, %add3A_916 : i32
        %add3A_918 = arith.addi %mul3A_2, %add3A_917 : i32
        %dma_wait3A_919 = arith.constant 0 : i32
        %dma_wait3A_920 = tpu.memref_slice %arg4[%add3A_918, %dma_wait3A_919] : memref<4096x64xf32, #tpu.memory_space<hbm>> -> memref<1x64xf32, #tpu.memory_space<hbm>>
        %dma_wait3A_921 = tpu.memref_squeeze %dma_wait3A_920 : memref<1x64xf32, #tpu.memory_space<hbm>> -> memref<64xf32, #tpu.memory_space<hbm>>
        %dma_wait3A_922 = arith.constant 0 : i32
        %dma_wait3A_923 = tpu.memref_slice %arg4[%add3A_918, %dma_wait3A_922] : memref<4096x64xf32, #tpu.memory_space<hbm>> -> memref<1x64xf32, #tpu.memory_space<hbm>>
        %dma_wait3A_924 = tpu.memref_squeeze %dma_wait3A_923 : memref<1x64xf32, #tpu.memory_space<hbm>> -> memref<64xf32, #tpu.memory_space<hbm>>
        tpu.wait_dma2 semaphore(%arg19 : memref<!tpu.dma_semaphore, #tpu.memory_space<semaphore_mem>>) src(%dma_wait3A_924 : memref<64xf32, #tpu.memory_space<hbm>>) dst(%arg9 : memref<64xf32, #tpu.memory_space<vmem>>)
      } else {
      }
      %scan3A_906 = arith.constant 0 : i32
      scf.yield %scan3A_906 : i32
    }
    %scan3A_33 = arith.constant 256 : i32
    %add3A_34 = arith.constant 127 : i32
    %add3A_35 = arith.addi %mul3A_2, %add3A_34 : i32
    %dma_wait3A = arith.constant 0 : i32
    %dma_wait3A_36 = tpu.memref_slice %arg7[%add3A_35, %dma_wait3A] : memref<4096x1024xf32, #tpu.memory_space<hbm>> -> memref<1x1024xf32, #tpu.memory_space<hbm>>
    %dma_wait3A_37 = tpu.memref_squeeze %dma_wait3A_36 : memref<1x1024xf32, #tpu.memory_space<hbm>> -> memref<1024xf32, #tpu.memory_space<hbm>>
    %dma_wait3A_38 = arith.constant 0 : i32
    %dma_wait3A_39 = tpu.memref_slice %arg7[%add3A_35, %dma_wait3A_38] : memref<4096x1024xf32, #tpu.memory_space<hbm>> -> memref<1x1024xf32, #tpu.memory_space<hbm>>
    %dma_wait3A_40 = tpu.memref_squeeze %dma_wait3A_39 : memref<1x1024xf32, #tpu.memory_space<hbm>> -> memref<1024xf32, #tpu.memory_space<hbm>>
    tpu.wait_dma2 semaphore(%arg20 : memref<!tpu.dma_semaphore, #tpu.memory_space<semaphore_mem>>) src(%arg13 : memref<1024xf32, #tpu.memory_space<vmem>>) dst(%dma_wait3A_40 : memref<1024xf32, #tpu.memory_space<hbm>>)
    return
  }
}

module attributes {stable_mosaic.version = 14 : i64} {
  func.func @_route_body(%arg0: i32, %arg1: memref<1024x256xf32, #tpu.memory_space<vmem>>, %arg2: memref<1024x1024xf32, #tpu.memory_space<vmem>>, %arg3: memref<2x8x256x64xf32, #tpu.memory_space<vmem>>, %arg4: memref<64x256xi32, #tpu.memory_space<vmem>>, %arg5: memref<64x256xf32, #tpu.memory_space<vmem>>) attributes {dimension_semantics = [#tpu.dimension_semantics<arbitrary>], iteration_bounds = array<i64: 16>, scalar_prefetch = 0 : i64, scratch_operands = 0 : i64, tpu.core_type = #tpu.core_type<tc>, window_params = [{transform_indices = @transform_0, window_bounds = array<i64: 1024, 256>}, {pipeline_mode = #tpu.pipeline_mode<synchronous>, transform_indices = @transform_1, window_bounds = array<i64: 1024, 1024>}, {pipeline_mode = #tpu.pipeline_mode<synchronous>, transform_indices = @transform_2, window_bounds = array<i64: 2, 8, 256, 64>}, {transform_indices = @transform_3, window_bounds = array<i64: 64, 256>}, {transform_indices = @transform_4, window_bounds = array<i64: 64, 256>}]} {
    %get3A = arith.constant 0 : index
    %get3A_0 = arith.constant 0 : index
    %get3A_1 = vector.load %arg1[%get3A, %get3A_0] : memref<1024x256xf32, #tpu.memory_space<vmem>>, vector<1024x256xf32>
    %get3A_2 = arith.constant 0 : index
    %get3A_3 = arith.constant 0 : index
    %get3A_4 = vector.load %arg2[%get3A_2, %get3A_3] : memref<1024x1024xf32, #tpu.memory_space<vmem>>, vector<1024x1024xf32>
    %dot_general3A = arith.constant dense<0.000000e+00> : vector<1024x256xf32>
    %dot_general3A_5 = tpu.matmul %get3A_4, %get3A_1, %dot_general3A {dimension_numbers = #tpu.dot_dimension_numbers<[1], [0], [0], [1], [0, 0, 1, 1], [], []>, transpose_lhs_hint = false} : vector<1024x1024xf32>, vector<1024x256xf32>, vector<1024x256xf32> -> vector<1024x256xf32>
    %slice3A = vector.extract_strided_slice %dot_general3A_5 {offsets = [0, 0], sizes = [64, 256], strides = [1, 1]} : vector<1024x256xf32> to vector<64x256xf32>
    %get3A_6 = arith.constant 0 : index
    %get3A_7 = arith.constant 0 : index
    %get3A_8 = arith.constant 0 : index
    %get3A_9 = arith.constant 0 : index
    %get3A_10 = vector.load %arg3[%get3A_6, %get3A_7, %get3A_8, %get3A_9] : memref<2x8x256x64xf32, #tpu.memory_space<vmem>>, vector<1x1x256x64xf32>
    %get3A_11 = vector.shape_cast %get3A_10 : vector<1x1x256x64xf32> to vector<256x64xf32>
    %dot_general3A_12 = arith.constant dense<0.000000e+00> : vector<256x256xf32>
    %dot_general3A_13 = tpu.matmul %get3A_11, %slice3A, %dot_general3A_12 {dimension_numbers = #tpu.dot_dimension_numbers<[1], [0], [0], [1], [0, 0, 1, 1], [], []>, transpose_lhs_hint = false} : vector<256x64xf32>, vector<64x256xf32>, vector<256x256xf32> -> vector<256x256xf32>
    %slice3A_14 = vector.extract_strided_slice %dot_general3A_5 {offsets = [64, 0], sizes = [64, 256], strides = [1, 1]} : vector<1024x256xf32> to vector<64x256xf32>
    %get3A_15 = arith.constant 0 : index
    %get3A_16 = arith.constant 1 : index
    %get3A_17 = arith.constant 0 : index
    %get3A_18 = arith.constant 0 : index
    %get3A_19 = vector.load %arg3[%get3A_15, %get3A_16, %get3A_17, %get3A_18] : memref<2x8x256x64xf32, #tpu.memory_space<vmem>>, vector<1x1x256x64xf32>
    %get3A_20 = vector.shape_cast %get3A_19 : vector<1x1x256x64xf32> to vector<256x64xf32>
    %dot_general3A_21 = arith.constant dense<0.000000e+00> : vector<256x256xf32>
    %dot_general3A_22 = tpu.matmul %get3A_20, %slice3A_14, %dot_general3A_21 {dimension_numbers = #tpu.dot_dimension_numbers<[1], [0], [0], [1], [0, 0, 1, 1], [], []>, transpose_lhs_hint = false} : vector<256x64xf32>, vector<64x256xf32>, vector<256x256xf32> -> vector<256x256xf32>
    %slice3A_23 = vector.extract_strided_slice %dot_general3A_5 {offsets = [128, 0], sizes = [64, 256], strides = [1, 1]} : vector<1024x256xf32> to vector<64x256xf32>
    %get3A_24 = arith.constant 0 : index
    %get3A_25 = arith.constant 2 : index
    %get3A_26 = arith.constant 0 : index
    %get3A_27 = arith.constant 0 : index
    %get3A_28 = vector.load %arg3[%get3A_24, %get3A_25, %get3A_26, %get3A_27] : memref<2x8x256x64xf32, #tpu.memory_space<vmem>>, vector<1x1x256x64xf32>
    %get3A_29 = vector.shape_cast %get3A_28 : vector<1x1x256x64xf32> to vector<256x64xf32>
    %dot_general3A_30 = arith.constant dense<0.000000e+00> : vector<256x256xf32>
    %dot_general3A_31 = tpu.matmul %get3A_29, %slice3A_23, %dot_general3A_30 {dimension_numbers = #tpu.dot_dimension_numbers<[1], [0], [0], [1], [0, 0, 1, 1], [], []>, transpose_lhs_hint = false} : vector<256x64xf32>, vector<64x256xf32>, vector<256x256xf32> -> vector<256x256xf32>
    %slice3A_32 = vector.extract_strided_slice %dot_general3A_5 {offsets = [192, 0], sizes = [64, 256], strides = [1, 1]} : vector<1024x256xf32> to vector<64x256xf32>
    %get3A_33 = arith.constant 0 : index
    %get3A_34 = arith.constant 3 : index
    %get3A_35 = arith.constant 0 : index
    %get3A_36 = arith.constant 0 : index
    %get3A_37 = vector.load %arg3[%get3A_33, %get3A_34, %get3A_35, %get3A_36] : memref<2x8x256x64xf32, #tpu.memory_space<vmem>>, vector<1x1x256x64xf32>
    %get3A_38 = vector.shape_cast %get3A_37 : vector<1x1x256x64xf32> to vector<256x64xf32>
    %dot_general3A_39 = arith.constant dense<0.000000e+00> : vector<256x256xf32>
    %dot_general3A_40 = tpu.matmul %get3A_38, %slice3A_32, %dot_general3A_39 {dimension_numbers = #tpu.dot_dimension_numbers<[1], [0], [0], [1], [0, 0, 1, 1], [], []>, transpose_lhs_hint = false} : vector<256x64xf32>, vector<64x256xf32>, vector<256x256xf32> -> vector<256x256xf32>
    %slice3A_41 = vector.extract_strided_slice %dot_general3A_5 {offsets = [256, 0], sizes = [64, 256], strides = [1, 1]} : vector<1024x256xf32> to vector<64x256xf32>
    %get3A_42 = arith.constant 0 : index
    %get3A_43 = arith.constant 4 : index
    %get3A_44 = arith.constant 0 : index
    %get3A_45 = arith.constant 0 : index
    %get3A_46 = vector.load %arg3[%get3A_42, %get3A_43, %get3A_44, %get3A_45] : memref<2x8x256x64xf32, #tpu.memory_space<vmem>>, vector<1x1x256x64xf32>
    %get3A_47 = vector.shape_cast %get3A_46 : vector<1x1x256x64xf32> to vector<256x64xf32>
    %dot_general3A_48 = arith.constant dense<0.000000e+00> : vector<256x256xf32>
    %dot_general3A_49 = tpu.matmul %get3A_47, %slice3A_41, %dot_general3A_48 {dimension_numbers = #tpu.dot_dimension_numbers<[1], [0], [0], [1], [0, 0, 1, 1], [], []>, transpose_lhs_hint = false} : vector<256x64xf32>, vector<64x256xf32>, vector<256x256xf32> -> vector<256x256xf32>
    %slice3A_50 = vector.extract_strided_slice %dot_general3A_5 {offsets = [320, 0], sizes = [64, 256], strides = [1, 1]} : vector<1024x256xf32> to vector<64x256xf32>
    %get3A_51 = arith.constant 0 : index
    %get3A_52 = arith.constant 5 : index
    %get3A_53 = arith.constant 0 : index
    %get3A_54 = arith.constant 0 : index
    %get3A_55 = vector.load %arg3[%get3A_51, %get3A_52, %get3A_53, %get3A_54] : memref<2x8x256x64xf32, #tpu.memory_space<vmem>>, vector<1x1x256x64xf32>
    %get3A_56 = vector.shape_cast %get3A_55 : vector<1x1x256x64xf32> to vector<256x64xf32>
    %dot_general3A_57 = arith.constant dense<0.000000e+00> : vector<256x256xf32>
    %dot_general3A_58 = tpu.matmul %get3A_56, %slice3A_50, %dot_general3A_57 {dimension_numbers = #tpu.dot_dimension_numbers<[1], [0], [0], [1], [0, 0, 1, 1], [], []>, transpose_lhs_hint = false} : vector<256x64xf32>, vector<64x256xf32>, vector<256x256xf32> -> vector<256x256xf32>
    %slice3A_59 = vector.extract_strided_slice %dot_general3A_5 {offsets = [384, 0], sizes = [64, 256], strides = [1, 1]} : vector<1024x256xf32> to vector<64x256xf32>
    %get3A_60 = arith.constant 0 : index
    %get3A_61 = arith.constant 6 : index
    %get3A_62 = arith.constant 0 : index
    %get3A_63 = arith.constant 0 : index
    %get3A_64 = vector.load %arg3[%get3A_60, %get3A_61, %get3A_62, %get3A_63] : memref<2x8x256x64xf32, #tpu.memory_space<vmem>>, vector<1x1x256x64xf32>
    %get3A_65 = vector.shape_cast %get3A_64 : vector<1x1x256x64xf32> to vector<256x64xf32>
    %dot_general3A_66 = arith.constant dense<0.000000e+00> : vector<256x256xf32>
    %dot_general3A_67 = tpu.matmul %get3A_65, %slice3A_59, %dot_general3A_66 {dimension_numbers = #tpu.dot_dimension_numbers<[1], [0], [0], [1], [0, 0, 1, 1], [], []>, transpose_lhs_hint = false} : vector<256x64xf32>, vector<64x256xf32>, vector<256x256xf32> -> vector<256x256xf32>
    %slice3A_68 = vector.extract_strided_slice %dot_general3A_5 {offsets = [448, 0], sizes = [64, 256], strides = [1, 1]} : vector<1024x256xf32> to vector<64x256xf32>
    %get3A_69 = arith.constant 0 : index
    %get3A_70 = arith.constant 7 : index
    %get3A_71 = arith.constant 0 : index
    %get3A_72 = arith.constant 0 : index
    %get3A_73 = vector.load %arg3[%get3A_69, %get3A_70, %get3A_71, %get3A_72] : memref<2x8x256x64xf32, #tpu.memory_space<vmem>>, vector<1x1x256x64xf32>
    %get3A_74 = vector.shape_cast %get3A_73 : vector<1x1x256x64xf32> to vector<256x64xf32>
    %dot_general3A_75 = arith.constant dense<0.000000e+00> : vector<256x256xf32>
    %dot_general3A_76 = tpu.matmul %get3A_74, %slice3A_68, %dot_general3A_75 {dimension_numbers = #tpu.dot_dimension_numbers<[1], [0], [0], [1], [0, 0, 1, 1], [], []>, transpose_lhs_hint = false} : vector<256x64xf32>, vector<64x256xf32>, vector<256x256xf32> -> vector<256x256xf32>
    %slice3A_77 = vector.extract_strided_slice %dot_general3A_5 {offsets = [512, 0], sizes = [64, 256], strides = [1, 1]} : vector<1024x256xf32> to vector<64x256xf32>
    %get3A_78 = arith.constant 1 : index
    %get3A_79 = arith.constant 0 : index
    %get3A_80 = arith.constant 0 : index
    %get3A_81 = arith.constant 0 : index
    %get3A_82 = vector.load %arg3[%get3A_78, %get3A_79, %get3A_80, %get3A_81] : memref<2x8x256x64xf32, #tpu.memory_space<vmem>>, vector<1x1x256x64xf32>
    %get3A_83 = vector.shape_cast %get3A_82 : vector<1x1x256x64xf32> to vector<256x64xf32>
    %dot_general3A_84 = arith.constant dense<0.000000e+00> : vector<256x256xf32>
    %dot_general3A_85 = tpu.matmul %get3A_83, %slice3A_77, %dot_general3A_84 {dimension_numbers = #tpu.dot_dimension_numbers<[1], [0], [0], [1], [0, 0, 1, 1], [], []>, transpose_lhs_hint = false} : vector<256x64xf32>, vector<64x256xf32>, vector<256x256xf32> -> vector<256x256xf32>
    %slice3A_86 = vector.extract_strided_slice %dot_general3A_5 {offsets = [576, 0], sizes = [64, 256], strides = [1, 1]} : vector<1024x256xf32> to vector<64x256xf32>
    %get3A_87 = arith.constant 1 : index
    %get3A_88 = arith.constant 1 : index
    %get3A_89 = arith.constant 0 : index
    %get3A_90 = arith.constant 0 : index
    %get3A_91 = vector.load %arg3[%get3A_87, %get3A_88, %get3A_89, %get3A_90] : memref<2x8x256x64xf32, #tpu.memory_space<vmem>>, vector<1x1x256x64xf32>
    %get3A_92 = vector.shape_cast %get3A_91 : vector<1x1x256x64xf32> to vector<256x64xf32>
    %dot_general3A_93 = arith.constant dense<0.000000e+00> : vector<256x256xf32>
    %dot_general3A_94 = tpu.matmul %get3A_92, %slice3A_86, %dot_general3A_93 {dimension_numbers = #tpu.dot_dimension_numbers<[1], [0], [0], [1], [0, 0, 1, 1], [], []>, transpose_lhs_hint = false} : vector<256x64xf32>, vector<64x256xf32>, vector<256x256xf32> -> vector<256x256xf32>
    %slice3A_95 = vector.extract_strided_slice %dot_general3A_5 {offsets = [640, 0], sizes = [64, 256], strides = [1, 1]} : vector<1024x256xf32> to vector<64x256xf32>
    %get3A_96 = arith.constant 1 : index
    %get3A_97 = arith.constant 2 : index
    %get3A_98 = arith.constant 0 : index
    %get3A_99 = arith.constant 0 : index
    %get3A_100 = vector.load %arg3[%get3A_96, %get3A_97, %get3A_98, %get3A_99] : memref<2x8x256x64xf32, #tpu.memory_space<vmem>>, vector<1x1x256x64xf32>
    %get3A_101 = vector.shape_cast %get3A_100 : vector<1x1x256x64xf32> to vector<256x64xf32>
    %dot_general3A_102 = arith.constant dense<0.000000e+00> : vector<256x256xf32>
    %dot_general3A_103 = tpu.matmul %get3A_101, %slice3A_95, %dot_general3A_102 {dimension_numbers = #tpu.dot_dimension_numbers<[1], [0], [0], [1], [0, 0, 1, 1], [], []>, transpose_lhs_hint = false} : vector<256x64xf32>, vector<64x256xf32>, vector<256x256xf32> -> vector<256x256xf32>
    %slice3A_104 = vector.extract_strided_slice %dot_general3A_5 {offsets = [704, 0], sizes = [64, 256], strides = [1, 1]} : vector<1024x256xf32> to vector<64x256xf32>
    %get3A_105 = arith.constant 1 : index
    %get3A_106 = arith.constant 3 : index
    %get3A_107 = arith.constant 0 : index
    %get3A_108 = arith.constant 0 : index
    %get3A_109 = vector.load %arg3[%get3A_105, %get3A_106, %get3A_107, %get3A_108] : memref<2x8x256x64xf32, #tpu.memory_space<vmem>>, vector<1x1x256x64xf32>
    %get3A_110 = vector.shape_cast %get3A_109 : vector<1x1x256x64xf32> to vector<256x64xf32>
    %dot_general3A_111 = arith.constant dense<0.000000e+00> : vector<256x256xf32>
    %dot_general3A_112 = tpu.matmul %get3A_110, %slice3A_104, %dot_general3A_111 {dimension_numbers = #tpu.dot_dimension_numbers<[1], [0], [0], [1], [0, 0, 1, 1], [], []>, transpose_lhs_hint = false} : vector<256x64xf32>, vector<64x256xf32>, vector<256x256xf32> -> vector<256x256xf32>
    %slice3A_113 = vector.extract_strided_slice %dot_general3A_5 {offsets = [768, 0], sizes = [64, 256], strides = [1, 1]} : vector<1024x256xf32> to vector<64x256xf32>
    %get3A_114 = arith.constant 1 : index
    %get3A_115 = arith.constant 4 : index
    %get3A_116 = arith.constant 0 : index
    %get3A_117 = arith.constant 0 : index
    %get3A_118 = vector.load %arg3[%get3A_114, %get3A_115, %get3A_116, %get3A_117] : memref<2x8x256x64xf32, #tpu.memory_space<vmem>>, vector<1x1x256x64xf32>
    %get3A_119 = vector.shape_cast %get3A_118 : vector<1x1x256x64xf32> to vector<256x64xf32>
    %dot_general3A_120 = arith.constant dense<0.000000e+00> : vector<256x256xf32>
    %dot_general3A_121 = tpu.matmul %get3A_119, %slice3A_113, %dot_general3A_120 {dimension_numbers = #tpu.dot_dimension_numbers<[1], [0], [0], [1], [0, 0, 1, 1], [], []>, transpose_lhs_hint = false} : vector<256x64xf32>, vector<64x256xf32>, vector<256x256xf32> -> vector<256x256xf32>
    %slice3A_122 = vector.extract_strided_slice %dot_general3A_5 {offsets = [832, 0], sizes = [64, 256], strides = [1, 1]} : vector<1024x256xf32> to vector<64x256xf32>
    %get3A_123 = arith.constant 1 : index
    %get3A_124 = arith.constant 5 : index
    %get3A_125 = arith.constant 0 : index
    %get3A_126 = arith.constant 0 : index
    %get3A_127 = vector.load %arg3[%get3A_123, %get3A_124, %get3A_125, %get3A_126] : memref<2x8x256x64xf32, #tpu.memory_space<vmem>>, vector<1x1x256x64xf32>
    %get3A_128 = vector.shape_cast %get3A_127 : vector<1x1x256x64xf32> to vector<256x64xf32>
    %dot_general3A_129 = arith.constant dense<0.000000e+00> : vector<256x256xf32>
    %dot_general3A_130 = tpu.matmul %get3A_128, %slice3A_122, %dot_general3A_129 {dimension_numbers = #tpu.dot_dimension_numbers<[1], [0], [0], [1], [0, 0, 1, 1], [], []>, transpose_lhs_hint = false} : vector<256x64xf32>, vector<64x256xf32>, vector<256x256xf32> -> vector<256x256xf32>
    %slice3A_131 = vector.extract_strided_slice %dot_general3A_5 {offsets = [896, 0], sizes = [64, 256], strides = [1, 1]} : vector<1024x256xf32> to vector<64x256xf32>
    %get3A_132 = arith.constant 1 : index
    %get3A_133 = arith.constant 6 : index
    %get3A_134 = arith.constant 0 : index
    %get3A_135 = arith.constant 0 : index
    %get3A_136 = vector.load %arg3[%get3A_132, %get3A_133, %get3A_134, %get3A_135] : memref<2x8x256x64xf32, #tpu.memory_space<vmem>>, vector<1x1x256x64xf32>
    %get3A_137 = vector.shape_cast %get3A_136 : vector<1x1x256x64xf32> to vector<256x64xf32>
    %dot_general3A_138 = arith.constant dense<0.000000e+00> : vector<256x256xf32>
    %dot_general3A_139 = tpu.matmul %get3A_137, %slice3A_131, %dot_general3A_138 {dimension_numbers = #tpu.dot_dimension_numbers<[1], [0], [0], [1], [0, 0, 1, 1], [], []>, transpose_lhs_hint = false} : vector<256x64xf32>, vector<64x256xf32>, vector<256x256xf32> -> vector<256x256xf32>
    %slice3A_140 = vector.extract_strided_slice %dot_general3A_5 {offsets = [960, 0], sizes = [64, 256], strides = [1, 1]} : vector<1024x256xf32> to vector<64x256xf32>
    %get3A_141 = arith.constant 1 : index
    %get3A_142 = arith.constant 7 : index
    %get3A_143 = arith.constant 0 : index
    %get3A_144 = arith.constant 0 : index
    %get3A_145 = vector.load %arg3[%get3A_141, %get3A_142, %get3A_143, %get3A_144] : memref<2x8x256x64xf32, #tpu.memory_space<vmem>>, vector<1x1x256x64xf32>
    %get3A_146 = vector.shape_cast %get3A_145 : vector<1x1x256x64xf32> to vector<256x64xf32>
    %dot_general3A_147 = arith.constant dense<0.000000e+00> : vector<256x256xf32>
    %dot_general3A_148 = tpu.matmul %get3A_146, %slice3A_140, %dot_general3A_147 {dimension_numbers = #tpu.dot_dimension_numbers<[1], [0], [0], [1], [0, 0, 1, 1], [], []>, transpose_lhs_hint = false} : vector<256x64xf32>, vector<64x256xf32>, vector<256x256xf32> -> vector<256x256xf32>
    %stack3A = vector.shape_cast %dot_general3A_13 : vector<256x256xf32> to vector<1x256x256xf32>
    %stack3A_149 = vector.shape_cast %dot_general3A_22 : vector<256x256xf32> to vector<1x256x256xf32>
    %stack3A_150 = vector.shape_cast %dot_general3A_31 : vector<256x256xf32> to vector<1x256x256xf32>
    %stack3A_151 = vector.shape_cast %dot_general3A_40 : vector<256x256xf32> to vector<1x256x256xf32>
    %stack3A_152 = vector.shape_cast %dot_general3A_49 : vector<256x256xf32> to vector<1x256x256xf32>
    %stack3A_153 = vector.shape_cast %dot_general3A_58 : vector<256x256xf32> to vector<1x256x256xf32>
    %stack3A_154 = vector.shape_cast %dot_general3A_67 : vector<256x256xf32> to vector<1x256x256xf32>
    %stack3A_155 = vector.shape_cast %dot_general3A_76 : vector<256x256xf32> to vector<1x256x256xf32>
    %stack3A_156 = vector.shape_cast %dot_general3A_85 : vector<256x256xf32> to vector<1x256x256xf32>
    %stack3A_157 = vector.shape_cast %dot_general3A_94 : vector<256x256xf32> to vector<1x256x256xf32>
    %stack3A_158 = vector.shape_cast %dot_general3A_103 : vector<256x256xf32> to vector<1x256x256xf32>
    %stack3A_159 = vector.shape_cast %dot_general3A_112 : vector<256x256xf32> to vector<1x256x256xf32>
    %stack3A_160 = vector.shape_cast %dot_general3A_121 : vector<256x256xf32> to vector<1x256x256xf32>
    %stack3A_161 = vector.shape_cast %dot_general3A_130 : vector<256x256xf32> to vector<1x256x256xf32>
    %stack3A_162 = vector.shape_cast %dot_general3A_139 : vector<256x256xf32> to vector<1x256x256xf32>
    %stack3A_163 = vector.shape_cast %dot_general3A_148 : vector<256x256xf32> to vector<1x256x256xf32>
    %stack3A_164 = tpu.concatenate %stack3A, %stack3A_149, %stack3A_150, %stack3A_151, %stack3A_152, %stack3A_153, %stack3A_154, %stack3A_155, %stack3A_156, %stack3A_157, %stack3A_158, %stack3A_159, %stack3A_160, %stack3A_161, %stack3A_162, %stack3A_163 in 0 : vector<1x256x256xf32>, vector<1x256x256xf32>, vector<1x256x256xf32>, vector<1x256x256xf32>, vector<1x256x256xf32>, vector<1x256x256xf32>, vector<1x256x256xf32>, vector<1x256x256xf32>, vector<1x256x256xf32>, vector<1x256x256xf32>, vector<1x256x256xf32>, vector<1x256x256xf32>, vector<1x256x256xf32>, vector<1x256x256xf32>, vector<1x256x256xf32>, vector<1x256x256xf32> -> vector<16x256x256xf32>
    %iota3A = tpu.iota {dimensions = array<i32: 1>} : vector<16x256x256xi32>
    %reduce_max3A = arith.constant dense<0xFF800000> : vector<16x256xf32>
    %reduce_max3A_165 = vector.multi_reduction <maximumf>, %stack3A_164, %reduce_max3A [1] : vector<16x256x256xf32> to vector<16x256xf32>
    %broadcast_in_dim3A = vector.shape_cast %reduce_max3A_165 : vector<16x256xf32> to vector<16x1x256xf32>
    %eq3A = vector.broadcast %broadcast_in_dim3A : vector<16x1x256xf32> to vector<16x256x256xf32>
    %eq3A_166 = arith.cmpf oeq, %stack3A_164, %eq3A : vector<16x256x256xf32>
    %jit3A = arith.constant 256 : i32
    %broadcast_in_dim3A_167 = vector.broadcast %jit3A : i32 to vector<16x256x256xi32>
    %select_n3A = arith.select %eq3A_166, %iota3A, %broadcast_in_dim3A_167 : vector<16x256x256xi1>, vector<16x256x256xi32>
    %reduce_min3A = arith.constant dense<2147483647> : vector<16x256xi32>
    %reduce_min3A_168 = vector.multi_reduction <minsi>, %select_n3A, %reduce_min3A [1] : vector<16x256x256xi32> to vector<16x256xi32>
    %broadcast_in_dim3A_169 = vector.shape_cast %reduce_min3A_168 : vector<16x256xi32> to vector<16x1x256xi32>
    %eq3A_170 = vector.broadcast %broadcast_in_dim3A_169 : vector<16x1x256xi32> to vector<16x256x256xi32>
    %eq3A_171 = arith.cmpi eq, %iota3A, %eq3A_170 : vector<16x256x256xi32>
    %jit3A_172 = arith.constant -3.000000e+38 : f32
    %broadcast_in_dim3A_173 = vector.broadcast %jit3A_172 : f32 to vector<16x256x256xf32>
    %select_n3A_174 = arith.select %eq3A_171, %broadcast_in_dim3A_173, %stack3A_164 : vector<16x256x256xi1>, vector<16x256x256xf32>
    %reduce_max3A_175 = arith.constant dense<0xFF800000> : vector<16x256xf32>
    %reduce_max3A_176 = vector.multi_reduction <maximumf>, %select_n3A_174, %reduce_max3A_175 [1] : vector<16x256x256xf32> to vector<16x256xf32>
    %broadcast_in_dim3A_177 = vector.shape_cast %reduce_max3A_176 : vector<16x256xf32> to vector<16x1x256xf32>
    %eq3A_178 = vector.broadcast %broadcast_in_dim3A_177 : vector<16x1x256xf32> to vector<16x256x256xf32>
    %eq3A_179 = arith.cmpf oeq, %select_n3A_174, %eq3A_178 : vector<16x256x256xf32>
    %jit3A_180 = arith.constant 256 : i32
    %broadcast_in_dim3A_181 = vector.broadcast %jit3A_180 : i32 to vector<16x256x256xi32>
    %select_n3A_182 = arith.select %eq3A_179, %iota3A, %broadcast_in_dim3A_181 : vector<16x256x256xi1>, vector<16x256x256xi32>
    %reduce_min3A_183 = arith.constant dense<2147483647> : vector<16x256xi32>
    %reduce_min3A_184 = vector.multi_reduction <minsi>, %select_n3A_182, %reduce_min3A_183 [1] : vector<16x256x256xi32> to vector<16x256xi32>
    %broadcast_in_dim3A_185 = vector.shape_cast %reduce_min3A_184 : vector<16x256xi32> to vector<16x1x256xi32>
    %eq3A_186 = vector.broadcast %broadcast_in_dim3A_185 : vector<16x1x256xi32> to vector<16x256x256xi32>
    %eq3A_187 = arith.cmpi eq, %iota3A, %eq3A_186 : vector<16x256x256xi32>
    %jit3A_188 = arith.constant -3.000000e+38 : f32
    %broadcast_in_dim3A_189 = vector.broadcast %jit3A_188 : f32 to vector<16x256x256xf32>
    %select_n3A_190 = arith.select %eq3A_187, %broadcast_in_dim3A_189, %select_n3A_174 : vector<16x256x256xi1>, vector<16x256x256xf32>
    %reduce_max3A_191 = arith.constant dense<0xFF800000> : vector<16x256xf32>
    %reduce_max3A_192 = vector.multi_reduction <maximumf>, %select_n3A_190, %reduce_max3A_191 [1] : vector<16x256x256xf32> to vector<16x256xf32>
    %broadcast_in_dim3A_193 = vector.shape_cast %reduce_max3A_192 : vector<16x256xf32> to vector<16x1x256xf32>
    %eq3A_194 = vector.broadcast %broadcast_in_dim3A_193 : vector<16x1x256xf32> to vector<16x256x256xf32>
    %eq3A_195 = arith.cmpf oeq, %select_n3A_190, %eq3A_194 : vector<16x256x256xf32>
    %jit3A_196 = arith.constant 256 : i32
    %broadcast_in_dim3A_197 = vector.broadcast %jit3A_196 : i32 to vector<16x256x256xi32>
    %select_n3A_198 = arith.select %eq3A_195, %iota3A, %broadcast_in_dim3A_197 : vector<16x256x256xi1>, vector<16x256x256xi32>
    %reduce_min3A_199 = arith.constant dense<2147483647> : vector<16x256xi32>
    %reduce_min3A_200 = vector.multi_reduction <minsi>, %select_n3A_198, %reduce_min3A_199 [1] : vector<16x256x256xi32> to vector<16x256xi32>
    %broadcast_in_dim3A_201 = vector.shape_cast %reduce_min3A_200 : vector<16x256xi32> to vector<16x1x256xi32>
    %eq3A_202 = vector.broadcast %broadcast_in_dim3A_201 : vector<16x1x256xi32> to vector<16x256x256xi32>
    %eq3A_203 = arith.cmpi eq, %iota3A, %eq3A_202 : vector<16x256x256xi32>
    %jit3A_204 = arith.constant -3.000000e+38 : f32
    %broadcast_in_dim3A_205 = vector.broadcast %jit3A_204 : f32 to vector<16x256x256xf32>
    %select_n3A_206 = arith.select %eq3A_203, %broadcast_in_dim3A_205, %select_n3A_190 : vector<16x256x256xi1>, vector<16x256x256xf32>
    %reduce_max3A_207 = arith.constant dense<0xFF800000> : vector<16x256xf32>
    %reduce_max3A_208 = vector.multi_reduction <maximumf>, %select_n3A_206, %reduce_max3A_207 [1] : vector<16x256x256xf32> to vector<16x256xf32>
    %broadcast_in_dim3A_209 = vector.shape_cast %reduce_max3A_208 : vector<16x256xf32> to vector<16x1x256xf32>
    %eq3A_210 = vector.broadcast %broadcast_in_dim3A_209 : vector<16x1x256xf32> to vector<16x256x256xf32>
    %eq3A_211 = arith.cmpf oeq, %select_n3A_206, %eq3A_210 : vector<16x256x256xf32>
    %jit3A_212 = arith.constant 256 : i32
    %broadcast_in_dim3A_213 = vector.broadcast %jit3A_212 : i32 to vector<16x256x256xi32>
    %select_n3A_214 = arith.select %eq3A_211, %iota3A, %broadcast_in_dim3A_213 : vector<16x256x256xi1>, vector<16x256x256xi32>
    %reduce_min3A_215 = arith.constant dense<2147483647> : vector<16x256xi32>
    %reduce_min3A_216 = vector.multi_reduction <minsi>, %select_n3A_214, %reduce_min3A_215 [1] : vector<16x256x256xi32> to vector<16x256xi32>
    %broadcast_in_dim3A_217 = vector.shape_cast %reduce_min3A_216 : vector<16x256xi32> to vector<16x1x256xi32>
    %eq3A_218 = vector.broadcast %broadcast_in_dim3A_217 : vector<16x1x256xi32> to vector<16x256x256xi32>
    %eq3A_219 = arith.cmpi eq, %iota3A, %eq3A_218 : vector<16x256x256xi32>
    %jit3A_220 = arith.constant -3.000000e+38 : f32
    %broadcast_in_dim3A_221 = vector.broadcast %jit3A_220 : f32 to vector<16x256x256xf32>
    %select_n3A_222 = arith.select %eq3A_219, %broadcast_in_dim3A_221, %select_n3A_206 : vector<16x256x256xi1>, vector<16x256x256xf32>
    %reduce_max3A_223 = arith.constant dense<0xFF800000> : vector<16x256xf32>
    %reduce_max3A_224 = vector.multi_reduction <maximumf>, %select_n3A_222, %reduce_max3A_223 [1] : vector<16x256x256xf32> to vector<16x256xf32>
    %broadcast_in_dim3A_225 = vector.shape_cast %reduce_max3A_224 : vector<16x256xf32> to vector<16x1x256xf32>
    %eq3A_226 = vector.broadcast %broadcast_in_dim3A_225 : vector<16x1x256xf32> to vector<16x256x256xf32>
    %eq3A_227 = arith.cmpf oeq, %select_n3A_222, %eq3A_226 : vector<16x256x256xf32>
    %jit3A_228 = arith.constant 256 : i32
    %broadcast_in_dim3A_229 = vector.broadcast %jit3A_228 : i32 to vector<16x256x256xi32>
    %select_n3A_230 = arith.select %eq3A_227, %iota3A, %broadcast_in_dim3A_229 : vector<16x256x256xi1>, vector<16x256x256xi32>
    %reduce_min3A_231 = arith.constant dense<2147483647> : vector<16x256xi32>
    %reduce_min3A_232 = vector.multi_reduction <minsi>, %select_n3A_230, %reduce_min3A_231 [1] : vector<16x256x256xi32> to vector<16x256xi32>
    %broadcast_in_dim3A_233 = vector.shape_cast %reduce_min3A_232 : vector<16x256xi32> to vector<16x1x256xi32>
    %eq3A_234 = vector.broadcast %broadcast_in_dim3A_233 : vector<16x1x256xi32> to vector<16x256x256xi32>
    %eq3A_235 = arith.cmpi eq, %iota3A, %eq3A_234 : vector<16x256x256xi32>
    %jit3A_236 = arith.constant -3.000000e+38 : f32
    %broadcast_in_dim3A_237 = vector.broadcast %jit3A_236 : f32 to vector<16x256x256xf32>
    %select_n3A_238 = arith.select %eq3A_235, %broadcast_in_dim3A_237, %select_n3A_222 : vector<16x256x256xi1>, vector<16x256x256xf32>
    %reduce_max3A_239 = arith.constant dense<0xFF800000> : vector<16x256xf32>
    %reduce_max3A_240 = vector.multi_reduction <maximumf>, %select_n3A_238, %reduce_max3A_239 [1] : vector<16x256x256xf32> to vector<16x256xf32>
    %broadcast_in_dim3A_241 = vector.shape_cast %reduce_max3A_240 : vector<16x256xf32> to vector<16x1x256xf32>
    %eq3A_242 = vector.broadcast %broadcast_in_dim3A_241 : vector<16x1x256xf32> to vector<16x256x256xf32>
    %eq3A_243 = arith.cmpf oeq, %select_n3A_238, %eq3A_242 : vector<16x256x256xf32>
    %jit3A_244 = arith.constant 256 : i32
    %broadcast_in_dim3A_245 = vector.broadcast %jit3A_244 : i32 to vector<16x256x256xi32>
    %select_n3A_246 = arith.select %eq3A_243, %iota3A, %broadcast_in_dim3A_245 : vector<16x256x256xi1>, vector<16x256x256xi32>
    %reduce_min3A_247 = arith.constant dense<2147483647> : vector<16x256xi32>
    %reduce_min3A_248 = vector.multi_reduction <minsi>, %select_n3A_246, %reduce_min3A_247 [1] : vector<16x256x256xi32> to vector<16x256xi32>
    %broadcast_in_dim3A_249 = vector.shape_cast %reduce_min3A_248 : vector<16x256xi32> to vector<16x1x256xi32>
    %eq3A_250 = vector.broadcast %broadcast_in_dim3A_249 : vector<16x1x256xi32> to vector<16x256x256xi32>
    %eq3A_251 = arith.cmpi eq, %iota3A, %eq3A_250 : vector<16x256x256xi32>
    %jit3A_252 = arith.constant -3.000000e+38 : f32
    %broadcast_in_dim3A_253 = vector.broadcast %jit3A_252 : f32 to vector<16x256x256xf32>
    %select_n3A_254 = arith.select %eq3A_251, %broadcast_in_dim3A_253, %select_n3A_238 : vector<16x256x256xi1>, vector<16x256x256xf32>
    %reduce_max3A_255 = arith.constant dense<0xFF800000> : vector<16x256xf32>
    %reduce_max3A_256 = vector.multi_reduction <maximumf>, %select_n3A_254, %reduce_max3A_255 [1] : vector<16x256x256xf32> to vector<16x256xf32>
    %broadcast_in_dim3A_257 = vector.shape_cast %reduce_max3A_256 : vector<16x256xf32> to vector<16x1x256xf32>
    %eq3A_258 = vector.broadcast %broadcast_in_dim3A_257 : vector<16x1x256xf32> to vector<16x256x256xf32>
    %eq3A_259 = arith.cmpf oeq, %select_n3A_254, %eq3A_258 : vector<16x256x256xf32>
    %jit3A_260 = arith.constant 256 : i32
    %broadcast_in_dim3A_261 = vector.broadcast %jit3A_260 : i32 to vector<16x256x256xi32>
    %select_n3A_262 = arith.select %eq3A_259, %iota3A, %broadcast_in_dim3A_261 : vector<16x256x256xi1>, vector<16x256x256xi32>
    %reduce_min3A_263 = arith.constant dense<2147483647> : vector<16x256xi32>
    %reduce_min3A_264 = vector.multi_reduction <minsi>, %select_n3A_262, %reduce_min3A_263 [1] : vector<16x256x256xi32> to vector<16x256xi32>
    %broadcast_in_dim3A_265 = vector.shape_cast %reduce_min3A_264 : vector<16x256xi32> to vector<16x1x256xi32>
    %eq3A_266 = vector.broadcast %broadcast_in_dim3A_265 : vector<16x1x256xi32> to vector<16x256x256xi32>
    %eq3A_267 = arith.cmpi eq, %iota3A, %eq3A_266 : vector<16x256x256xi32>
    %jit3A_268 = arith.constant -3.000000e+38 : f32
    %broadcast_in_dim3A_269 = vector.broadcast %jit3A_268 : f32 to vector<16x256x256xf32>
    %select_n3A_270 = arith.select %eq3A_267, %broadcast_in_dim3A_269, %select_n3A_254 : vector<16x256x256xi1>, vector<16x256x256xf32>
    %reduce_max3A_271 = arith.constant dense<0xFF800000> : vector<16x256xf32>
    %reduce_max3A_272 = vector.multi_reduction <maximumf>, %select_n3A_270, %reduce_max3A_271 [1] : vector<16x256x256xf32> to vector<16x256xf32>
    %broadcast_in_dim3A_273 = vector.shape_cast %reduce_max3A_272 : vector<16x256xf32> to vector<16x1x256xf32>
    %eq3A_274 = vector.broadcast %broadcast_in_dim3A_273 : vector<16x1x256xf32> to vector<16x256x256xf32>
    %eq3A_275 = arith.cmpf oeq, %select_n3A_270, %eq3A_274 : vector<16x256x256xf32>
    %jit3A_276 = arith.constant 256 : i32
    %broadcast_in_dim3A_277 = vector.broadcast %jit3A_276 : i32 to vector<16x256x256xi32>
    %select_n3A_278 = arith.select %eq3A_275, %iota3A, %broadcast_in_dim3A_277 : vector<16x256x256xi1>, vector<16x256x256xi32>
    %reduce_min3A_279 = arith.constant dense<2147483647> : vector<16x256xi32>
    %reduce_min3A_280 = vector.multi_reduction <minsi>, %select_n3A_278, %reduce_min3A_279 [1] : vector<16x256x256xi32> to vector<16x256xi32>
    %stack3A_281 = vector.shape_cast %reduce_max3A_165 : vector<16x256xf32> to vector<16x1x256xf32>
    %stack3A_282 = vector.shape_cast %reduce_max3A_176 : vector<16x256xf32> to vector<16x1x256xf32>
    %stack3A_283 = vector.shape_cast %reduce_max3A_192 : vector<16x256xf32> to vector<16x1x256xf32>
    %stack3A_284 = vector.shape_cast %reduce_max3A_208 : vector<16x256xf32> to vector<16x1x256xf32>
    %stack3A_285 = vector.shape_cast %reduce_max3A_224 : vector<16x256xf32> to vector<16x1x256xf32>
    %stack3A_286 = vector.shape_cast %reduce_max3A_240 : vector<16x256xf32> to vector<16x1x256xf32>
    %stack3A_287 = vector.shape_cast %reduce_max3A_256 : vector<16x256xf32> to vector<16x1x256xf32>
    %stack3A_288 = vector.shape_cast %reduce_max3A_272 : vector<16x256xf32> to vector<16x1x256xf32>
    %stack3A_289 = tpu.concatenate %stack3A_281, %stack3A_282, %stack3A_283, %stack3A_284, %stack3A_285, %stack3A_286, %stack3A_287, %stack3A_288 in 1 : vector<16x1x256xf32>, vector<16x1x256xf32>, vector<16x1x256xf32>, vector<16x1x256xf32>, vector<16x1x256xf32>, vector<16x1x256xf32>, vector<16x1x256xf32>, vector<16x1x256xf32> -> vector<16x8x256xf32>
    %stack3A_290 = vector.shape_cast %reduce_min3A_168 : vector<16x256xi32> to vector<16x1x256xi32>
    %stack3A_291 = vector.shape_cast %reduce_min3A_184 : vector<16x256xi32> to vector<16x1x256xi32>
    %stack3A_292 = vector.shape_cast %reduce_min3A_200 : vector<16x256xi32> to vector<16x1x256xi32>
    %stack3A_293 = vector.shape_cast %reduce_min3A_216 : vector<16x256xi32> to vector<16x1x256xi32>
    %stack3A_294 = vector.shape_cast %reduce_min3A_232 : vector<16x256xi32> to vector<16x1x256xi32>
    %stack3A_295 = vector.shape_cast %reduce_min3A_248 : vector<16x256xi32> to vector<16x1x256xi32>
    %stack3A_296 = vector.shape_cast %reduce_min3A_264 : vector<16x256xi32> to vector<16x1x256xi32>
    %stack3A_297 = vector.shape_cast %reduce_min3A_280 : vector<16x256xi32> to vector<16x1x256xi32>
    %stack3A_298 = tpu.concatenate %stack3A_290, %stack3A_291, %stack3A_292, %stack3A_293, %stack3A_294, %stack3A_295, %stack3A_296, %stack3A_297 in 1 : vector<16x1x256xi32>, vector<16x1x256xi32>, vector<16x1x256xi32>, vector<16x1x256xi32>, vector<16x1x256xi32>, vector<16x1x256xi32>, vector<16x1x256xi32>, vector<16x1x256xi32> -> vector<16x8x256xi32>
    %slice3A_299 = vector.extract_strided_slice %stack3A_289 {offsets = [0, 0, 0], sizes = [8, 8, 256], strides = [1, 1, 1]} : vector<16x8x256xf32> to vector<8x8x256xf32>
    %slice3A_300 = vector.extract_strided_slice %stack3A_289 {offsets = [8, 0, 0], sizes = [8, 8, 256], strides = [1, 1, 1]} : vector<16x8x256xf32> to vector<8x8x256xf32>
    %slice3A_301 = vector.extract_strided_slice %stack3A_298 {offsets = [0, 0, 0], sizes = [8, 8, 256], strides = [1, 1, 1]} : vector<16x8x256xi32> to vector<8x8x256xi32>
    %slice3A_302 = vector.extract_strided_slice %stack3A_298 {offsets = [8, 0, 0], sizes = [8, 8, 256], strides = [1, 1, 1]} : vector<16x8x256xi32> to vector<8x8x256xi32>
    %broadcast_in_dim3A_303 = vector.shape_cast %slice3A_299 : vector<8x8x256xf32> to vector<8x8x1x256xf32>
    %broadcast_in_dim3A_304 = vector.shape_cast %slice3A_300 : vector<8x8x256xf32> to vector<8x1x8x256xf32>
    %add3A = vector.broadcast %broadcast_in_dim3A_303 : vector<8x8x1x256xf32> to vector<8x8x8x256xf32>
    %add3A_305 = vector.broadcast %broadcast_in_dim3A_304 : vector<8x1x8x256xf32> to vector<8x8x8x256xf32>
    %add3A_306 = arith.addf %add3A, %add3A_305 : vector<8x8x8x256xf32>
    %reshape3A = vector.shape_cast %add3A_306 : vector<8x8x8x256xf32> to vector<8x64x256xf32>
    %broadcast_in_dim3A_307 = vector.shape_cast %slice3A_301 : vector<8x8x256xi32> to vector<8x8x1x256xi32>
    %mul3A = arith.constant 256 : i32
    %mul3A_308 = vector.broadcast %mul3A : i32 to vector<8x8x1x256xi32>
    %mul3A_309 = arith.muli %broadcast_in_dim3A_307, %mul3A_308 : vector<8x8x1x256xi32>
    %broadcast_in_dim3A_310 = vector.shape_cast %slice3A_302 : vector<8x8x256xi32> to vector<8x1x8x256xi32>
    %add3A_311 = vector.broadcast %mul3A_309 : vector<8x8x1x256xi32> to vector<8x8x8x256xi32>
    %add3A_312 = vector.broadcast %broadcast_in_dim3A_310 : vector<8x1x8x256xi32> to vector<8x8x8x256xi32>
    %add3A_313 = arith.addi %add3A_311, %add3A_312 : vector<8x8x8x256xi32>
    %reshape3A_314 = vector.shape_cast %add3A_313 : vector<8x8x8x256xi32> to vector<8x64x256xi32>
    %iota3A_315 = tpu.iota {dimensions = array<i32: 1>} : vector<8x64x256xi32>
    %reduce_max3A_316 = arith.constant dense<0xFF800000> : vector<8x256xf32>
    %reduce_max3A_317 = vector.multi_reduction <maximumf>, %reshape3A, %reduce_max3A_316 [1] : vector<8x64x256xf32> to vector<8x256xf32>
    %broadcast_in_dim3A_318 = vector.shape_cast %reduce_max3A_317 : vector<8x256xf32> to vector<8x1x256xf32>
    %eq3A_319 = vector.broadcast %broadcast_in_dim3A_318 : vector<8x1x256xf32> to vector<8x64x256xf32>
    %eq3A_320 = arith.cmpf oeq, %reshape3A, %eq3A_319 : vector<8x64x256xf32>
    %jit3A_321 = arith.constant 64 : i32
    %broadcast_in_dim3A_322 = vector.broadcast %jit3A_321 : i32 to vector<8x64x256xi32>
    %select_n3A_323 = arith.select %eq3A_320, %iota3A_315, %broadcast_in_dim3A_322 : vector<8x64x256xi1>, vector<8x64x256xi32>
    %reduce_min3A_324 = arith.constant dense<2147483647> : vector<8x256xi32>
    %reduce_min3A_325 = vector.multi_reduction <minsi>, %select_n3A_323, %reduce_min3A_324 [1] : vector<8x64x256xi32> to vector<8x256xi32>
    %broadcast_in_dim3A_326 = vector.shape_cast %reduce_min3A_325 : vector<8x256xi32> to vector<8x1x256xi32>
    %eq3A_327 = vector.broadcast %broadcast_in_dim3A_326 : vector<8x1x256xi32> to vector<8x64x256xi32>
    %eq3A_328 = arith.cmpi eq, %iota3A_315, %eq3A_327 : vector<8x64x256xi32>
    %jit3A_329 = arith.constant 0 : i32
    %broadcast_in_dim3A_330 = vector.broadcast %jit3A_329 : i32 to vector<8x64x256xi32>
    %select_n3A_331 = arith.select %eq3A_328, %reshape3A_314, %broadcast_in_dim3A_330 : vector<8x64x256xi1>, vector<8x64x256xi32>
    %reduce_sum3A = arith.constant dense<0> : vector<8x256xi32>
    %reduce_sum3A_332 = vector.multi_reduction <add>, %select_n3A_331, %reduce_sum3A [1] : vector<8x64x256xi32> to vector<8x256xi32>
    %jit3A_333 = arith.constant -3.000000e+38 : f32
    %broadcast_in_dim3A_334 = vector.broadcast %jit3A_333 : f32 to vector<8x64x256xf32>
    %select_n3A_335 = arith.select %eq3A_328, %broadcast_in_dim3A_334, %reshape3A : vector<8x64x256xi1>, vector<8x64x256xf32>
    %reduce_max3A_336 = arith.constant dense<0xFF800000> : vector<8x256xf32>
    %reduce_max3A_337 = vector.multi_reduction <maximumf>, %select_n3A_335, %reduce_max3A_336 [1] : vector<8x64x256xf32> to vector<8x256xf32>
    %broadcast_in_dim3A_338 = vector.shape_cast %reduce_max3A_337 : vector<8x256xf32> to vector<8x1x256xf32>
    %eq3A_339 = vector.broadcast %broadcast_in_dim3A_338 : vector<8x1x256xf32> to vector<8x64x256xf32>
    %eq3A_340 = arith.cmpf oeq, %select_n3A_335, %eq3A_339 : vector<8x64x256xf32>
    %jit3A_341 = arith.constant 64 : i32
    %broadcast_in_dim3A_342 = vector.broadcast %jit3A_341 : i32 to vector<8x64x256xi32>
    %select_n3A_343 = arith.select %eq3A_340, %iota3A_315, %broadcast_in_dim3A_342 : vector<8x64x256xi1>, vector<8x64x256xi32>
    %reduce_min3A_344 = arith.constant dense<2147483647> : vector<8x256xi32>
    %reduce_min3A_345 = vector.multi_reduction <minsi>, %select_n3A_343, %reduce_min3A_344 [1] : vector<8x64x256xi32> to vector<8x256xi32>
    %broadcast_in_dim3A_346 = vector.shape_cast %reduce_min3A_345 : vector<8x256xi32> to vector<8x1x256xi32>
    %eq3A_347 = vector.broadcast %broadcast_in_dim3A_346 : vector<8x1x256xi32> to vector<8x64x256xi32>
    %eq3A_348 = arith.cmpi eq, %iota3A_315, %eq3A_347 : vector<8x64x256xi32>
    %jit3A_349 = arith.constant 0 : i32
    %broadcast_in_dim3A_350 = vector.broadcast %jit3A_349 : i32 to vector<8x64x256xi32>
    %select_n3A_351 = arith.select %eq3A_348, %reshape3A_314, %broadcast_in_dim3A_350 : vector<8x64x256xi1>, vector<8x64x256xi32>
    %reduce_sum3A_352 = arith.constant dense<0> : vector<8x256xi32>
    %reduce_sum3A_353 = vector.multi_reduction <add>, %select_n3A_351, %reduce_sum3A_352 [1] : vector<8x64x256xi32> to vector<8x256xi32>
    %jit3A_354 = arith.constant -3.000000e+38 : f32
    %broadcast_in_dim3A_355 = vector.broadcast %jit3A_354 : f32 to vector<8x64x256xf32>
    %select_n3A_356 = arith.select %eq3A_348, %broadcast_in_dim3A_355, %select_n3A_335 : vector<8x64x256xi1>, vector<8x64x256xf32>
    %reduce_max3A_357 = arith.constant dense<0xFF800000> : vector<8x256xf32>
    %reduce_max3A_358 = vector.multi_reduction <maximumf>, %select_n3A_356, %reduce_max3A_357 [1] : vector<8x64x256xf32> to vector<8x256xf32>
    %broadcast_in_dim3A_359 = vector.shape_cast %reduce_max3A_358 : vector<8x256xf32> to vector<8x1x256xf32>
    %eq3A_360 = vector.broadcast %broadcast_in_dim3A_359 : vector<8x1x256xf32> to vector<8x64x256xf32>
    %eq3A_361 = arith.cmpf oeq, %select_n3A_356, %eq3A_360 : vector<8x64x256xf32>
    %jit3A_362 = arith.constant 64 : i32
    %broadcast_in_dim3A_363 = vector.broadcast %jit3A_362 : i32 to vector<8x64x256xi32>
    %select_n3A_364 = arith.select %eq3A_361, %iota3A_315, %broadcast_in_dim3A_363 : vector<8x64x256xi1>, vector<8x64x256xi32>
    %reduce_min3A_365 = arith.constant dense<2147483647> : vector<8x256xi32>
    %reduce_min3A_366 = vector.multi_reduction <minsi>, %select_n3A_364, %reduce_min3A_365 [1] : vector<8x64x256xi32> to vector<8x256xi32>
    %broadcast_in_dim3A_367 = vector.shape_cast %reduce_min3A_366 : vector<8x256xi32> to vector<8x1x256xi32>
    %eq3A_368 = vector.broadcast %broadcast_in_dim3A_367 : vector<8x1x256xi32> to vector<8x64x256xi32>
    %eq3A_369 = arith.cmpi eq, %iota3A_315, %eq3A_368 : vector<8x64x256xi32>
    %jit3A_370 = arith.constant 0 : i32
    %broadcast_in_dim3A_371 = vector.broadcast %jit3A_370 : i32 to vector<8x64x256xi32>
    %select_n3A_372 = arith.select %eq3A_369, %reshape3A_314, %broadcast_in_dim3A_371 : vector<8x64x256xi1>, vector<8x64x256xi32>
    %reduce_sum3A_373 = arith.constant dense<0> : vector<8x256xi32>
    %reduce_sum3A_374 = vector.multi_reduction <add>, %select_n3A_372, %reduce_sum3A_373 [1] : vector<8x64x256xi32> to vector<8x256xi32>
    %jit3A_375 = arith.constant -3.000000e+38 : f32
    %broadcast_in_dim3A_376 = vector.broadcast %jit3A_375 : f32 to vector<8x64x256xf32>
    %select_n3A_377 = arith.select %eq3A_369, %broadcast_in_dim3A_376, %select_n3A_356 : vector<8x64x256xi1>, vector<8x64x256xf32>
    %reduce_max3A_378 = arith.constant dense<0xFF800000> : vector<8x256xf32>
    %reduce_max3A_379 = vector.multi_reduction <maximumf>, %select_n3A_377, %reduce_max3A_378 [1] : vector<8x64x256xf32> to vector<8x256xf32>
    %broadcast_in_dim3A_380 = vector.shape_cast %reduce_max3A_379 : vector<8x256xf32> to vector<8x1x256xf32>
    %eq3A_381 = vector.broadcast %broadcast_in_dim3A_380 : vector<8x1x256xf32> to vector<8x64x256xf32>
    %eq3A_382 = arith.cmpf oeq, %select_n3A_377, %eq3A_381 : vector<8x64x256xf32>
    %jit3A_383 = arith.constant 64 : i32
    %broadcast_in_dim3A_384 = vector.broadcast %jit3A_383 : i32 to vector<8x64x256xi32>
    %select_n3A_385 = arith.select %eq3A_382, %iota3A_315, %broadcast_in_dim3A_384 : vector<8x64x256xi1>, vector<8x64x256xi32>
    %reduce_min3A_386 = arith.constant dense<2147483647> : vector<8x256xi32>
    %reduce_min3A_387 = vector.multi_reduction <minsi>, %select_n3A_385, %reduce_min3A_386 [1] : vector<8x64x256xi32> to vector<8x256xi32>
    %broadcast_in_dim3A_388 = vector.shape_cast %reduce_min3A_387 : vector<8x256xi32> to vector<8x1x256xi32>
    %eq3A_389 = vector.broadcast %broadcast_in_dim3A_388 : vector<8x1x256xi32> to vector<8x64x256xi32>
    %eq3A_390 = arith.cmpi eq, %iota3A_315, %eq3A_389 : vector<8x64x256xi32>
    %jit3A_391 = arith.constant 0 : i32
    %broadcast_in_dim3A_392 = vector.broadcast %jit3A_391 : i32 to vector<8x64x256xi32>
    %select_n3A_393 = arith.select %eq3A_390, %reshape3A_314, %broadcast_in_dim3A_392 : vector<8x64x256xi1>, vector<8x64x256xi32>
    %reduce_sum3A_394 = arith.constant dense<0> : vector<8x256xi32>
    %reduce_sum3A_395 = vector.multi_reduction <add>, %select_n3A_393, %reduce_sum3A_394 [1] : vector<8x64x256xi32> to vector<8x256xi32>
    %jit3A_396 = arith.constant -3.000000e+38 : f32
    %broadcast_in_dim3A_397 = vector.broadcast %jit3A_396 : f32 to vector<8x64x256xf32>
    %select_n3A_398 = arith.select %eq3A_390, %broadcast_in_dim3A_397, %select_n3A_377 : vector<8x64x256xi1>, vector<8x64x256xf32>
    %reduce_max3A_399 = arith.constant dense<0xFF800000> : vector<8x256xf32>
    %reduce_max3A_400 = vector.multi_reduction <maximumf>, %select_n3A_398, %reduce_max3A_399 [1] : vector<8x64x256xf32> to vector<8x256xf32>
    %broadcast_in_dim3A_401 = vector.shape_cast %reduce_max3A_400 : vector<8x256xf32> to vector<8x1x256xf32>
    %eq3A_402 = vector.broadcast %broadcast_in_dim3A_401 : vector<8x1x256xf32> to vector<8x64x256xf32>
    %eq3A_403 = arith.cmpf oeq, %select_n3A_398, %eq3A_402 : vector<8x64x256xf32>
    %jit3A_404 = arith.constant 64 : i32
    %broadcast_in_dim3A_405 = vector.broadcast %jit3A_404 : i32 to vector<8x64x256xi32>
    %select_n3A_406 = arith.select %eq3A_403, %iota3A_315, %broadcast_in_dim3A_405 : vector<8x64x256xi1>, vector<8x64x256xi32>
    %reduce_min3A_407 = arith.constant dense<2147483647> : vector<8x256xi32>
    %reduce_min3A_408 = vector.multi_reduction <minsi>, %select_n3A_406, %reduce_min3A_407 [1] : vector<8x64x256xi32> to vector<8x256xi32>
    %broadcast_in_dim3A_409 = vector.shape_cast %reduce_min3A_408 : vector<8x256xi32> to vector<8x1x256xi32>
    %eq3A_410 = vector.broadcast %broadcast_in_dim3A_409 : vector<8x1x256xi32> to vector<8x64x256xi32>
    %eq3A_411 = arith.cmpi eq, %iota3A_315, %eq3A_410 : vector<8x64x256xi32>
    %jit3A_412 = arith.constant 0 : i32
    %broadcast_in_dim3A_413 = vector.broadcast %jit3A_412 : i32 to vector<8x64x256xi32>
    %select_n3A_414 = arith.select %eq3A_411, %reshape3A_314, %broadcast_in_dim3A_413 : vector<8x64x256xi1>, vector<8x64x256xi32>
    %reduce_sum3A_415 = arith.constant dense<0> : vector<8x256xi32>
    %reduce_sum3A_416 = vector.multi_reduction <add>, %select_n3A_414, %reduce_sum3A_415 [1] : vector<8x64x256xi32> to vector<8x256xi32>
    %jit3A_417 = arith.constant -3.000000e+38 : f32
    %broadcast_in_dim3A_418 = vector.broadcast %jit3A_417 : f32 to vector<8x64x256xf32>
    %select_n3A_419 = arith.select %eq3A_411, %broadcast_in_dim3A_418, %select_n3A_398 : vector<8x64x256xi1>, vector<8x64x256xf32>
    %reduce_max3A_420 = arith.constant dense<0xFF800000> : vector<8x256xf32>
    %reduce_max3A_421 = vector.multi_reduction <maximumf>, %select_n3A_419, %reduce_max3A_420 [1] : vector<8x64x256xf32> to vector<8x256xf32>
    %broadcast_in_dim3A_422 = vector.shape_cast %reduce_max3A_421 : vector<8x256xf32> to vector<8x1x256xf32>
    %eq3A_423 = vector.broadcast %broadcast_in_dim3A_422 : vector<8x1x256xf32> to vector<8x64x256xf32>
    %eq3A_424 = arith.cmpf oeq, %select_n3A_419, %eq3A_423 : vector<8x64x256xf32>
    %jit3A_425 = arith.constant 64 : i32
    %broadcast_in_dim3A_426 = vector.broadcast %jit3A_425 : i32 to vector<8x64x256xi32>
    %select_n3A_427 = arith.select %eq3A_424, %iota3A_315, %broadcast_in_dim3A_426 : vector<8x64x256xi1>, vector<8x64x256xi32>
    %reduce_min3A_428 = arith.constant dense<2147483647> : vector<8x256xi32>
    %reduce_min3A_429 = vector.multi_reduction <minsi>, %select_n3A_427, %reduce_min3A_428 [1] : vector<8x64x256xi32> to vector<8x256xi32>
    %broadcast_in_dim3A_430 = vector.shape_cast %reduce_min3A_429 : vector<8x256xi32> to vector<8x1x256xi32>
    %eq3A_431 = vector.broadcast %broadcast_in_dim3A_430 : vector<8x1x256xi32> to vector<8x64x256xi32>
    %eq3A_432 = arith.cmpi eq, %iota3A_315, %eq3A_431 : vector<8x64x256xi32>
    %jit3A_433 = arith.constant 0 : i32
    %broadcast_in_dim3A_434 = vector.broadcast %jit3A_433 : i32 to vector<8x64x256xi32>
    %select_n3A_435 = arith.select %eq3A_432, %reshape3A_314, %broadcast_in_dim3A_434 : vector<8x64x256xi1>, vector<8x64x256xi32>
    %reduce_sum3A_436 = arith.constant dense<0> : vector<8x256xi32>
    %reduce_sum3A_437 = vector.multi_reduction <add>, %select_n3A_435, %reduce_sum3A_436 [1] : vector<8x64x256xi32> to vector<8x256xi32>
    %jit3A_438 = arith.constant -3.000000e+38 : f32
    %broadcast_in_dim3A_439 = vector.broadcast %jit3A_438 : f32 to vector<8x64x256xf32>
    %select_n3A_440 = arith.select %eq3A_432, %broadcast_in_dim3A_439, %select_n3A_419 : vector<8x64x256xi1>, vector<8x64x256xf32>
    %reduce_max3A_441 = arith.constant dense<0xFF800000> : vector<8x256xf32>
    %reduce_max3A_442 = vector.multi_reduction <maximumf>, %select_n3A_440, %reduce_max3A_441 [1] : vector<8x64x256xf32> to vector<8x256xf32>
    %broadcast_in_dim3A_443 = vector.shape_cast %reduce_max3A_442 : vector<8x256xf32> to vector<8x1x256xf32>
    %eq3A_444 = vector.broadcast %broadcast_in_dim3A_443 : vector<8x1x256xf32> to vector<8x64x256xf32>
    %eq3A_445 = arith.cmpf oeq, %select_n3A_440, %eq3A_444 : vector<8x64x256xf32>
    %jit3A_446 = arith.constant 64 : i32
    %broadcast_in_dim3A_447 = vector.broadcast %jit3A_446 : i32 to vector<8x64x256xi32>
    %select_n3A_448 = arith.select %eq3A_445, %iota3A_315, %broadcast_in_dim3A_447 : vector<8x64x256xi1>, vector<8x64x256xi32>
    %reduce_min3A_449 = arith.constant dense<2147483647> : vector<8x256xi32>
    %reduce_min3A_450 = vector.multi_reduction <minsi>, %select_n3A_448, %reduce_min3A_449 [1] : vector<8x64x256xi32> to vector<8x256xi32>
    %broadcast_in_dim3A_451 = vector.shape_cast %reduce_min3A_450 : vector<8x256xi32> to vector<8x1x256xi32>
    %eq3A_452 = vector.broadcast %broadcast_in_dim3A_451 : vector<8x1x256xi32> to vector<8x64x256xi32>
    %eq3A_453 = arith.cmpi eq, %iota3A_315, %eq3A_452 : vector<8x64x256xi32>
    %jit3A_454 = arith.constant 0 : i32
    %broadcast_in_dim3A_455 = vector.broadcast %jit3A_454 : i32 to vector<8x64x256xi32>
    %select_n3A_456 = arith.select %eq3A_453, %reshape3A_314, %broadcast_in_dim3A_455 : vector<8x64x256xi1>, vector<8x64x256xi32>
    %reduce_sum3A_457 = arith.constant dense<0> : vector<8x256xi32>
    %reduce_sum3A_458 = vector.multi_reduction <add>, %select_n3A_456, %reduce_sum3A_457 [1] : vector<8x64x256xi32> to vector<8x256xi32>
    %jit3A_459 = arith.constant -3.000000e+38 : f32
    %broadcast_in_dim3A_460 = vector.broadcast %jit3A_459 : f32 to vector<8x64x256xf32>
    %select_n3A_461 = arith.select %eq3A_453, %broadcast_in_dim3A_460, %select_n3A_440 : vector<8x64x256xi1>, vector<8x64x256xf32>
    %reduce_max3A_462 = arith.constant dense<0xFF800000> : vector<8x256xf32>
    %reduce_max3A_463 = vector.multi_reduction <maximumf>, %select_n3A_461, %reduce_max3A_462 [1] : vector<8x64x256xf32> to vector<8x256xf32>
    %broadcast_in_dim3A_464 = vector.shape_cast %reduce_max3A_463 : vector<8x256xf32> to vector<8x1x256xf32>
    %eq3A_465 = vector.broadcast %broadcast_in_dim3A_464 : vector<8x1x256xf32> to vector<8x64x256xf32>
    %eq3A_466 = arith.cmpf oeq, %select_n3A_461, %eq3A_465 : vector<8x64x256xf32>
    %jit3A_467 = arith.constant 64 : i32
    %broadcast_in_dim3A_468 = vector.broadcast %jit3A_467 : i32 to vector<8x64x256xi32>
    %select_n3A_469 = arith.select %eq3A_466, %iota3A_315, %broadcast_in_dim3A_468 : vector<8x64x256xi1>, vector<8x64x256xi32>
    %reduce_min3A_470 = arith.constant dense<2147483647> : vector<8x256xi32>
    %reduce_min3A_471 = vector.multi_reduction <minsi>, %select_n3A_469, %reduce_min3A_470 [1] : vector<8x64x256xi32> to vector<8x256xi32>
    %broadcast_in_dim3A_472 = vector.shape_cast %reduce_min3A_471 : vector<8x256xi32> to vector<8x1x256xi32>
    %eq3A_473 = vector.broadcast %broadcast_in_dim3A_472 : vector<8x1x256xi32> to vector<8x64x256xi32>
    %eq3A_474 = arith.cmpi eq, %iota3A_315, %eq3A_473 : vector<8x64x256xi32>
    %jit3A_475 = arith.constant 0 : i32
    %broadcast_in_dim3A_476 = vector.broadcast %jit3A_475 : i32 to vector<8x64x256xi32>
    %select_n3A_477 = arith.select %eq3A_474, %reshape3A_314, %broadcast_in_dim3A_476 : vector<8x64x256xi1>, vector<8x64x256xi32>
    %reduce_sum3A_478 = arith.constant dense<0> : vector<8x256xi32>
    %reduce_sum3A_479 = vector.multi_reduction <add>, %select_n3A_477, %reduce_sum3A_478 [1] : vector<8x64x256xi32> to vector<8x256xi32>
    %stack3A_480 = vector.shape_cast %reduce_max3A_317 : vector<8x256xf32> to vector<8x1x256xf32>
    %stack3A_481 = vector.shape_cast %reduce_max3A_337 : vector<8x256xf32> to vector<8x1x256xf32>
    %stack3A_482 = vector.shape_cast %reduce_max3A_358 : vector<8x256xf32> to vector<8x1x256xf32>
    %stack3A_483 = vector.shape_cast %reduce_max3A_379 : vector<8x256xf32> to vector<8x1x256xf32>
    %stack3A_484 = vector.shape_cast %reduce_max3A_400 : vector<8x256xf32> to vector<8x1x256xf32>
    %stack3A_485 = vector.shape_cast %reduce_max3A_421 : vector<8x256xf32> to vector<8x1x256xf32>
    %stack3A_486 = vector.shape_cast %reduce_max3A_442 : vector<8x256xf32> to vector<8x1x256xf32>
    %stack3A_487 = vector.shape_cast %reduce_max3A_463 : vector<8x256xf32> to vector<8x1x256xf32>
    %stack3A_488 = tpu.concatenate %stack3A_480, %stack3A_481, %stack3A_482, %stack3A_483, %stack3A_484, %stack3A_485, %stack3A_486, %stack3A_487 in 1 : vector<8x1x256xf32>, vector<8x1x256xf32>, vector<8x1x256xf32>, vector<8x1x256xf32>, vector<8x1x256xf32>, vector<8x1x256xf32>, vector<8x1x256xf32>, vector<8x1x256xf32> -> vector<8x8x256xf32>
    %stack3A_489 = vector.shape_cast %reduce_sum3A_332 : vector<8x256xi32> to vector<8x1x256xi32>
    %stack3A_490 = vector.shape_cast %reduce_sum3A_353 : vector<8x256xi32> to vector<8x1x256xi32>
    %stack3A_491 = vector.shape_cast %reduce_sum3A_374 : vector<8x256xi32> to vector<8x1x256xi32>
    %stack3A_492 = vector.shape_cast %reduce_sum3A_395 : vector<8x256xi32> to vector<8x1x256xi32>
    %stack3A_493 = vector.shape_cast %reduce_sum3A_416 : vector<8x256xi32> to vector<8x1x256xi32>
    %stack3A_494 = vector.shape_cast %reduce_sum3A_437 : vector<8x256xi32> to vector<8x1x256xi32>
    %stack3A_495 = vector.shape_cast %reduce_sum3A_458 : vector<8x256xi32> to vector<8x1x256xi32>
    %stack3A_496 = vector.shape_cast %reduce_sum3A_479 : vector<8x256xi32> to vector<8x1x256xi32>
    %stack3A_497 = tpu.concatenate %stack3A_489, %stack3A_490, %stack3A_491, %stack3A_492, %stack3A_493, %stack3A_494, %stack3A_495, %stack3A_496 in 1 : vector<8x1x256xi32>, vector<8x1x256xi32>, vector<8x1x256xi32>, vector<8x1x256xi32>, vector<8x1x256xi32>, vector<8x1x256xi32>, vector<8x1x256xi32>, vector<8x1x256xi32> -> vector<8x8x256xi32>
    %reduce_max3A_498 = arith.constant dense<0xFF800000> : vector<8x256xf32>
    %reduce_max3A_499 = vector.multi_reduction <maximumf>, %stack3A_488, %reduce_max3A_498 [1] : vector<8x8x256xf32> to vector<8x256xf32>
    %broadcast_in_dim3A_500 = vector.shape_cast %reduce_max3A_499 : vector<8x256xf32> to vector<8x1x256xf32>
    %sub3A = vector.broadcast %broadcast_in_dim3A_500 : vector<8x1x256xf32> to vector<8x8x256xf32>
    %sub3A_501 = arith.subf %stack3A_488, %sub3A : vector<8x8x256xf32>
    %exp3A = math.exp %sub3A_501 : vector<8x8x256xf32>
    %reduce_sum3A_502 = arith.constant dense<0.000000e+00> : vector<8x256xf32>
    %reduce_sum3A_503 = vector.multi_reduction <add>, %exp3A, %reduce_sum3A_502 [1] : vector<8x8x256xf32> to vector<8x256xf32>
    %broadcast_in_dim3A_504 = vector.shape_cast %reduce_sum3A_503 : vector<8x256xf32> to vector<8x1x256xf32>
    %div3A = vector.broadcast %broadcast_in_dim3A_504 : vector<8x1x256xf32> to vector<8x8x256xf32>
    %div3A_505 = arith.divf %exp3A, %div3A : vector<8x8x256xf32>
    %reshape3A_506 = vector.shape_cast %stack3A_497 : vector<8x8x256xi32> to vector<64x256xi32>
    %swap3A = arith.constant 0 : index
    %swap3A_507 = arith.constant 0 : index
    %swap3A_508 = vector.load %arg4[%swap3A, %swap3A_507] : memref<64x256xi32, #tpu.memory_space<vmem>>, vector<64x256xi32>
    tpu.vector_store %arg4[%swap3A, %swap3A_507], %reshape3A_506 {strides = array<i32>} : memref<64x256xi32, #tpu.memory_space<vmem>>, vector<64x256xi32>,
    %reshape3A_509 = vector.shape_cast %div3A_505 : vector<8x8x256xf32> to vector<64x256xf32>
    %swap3A_510 = arith.constant 0 : index
    %swap3A_511 = arith.constant 0 : index
    %swap3A_512 = vector.load %arg5[%swap3A_510, %swap3A_511] : memref<64x256xf32, #tpu.memory_space<vmem>>, vector<64x256xf32>
    tpu.vector_store %arg5[%swap3A_510, %swap3A_511], %reshape3A_509 {strides = array<i32>} : memref<64x256xf32, #tpu.memory_space<vmem>>, vector<64x256xf32>,
    return
  }
  func.func @transform_0(%arg0: i32) -> (i32, i32) {
    %c0_i32 = arith.constant 0 : i32
    %c0_i32_0 = arith.constant 0 : i32
    return %c0_i32, %arg0 : i32, i32
  }
  func.func @transform_1(%arg0: i32) -> (i32, i32) {
    %c0_i32 = arith.constant 0 : i32
    %c0_i32_0 = arith.constant 0 : i32
    %c0_i32_1 = arith.constant 0 : i32
    return %c0_i32, %c0_i32_0 : i32, i32
  }
  func.func @transform_2(%arg0: i32) -> (i32, i32, i32, i32) {
    %c0_i32 = arith.constant 0 : i32
    %c0_i32_0 = arith.constant 0 : i32
    %c0_i32_1 = arith.constant 0 : i32
    %c0_i32_2 = arith.constant 0 : i32
    %c0_i32_3 = arith.constant 0 : i32
    return %c0_i32, %c0_i32_0, %c0_i32_1, %c0_i32_2 : i32, i32, i32, i32
  }
  func.func @transform_3(%arg0: i32) -> (i32, i32) {
    %c0_i32 = arith.constant 0 : i32
    %c0_i32_0 = arith.constant 0 : i32
    return %c0_i32, %arg0 : i32, i32
  }
  func.func @transform_4(%arg0: i32) -> (i32, i32) {
    %c0_i32 = arith.constant 0 : i32
    %c0_i32_0 = arith.constant 0 : i32
    return %c0_i32, %arg0 : i32, i32
  }
}

module attributes {stable_mosaic.version = 14 : i64} {
  func.func @_mlp_body(%arg0: i32, %arg1: memref<512x1024xf32, #tpu.memory_space<vmem>>, %arg2: memref<1024x2048xbf16, #tpu.memory_space<vmem>>, %arg3: memref<1024x2048xbf16, #tpu.memory_space<vmem>>, %arg4: memref<2048x1024xbf16, #tpu.memory_space<vmem>>, %arg5: memref<512x1024xf32, #tpu.memory_space<vmem>>, %arg6: memref<512x1024xf32, #tpu.memory_space<vmem>>) attributes {dimension_semantics = [#tpu.dimension_semantics<arbitrary>], iteration_bounds = array<i64: 8>, scalar_prefetch = 0 : i64, scratch_operands = 0 : i64, tpu.core_type = #tpu.core_type<tc>, window_params = [{transform_indices = @transform_0, window_bounds = array<i64: 512, 1024>}, {pipeline_mode = #tpu.pipeline_mode<synchronous>, transform_indices = @transform_1, window_bounds = array<i64: 1024, 2048>}, {pipeline_mode = #tpu.pipeline_mode<synchronous>, transform_indices = @transform_2, window_bounds = array<i64: 1024, 2048>}, {pipeline_mode = #tpu.pipeline_mode<synchronous>, transform_indices = @transform_3, window_bounds = array<i64: 2048, 1024>}, {transform_indices = @transform_4, window_bounds = array<i64: 512, 1024>}, {transform_indices = @transform_5, window_bounds = array<i64: 512, 1024>}]} {
    %get3A = arith.constant 0 : index
    %get3A_0 = arith.constant 0 : index
    %get3A_1 = vector.load %arg1[%get3A, %get3A_0] : memref<512x1024xf32, #tpu.memory_space<vmem>>, vector<512x1024xf32>
    %convert_element_type3A = arith.truncf %get3A_1 : vector<512x1024xf32> to vector<512x1024xbf16>
    %get3A_2 = arith.constant 0 : index
    %get3A_3 = arith.constant 0 : index
    %get3A_4 = vector.load %arg2[%get3A_2, %get3A_3] : memref<1024x2048xbf16, #tpu.memory_space<vmem>>, vector<1024x2048xbf16>
    %dot_general3A = arith.constant dense<0.000000e+00> : vector<512x2048xf32>
    %dot_general3A_5 = tpu.matmul %convert_element_type3A, %get3A_4, %dot_general3A {dimension_numbers = #tpu.dot_dimension_numbers<[1], [0], [0], [1], [0, 0, 1, 1], [], []>, transpose_lhs_hint = false} : vector<512x1024xbf16>, vector<1024x2048xbf16>, vector<512x2048xf32> -> vector<512x2048xf32>
    %get3A_6 = arith.constant 0 : index
    %get3A_7 = arith.constant 0 : index
    %get3A_8 = vector.load %arg3[%get3A_6, %get3A_7] : memref<1024x2048xbf16, #tpu.memory_space<vmem>>, vector<1024x2048xbf16>
    %dot_general3A_9 = arith.constant dense<0.000000e+00> : vector<512x2048xf32>
    %dot_general3A_10 = tpu.matmul %convert_element_type3A, %get3A_8, %dot_general3A_9 {dimension_numbers = #tpu.dot_dimension_numbers<[1], [0], [0], [1], [0, 0, 1, 1], [], []>, transpose_lhs_hint = false} : vector<512x1024xbf16>, vector<1024x2048xbf16>, vector<512x2048xf32> -> vector<512x2048xf32>
    %logistic3A = arith.negf %dot_general3A_5 : vector<512x2048xf32>
    %logistic3A_11 = math.exp %logistic3A : vector<512x2048xf32>
    %logistic3A_12 = arith.constant 1.000000e+00 : f32
    %logistic3A_13 = vector.broadcast %logistic3A_12 : f32 to vector<512x2048xf32>
    %logistic3A_14 = arith.addf %logistic3A_13, %logistic3A_11 : vector<512x2048xf32>
    %logistic3A_15 = arith.divf %logistic3A_13, %logistic3A_14 : vector<512x2048xf32>
    %mul3A = arith.mulf %dot_general3A_5, %logistic3A_15 : vector<512x2048xf32>
    %mul3A_16 = arith.mulf %mul3A, %dot_general3A_10 : vector<512x2048xf32>
    %convert_element_type3A_17 = arith.truncf %mul3A_16 : vector<512x2048xf32> to vector<512x2048xbf16>
    %get3A_18 = arith.constant 0 : index
    %get3A_19 = arith.constant 0 : index
    %get3A_20 = vector.load %arg4[%get3A_18, %get3A_19] : memref<2048x1024xbf16, #tpu.memory_space<vmem>>, vector<2048x1024xbf16>
    %dot_general3A_21 = arith.constant dense<0.000000e+00> : vector<512x1024xf32>
    %dot_general3A_22 = tpu.matmul %convert_element_type3A_17, %get3A_20, %dot_general3A_21 {dimension_numbers = #tpu.dot_dimension_numbers<[1], [0], [0], [1], [0, 0, 1, 1], [], []>, transpose_lhs_hint = false} : vector<512x2048xbf16>, vector<2048x1024xbf16>, vector<512x1024xf32> -> vector<512x1024xf32>
    %get3A_23 = arith.constant 0 : index
    %get3A_24 = arith.constant 0 : index
    %get3A_25 = vector.load %arg5[%get3A_23, %get3A_24] : memref<512x1024xf32, #tpu.memory_space<vmem>>, vector<512x1024xf32>
    %add3A = arith.addf %dot_general3A_22, %get3A_25 : vector<512x1024xf32>
    %swap3A = arith.constant 0 : index
    %swap3A_26 = arith.constant 0 : index
    %swap3A_27 = vector.load %arg6[%swap3A, %swap3A_26] : memref<512x1024xf32, #tpu.memory_space<vmem>>, vector<512x1024xf32>
    tpu.vector_store %arg6[%swap3A, %swap3A_26], %add3A {strides = array<i32>} : memref<512x1024xf32, #tpu.memory_space<vmem>>, vector<512x1024xf32>,
    return
  }
  func.func @transform_0(%arg0: i32) -> (i32, i32) {
    %c0_i32 = arith.constant 0 : i32
    %c0_i32_0 = arith.constant 0 : i32
    return %arg0, %c0_i32 : i32, i32
  }
  func.func @transform_1(%arg0: i32) -> (i32, i32) {
    %c0_i32 = arith.constant 0 : i32
    %c0_i32_0 = arith.constant 0 : i32
    %c0_i32_1 = arith.constant 0 : i32
    return %c0_i32, %c0_i32_0 : i32, i32
  }
  func.func @transform_2(%arg0: i32) -> (i32, i32) {
    %c0_i32 = arith.constant 0 : i32
    %c0_i32_0 = arith.constant 0 : i32
    %c0_i32_1 = arith.constant 0 : i32
    return %c0_i32, %c0_i32_0 : i32, i32
  }
  func.func @transform_3(%arg0: i32) -> (i32, i32) {
    %c0_i32 = arith.constant 0 : i32
    %c0_i32_0 = arith.constant 0 : i32
    %c0_i32_1 = arith.constant 0 : i32
    return %c0_i32, %c0_i32_0 : i32, i32
  }
  func.func @transform_4(%arg0: i32) -> (i32, i32) {
    %c0_i32 = arith.constant 0 : i32
    %c0_i32_0 = arith.constant 0 : i32
    return %arg0, %c0_i32 : i32, i32
  }
  func.func @transform_5(%arg0: i32) -> (i32, i32) {
    %c0_i32 = arith.constant 0 : i32
    %c0_i32_0 = arith.constant 0 : i32
    return %arg0, %c0_i32 : i32, i32
  }
}

</mosaic_0001>

<sc_bundles>
// kernel: kernel.5.cloned.1.call-start
scs
__scs_entry_jumppad:
0x0: {  	(pc) =	sbr.rel $0x88, $3  }
0x1: {  	(tag) =	ssettag $0x0;
	lr =	simm.s32 $0x1  }
0x2: {  	[smem:$0x3F99] =	sst lr;
	_ =	strace $0xD0000000  }
0x3: {  	_ = 	snop  }
0x4: {  	_ = 	snop  }
0x5: {  	_ = 	snop  }
0x6: {  	_ = 	snop  }
0x7: {  	_ = 	snop  }
__scs_overlays_trampoline_lowered:
0x8: {  	[smem:$0x3FA8] =	sst s0  }
0x9: {  	[smem:$0x3FA9] =	sst s1  }
0xa: {  	[smem:$0x3FAA] =	sst s2  }
0xb: {  	[smem:$0x3FAB] =	sst s3  }
0xc: {  	[smem:$0x3FAC] =	sst s4  }
0xd: {  	[smem:$0x3FAD] =	sst s5  }
0xe: {  	[smem:$0x3FAE] =	sst s6  }
0xf: {  	[smem:$0x3FAF] =	sst s7  }
0x10: {  	[smem:$0x3FB0] =	sst s8  }
0x11: {  	[smem:$0x3FB1] =	sst s9;
	s0 =	simm.s32 @!p0 $0x0  }
0x12: {  	s1 =	sld [smem:$0x3F97];
	s0 =	simm.s32 @p0 $0x1  }
0x13: {  	[smem:$0x3FB2] =	sst s0;
	s0 =	simm.s32 @!p1 $0x0  }
0x14: {  	s2 =	sld [smem:$0x3F96];
	s0 =	simm.s32 @p1 $0x1  }
0x15: {  	[smem:$0x3FB3] =	sst s0;
	s0 =	simm.s32 @!p2 $0x0  }
0x16: {  	s3 =	sld [smem:$0x3FDB];
	s0 =	simm.s32 @p2 $0x1  }
0x17: {  	s4 =	simm.s32 $0x1BF5;
	[smem:$0x3FB5] =	sst s0  }
0x18: {  	s0 =	sld [smem:$0x3F98];
	_ =	swait.ge [sflag:s4], $0x0  }
0x19: {  	s7 =	sld [smem:$0x3F99]  }
0x1a: {  	s8 =	sadd.s32 $0xFFFFE003, lr  }
0x1b: {  	s9 =	sadd.s32 $0xFFFFFEF7, lr;
	s5 =	simm.s32 $0xFFFFFFFF;
	p2 =	slt.u32 s8, $0xFFFFF086  }
0x1c: {  	p1 =	slt.u32 s9, $0xF7A;
	s5 =	simm.s32 @!p2 $0x0  }
0x1d: {  	s5 =	simm.s32 @p1 $0x1;
	p0 =	seq.s32 s7, s2  }
0x1e: {  	s7 =	smul.u32 @!p0 $0xF7A, s2;
	p2 =	seq.s32 @!p0 s5, $0x0  }
0x1f: {  	s9 =	smul.u32 $0xF7A, s1;
	s8 =	simm.s32 @!p0 $0x1BF5;
	p2 =	por !p2, p0  }
0x20: {  	[sflag:s8] =	ssyncset.s32 @!p0 $0xFFFFF086;
	s6 =	sadd.s32 @!p0 s3, s7;
	s7 =	simm.s32 @!p0 $0x108  }
0x21: {  	s3 =	sadd.s32 s3, s9;
	s6 =	sadd.s32 @!p0 $0x88, s6;
	s7 =	simm.s32 @p2 $0x1082  }
0x22: {  	[simem:s7], [sflag:s8] =	dma.local @!p0 [hbm:s6], $0xF7A  }
0x23: {  	s9 =	sor.u32 $0xD0000000, s2;
	s6 =	simm.s32 $0x108;
	_ =	swait.ge @!p0 [sflag:s8], $0x0  }
0x24: {  	s3 =	sadd.s32 $0x88, s3;
	s6 =	simm.s32 @!p1 $0x1082;
	[sflag:s4] =	ssyncset.s32 $0xFFFFF086  }
0x25: {  	[simem:s6], [sflag:s4] =	dma.local [hbm:s3], $0xF7A  }
0x26: {  	[smem:$0x3F99] =	sst s1;
	(tag) =	ssettag s2;
	_ =	strace s9  }
0x27: {  	s1 =	sld [smem:$0x3FA9]  }
0x28: {  	s2 =	sld [smem:$0x3FAA]  }
0x29: {  	s4 =	sld [smem:$0x3FAC]  }
0x2a: {  	p0 =	seq.s32 s5, $0x0;
	s5 =	sld [smem:$0x3FAD]  }
0x2b: {  	s6 =	sld [smem:$0x3FAE]  }
0x2c: {  	s7 =	sld [smem:$0x3FAF]  }
0x2d: {  	s3 =	simm.s32 $0x108;
	s8 =	sld [smem:$0x3FB0]  }
0x2e: {  	s3 =	simm.s32 @!p0 $0x1082;
	s9 =	sld [smem:$0x3FB1]  }
0x2f: {  	lr =	sadd.s32 s0, s3;
	s0 =	sld [smem:$0x3FA8]  }
0x30: {  	s3 =	sld [smem:$0x3FAB]  }
0x31: {  	[smem:$0x3FB4] =	sst s10  }
0x32: {  	s10 =	sld [smem:$0x3FB2];
	_ =	sdelay $0x3  }
0x33: {  	p0 =	seq.s32 s10, $0x1;
	s10 =	sld [smem:$0x3FB4];
	_ =	sdelay $0x3  }
0x34: {  	[smem:$0x3FB4] =	sst s10  }
0x35: {  	s10 =	sld [smem:$0x3FB3];
	_ =	sdelay $0x3  }
0x36: {  	p1 =	seq.s32 s10, $0x1;
	s10 =	sld [smem:$0x3FB4];
	_ =	sdelay $0x3  }
0x37: {  	[smem:$0x3FB4] =	sst s10  }
0x38: {  	s10 =	sld [smem:$0x3FB5]  }
0x39: {  	_ = 	snop;
	(pc) =	sbr.ind lr, $3  }
0x3a: {  	_ = 	snop  }
0x3b: {  	_ = 	snop  }
0x3c: {  	p2 =	seq.s32 s10, $0x1;
	s10 =	sld [smem:$0x3FB4]  }
0x3d: {  	_ =	shalt  }
0x3e: {  	_ =	shalt  }
0x3f: {  	_ =	shalt  }
0x40: {  	_ =	shalt  }
0x41: {  	_ =	shalt  }
0x42: {  	_ =	shalt  }
0x43: {  	_ =	shalt  }
0x44: {  	_ =	shalt  }
0x45: {  	_ =	shalt  }
0x46: {  	_ =	shalt  }
0x47: {  	_ =	shalt  }
0x48: {  	_ =	shalt  }
0x49: {  	_ =	shalt  }
0x4a: {  	_ =	shalt  }
0x4b: {  	_ =	shalt  }
0x4c: {  	_ =	shalt  }
0x4d: {  	_ =	shalt  }
0x4e: {  	_ =	shalt  }
0x4f: {  	_ =	shalt  }
0x50: {  	_ =	shalt  }
0x51: {  	_ =	shalt  }
0x52: {  	_ =	shalt  }
0x53: {  	_ =	shalt  }
0x54: {  	_ =	shalt  }
0x55: {  	_ =	shalt  }
0x56: {  	_ =	shalt  }
0x57: {  	_ =	shalt  }
0x58: {  	_ =	shalt  }
0x59: {  	_ =	shalt  }
0x5a: {  	_ =	shalt  }
0x5b: {  	_ =	shalt  }
0x5c: {  	_ =	shalt  }
0x5d: {  	_ =	shalt  }
0x5e: {  	_ =	shalt  }
0x5f: {  	_ =	shalt  }
0x60: {  	_ =	shalt  }
0x61: {  	_ =	shalt  }
0x62: {  	_ =	shalt  }
0x63: {  	_ =	shalt  }
0x64: {  	_ =	shalt  }
0x65: {  	_ =	shalt  }
0x66: {  	_ =	shalt  }
0x67: {  	_ =	shalt  }
0x68: {  	_ =	shalt  }
0x69: {  	_ =	shalt  }
0x6a: {  	_ =	shalt  }
0x6b: {  	_ =	shalt  }
0x6c: {  	_ =	shalt  }
0x6d: {  	_ =	shalt  }
0x6e: {  	_ =	shalt  }
0x6f: {  	_ =	shalt  }
0x70: {  	_ =	shalt  }
0x71: {  	_ =	shalt  }
0x72: {  	_ =	shalt  }
0x73: {  	_ =	shalt  }
0x74: {  	_ =	shalt  }
0x75: {  	_ =	shalt  }
0x76: {  	_ =	shalt  }
0x77: {  	_ =	shalt  }
0x78: {  	_ =	shalt  }
0x79: {  	_ =	shalt  }
0x7a: {  	_ =	shalt  }
0x7b: {  	_ =	shalt  }
0x7c: {  	_ =	shalt  }
0x7d: {  	_ =	shalt  }
0x7e: {  	_ =	shalt  }
0x7f: {  	_ =	shalt  }
0x80: {  	_ =	shalt  }
0x81: {  	_ =	shalt  }
0x82: {  	_ =	shalt  }
0x83: {  	_ =	shalt  }
0x84: {  	_ =	shalt  }
0x85: {  	_ =	shalt  }
0x86: {  	_ =	shalt  }
0x87: {  	_ =	shalt  }
.Lfunc_end0:
.L_simem_size_0:
called_computation_lowered:
.L_overlay_start_0:
0x88: {  	s2 =	sld [smem:$0x3FD9]  }
0x89: {  	s3 =	sld [smem:$0x3FFE];
	_ =	sdelay $0x1  }
0x8a: {  	s1 =	srdreg.scid  }
0x8b: {  	s0 =	sand.u32 $0x1, s1  }
0x8c: {  	s17 =	sshll.u32 s0, $0xA;
	s2 =	sadd.s32 s3, s2  }
0x8d: {  	s2 =	sadd.s32 s2, s17  }
0x8e: {  	[smem:$0x3FC0] =	sst s2  }
0x8f: {  	_ = 	snop  }
0x90: {  	s2 =	sld [smem:$0x3FC9]  }
0x91: {  	s18 =	sld [smem:$0x3FC6]  }
0x92: {  	s4 =	sld [smem:$0x3FC5]  }
0x93: {  	s5 =	sld [smem:$0x3FD0];
	(tm) =	ssettm $0x1  }
0x94: {  	s6 =	sld [smem:$0x3FFB];
	_ =	sdelay $0x3  }
0x95: {  	_ =	strace s6  }
0x96: {  	s6 =	sld [smem:$0x3FFC];
	_ =	sdelay $0x3  }
0x97: {  	_ =	strace s6  }
0x98: {  	s6 =	sld [smem:$0x3FFD];
	_ =	sdelay $0x3  }
0x99: {  	_ =	strace s6  }
0x9a: {  	_ =	strace $0x8FFFFFFF  }
0x9b: {  	s19 =	sld [smem:$0x3FDB];
	_ =	sdelay $0x1  }
0x9c: {  	s7 =	simm.s32 $_scs_section_size  }
0x9d: {  	s8 =	simm.s32 $_size__tile_overlayer_lowered;
	s9 =	simm.s32 $_tile_overlayer_lowered  }
0x9e: {  	s22 =	simm.s32 $0x1BFF;
	s21 =	sshll.u32 s9, $0x1;
	s6 =	sadd.s32 s7, s19  }
0x9f: {  	s10 =	simm.s32 $0x0;
	s20 =	sshll.u32 s8, $0x1;
	s8 =	sadd.s32 s21, s6  }
0xa0: {  	[timem:s10], [sflag:s22] =	dma.local [hbm:s8], s20  }
0xa1: {  	_ =	swait.ge [sflag:s22], s20  }
0xa2: {  	s7 =	ssub.s32 $0x0, s20;
	[sflag:s22] =	ssyncset.done $0x0  }
0xa3: {  	[sflag:s22] =	ssyncadd.s32 s7;
	_ =	sdelay $0x1  }
0xa4: {  	s23 =	simm.s32 $0x1B8B  }
0xa5: {  	_ =	swait.ge [sflag:s23], $0x1  }
0xa6: {  	[sflag:s23] =	ssyncset.done $0x0  }
0xa7: {  	s25 =	simm.s32 $0x1B8E;
	s24 =	sld [smem:$0x3FFE];
	[sflag:s23] =	ssyncadd.s32 $0xFFFFFFFF  }
0xa8: {  	s26 =	simm.s32 $execute0_lowered;
	[smem:$0x3FD2] =	sst s25  }
0xa9: {  	s8 =	sshll.u32 s26, $0x1;
	_ =	strace $0x80000046;
	[dreg:$0x1] =	wrdreg $0xFFFFFFFF  }
0xaa: {  	s28 =	simm.s32 $_size_execute0_lowered;
	s6 =	sadd.s32 s6, s8;
	[dreg:$0x0] =	wrdreg $0x0  }
0xab: {  	s8 =	sshll.u32 s28, $0x1;
	[dreg:$0x2] =	wrdreg s6  }
0xac: {  	[dreg:$0x3] =	wrdreg s8  }
0xad: {  	[dreg:$0x4] =	wrdreg $0xC0  }
0xae: {  	_ =	task [dreg:s10], $0x5FFFF  }
0xaf: {  	[dreg:$0x1] =	wrdreg $0xFFFFFFFF  }
0xb0: {  	[dreg:$0x0] =	wrdreg $0x60  }
0xb1: {  	[dreg:$0x2] =	wrdreg s2  }
0xb2: {  	[dreg:$0x3] =	wrdreg s5  }
0xb3: {  	[dreg:$0x4] =	wrdreg s24  }
0xb4: {  	[dreg:$0x5] =	wrdreg s18  }
0xb5: {  	[dreg:$0x6] =	wrdreg s4  }
0xb6: {  	[dreg:$0x7] =	wrdreg $0x9  }
0xb7: {  	_ =	task.clear_ibuf [dreg:s10], $0x8FFFF;
	_ =	strace $0x90000046  }
0xb8: {  	s29 =	simm.s32 $0x9;
	_ =	strace $0x80000048  }
0xb9: {  	_ =	swait.ge [sflag:s29], $0x1  }
0xba: {  	[sflag:s29] =	ssyncadd.s32 $0xFFFFFFFF  }
0xbb: {  	_ =	strace $0x90000048  }
0xbc: {  	_ =	sfence  }
0xbd: {  	s30 =	sld [smem:$0x0];
	_ =	sdelay $0x2  }
0xbe: {  	s31 =	sshll.u32 s1, $0xD;
	s1 =	sshrl.u32 s1, $0x2  }
0xbf: {  	s3 =	sand.u32 $0x4000, s31;
	s1 =	sadd.s32 s1, s30  }
0xc0: {  	s0 =	sor.u32 s3, s0;
	s1 =	sshll.u32 s1, $0x11  }
0xc1: {  	s0 =	sor.u32 s1, s0  }
0xc2: {  	s0 =	sadd.s32 $0x8F2B, s0  }
0xc3: {  	[sflag:s0] =	ssyncadd.remote.s32 $0x1  }
0xc4: {  	_ =	sfence.sel $0xFFFF  }
0xc5: {  	[dreg:$0x0] =	wrdreg $0xFFFFFFFF;
	(pc) =	sbr.abs _section_cstart, $3  }
0xc6: {  	[dreg:$0x1] =	wrdreg $0xFFFFFFFF  }
0xc7: {  	_ =	task.clear_ibuf [dreg:s10], $0x2FFFF;
	_ =	strace $0x9FFFFFFF  }
0xc8: {  	(tm) =	ssettm $0x7FFFFFFF  }
0xc9: {  	_ =	shalt  }
tec
execute0_lowered:
.L_overlay_start_1:
0x0: {  	(tag) =	ssettag $0x1  }
0x1: {  	s6 =	rddreg [dreg:$0x0]  }
0x2: {  	s0 =	rddreg [dreg:$0x1]  }
0x3: {  	s1 =	rddreg [dreg:$0x2]  }
0x4: {  	s7 =	rddreg [dreg:$0x3]  }
0x5: {  	s8 =	rddreg [dreg:$0x4];
	s2 =	simm.s32 $0x0;
	s20 =	srdreg.scid  }
0x6: {  	[smem:$0x7FF] =	sst s2;
	s9 =	sadd.s32 $0x1200, s1;
	s1 =	sadd.s32 $0x11200, s1  }
0x7: {  	s22 =	sadd.s32 $0x100, s7;
	_ =	strace $0x80000047;
	[dreg:$0x8] =	wrdreg s1  }
0x8: {  	s4 =	stileid.u32;
	s23 =	sadd.s32 $0x200, s7;
	[dreg:$0xa] =	wrdreg s22  }
0x9: {  	s2 =	sand.u32 $0x1, s20;
	s24 =	sadd.s32 $0x300, s7;
	[dreg:$0xb] =	wrdreg s23  }
0xa: {  	s4 =	sshll.u32 s4, $0x8;
	s25 =	sadd.s32 $0x100, s8;
	[dreg:$0xc] =	wrdreg s24  }
0xb: {  	s28 =	sadd.s32 $0x200, s8;
	s29 =	sadd.s32 $0x300, s8;
	[dreg:$0xd] =	wrdreg s25  }
0xc: {  	s3 =	ssub.s32 $0x2, s2;
	s2 =	sshll.u32 s2, $0x7;
	[dreg:$0xe] =	wrdreg s28  }
0xd: {  	[dreg:$0xf] =	wrdreg s29;
	s4 =	sor.u32 s2, s4  }
0xe: {  	[dreg:$0x6] =	wrdreg s9;
	s2 =	sshll.u32 s4, $0x4  }
0xf: {  	s5 =	sshrl.u32 s3, $0x1;
	[dreg:$0x7] =	wrdreg s4;
	s0 =	sadd.s32 s0, s2  }
0x10: {  	s21 =	ssub.s32 s3, s5;
	s30 =	sadd.s32 s9, s2;
	[dreg:$0x9] =	wrdreg s0  }
0x11: {  	v2 =	vlaneseq.u32;
	s26 =	sshll.u32 s4, $0x7;
	s31 =	smax.u32 s21, $0x1;
	[dreg:$0x11] =	wrdreg s30  }
0x12: {  	vm0 =	vmmov $0xffff;
	v1 =	vshrl.u32 v2, $0x3;
	s0 =	sadd.s32 s6, s26;
	[dreg:$0x12] =	wrdreg s31  }
0x13: {  	v0 =	vand.u32 $0x7, v2;
	v2 =	vor.u32 $0x8, v2;
	v1 =	vmul.u32 $0x8, v1;
	s2 =	simm.s32 $0x0;
	[dreg:$0x10] =	wrdreg s0  }
.LBB2_1:
0x14: {  	[dreg:$0x13] =	wrdreg s2  }
0x15: {  	s1 =	simm.s32 $0x0;
	s0 =	rddreg [dreg:$0x9];
	s5 =	simm.s32 $0x8  }
0x16: {  	[tilespmem:s1], [sflag:$0x8] =	stream.linear.gather [hbm4b:s0+s1], $0x4000, $0x38;
	[tilespmem:$0x14880] =	vst v63  }
0x17: {  	_ =	swait.ge [sflag:s5], $0x4000  }
0x18: {  	[sflag:s5] =	ssyncset.done $0x0  }
0x19: {  	[sflag:s5] =	ssyncadd.s32 $0xFFFFC000  }
0x1a: {  	v3 =	vld [tilespmem:$0x0];
	_ =	sdelay $0x4  }
0x1b: {  	v4 =	vshll.u32 v3, $0x3  }
0x1c: {  	v3 =	vand.u32 $0x7, v3;
	v4 =	vand.u32 $0xFFFFFFC0, v4  }
0x1d: {  	v3 =	vor.u32 v3, v4  }
0x1e: {  	v4 =	vperm.xlane v3, v0;
	_ =	sdelay $0x1  }
0x1f: {  	v4 =	vadd.s32 v1, v4;
	_ =	sdelay $0x3  }
0x20: {  	s30 =	simm.s32 $0x4480;
	s29 =	rddreg [dreg:$0x3]  }
0x21: {  	[tilespmem:s30], [sflag:$0x1] =	stream.indirect_vreg.gather [hbm4b:s29+s1], $0x80, v4, vm0, $0xb8;
	[tilespmem:$0x14880] =	vst v63  }
0x22: {  	s3 =	simm.s32 $0x4C80;
	s31 =	rddreg [dreg:$0xa];
	v3 =	vperm.xlane v3, v2  }
0x23: {  	[tilespmem:s3], [sflag:$0x1] =	stream.indirect_vreg.gather [hbm4b:s31+s1], $0x80, v4, vm0, $0xb8;
	[tilespmem:$0x14880] =	vst v63  }
0x24: {  	s4 =	simm.s32 $0x5480;
	s7 =	rddreg [dreg:$0xb];
	v3 =	vadd.s32 v1, v3  }
0x25: {  	[tilespmem:s4], [sflag:$0x1] =	stream.indirect_vreg.gather [hbm4b:s7+s1], $0x80, v4, vm0, $0xb8;
	[tilespmem:$0x14880] =	vst v63  }
0x26: {  	s6 =	simm.s32 $0x5C80;
	s8 =	rddreg [dreg:$0xc]  }
0x27: {  	[tilespmem:s6], [sflag:$0x1] =	stream.indirect_vreg.gather [hbm4b:s8+s1], $0x80, v4, vm0, $0xb8;
	[tilespmem:$0x14880] =	vst v63  }
0x28: {  	s9 =	simm.s32 $0x6480  }
0x29: {  	[tilespmem:s9], [sflag:$0x1] =	stream.indirect_vreg.gather [hbm4b:s29+s1], $0x80, v3, vm0, $0xb8;
	[tilespmem:$0x14880] =	vst v63  }
0x2a: {  	s10 =	simm.s32 $0x6C80  }
0x2b: {  	[tilespmem:s10], [sflag:$0x1] =	stream.indirect_vreg.gather [hbm4b:s31+s1], $0x80, v3, vm0, $0xb8;
	[tilespmem:$0x14880] =	vst v63  }
0x2c: {  	s11 =	simm.s32 $0x7480  }
0x2d: {  	[tilespmem:s11], [sflag:$0x1] =	stream.indirect_vreg.gather [hbm4b:s7+s1], $0x80, v3, vm0, $0xb8;
	[tilespmem:$0x14880] =	vst v63  }
0x2e: {  	s12 =	simm.s32 $0x7C80  }
0x2f: {  	[tilespmem:s12], [sflag:$0x1] =	stream.indirect_vreg.gather [hbm4b:s8+s1], $0x80, v3, vm0, $0xb8;
	[tilespmem:$0x14880] =	vst v63  }
0x30: {  	v3 =	vld [tilespmem:$0x0];
	_ =	sdelay $0x4  }
0x31: {  	v63 =	vshll.u32 v3, $0x3  }
0x32: {  	v3 =	vand.u32 $0x7, v3;
	v4 =	vand.u32 $0xFFFFFFC0, v63  }
0x33: {  	v3 =	vor.u32 v3, v4  }
0x34: {  	v4 =	vperm.xlane v3, v0;
	_ =	sdelay $0x1  }
0x35: {  	v4 =	vadd.s32 v1, v4;
	_ =	sdelay $0x3  }
0x36: {  	s14 =	simm.s32 $0xC480;
	s13 =	rddreg [dreg:$0x4]  }
0x37: {  	[tilespmem:s14], [sflag:$0x3] =	stream.indirect_vreg.gather [hbm4b:s13+s1], $0x80, v4, vm0, $0xb8;
	[tilespmem:$0x14880] =	vst v63  }
0x38: {  	s16 =	simm.s32 $0xCC80;
	s15 =	rddreg [dreg:$0xd];
	v3 =	vperm.xlane v3, v2  }
0x39: {  	[tilespmem:s16], [sflag:$0x3] =	stream.indirect_vreg.gather [hbm4b:s15+s1], $0x80, v4, vm0, $0xb8;
	[tilespmem:$0x14880] =	vst v63  }
0x3a: {  	s18 =	simm.s32 $0xD480;
	s17 =	rddreg [dreg:$0xe];
	v3 =	vadd.s32 v1, v3  }
0x3b: {  	[tilespmem:s18], [sflag:$0x3] =	stream.indirect_vreg.gather [hbm4b:s17+s1], $0x80, v4, vm0, $0xb8;
	[tilespmem:$0x14880] =	vst v63  }
0x3c: {  	s20 =	simm.s32 $0xDC80;
	s19 =	rddreg [dreg:$0xf]  }
0x3d: {  	[tilespmem:s20], [sflag:$0x3] =	stream.indirect_vreg.gather [hbm4b:s19+s1], $0x80, v4, vm0, $0xb8;
	[tilespmem:$0x14880] =	vst v63  }
0x3e: {  	s21 =	simm.s32 $0xE480  }
0x3f: {  	[tilespmem:s21], [sflag:$0x3] =	stream.indirect_vreg.gather [hbm4b:s13+s1], $0x80, v3, vm0, $0xb8;
	[tilespmem:$0x14880] =	vst v63  }
0x40: {  	s22 =	simm.s32 $0xEC80  }
0x41: {  	[tilespmem:s22], [sflag:$0x3] =	stream.indirect_vreg.gather [hbm4b:s15+s1], $0x80, v3, vm0, $0xb8;
	[tilespmem:$0x14880] =	vst v63  }
0x42: {  	s23 =	simm.s32 $0xF480  }
0x43: {  	[tilespmem:s23], [sflag:$0x3] =	stream.indirect_vreg.gather [hbm4b:s17+s1], $0x80, v3, vm0, $0xb8;
	[tilespmem:$0x14880] =	vst v63  }
0x44: {  	s24 =	simm.s32 $0xFC80;
	s26 =	simm.s32 $0x80  }
0x45: {  	[tilespmem:s24], [sflag:$0x3] =	stream.indirect_vreg.gather [hbm4b:s19+s1], $0x80, v3, vm0, $0xb8;
	[tilespmem:$0x14880] =	vst v63  }
0x46: {  	s28 =	simm.s32 $0x400;
	s25 =	rddreg [dreg:$0x10];
	s29 =	simm.s32 $0x4080  }
0x47: {  	[tilespmem:s29], [sflag:$0x8] =	stream.strided.gather [hbm4b:s25+s26], $0x400, s28, s26, $0x38;
	[tilespmem:$0x14880] =	vst v63  }
0x48: {  	_ =	swait.ge [sflag:s5], $0x400  }
0x49: {  	[sflag:s5] =	ssyncset.done $0x0  }
0x4a: {  	s31 =	simm.s32 $0x4000;
	s30 =	rddreg [dreg:$0x11];
	[sflag:s5] =	ssyncadd.s32 $0xFFFFFC00  }
0x4b: {  	[tilespmem:s31], [sflag:$0x8] =	stream.linear.gather [hbm4b:s30+s1], $0x80, $0x38;
	[tilespmem:$0x14880] =	vst v63  }
0x4c: {  	_ =	swait.ge [sflag:s5], $0x80  }
0x4d: {  	[sflag:s5] =	ssyncset.done $0x0  }
0x4e: {  	s7 =	simm.s32 $0x0;
	[sflag:s5] =	ssyncadd.s32 $0xFFFFFF80  }
.LBB2_2:
0x4f: {  	s0 =	sshllo.u32 s7, $0x1  }
0x50: {  	s1 =	sshll.u32 s7, $0x6;
	[dreg:$0x15] =	wrdreg s0;
	s0 =	sshll.u32 s0, $0x4  }
0x51: {  	s1 =	sand.u32 $0x3F80, s1;
	s0 =	sand.u32 $0x30, s0  }
0x52: {  	s0 =	sor.u32 s0, s1  }
0x53: {  	v3 =	vld [tilespmem:s0+$0x0];
	_ =	sdelay $0x4  }
0x54: {  	v4 =	vshll.u32 v3, $0x3  }
0x55: {  	v3 =	vand.u32 $0x7, v3;
	v4 =	vand.u32 $0xFFFFFFC0, v4  }
0x56: {  	v3 =	vor.u32 v3, v4  }
0x57: {  	v4 =	vperm.xlane v3, v0;
	_ =	sdelay $0x1  }
0x58: {  	v4 =	vadd.s32 v1, v4;
	_ =	sdelay $0x3  }
0x59: {  	s26 =	rddreg [dreg:$0x3];
	s2 =	simm.s32 $0x0;
	s3 =	simm.s32 $0x8480  }
0x5a: {  	[tilespmem:s3], [sflag:$0x2] =	stream.indirect_vreg.gather [hbm4b:s26+s2], $0x80, v4, vm0, $0xb8;
	[tilespmem:$0x14880] =	vst v63  }
0x5b: {  	s28 =	rddreg [dreg:$0xa];
	s4 =	simm.s32 $0x8C80;
	v3 =	vperm.xlane v3, v2  }
0x5c: {  	[tilespmem:s4], [sflag:$0x2] =	stream.indirect_vreg.gather [hbm4b:s28+s2], $0x80, v4, vm0, $0xb8;
	[tilespmem:$0x14880] =	vst v63  }
0x5d: {  	s29 =	rddreg [dreg:$0xb];
	s5 =	simm.s32 $0x9480;
	v3 =	vadd.s32 v1, v3  }
0x5e: {  	[tilespmem:s5], [sflag:$0x2] =	stream.indirect_vreg.gather [hbm4b:s29+s2], $0x80, v4, vm0, $0xb8;
	[tilespmem:$0x14880] =	vst v63  }
0x5f: {  	s30 =	rddreg [dreg:$0xc];
	s6 =	simm.s32 $0x9C80  }
0x60: {  	[tilespmem:s6], [sflag:$0x2] =	stream.indirect_vreg.gather [hbm4b:s30+s2], $0x80, v4, vm0, $0xb8;
	[tilespmem:$0x14880] =	vst v63  }
0x61: {  	s31 =	simm.s32 $0xA480  }
0x62: {  	[tilespmem:s31], [sflag:$0x2] =	stream.indirect_vreg.gather [hbm4b:s26+s2], $0x80, v3, vm0, $0xb8;
	[tilespmem:$0x14880] =	vst v63  }
0x63: {  	s6 =	simm.s32 $0xAC80  }
0x64: {  	[tilespmem:s6], [sflag:$0x2] =	stream.indirect_vreg.gather [hbm4b:s28+s2], $0x80, v3, vm0, $0xb8;
	[tilespmem:$0x14880] =	vst v63  }
0x65: {  	s8 =	simm.s32 $0xB480  }
0x66: {  	[tilespmem:s8], [sflag:$0x2] =	stream.indirect_vreg.gather [hbm4b:s29+s2], $0x80, v3, vm0, $0xb8;
	[tilespmem:$0x14880] =	vst v63  }
0x67: {  	s9 =	simm.s32 $0xBC80  }
0x68: {  	[tilespmem:s9], [sflag:$0x2] =	stream.indirect_vreg.gather [hbm4b:s30+s2], $0x80, v3, vm0, $0xb8;
	[tilespmem:$0x14880] =	vst v63  }
0x69: {  	v3 =	vld [tilespmem:s0+$0x0];
	_ =	sdelay $0x4  }
0x6a: {  	v4 =	vshll.u32 v3, $0x3  }
0x6b: {  	v3 =	vand.u32 $0x7, v3;
	v4 =	vand.u32 $0xFFFFFFC0, v4  }
0x6c: {  	v3 =	vor.u32 v3, v4  }
0x6d: {  	v4 =	vperm.xlane v3, v0;
	_ =	sdelay $0x1  }
0x6e: {  	v4 =	vadd.s32 v1, v4;
	_ =	sdelay $0x3  }
0x6f: {  	s10 =	rddreg [dreg:$0x4];
	s11 =	simm.s32 $0x10480  }
0x70: {  	[tilespmem:s11], [sflag:$0x4] =	stream.indirect_vreg.gather [hbm4b:s10+s2], $0x80, v4, vm0, $0xb8;
	[tilespmem:$0x14880] =	vst v63  }
0x71: {  	s12 =	rddreg [dreg:$0xd];
	s13 =	simm.s32 $0x10C80;
	v3 =	vperm.xlane v3, v2  }
0x72: {  	[tilespmem:s13], [sflag:$0x4] =	stream.indirect_vreg.gather [hbm4b:s12+s2], $0x80, v4, vm0, $0xb8;
	[tilespmem:$0x14880] =	vst v63  }
0x73: {  	s14 =	rddreg [dreg:$0xe];
	s15 =	simm.s32 $0x11480;
	v3 =	vadd.s32 v1, v3  }
0x74: {  	[tilespmem:s15], [sflag:$0x4] =	stream.indirect_vreg.gather [hbm4b:s14+s2], $0x80, v4, vm0, $0xb8;
	[tilespmem:$0x14880] =	vst v63  }
0x75: {  	s16 =	rddreg [dreg:$0xf];
	s17 =	simm.s32 $0x11C80  }
0x76: {  	[tilespmem:s17], [sflag:$0x4] =	stream.indirect_vreg.gather [hbm4b:s16+s2], $0x80, v4, vm0, $0xb8;
	[tilespmem:$0x14880] =	vst v63  }
0x77: {  	s18 =	simm.s32 $0x12480  }
0x78: {  	[tilespmem:s18], [sflag:$0x4] =	stream.indirect_vreg.gather [hbm4b:s10+s2], $0x80, v3, vm0, $0xb8;
	[tilespmem:$0x14880] =	vst v63  }
0x79: {  	s19 =	simm.s32 $0x12C80  }
0x7a: {  	[tilespmem:s19], [sflag:$0x4] =	stream.indirect_vreg.gather [hbm4b:s12+s2], $0x80, v3, vm0, $0xb8;
	[tilespmem:$0x14880] =	vst v63  }
0x7b: {  	s20 =	simm.s32 $0x13480;
	s21 =	sshll.u32 s7, $0x1  }
0x7c: {  	[tilespmem:s20], [sflag:$0x4] =	stream.indirect_vreg.gather [hbm4b:s14+s2], $0x80, v3, vm0, $0xb8;
	[tilespmem:$0x14880] =	vst v63  }
0x7d: {  	s22 =	simm.s32 $0x13C80;
	[dreg:$0x14] =	wrdreg s7;
	p0 =	slt.u32 s7, $0x2  }
0x7e: {  	[tilespmem:s22], [sflag:$0x4] =	stream.indirect_vreg.gather [hbm4b:s16+s2], $0x80, v3, vm0, $0xb8;
	[tilespmem:$0x14880] =	vst v63  }
0x7f: {  	s23 =	simm.s32 $0x1;
	[dreg:$0x16] =	wrdreg s21;
	s16 =	sand.u32 $0x2, s21  }
0x80: {  	_ =	swait.ge [sflag:s23], $0x4000;
	p1 =	sne.s32 @!p0 s16, $0x0  }
0x81: {  	[sflag:s23] =	ssyncset.done $0x0;
	p0 =	por p1, p0  }
0x82: {  	[sflag:s23] =	ssyncadd.s32 $0xFFFFC000;
	s0 =	simm.s32 @!p0 $0x7  }
0x83: {  	s4 =	simm.s32 $0x0;
	_ =	swait.ge @!p0 [sflag:s0], $0x400  }
0x84: {  	s24 =	simm.s32 $0x4080;
	s1 =	sand.u32 $0x60, s4;
	[sflag:s0] =	ssyncset.done @!p0 $0x0  }
0x85: {  	s25 =	sor.u32 s4, s4;
	s3 =	sand.u32 $0x1C00, s4;
	[sflag:s0] =	ssyncadd.s32 @!p0 $0xFFFFFC00  }
0x86: {  	s26 =	sand.u32 $0x380, s4;
	s28 =	sor.u32 $0x380, s25;
	s2 =	sor.u32 $0x10, s1;
	v4 =	vld [tilespmem:s24+$0x0]  }
0x87: {  	s29 =	sadd.s32 $0x4480, s3;
	s30 =	sor.u32 s2, s26;
	v5 =	vld [tilespmem:s28+$0x4480]  }
0x88: {  	s31 =	sor.u32 s2, s29;
	v3 =	vld [tilespmem:s30+$0x4080]  }
0x89: {  	v6 =	vld [tilespmem:s31+$0x0]  }
0x8a: {  	v7 =	vld [tilespmem:s31+$0x80]  }
0x8b: {  	v8 =	vld [tilespmem:s31+$0x100]  }
0x8c: {  	v9 =	vld [tilespmem:s31+$0x180]  }
0x8d: {  	s5 =	sadd.s32 $0x6480, s3;
	v10 =	vld [tilespmem:s31+$0x200]  }
0x8e: {  	s8 =	sadd.s32 $0x6500, s3;
	s12 =	sor.u32 s2, s5;
	v11 =	vld [tilespmem:s31+$0x280]  }
0x8f: {  	s9 =	sadd.s32 $0x6580, s3;
	s13 =	sor.u32 s2, s8;
	v12 =	vld [tilespmem:s12+$0x0]  }
0x90: {  	s10 =	sadd.s32 $0x6600, s3;
	s14 =	sor.u32 s2, s9;
	v13 =	vld [tilespmem:s13+$0x0]  }
0x91: {  	s15 =	sadd.s32 $0x6680, s3;
	s11 =	sor.u32 s2, s10;
	v14 =	vld [tilespmem:s14+$0x0]  }
0x92: {  	s17 =	sadd.s32 $0x6700, s3;
	s18 =	sor.u32 s2, s15;
	v15 =	vld [tilespmem:s11+$0x0]  }
0x93: {  	s19 =	sor.u32 s2, s17;
	v16 =	vld [tilespmem:s18+$0x0]  }
0x94: {  	s6 =	sor.u32 s1, s29;
	v19 =	vld [tilespmem:s19+$0x0]  }
0x95: {  	v20 =	vld [tilespmem:s6+$0x0]  }
0x96: {  	v21 =	vld [tilespmem:s6+$0x80]  }
0x97: {  	v22 =	vld [tilespmem:s6+$0x100]  }
0x98: {  	v24 =	vld [tilespmem:s6+$0x180];
	v5 =	vmul.f32 v5, v4;
	v6 =	vmul.f32 v6, v3  }
0x99: {  	v26 =	vld [tilespmem:s6+$0x200];
	v7 =	vmul.f32 v7, v3;
	v23 =	vmul.f32 v8, v3  }
0x9a: {  	s7 =	sor.u32 s1, s5;
	v27 =	vld [tilespmem:s6+$0x280];
	v25 =	vmul.f32 v9, v3;
	v10 =	vmul.f32 v10, v3  }
0x9b: {  	s25 =	sor.u32 s1, s9;
	s20 =	sand.u32 $0x3, s4;
	v28 =	vld [tilespmem:s7+$0x0];
	v11 =	vmul.f32 v11, v3;
	v18 =	vmul.f32 v12, v3  }
0x9c: {  	s21 =	sshll.u32 s20, $0x5;
	s26 =	sor.u32 s1, s10;
	v35 =	vld [tilespmem:s25+$0x0];
	v17 =	vmul.f32 v13, v3;
	v14 =	vmul.f32 v14, v3  }
0x9d: {  	s22 =	sor.u32 s1, s8;
	s6 =	sadd.s32 $0x0, s21;
	v36 =	vld [tilespmem:s26+$0x0];
	v12 =	vmul.f32 v15, v3;
	v9 =	vmul.f32 v16, v3  }
0x9e: {  	s23 =	sor.u32 $0x300, s6;
	s6 =	sadd.s32 $0x10, s6;
	v15 =	vld [tilespmem:s22+$0x0];
	v16 =	vmul.f32 v20, v4;
	v8 =	vmul.f32 v19, v3  }
0x9f: {  	s24 =	sor.u32 $0x300, s6;
	v19 =	vld [tilespmem:s23+$0x4480];
	v13 =	vimm.f32 $0.0e+00;
	v21 =	vmul.f32 v21, v4;
	v22 =	vmul.f32 v22, v4  }
0xa0: {  	s6 =	sor.u32 $0x380, s6;
	v20 =	vld [tilespmem:s24+$0x4480];
	v24 =	vmul.f32 v24, v4;
	v26 =	vmul.f32 v26, v4;
	v16 =	vadd.f32 v16, v13  }
0xa1: {  	v34 =	vld [tilespmem:s6+$0x4480];
	v27 =	vmul.f32 v27, v4;
	v21 =	vadd.f32 v21, v13;
	v29 =	vadd.f32 v22, v13  }
0xa2: {  	v33 =	vmul.f32 v28, v4;
	v24 =	vadd.f32 v24, v13;
	v5 =	vadd.f32 v5, v13  }
0xa3: {  	v35 =	vmul.f32 v35, v4;
	v31 =	vadd.f32 v6, v16;
	v22 =	vadd.f32 v7, v21  }
0xa4: {  	v30 =	vadd.f32 v23, v29;
	v29 =	vadd.f32 v25, v24;
	v6 =	vmul.f32 v19, v4  }
0xa5: {  	s5 =	sor.u32 s1, s15;
	v7 =	vadd.f32 v26, v13;
	v32 =	vmul.f32 v15, v4;
	v16 =	vmul.f32 v20, v3  }
0xa6: {  	s0 =	sor.u32 s1, s17;
	s28 =	sadd.s32 $0x6780, s3;
	v28 =	vld [tilespmem:s5+$0x0];
	v15 =	vadd.f32 v27, v13;
	v19 =	vmul.f32 v34, v3;
	v34 =	vmul.f32 v36, v4  }
0xa7: {  	s3 =	sadd.s32 $0x6800, s3;
	s29 =	sor.u32 s1, s28;
	v26 =	vld [tilespmem:s0+$0x0];
	v21 =	vadd.f32 v10, v7;
	v10 =	vimm.f32 $0.0e+00;
	v6 =	vadd.f32 v6, v13  }
0xa8: {  	s30 =	sor.u32 s1, s3;
	v23 =	vld [tilespmem:s29+$0x0];
	v7 =	vimm.f32 $0.0e+00;
	v25 =	vadd.f32 v11, v15;
	v20 =	vadd.f32 v19, v5  }
0xa9: {  	s8 =	simm.s32 $0x20;
	s9 =	simm.s32 $0x40A0;
	s31 =	sor.u32 s2, s28;
	v19 =	vld [tilespmem:s30+$0x0];
	v15 =	vimm.f32 $0.0e+00;
	v11 =	vimm.f32 $0.0e+00;
	v5 =	vimm.f32 $0.0e+00  }
0xaa: {  	s1 =	simm.s32 $0x100;
	s6 =	simm.s32 $0x0;
	s23 =	sor.u32 s2, s3;
	v27 =	vld [tilespmem:s31+$0x0];
	v24 =	vadd.f32 v16, v6;
	v16 =	vimm.f32 $0.0e+00;
	v6 =	vimm.f32 $0.0e+00  }
.LBB2_3:
0xab: {  	s3 =	sand.u32 $0x60, s8;
	s0 =	sor.u32 s1, s8;
	s5 =	sand.u32 $0x380, s8;
	v13 =	vadd.f32 v33, v13;
	v16 =	vadd.f32 v32, v16;
	v28 =	vmul.f32 v28, v4;
	v32 =	vld [tilespmem:s23+$0x0]  }
0xac: {  	s7 =	sand.u32 $0x1C00, s1;
	v15 =	vadd.f32 v35, v15;
	v33 =	vld [tilespmem:s9+$0x0];
	s0 =	sor.u32 $0x380, s0;
	s2 =	sor.u32 $0x10, s3;
	v11 =	vadd.f32 v34, v11;
	v26 =	vmul.f32 v26, v4  }
0xad: {  	s12 =	sadd.s32 $0x4480, s7;
	v34 =	vld [tilespmem:s0+$0x4480];
	s0 =	sor.u32 s2, s5;
	v23 =	vmul.f32 v23, v4;
	v13 =	vadd.f32 v18, v13;
	v16 =	vadd.f32 v17, v16  }
0xae: {  	v15 =	vadd.f32 v14, v15;
	v17 =	vld [tilespmem:s0+$0x4080];
	s0 =	sor.u32 s2, s12;
	v35 =	vmul.f32 v19, v4;
	v11 =	vadd.f32 v12, v11  }
0xaf: {  	v10 =	vadd.f32 v28, v10;
	v7 =	vadd.f32 v26, v7;
	v12 =	vld [tilespmem:s0+$0x0];
	v14 =	vmul.f32 v27, v3  }
0xb0: {  	v6 =	vadd.f32 v23, v6;
	v18 =	vld [tilespmem:s0+$0x80];
	v5 =	vadd.f32 v35, v5;
	v23 =	vmul.f32 v32, v3  }
0xb1: {  	v10 =	vadd.f32 v9, v10;
	v7 =	vadd.f32 v8, v7;
	v19 =	vld [tilespmem:s0+$0x100];
	v4 =	vmov v33  }
0xb2: {  	v6 =	vadd.f32 v14, v6;
	v8 =	vld [tilespmem:s0+$0x180];
	v5 =	vadd.f32 v23, v5  }
0xb3: {  	s13 =	sadd.s32 $0x6480, s7;
	v9 =	vld [tilespmem:s0+$0x200];
	v3 =	vmov v17  }
0xb4: {  	s14 =	sadd.s32 $0x6500, s7;
	s5 =	sor.u32 s2, s13;
	v14 =	vld [tilespmem:s0+$0x280]  }
0xb5: {  	s0 =	sadd.s32 $0x6580, s7;
	v17 =	vld [tilespmem:s5+$0x0];
	s5 =	sor.u32 s2, s14  }
0xb6: {  	s10 =	sadd.s32 $0x6600, s7;
	v23 =	vld [tilespmem:s5+$0x0];
	s5 =	sor.u32 s2, s0  }
0xb7: {  	s11 =	sadd.s32 $0x6680, s7;
	s15 =	sor.u32 s2, s10;
	v26 =	vld [tilespmem:s5+$0x0]  }
0xb8: {  	s5 =	sadd.s32 $0x6700, s7;
	v27 =	vld [tilespmem:s15+$0x0];
	s15 =	sor.u32 s2, s11  }
0xb9: {  	v28 =	vld [tilespmem:s15+$0x0];
	s15 =	sor.u32 s2, s5  }
0xba: {  	s12 =	sor.u32 s3, s12;
	v32 =	vld [tilespmem:s15+$0x0]  }
0xbb: {  	v33 =	vld [tilespmem:s12+$0x0]  }
0xbc: {  	v34 =	vmul.f32 v34, v4;
	v36 =	vmul.f32 v12, v3;
	v35 =	vld [tilespmem:s12+$0x80]  }
0xbd: {  	v38 =	vmul.f32 v18, v3;
	v19 =	vmul.f32 v19, v3;
	v37 =	vld [tilespmem:s12+$0x100]  }
0xbe: {  	s4 =	sadd.s32 $0x1, s4;
	v40 =	vmul.f32 v8, v3;
	v41 =	vmul.f32 v9, v3;
	v39 =	vld [tilespmem:s12+$0x180]  }
0xbf: {  	v43 =	vmul.f32 v14, v3;
	s15 =	sand.u32 $0x3, s4;
	v18 =	vmul.f32 v17, v3;
	v42 =	vld [tilespmem:s12+$0x200]  }
0xc0: {  	s15 =	sshll.u32 s15, $0x5;
	v17 =	vmul.f32 v23, v3;
	v14 =	vmul.f32 v26, v3;
	v44 =	vld [tilespmem:s12+$0x280];
	s12 =	sor.u32 s3, s13  }
0xc1: {  	v12 =	vmul.f32 v27, v3;
	v9 =	vmul.f32 v28, v3;
	s13 =	sadd.s32 s15, s1;
	v23 =	vld [tilespmem:s12+$0x0];
	s12 =	sor.u32 s3, s14  }
0xc2: {  	v8 =	vmul.f32 v32, v3;
	v26 =	vmul.f32 v33, v4;
	s14 =	sor.u32 $0x300, s13;
	v27 =	vld [tilespmem:s12+$0x0];
	s12 =	sadd.s32 $0x10, s13  }
0xc3: {  	v28 =	vmul.f32 v35, v4;
	v32 =	vmul.f32 v37, v4;
	v35 =	vld [tilespmem:s14+$0x4480];
	s13 =	sor.u32 $0x300, s12  }
0xc4: {  	v33 =	vmul.f32 v39, v4;
	s12 =	sor.u32 $0x380, s12;
	v37 =	vmul.f32 v42, v4;
	v39 =	vld [tilespmem:s13+$0x4480]  }
0xc5: {  	s0 =	sor.u32 s3, s0;
	v26 =	vadd.f32 v26, v31;
	v22 =	vadd.f32 v28, v22;
	v42 =	vmul.f32 v44, v4;
	v44 =	vld [tilespmem:s12+$0x4480]  }
0xc6: {  	s6 =	sadd.s32 $0x2, s6;
	v30 =	vadd.f32 v32, v30;
	v29 =	vadd.f32 v33, v29;
	v33 =	vmul.f32 v23, v4;
	v45 =	vld [tilespmem:s0+$0x0];
	s0 =	sor.u32 s3, s10  }
0xc7: {  	p0 =	slt.u32 s6, $0x3E;
	v31 =	vadd.f32 v36, v26;
	v22 =	vadd.f32 v38, v22;
	v32 =	vmul.f32 v27, v4;
	v27 =	vld [tilespmem:s0+$0x0];
	s0 =	sor.u32 s3, s11  }
.Ltmp0:
0xc8: {  	v30 =	vadd.f32 v19, v30;
	v29 =	vadd.f32 v40, v29;
	v23 =	vmul.f32 v35, v4;
	v28 =	vld [tilespmem:s0+$0x0];
	s0 =	sor.u32 s3, s5;
	s5 =	sadd.s32 $0x6780, s7;
	(pc) =	sbr.rel @p0 .LBB2_3-.Ltmp0, $4  }
0xc9: {  	v21 =	vadd.f32 v37, v21;
	v25 =	vadd.f32 v42, v25;
	s7 =	sadd.s32 $0x6800, s7;
	v26 =	vld [tilespmem:s0+$0x0];
	s0 =	sor.u32 s3, s5;
	v36 =	vmul.f32 v39, v3  }
0xca: {  	v20 =	vadd.f32 v34, v20;
	v24 =	vadd.f32 v23, v24;
	v23 =	vld [tilespmem:s0+$0x0];
	s0 =	sor.u32 s3, s7;
	v37 =	vmul.f32 v44, v3  }
0xcb: {  	s1 =	sadd.s32 $0x100, s1;
	v21 =	vadd.f32 v41, v21;
	v25 =	vadd.f32 v43, v25;
	v35 =	vmul.f32 v45, v4;
	v19 =	vld [tilespmem:s0+$0x0];
	s0 =	sor.u32 s2, s5  }
0xcc: {  	s8 =	sadd.s32 $0x20, s8;
	s9 =	sadd.s32 $0x20, s9;
	s23 =	sor.u32 s2, s7;
	v34 =	vmul.f32 v27, v4;
	v24 =	vadd.f32 v36, v24;
	v20 =	vadd.f32 v37, v20;
	v27 =	vld [tilespmem:s0+$0x0]  }
0xcd: {  	(xrf2) =	vadd.scan.msk.f32 $0xffff, v31;
	_ =	sdelay $0x9  }
0xce: {  	v31, _, _ =	vpop (xrf2)  }
0xcf: {  	(v2sf) =	vpush v31, $0xF;
	_ =	sdelay $0x1  }
0xd0: {  	(xrf2) =	vadd.scan.msk.f32 $0xffff, v22;
	_ =	sdelay $0x3  }
0xd1: {  	s0 =	sshll.u32 s16, $0x4  }
0xd2: {  	v22 =	vld [tilespmem:s0+$0x4000];
	_ =	sdelay $0x4  }
0xd3: {  	(v2sf) =	vpush v22, $0x0;
	v31, _, _ =	vpop (xrf2)  }
0xd4: {  	(v2sf) =	vpush v31, $0xF;
	_ =	sdelay $0x1  }
0xd5: {  	(xrf2) =	vadd.scan.msk.f32 $0xffff, v30;
	s4 =	spop (v2sf)  }
0xd6: {  	s12 =	ssub.f32 $0.0e+00, s4;
	_ =	sdelay $0x1  }
0xd7: {  	v30 =	vmov s12  }
0xd8: {  	v30 =	vmul.f32 $1.442695020e+00, v30;
	_ =	sdelay $0x1  }
0xd9: {  	v30 =	vbroadcast v30, $0x0;
	_ =	sdelay $0x1  }
0xda: {  	(erf) = vpow2.f32 v30;
	_ =	sdelay $0x1  }
0xdb: {  	(v2sf) =	vpush v22, $0x1;
	v30, _, _ =	vpop (xrf2)  }
0xdc: {  	(v2sf) =	vpush v30, $0xF  }
0xdd: {  	s2 =	spop (v2sf)  }
0xde: {  	s21 =	spop (v2sf);
	(xrf2) =	vadd.scan.msk.f32 $0xffff, v29  }
0xdf: {  	s13 =	ssub.f32 $0.0e+00, s21;
	_ =	sdelay $0x1  }
0xe0: {  	v29 =	vmov s13  }
0xe1: {  	v29 =	vmul.f32 $1.442695020e+00, v29;
	v30 =	vpop (erf)  }
0xe2: {  	v30 =	vadd.f32 $1.000000000e+00, v30  }
0xe3: {  	v29 =	vbroadcast v29, $0x0  }
0xe4: {  	(erf) = vrcp.f32 v30  }
0xe5: {  	(erf) = vpow2.f32 v29;
	_ =	sdelay $0x1  }
0xe6: {  	(v2sf) =	vpush v22, $0x2;
	v29, _, _ =	vpop (xrf2)  }
0xe7: {  	(v2sf) =	vpush v29, $0xF  }
0xe8: {  	s9 =	spop (v2sf)  }
0xe9: {  	(xrf2) =	vadd.scan.msk.f32 $0xffff, v21;
	s22 =	spop (v2sf)  }
0xea: {  	s14 =	ssub.f32 $0.0e+00, s22;
	_ =	sdelay $0x1  }
0xeb: {  	v21 =	vpop (erf);
	v29 =	vmov s14  }
0xec: {  	v30 =	vpop (erf);
	v29 =	vmul.f32 $1.442695020e+00, v29  }
0xed: {  	v30 =	vadd.f32 $1.000000000e+00, v30  }
0xee: {  	v29 =	vbroadcast v29, $0x0  }
0xef: {  	(erf) = vrcp.f32 v30  }
0xf0: {  	(erf) = vpow2.f32 v29;
	_ =	sdelay $0x1  }
0xf1: {  	(v2sf) =	vpush v22, $0x3;
	v29, _, _ =	vpop (xrf2)  }
0xf2: {  	(v2sf) =	vpush v29, $0xF  }
0xf3: {  	s3 =	spop (v2sf)  }
0xf4: {  	(xrf2) =	vadd.scan.msk.f32 $0xffff, v25;
	s24 =	spop (v2sf)  }
0xf5: {  	s15 =	ssub.f32 $0.0e+00, s24;
	_ =	sdelay $0x1  }
0xf6: {  	v29 =	vmov s15;
	v25 =	vpop (erf)  }
0xf7: {  	v29 =	vmul.f32 $1.442695020e+00, v29;
	v30 =	vpop (erf)  }
0xf8: {  	v30 =	vadd.f32 $1.000000000e+00, v30  }
0xf9: {  	v29 =	vbroadcast v29, $0x0  }
0xfa: {  	(erf) = vrcp.f32 v30  }
0xfb: {  	(erf) = vpow2.f32 v29;
	_ =	sdelay $0x1  }
0xfc: {  	(v2sf) =	vpush v22, $0x4;
	v29, _, _ =	vpop (xrf2)  }
0xfd: {  	(v2sf) =	vpush v29, $0xF  }
0xfe: {  	s1 =	spop (v2sf)  }
0xff: {  	(xrf2) =	vadd.scan.msk.f32 $0xffff, v24;
	s10 =	spop (v2sf)  }
0x100: {  	s17 =	ssub.f32 $0.0e+00, s10;
	_ =	sdelay $0x1  }
0x101: {  	v24 =	vpop (erf);
	v29 =	vmov s17  }
0x102: {  	v30 =	vpop (erf);
	v29 =	vmul.f32 $1.442695020e+00, v29  }
0x103: {  	v30 =	vadd.f32 $1.000000000e+00, v30  }
0x104: {  	v29 =	vbroadcast v29, $0x0  }
0x105: {  	(erf) = vrcp.f32 v30  }
0x106: {  	(erf) = vpow2.f32 v29;
	_ =	sdelay $0x1  }
0x107: {  	(v2sf) =	vpush v22, $0x5;
	v29, _, _ =	vpop (xrf2)  }
0x108: {  	(v2sf) =	vpush v29, $0xF  }
0x109: {  	s17 =	spop (v2sf)  }
0x10a: {  	[dreg:$0x19] =	wrdreg s16;
	(xrf2) =	vadd.scan.msk.f32 $0xffff, v20;
	s16 =	spop (v2sf)  }
0x10b: {  	s18 =	ssub.f32 $0.0e+00, s16;
	_ =	sdelay $0x1  }
0x10c: {  	v29 =	vmov s18;
	v20 =	vpop (erf)  }
0x10d: {  	v29 =	vmul.f32 $1.442695020e+00, v29;
	v30 =	vpop (erf)  }
0x10e: {  	v30 =	vadd.f32 $1.000000000e+00, v30  }
0x10f: {  	v29 =	vbroadcast v29, $0x0  }
0x110: {  	(erf) = vrcp.f32 v30  }
0x111: {  	(erf) = vpow2.f32 v29  }
0x112: {  	v13 =	vadd.f32 v33, v13  }
0x113: {  	(v2sf) =	vpush v22, $0x6;
	v29, _, _ =	vpop (xrf2)  }
0x114: {  	v13 =	vadd.f32 v18, v13;
	(v2sf) =	vpush v29, $0xF  }
0x115: {  	s7 =	spop (v2sf)  }
0x116: {  	(xrf2) =	vadd.scan.msk.f32 $0xffff, v13;
	s18 =	spop (v2sf)  }
0x117: {  	s19 =	ssub.f32 $0.0e+00, s18;
	_ =	sdelay $0x1  }
0x118: {  	v13 =	vpop (erf);
	v18 =	vmov s19  }
0x119: {  	v29 =	vpop (erf);
	v18 =	vmul.f32 $1.442695020e+00, v18  }
0x11a: {  	v29 =	vadd.f32 $1.000000000e+00, v29  }
0x11b: {  	v18 =	vbroadcast v18, $0x0  }
0x11c: {  	(erf) = vrcp.f32 v29  }
0x11d: {  	(erf) = vpow2.f32 v18  }
0x11e: {  	v16 =	vadd.f32 v32, v16  }
0x11f: {  	(v2sf) =	vpush v22, $0x7;
	v18, _, _ =	vpop (xrf2)  }
0x120: {  	v16 =	vadd.f32 v17, v16;
	(v2sf) =	vpush v18, $0xF  }
0x121: {  	s20 =	spop (v2sf)  }
0x122: {  	(xrf2) =	vadd.scan.msk.f32 $0xffff, v16;
	s12 =	spop (v2sf)  }
0x123: {  	s25 =	ssub.f32 $0.0e+00, s12;
	_ =	sdelay $0x1  }
0x124: {  	v17 =	vmov s25;
	v16 =	vpop (erf)  }
0x125: {  	v17 =	vmul.f32 $1.442695020e+00, v17;
	v18 =	vpop (erf)  }
0x126: {  	v18 =	vadd.f32 $1.000000000e+00, v18  }
0x127: {  	v17 =	vbroadcast v17, $0x0  }
0x128: {  	(erf) = vrcp.f32 v18  }
0x129: {  	(erf) = vpow2.f32 v17  }
0x12a: {  	v15 =	vadd.f32 v35, v15  }
0x12b: {  	(v2sf) =	vpush v22, $0x8;
	v17, _, _ =	vpop (xrf2)  }
0x12c: {  	v14 =	vadd.f32 v14, v15;
	(v2sf) =	vpush v17, $0xF  }
0x12d: {  	s26 =	spop (v2sf)  }
0x12e: {  	(xrf2) =	vadd.scan.msk.f32 $0xffff, v14;
	s19 =	spop (v2sf)  }
0x12f: {  	s28 =	ssub.f32 $0.0e+00, s19;
	_ =	sdelay $0x1  }
0x130: {  	v14 =	vpop (erf);
	v15 =	vmov s28  }
0x131: {  	v17 =	vpop (erf);
	v15 =	vmul.f32 $1.442695020e+00, v15  }
0x132: {  	v17 =	vadd.f32 $1.000000000e+00, v17  }
0x133: {  	v15 =	vbroadcast v15, $0x0  }
0x134: {  	(erf) = vrcp.f32 v17  }
0x135: {  	(erf) = vpow2.f32 v15  }
0x136: {  	v11 =	vadd.f32 v34, v11  }
0x137: {  	(v2sf) =	vpush v22, $0x9;
	v15, _, _ =	vpop (xrf2)  }
0x138: {  	v11 =	vadd.f32 v12, v11;
	(v2sf) =	vpush v15, $0xF  }
0x139: {  	s29 =	spop (v2sf)  }
0x13a: {  	(xrf2) =	vadd.scan.msk.f32 $0xffff, v11;
	s8 =	spop (v2sf)  }
0x13b: {  	s30 =	ssub.f32 $0.0e+00, s8;
	_ =	sdelay $0x1  }
0x13c: {  	v11 =	vmov s30;
	v12 =	vpop (erf)  }
0x13d: {  	v11 =	vmul.f32 $1.442695020e+00, v11;
	v15 =	vpop (erf)  }
0x13e: {  	v15 =	vadd.f32 $1.000000000e+00, v15  }
0x13f: {  	v11 =	vbroadcast v11, $0x0  }
0x140: {  	v17 =	vmul.f32 v28, v4;
	(erf) = vrcp.f32 v15  }
0x141: {  	(erf) = vpow2.f32 v11  }
0x142: {  	v10 =	vadd.f32 v17, v10  }
0x143: {  	(v2sf) =	vpush v22, $0xA;
	v11, _, _ =	vpop (xrf2)  }
0x144: {  	v9 =	vadd.f32 v9, v10;
	(v2sf) =	vpush v11, $0xF  }
0x145: {  	s31 =	spop (v2sf)  }
0x146: {  	(xrf2) =	vadd.scan.msk.f32 $0xffff, v9;
	s13 =	spop (v2sf)  }
0x147: {  	s5 =	ssub.f32 $0.0e+00, s13;
	_ =	sdelay $0x1  }
0x148: {  	v10 =	vpop (erf);
	v9 =	vmov s5  }
0x149: {  	v11 =	vpop (erf);
	v9 =	vmul.f32 $1.442695020e+00, v9  }
0x14a: {  	v11 =	vadd.f32 $1.000000000e+00, v11  }
0x14b: {  	v9 =	vbroadcast v9, $0x0  }
0x14c: {  	v15 =	vmul.f32 v26, v4;
	(erf) = vrcp.f32 v11  }
0x14d: {  	(erf) = vpow2.f32 v9  }
0x14e: {  	v7 =	vadd.f32 v15, v7  }
0x14f: {  	(v2sf) =	vpush v22, $0xB;
	v9, _, _ =	vpop (xrf2)  }
0x150: {  	v7 =	vadd.f32 v8, v7;
	(v2sf) =	vpush v9, $0xF  }
0x151: {  	[smem:$0x7FB] =	sst s26;
	s26 =	spop (v2sf)  }
0x152: {  	(xrf2) =	vadd.scan.msk.f32 $0xffff, v7;
	s14 =	spop (v2sf)  }
0x153: {  	s6 =	ssub.f32 $0.0e+00, s14;
	_ =	sdelay $0x1  }
0x154: {  	v7 =	vmov s6;
	v8 =	vpop (erf)  }
0x155: {  	v7 =	vmul.f32 $1.442695020e+00, v7;
	v9 =	vpop (erf)  }
0x156: {  	v9 =	vadd.f32 $1.000000000e+00, v9  }
0x157: {  	v7 =	vbroadcast v7, $0x0  }
0x158: {  	v11 =	vmul.f32 v23, v4;
	(erf) = vrcp.f32 v9  }
0x159: {  	(erf) = vpow2.f32 v7  }
0x15a: {  	v6 =	vadd.f32 v11, v6;
	v7 =	vmul.f32 v27, v3  }
0x15b: {  	(v2sf) =	vpush v22, $0xC;
	v9, _, _ =	vpop (xrf2)  }
0x15c: {  	v6 =	vadd.f32 v7, v6;
	(v2sf) =	vpush v9, $0xF  }
0x15d: {  	s28 =	spop (v2sf)  }
0x15e: {  	(xrf2) =	vadd.scan.msk.f32 $0xffff, v6;
	s15 =	spop (v2sf)  }
0x15f: {  	s11 =	ssub.f32 $0.0e+00, s15;
	_ =	sdelay $0x1  }
0x160: {  	v6 =	vmov s11;
	v18 =	vpop (erf)  }
0x161: {  	v7 =	vld [tilespmem:s23+$0x0];
	v9 =	vpop (erf);
	v6 =	vmul.f32 $1.442695020e+00, v6  }
0x162: {  	v9 =	vadd.f32 $1.000000000e+00, v9  }
0x163: {  	v6 =	vbroadcast v6, $0x0  }
0x164: {  	v4 =	vmul.f32 v19, v4;
	(erf) = vrcp.f32 v9  }
0x165: {  	(erf) = vpow2.f32 v6  }
0x166: {  	v4 =	vadd.f32 v4, v5;
	v3 =	vmul.f32 v7, v3  }
0x167: {  	(v2sf) =	vpush v22, $0xD;
	v5, _, _ =	vpop (xrf2)  }
0x168: {  	v3 =	vadd.f32 v3, v4;
	(v2sf) =	vpush v5, $0xF  }
0x169: {  	[smem:$0x7FC] =	sst s29;
	s29 =	spop (v2sf)  }
0x16a: {  	[smem:$0x7FA] =	sst s20;
	(xrf2) =	vadd.scan.msk.f32 $0xffff, v3;
	s23 =	spop (v2sf)  }
0x16b: {  	s20 =	ssub.f32 $0.0e+00, s23;
	_ =	sdelay $0x1  }
0x16c: {  	v3 =	vmov s20;
	v19 =	vpop (erf)  }
0x16d: {  	v3 =	vmul.f32 $1.442695020e+00, v3;
	v4 =	vpop (erf)  }
0x16e: {  	v4 =	vadd.f32 $1.000000000e+00, v4  }
0x16f: {  	v3 =	vbroadcast v3, $0x0  }
0x170: {  	(erf) = vrcp.f32 v4  }
0x171: {  	(erf) = vpow2.f32 v3;
	_ =	sdelay $0x1  }
0x172: {  	(v2sf) =	vpush v22, $0xE;
	v3, _, _ =	vpop (xrf2)  }
0x173: {  	(v2sf) =	vpush v3, $0xF  }
0x174: {  	s30 =	spop (v2sf)  }
0x175: {  	[smem:$0x7FD] =	sst s31;
	s31 =	spop (v2sf)  }
0x176: {  	s25 =	ssub.f32 $0.0e+00, s31;
	_ =	sdelay $0x1  }
0x177: {  	v3 =	vmov s25;
	v23 =	vpop (erf)  }
0x178: {  	v3 =	vmul.f32 $1.442695020e+00, v3;
	v4 =	vpop (erf)  }
0x179: {  	v4 =	vadd.f32 $1.000000000e+00, v4  }
0x17a: {  	v3 =	vbroadcast v3, $0x0  }
0x17b: {  	(erf) = vrcp.f32 v4  }
0x17c: {  	(erf) = vpow2.f32 v3;
	_ =	sdelay $0x3  }
0x17d: {  	s20 =	spop (v2sf)  }
0x17e: {  	s6 =	spop (v2sf)  }
0x17f: {  	s5 =	ssub.f32 $0.0e+00, s6;
	_ =	sdelay $0x1  }
0x180: {  	v3 =	vmov s5;
	v26 =	vpop (erf)  }
0x181: {  	v3 =	vmul.f32 $1.442695020e+00, v3;
	v4 =	vpop (erf)  }
0x182: {  	v4 =	vadd.f32 $1.000000000e+00, v4  }
0x183: {  	v3 =	vbroadcast v3, $0x0  }
0x184: {  	(erf) = vrcp.f32 v4  }
0x185: {  	(erf) = vpow2.f32 v3;
	_ =	sdelay $0x5  }
0x186: {  	(v2sf) =	vpush v22, $0xF;
	_ =	sdelay $0x1  }
0x187: {  	v22 =	vpop (erf)  }
0x188: {  	v3 =	vpop (erf)  }
0x189: {  	v3 =	vadd.f32 $1.000000000e+00, v3;
	_ =	sdelay $0x1  }
0x18a: {  	(erf) = vrcp.f32 v3;
	_ =	sdelay $0x3  }
0x18b: {  	s9 =	smul.f32 s9, s21  }
0x18c: {  	s21 =	smul.f32 s3, s22  }
0x18d: {  	s22 =	smul.f32 s1, s24  }
0x18e: {  	s24 =	smul.f32 s17, s10  }
0x18f: {  	s17 =	smul.f32 s7, s16  }
0x190: {  	s1 =	simm.s32 $0x3;
	s13 =	smul.f32 s26, s13;
	s10 =	spop (v2sf);
	v27 =	vpop (erf)  }
0x191: {  	s5 =	smul.f32 s2, s4;
	s4 =	simm.s32 $0x0;
	_ =	swait.ge [sflag:s1], $0x4000  }
0x192: {  	s16 =	sand.u32 $0x1C00, s4;
	s7 =	sand.u32 $0x60, s4;
	s3 =	sld [smem:$0x7FA]  }
0x193: {  	s11 =	sadd.s32 $0xE500, s16;
	v4 =	vmul.f32 s5, v21;
	[sflag:s1] =	ssyncset.done $0x0;
	s5 =	sld [smem:$0x7FD]  }
0x194: {  	s25 =	sadd.s32 $0xE780, s16;
	s2 =	sor.u32 s7, s11;
	[sflag:s1] =	ssyncadd.s32 $0xFFFFC000  }
0x195: {  	s0 =	sor.u32 s7, s25;
	v28 =	vld [tilespmem:s2+$0x0];
	s3 =	smul.f32 s3, s18;
	s18 =	sadd.s32 $0xE700, s16  }
0x196: {  	v29 =	vld [tilespmem:s0+$0x0];
	s5 =	smul.f32 s5, s8;
	s8 =	sadd.s32 $0xC480, s16;
	s0 =	sor.u32 s7, s18  }
0x197: {  	v11 =	vmul.f32 s24, v13;
	s24 =	smul.f32 s28, s14;
	v3 =	vmul.f32 s21, v24;
	s21 =	sor.u32 s7, s8;
	v30 =	vld [tilespmem:s0+$0x0]  }
0x198: {  	s26 =	smul.f32 s29, s15;
	v5 =	vmul.f32 s22, v20;
	s1 =	sld [smem:$0x7FC];
	v20 =	vld [tilespmem:s21+$0x80]  }
0x199: {  	v6 =	vmul.f32 s9, v25;
	s30 =	smul.f32 s30, s23;
	s2 =	sld [smem:$0x7FB];
	v25 =	vld [tilespmem:s21+$0x0]  }
0x19a: {  	s28 =	smul.f32 s20, s31;
	v31 =	vld [tilespmem:s21+$0x200]  }
0x19b: {  	v9 =	vmul.f32 s17, v16;
	v13 =	vmul.f32 s24, v19;
	s19 =	smul.f32 s1, s19;
	v61 =	vld [tilespmem:s21+$0x280]  }
0x19c: {  	s29 =	sand.u32 $0x3, s4;
	s2 =	smul.f32 s2, s12;
	s12 =	sadd.s32 $0xE600, s16;
	v7 =	vmul.f32 s3, v14;
	v17 =	vmul.f32 s5, v8;
	v19 =	vld [tilespmem:s21+$0x100]  }
0x19d: {  	s31 =	sshll.u32 s29, $0x5;
	s1 =	sor.u32 s4, s4;
	v8 =	vmul.f32 s28, v22;
	v14 =	vmul.f32 s26, v23;
	v22 =	vld [tilespmem:s21+$0x180];
	s0 =	sor.u32 s7, s12  }
0x19e: {  	s1 =	sor.u32 $0x380, s1;
	v15 =	vmul.f32 s19, v10;
	v10 =	vmul.f32 s13, v18;
	v21 =	vld [tilespmem:s0+$0x0];
	s0 =	smul.f32 s10, s6;
	s6 =	sadd.s32 $0x0, s31  }
0x19f: {  	v24 =	vld [tilespmem:s1+$0xC480];
	v18 =	vmul.f32 s30, v26;
	v12 =	vmul.f32 s2, v12;
	s10 =	sadd.s32 $0xE480, s16;
	s13 =	sor.u32 $0x300, s6  }
0x1a0: {  	s15 =	sadd.s32 $0xE580, s16;
	v23 =	vmul.f32 v29, v8;
	s14 =	sor.u32 s7, s10;
	v16 =	vmul.f32 s0, v27;
	v26 =	vld [tilespmem:s13+$0xC480]  }
0x1a1: {  	s17 =	sadd.s32 $0xE800, s16;
	s19 =	sor.u32 s7, s15;
	v27 =	vmul.f32 v28, v17;
	v28 =	vld [tilespmem:s14+$0x0];
	v20 =	vmul.f32 v20, v6  }
0x1a2: {  	s20 =	sor.u32 s7, s17;
	s21 =	sadd.s32 $0xE680, s16;
	v29 =	vmul.f32 v31, v11;
	v31 =	vld [tilespmem:s19+$0x0];
	v30 =	vmul.f32 v30, v18  }
0x1a3: {  	v62 =	vld [tilespmem:s20+$0x0];
	s22 =	sor.u32 s7, s21;
	v25 =	vmul.f32 v25, v4;
	v32 =	vmul.f32 v61, v9  }
0x1a4: {  	v63 =	vld [tilespmem:s22+$0x0];
	v22 =	vmul.f32 v22, v5;
	v24 =	vmul.f32 v24, v12  }
0x1a5: {  	v19 =	vmul.f32 v19, v3;
	v25 =	vadd.f32 v29, v25;
	v26 =	vmul.f32 v26, v7  }
0x1a6: {  	v20 =	vadd.f32 v32, v20;
	v21 =	vmul.f32 v21, v13;
	v22 =	vadd.f32 v24, v22  }
0x1a7: {  	v24 =	vmul.f32 v28, v15;
	v19 =	vadd.f32 v26, v19;
	v26 =	vmul.f32 v31, v10  }
0x1a8: {  	v20 =	vadd.f32 v27, v20;
	v21 =	vadd.f32 v21, v22;
	v22 =	vmul.f32 v62, v16  }
0x1a9: {  	v24 =	vadd.f32 v24, v25;
	v25 =	vmul.f32 v63, v14;
	v19 =	vadd.f32 v26, v19  }
0x1aa: {  	s23 =	simm.s32 $0x14480;
	v20 =	vadd.f32 v30, v20;
	v21 =	vadd.f32 v22, v21  }
0x1ab: {  	v22 =	vld [tilespmem:s23+$0x0];
	v24 =	vadd.f32 v25, v24;
	v19 =	vadd.f32 v23, v19;
	_ =	sdelay $0x1  }
0x1ac: {  	v20 =	vadd.f32 v20, v24;
	v19 =	vadd.f32 v21, v19  }
0x1ad: {  	s24 =	rddreg [dreg:$0x19]  }
0x1ae: {  	p0 =	seq.s32 s24, $0x0;
	v19 =	vadd.f32 v19, v20  }
0x1af: {  	v20 =	vpsel p0, $0x0, v22  }
0x1b0: {  	v19 =	vadd.f32 v19, v20  }
0x1b1: {  	s2 =	sor.u32 $0x10, s7  }
0x1b2: {  	s26 =	sor.u32 s2, s8;
	[tilespmem:s23+$0x0] =	vst v19  }
0x1b3: {  	v19 =	vld [tilespmem:s26+$0x0]  }
0x1b4: {  	v20 =	vld [tilespmem:s26+$0x200]  }
0x1b5: {  	s1 =	sor.u32 s2, s10;
	v22 =	vld [tilespmem:s26+$0x80]  }
0x1b6: {  	s7 =	sor.u32 s2, s11;
	s0 =	sadd.s32 $0x10, s6;
	v24 =	vld [tilespmem:s1+$0x0]  }
0x1b7: {  	s28 =	sor.u32 $0x300, s0;
	v28 =	vld [tilespmem:s7+$0x0]  }
0x1b8: {  	s29 =	sor.u32 s2, s18;
	v21 =	vld [tilespmem:s28+$0xC480]  }
0x1b9: {  	v23 =	vld [tilespmem:s29+$0x0]  }
0x1ba: {  	v25 =	vld [tilespmem:s26+$0x280];
	v26 =	vmul.f32 v19, v4;
	v20 =	vmul.f32 v20, v11  }
0x1bb: {  	s9 =	simm.s32 $0x0;
	s31 =	sor.u32 $0x380, s0;
	v27 =	vld [tilespmem:s26+$0x100]  }
0x1bc: {  	s20 =	simm.s32 $0x100;
	s16 =	simm.s32 $0x20;
	s30 =	sor.u32 s2, s17;
	v29 =	vmul.f32 v24, v15;
	v20 =	vadd.f32 v20, v26;
	v26 =	vld [tilespmem:s31+$0xC480]  }
0x1bd: {  	s8 =	sor.u32 s2, s25;
	s17 =	simm.s32 $0x144A0;
	s13 =	sor.u32 s2, s15;
	v19 =	vld [tilespmem:s30+$0x0]  }
0x1be: {  	s14 =	sor.u32 s2, s21;
	s0 =	simm.s32 $0x0;
	s1 =	sor.u32 s2, s12;
	v24 =	vmul.f32 v22, v6;
	v22 =	vmul.f32 v28, v17;
	v28 =	vld [tilespmem:s26+$0x180];
	v20 =	vadd.f32 v29, v20  }
.LBB2_5:
0x1bf: {  	s12 =	sand.u32 $0x1C00, s20;
	s0 =	sadd.s32 $0x2, s0;
	v23 =	vmul.f32 v23, v18;
	v29 =	vld [tilespmem:s1+$0x0];
	s4 =	sadd.s32 $0x1, s4  }
0x1c0: {  	s1 =	sadd.s32 $0xC480, s12;
	p1 =	slt.u32 s0, $0x3E;
	v30 =	vld [tilespmem:s13+$0x0]  }
0x1c1: {  	v31 =	vld [tilespmem:s14+$0x0];
	v26 =	vmul.f32 v26, v12  }
0x1c2: {  	v25 =	vmul.f32 v25, v9;
	v27 =	vmul.f32 v27, v3;
	v32 =	vld [tilespmem:s8+$0x0]  }
0x1c3: {  	v21 =	vmul.f32 v21, v7;
	v28 =	vmul.f32 v28, v5  }
0x1c4: {  	v24 =	vadd.f32 v25, v24;
	v25 =	vmul.f32 v29, v13  }
0x1c5: {  	v21 =	vadd.f32 v21, v27;
	v27 =	vmul.f32 v30, v10;
	v26 =	vadd.f32 v26, v28  }
0x1c6: {  	v19 =	vmul.f32 v19, v16;
	v22 =	vadd.f32 v22, v24;
	v28 =	vmul.f32 v31, v14  }
0x1c7: {  	s3 =	sand.u32 $0x380, s9;
	s9 =	smov.u32 s16;
	v21 =	vadd.f32 v27, v21;
	v24 =	vmul.f32 v32, v8;
	v25 =	vadd.f32 v25, v26  }
0x1c8: {  	s5 =	sor.u32 s2, s3;
	v22 =	vadd.f32 v23, v22;
	v20 =	vadd.f32 v28, v20  }
0x1c9: {  	v23 =	vld [tilespmem:s5+$0x14480];
	v21 =	vadd.f32 v24, v21;
	v19 =	vadd.f32 v19, v25  }
0x1ca: {  	s8 =	sadd.s32 $0xE700, s12  }
0x1cb: {  	s2 =	sand.u32 $0x60, s16;
	s3 =	sadd.s32 $0xE600, s12;
	s6 =	sadd.s32 $0xE800, s12;
	v20 =	vadd.f32 v22, v20;
	v19 =	vadd.f32 v19, v21  }
0x1cc: {  	s7 =	sadd.s32 $0xE500, s12;
	s15 =	sor.u32 s2, s3;
	s14 =	sor.u32 s2, s6  }
0x1cd: {  	s18 =	sor.u32 s20, s16;
	s10 =	sor.u32 s2, s7;
	s13 =	sor.u32 s2, s8;
	v19 =	vadd.f32 v19, v20  }
0x1ce: {  	s11 =	sadd.s32 $0xE780, s12;
	s18 =	sor.u32 $0x380, s18;
	v20 =	vpsel p0, $0x0, v23  }
0x1cf: {  	s19 =	sor.u32 s2, s1;
	s21 =	sor.u32 s2, s11;
	v19 =	vadd.f32 v19, v20;
	_ =	sdelay $0x1  }
0x1d0: {  	[tilespmem:s5+$0x14480] =	vst v19  }
0x1d1: {  	s5 =	sand.u32 $0x3, s4;
	v19 =	vld [tilespmem:s10+$0x0]  }
0x1d2: {  	s5 =	sshll.u32 s5, $0x5;
	v20 =	vld [tilespmem:s19+$0x80]  }
0x1d3: {  	s10 =	sadd.s32 s5, s20;
	v21 =	vld [tilespmem:s21+$0x0]  }
0x1d4: {  	s5 =	sadd.s32 $0xE480, s12;
	s21 =	sor.u32 $0x300, s10;
	s10 =	sadd.s32 $0x10, s10;
	v22 =	vld [tilespmem:s13+$0x0]  }
0x1d5: {  	s22 =	sor.u32 s2, s5;
	s13 =	sadd.s32 $0xE580, s12;
	v23 =	vld [tilespmem:s15+$0x0]  }
0x1d6: {  	s12 =	sadd.s32 $0xE680, s12;
	s15 =	sor.u32 s2, s13;
	v24 =	vld [tilespmem:s18+$0xC480]  }
0x1d7: {  	s18 =	sor.u32 s2, s12;
	v25 =	vld [tilespmem:s19+$0x0]  }
0x1d8: {  	v26 =	vld [tilespmem:s19+$0x200]  }
0x1d9: {  	v27 =	vld [tilespmem:s19+$0x280]  }
0x1da: {  	v21 =	vmul.f32 v21, v8;
	v28 =	vld [tilespmem:s19+$0x100]  }
0x1db: {  	v19 =	vmul.f32 v19, v17;
	v29 =	vld [tilespmem:s19+$0x180];
	v24 =	vmul.f32 v24, v12  }
0x1dc: {  	v20 =	vmul.f32 v20, v6;
	v30 =	vld [tilespmem:s21+$0xC480]  }
0x1dd: {  	v22 =	vmul.f32 v22, v18;
	v26 =	vmul.f32 v26, v11;
	v31 =	vld [tilespmem:s22+$0x0]  }
0x1de: {  	v25 =	vmul.f32 v25, v4;
	v27 =	vmul.f32 v27, v9;
	v32 =	vld [tilespmem:s15+$0x0]  }
0x1df: {  	v28 =	vmul.f32 v28, v3;
	v33 =	vld [tilespmem:s14+$0x0]  }
0x1e0: {  	v25 =	vadd.f32 v26, v25;
	v26 =	vld [tilespmem:s18+$0x0];
	v20 =	vadd.f32 v27, v20;
	v27 =	vmul.f32 v29, v5  }
0x1e1: {  	v23 =	vmul.f32 v23, v13;
	v29 =	vmul.f32 v30, v7  }
0x1e2: {  	v30 =	vmul.f32 v31, v15;
	v19 =	vadd.f32 v19, v20;
	v20 =	vadd.f32 v24, v27  }
0x1e3: {  	v24 =	vadd.f32 v29, v28;
	v27 =	vmul.f32 v32, v10  }
0x1e4: {  	v25 =	vadd.f32 v30, v25;
	v20 =	vadd.f32 v23, v20;
	v23 =	vmul.f32 v33, v16  }
0x1e5: {  	v19 =	vadd.f32 v22, v19;
	v26 =	vmul.f32 v26, v14;
	v22 =	vadd.f32 v27, v24  }
0x1e6: {  	v20 =	vadd.f32 v23, v20  }
0x1e7: {  	v23 =	vld [tilespmem:s17+$0x0];
	v24 =	vadd.f32 v26, v25;
	v21 =	vadd.f32 v21, v22;
	_ =	sdelay $0x1  }
0x1e8: {  	v19 =	vadd.f32 v19, v24;
	v20 =	vadd.f32 v20, v21;
	_ =	sdelay $0x1  }
0x1e9: {  	v19 =	vadd.f32 v20, v19  }
0x1ea: {  	v20 =	vpsel p0, $0x0, v23  }
0x1eb: {  	v19 =	vadd.f32 v19, v20  }
0x1ec: {  	s2 =	sor.u32 $0x10, s2  }
0x1ed: {  	s13 =	sor.u32 s2, s13;
	s15 =	sor.u32 s2, s1;
	s18 =	sor.u32 s2, s8;
	[tilespmem:s17+$0x0] =	vst v19  }
0x1ee: {  	s6 =	sor.u32 s2, s6;
	s14 =	sor.u32 s2, s12;
	s8 =	sor.u32 s2, s11;
	v19 =	vld [tilespmem:s15+$0x0]  }
0x1ef: {  	s7 =	sor.u32 s2, s7;
	s1 =	sor.u32 s2, s3;
	v20 =	vld [tilespmem:s15+$0x200]  }
0x1f0: {  	s3 =	sor.u32 s2, s5;
	v22 =	vld [tilespmem:s15+$0x80]  }
0x1f1: {  	v26 =	vld [tilespmem:s3+$0x0]  }
0x1f2: {  	s3 =	sor.u32 $0x300, s10;
	v27 =	vld [tilespmem:s7+$0x0]  }
0x1f3: {  	v21 =	vld [tilespmem:s3+$0xC480]  }
0x1f4: {  	v19 =	vmul.f32 v19, v4;
	v20 =	vmul.f32 v20, v11;
	v23 =	vld [tilespmem:s18+$0x0]  }
.Ltmp1:
0x1f5: {  	v24 =	vmul.f32 v22, v6;
	v25 =	vld [tilespmem:s15+$0x280];
	(pc) =	sbr.rel @p1 .LBB2_5-.Ltmp1, $4  }
0x1f6: {  	s3 =	sor.u32 $0x380, s10;
	v20 =	vadd.f32 v20, v19;
	v22 =	vmul.f32 v26, v15;
	v19 =	vld [tilespmem:s6+$0x0]  }
0x1f7: {  	v26 =	vld [tilespmem:s3+$0xC480]  }
0x1f8: {  	v20 =	vadd.f32 v22, v20;
	v22 =	vmul.f32 v27, v17;
	v27 =	vld [tilespmem:s15+$0x100]  }
0x1f9: {  	s16 =	sadd.s32 $0x20, s16;
	s20 =	sadd.s32 $0x100, s20;
	s17 =	sadd.s32 $0x20, s17;
	v28 =	vld [tilespmem:s15+$0x180]  }
0x1fa: {  	v4 =	vld [tilespmem:s1+$0x0]  }
0x1fb: {  	v6 =	vld [tilespmem:s13+$0x0]  }
0x1fc: {  	v11 =	vld [tilespmem:s14+$0x0];
	v9 =	vmul.f32 v25, v9  }
0x1fd: {  	v15 =	vld [tilespmem:s8+$0x0];
	v7 =	vmul.f32 v21, v7;
	v12 =	vmul.f32 v26, v12  }
0x1fe: {  	v3 =	vmul.f32 v27, v3;
	v5 =	vmul.f32 v28, v5  }
0x1ff: {  	v17 =	vmul.f32 v23, v18;
	v9 =	vadd.f32 v9, v24;
	v4 =	vmul.f32 v4, v13  }
0x200: {  	v3 =	vadd.f32 v7, v3;
	v6 =	vmul.f32 v6, v10;
	v5 =	vadd.f32 v12, v5  }
0x201: {  	v9 =	vadd.f32 v22, v9;
	v7 =	vmul.f32 v11, v14;
	v10 =	vmul.f32 v19, v16  }
0x202: {  	s0 =	sand.u32 $0x380, s9;
	v3 =	vadd.f32 v6, v3;
	v6 =	vmul.f32 v15, v8;
	v4 =	vadd.f32 v4, v5  }
0x203: {  	s0 =	sor.u32 s2, s0;
	v5 =	vadd.f32 v7, v20;
	v7 =	vadd.f32 v17, v9  }
0x204: {  	v8 =	vld [tilespmem:s0+$0x14480];
	v3 =	vadd.f32 v6, v3;
	v4 =	vadd.f32 v10, v4;
	_ =	sdelay $0x1  }
0x205: {  	v5 =	vadd.f32 v7, v5;
	v3 =	vadd.f32 v4, v3  }
0x206: {  	s26 =	rddreg [dreg:$0x14]  }
0x207: {  	s1 =	rddreg [dreg:$0x16];
	p1 =	seq.s32 s26, $0xFF;
	v3 =	vadd.f32 v3, v5  }
0x208: {  	s1 =	sadd.s32 @!p1 $0x2, s1;
	v4 =	vpsel p0, $0x0, v8  }
0x209: {  	s2 =	sshll.u32 @!p1 s1, $0x4;
	s1 =	sshll.u32 @!p1 s1, $0x5;
	v3 =	vadd.f32 v3, v4  }
0x20a: {  	s2 =	sand.u32 @!p1 $0x20, s2;
	s1 =	sand.u32 @!p1 $0x7F80, s1  }
0x20b: {  	[tilespmem:s0+$0x14480] =	vst v3;
	s0 =	sor.u32 @!p1 s2, s1  }
0x20c: {  	v3 =	vld @!p1 [tilespmem:s0+$0x0];
	_ =	sdelay $0x4  }
0x20d: {  	v4 =	vshll.u32 @!p1 v3, $0x3  }
0x20e: {  	v5 =	vlaneseq.u32 @!p1;
	v3 =	vand.u32 @!p1 $0x7, v3;
	v4 =	vand.u32 @!p1 $0xFFFFFFC0, v4  }
0x20f: {  	v6 =	vshrl.u32 @!p1 v5, $0x3;
	v3 =	vor.u32 @!p1 v3, v4;
	v4 =	vand.u32 @!p1 $0x7, v5  }
0x210: {  	v6 =	vmul.u32 @!p1 $0x8, v6;
	v7 =	vperm.xlane @!p1 v3, v4;
	_ =	sdelay $0x1  }
0x211: {  	v7 =	vadd.s32 @!p1 v6, v7;
	_ =	sdelay $0x3  }
0x212: {  	s3 =	rddreg [dreg:$0x3];
	vm1 =	vmmov @!p1 $0xffff;
	s1 =	simm.s32 @!p1 $0x0;
	s2 =	simm.s32 @!p1 $0x4480  }
0x213: {  	v5 =	vor.u32 @!p1 $0x8, v5;
	[tilespmem:s2], [sflag:$0x1] =	stream.indirect_vreg.gather @!p1 [hbm4b:s3+s1], $0x80, v7, vm1, $0xb8;
	[tilespmem:$0x14880] =	vst v63  }
0x214: {  	s4 =	rddreg [dreg:$0xa];
	v3 =	vperm.xlane @!p1 v3, v5;
	s2 =	simm.s32 @!p1 $0x4C80  }
0x215: {  	[tilespmem:s2], [sflag:$0x1] =	stream.indirect_vreg.gather @!p1 [hbm4b:s4+s1], $0x80, v7, vm1, $0xb8;
	[tilespmem:$0x14880] =	vst v63  }
0x216: {  	s5 =	rddreg [dreg:$0xb];
	v3 =	vadd.s32 @!p1 v6, v3;
	s2 =	simm.s32 @!p1 $0x5480  }
0x217: {  	[tilespmem:s2], [sflag:$0x1] =	stream.indirect_vreg.gather @!p1 [hbm4b:s5+s1], $0x80, v7, vm1, $0xb8;
	[tilespmem:$0x14880] =	vst v63  }
0x218: {  	s6 =	rddreg [dreg:$0xc];
	s2 =	simm.s32 @!p1 $0x5C80  }
0x219: {  	[tilespmem:s2], [sflag:$0x1] =	stream.indirect_vreg.gather @!p1 [hbm4b:s6+s1], $0x80, v7, vm1, $0xb8;
	[tilespmem:$0x14880] =	vst v63  }
0x21a: {  	s2 =	simm.s32 @!p1 $0x6480  }
0x21b: {  	[tilespmem:s2], [sflag:$0x1] =	stream.indirect_vreg.gather @!p1 [hbm4b:s3+s1], $0x80, v3, vm1, $0xb8;
	[tilespmem:$0x14880] =	vst v63  }
0x21c: {  	s2 =	simm.s32 @!p1 $0x6C80  }
0x21d: {  	[tilespmem:s2], [sflag:$0x1] =	stream.indirect_vreg.gather @!p1 [hbm4b:s4+s1], $0x80, v3, vm1, $0xb8;
	[tilespmem:$0x14880] =	vst v63  }
0x21e: {  	s2 =	simm.s32 @!p1 $0x7480  }
0x21f: {  	[tilespmem:s2], [sflag:$0x1] =	stream.indirect_vreg.gather @!p1 [hbm4b:s5+s1], $0x80, v3, vm1, $0xb8;
	[tilespmem:$0x14880] =	vst v63  }
0x220: {  	s2 =	simm.s32 @!p1 $0x7C80  }
0x221: {  	[tilespmem:s2], [sflag:$0x1] =	stream.indirect_vreg.gather @!p1 [hbm4b:s6+s1], $0x80, v3, vm1, $0xb8;
	[tilespmem:$0x14880] =	vst v63  }
0x222: {  	v3 =	vld @!p1 [tilespmem:s0+$0x0];
	_ =	sdelay $0x4  }
0x223: {  	v7 =	vshll.u32 @!p1 v3, $0x3  }
0x224: {  	v3 =	vand.u32 @!p1 $0x7, v3;
	v7 =	vand.u32 @!p1 $0xFFFFFFC0, v7  }
0x225: {  	v3 =	vor.u32 @!p1 v3, v7  }
0x226: {  	v4 =	vperm.xlane @!p1 v3, v4;
	_ =	sdelay $0x1  }
0x227: {  	v4 =	vadd.s32 @!p1 v6, v4;
	_ =	sdelay $0x3  }
0x228: {  	s2 =	rddreg [dreg:$0x4];
	s0 =	simm.s32 @!p1 $0xC480  }
0x229: {  	[tilespmem:s0], [sflag:$0x3] =	stream.indirect_vreg.gather @!p1 [hbm4b:s2+s1], $0x80, v4, vm1, $0xb8;
	[tilespmem:$0x14880] =	vst v63  }
0x22a: {  	s3 =	rddreg [dreg:$0xd];
	v3 =	vperm.xlane @!p1 v3, v5;
	s0 =	simm.s32 @!p1 $0xCC80  }
0x22b: {  	[tilespmem:s0], [sflag:$0x3] =	stream.indirect_vreg.gather @!p1 [hbm4b:s3+s1], $0x80, v4, vm1, $0xb8;
	[tilespmem:$0x14880] =	vst v63  }
0x22c: {  	s4 =	rddreg [dreg:$0xe];
	v3 =	vadd.s32 @!p1 v6, v3;
	s0 =	simm.s32 @!p1 $0xD480  }
0x22d: {  	[tilespmem:s0], [sflag:$0x3] =	stream.indirect_vreg.gather @!p1 [hbm4b:s4+s1], $0x80, v4, vm1, $0xb8;
	[tilespmem:$0x14880] =	vst v63  }
0x22e: {  	s5 =	rddreg [dreg:$0xf];
	s0 =	simm.s32 @!p1 $0xDC80  }
0x22f: {  	[tilespmem:s0], [sflag:$0x3] =	stream.indirect_vreg.gather @!p1 [hbm4b:s5+s1], $0x80, v4, vm1, $0xb8;
	[tilespmem:$0x14880] =	vst v63  }
0x230: {  	s0 =	simm.s32 @!p1 $0xE480  }
0x231: {  	[tilespmem:s0], [sflag:$0x3] =	stream.indirect_vreg.gather @!p1 [hbm4b:s2+s1], $0x80, v3, vm1, $0xb8;
	[tilespmem:$0x14880] =	vst v63  }
0x232: {  	s0 =	simm.s32 @!p1 $0xEC80  }
0x233: {  	[tilespmem:s0], [sflag:$0x3] =	stream.indirect_vreg.gather @!p1 [hbm4b:s3+s1], $0x80, v3, vm1, $0xb8;
	[tilespmem:$0x14880] =	vst v63  }
0x234: {  	s0 =	simm.s32 @!p1 $0xF480  }
0x235: {  	[tilespmem:s0], [sflag:$0x3] =	stream.indirect_vreg.gather @!p1 [hbm4b:s4+s1], $0x80, v3, vm1, $0xb8;
	[tilespmem:$0x14880] =	vst v63  }
0x236: {  	s15 =	simm.s32 $0x2;
	s16 =	simm.s32 $0x0;
	s0 =	simm.s32 @!p1 $0xFC80  }
0x237: {  	[tilespmem:s0], [sflag:$0x3] =	stream.indirect_vreg.gather @!p1 [hbm4b:s5+s1], $0x80, v3, vm1, $0xb8;
	[tilespmem:$0x14880] =	vst v63  }
0x238: {  	s2 =	sand.u32 $0x1C00, s16;
	s1 =	sand.u32 $0x60, s16;
	_ =	swait.ge [sflag:s15], $0x4000  }
0x239: {  	s3 =	sand.u32 $0x380, s16;
	s0 =	sor.u32 $0x10, s1;
	[sflag:s15] =	ssyncset.done $0x0  }
0x23a: {  	s4 =	sadd.s32 $0x8480, s2;
	s3 =	sor.u32 s0, s3;
	[sflag:s15] =	ssyncadd.s32 $0xFFFFC000  }
0x23b: {  	s7 =	sadd.s32 $0x8500, s2;
	s17 =	sor.u32 s0, s4;
	v3 =	vld [tilespmem:s3+$0x4080]  }
0x23c: {  	s8 =	sadd.s32 $0x8580, s2;
	s18 =	sor.u32 s0, s7;
	v4 =	vld [tilespmem:s17+$0x0]  }
0x23d: {  	s9 =	sadd.s32 $0x8600, s2;
	s19 =	sor.u32 s0, s8;
	v5 =	vld [tilespmem:s18+$0x0]  }
0x23e: {  	s10 =	sadd.s32 $0x8680, s2;
	s20 =	sor.u32 s0, s9;
	v6 =	vld [tilespmem:s19+$0x0]  }
0x23f: {  	s11 =	sadd.s32 $0x8700, s2;
	s21 =	sor.u32 s0, s10;
	v7 =	vld [tilespmem:s20+$0x0]  }
0x240: {  	s12 =	sadd.s32 $0x8780, s2;
	s22 =	sor.u32 s0, s11;
	v8 =	vld [tilespmem:s21+$0x0]  }
0x241: {  	s13 =	sadd.s32 $0x8800, s2;
	s23 =	sor.u32 s0, s12;
	v9 =	vld [tilespmem:s22+$0x0]  }
0x242: {  	s14 =	sadd.s32 $0xA480, s2;
	s24 =	sor.u32 s0, s13;
	v10 =	vld [tilespmem:s23+$0x0]  }
0x243: {  	s16 =	sadd.s32 $0xA580, s2;
	s25 =	sor.u32 s0, s14;
	v11 =	vld [tilespmem:s24+$0x0]  }
0x244: {  	s5 =	sadd.s32 $0xA680, s2;
	s29 =	sor.u32 s0, s16;
	v12 =	vld [tilespmem:s25+$0x0]  }
0x245: {  	s30 =	sor.u32 s0, s5;
	v14 =	vld [tilespmem:s29+$0x0]  }
0x246: {  	s4 =	sor.u32 s1, s4;
	s15 =	sadd.s32 $0xA500, s2;
	v17 =	vld [tilespmem:s30+$0x0]  }
0x247: {  	s6 =	sadd.s32 $0xA600, s2;
	s28 =	sor.u32 s0, s15;
	v20 =	vld [tilespmem:s4+$0x0]  }
0x248: {  	s17 =	sor.u32 s0, s6;
	v13 =	vld [tilespmem:s28+$0x0]  }
0x249: {  	s18 =	sor.u32 s1, s7;
	v15 =	vld [tilespmem:s17+$0x0]  }
0x24a: {  	s3 =	sadd.s32 $0xA700, s2;
	s19 =	sor.u32 s1, s8;
	v21 =	vld [tilespmem:s18+$0x0]  }
0x24b: {  	s31 =	sor.u32 s0, s3;
	v22 =	vld [tilespmem:s19+$0x0];
	v24 =	vmul.f32 v4, v3  }
0x24c: {  	s4 =	simm.s32 $0x4080;
	v19 =	vld [tilespmem:s31+$0x0];
	v5 =	vmul.f32 v5, v3;
	v6 =	vmul.f32 v6, v3  }
0x24d: {  	s20 =	sor.u32 s1, s9;
	v4 =	vld [tilespmem:s4+$0x0];
	v7 =	vmul.f32 v7, v3;
	v8 =	vmul.f32 v8, v3  }
0x24e: {  	s21 =	sor.u32 s1, s10;
	v26 =	vld [tilespmem:s20+$0x0];
	v37 =	vmul.f32 v9, v3;
	v30 =	vmul.f32 v10, v3  }
0x24f: {  	s23 =	sor.u32 s1, s12;
	v27 =	vld [tilespmem:s21+$0x0];
	v25 =	vmul.f32 v11, v3;
	v23 =	vmul.f32 v12, v3  }
0x250: {  	s22 =	sor.u32 s1, s11;
	v16 =	vmul.f32 v14, v3;
	v18 =	vmul.f32 v13, v3;
	v13 =	vld [tilespmem:s23+$0x0]  }
0x251: {  	s28 =	sor.u32 s1, s15;
	v11 =	vld [tilespmem:s22+$0x0];
	v10 =	vmul.f32 v17, v3;
	v14 =	vmul.f32 v15, v3  }
0x252: {  	v32 =	vld [tilespmem:s28+$0x0];
	v9 =	vmul.f32 v19, v3;
	v17 =	vmul.f32 v20, v4  }
0x253: {  	s24 =	sor.u32 s1, s13;
	v21 =	vmul.f32 v21, v4;
	v22 =	vmul.f32 v22, v4  }
0x254: {  	s25 =	sor.u32 s1, s14;
	v12 =	vimm.f32 $0.0e+00;
	v15 =	vld [tilespmem:s24+$0x0];
	v19 =	vmul.f32 v26, v4;
	v27 =	vmul.f32 v27, v4  }
0x255: {  	s29 =	sor.u32 s1, s16;
	v20 =	vld [tilespmem:s25+$0x0];
	v13 =	vmul.f32 v13, v4;
	v17 =	vadd.f32 v17, v12;
	v21 =	vadd.f32 v21, v12  }
0x256: {  	v26 =	vld [tilespmem:s29+$0x0];
	v11 =	vmul.f32 v11, v4;
	v22 =	vadd.f32 v22, v12;
	v19 =	vadd.f32 v19, v12  }
0x257: {  	v35 =	vmul.f32 v32, v4;
	v33 =	vadd.f32 v13, v12;
	v29 =	vadd.f32 v24, v17  }
0x258: {  	s6 =	sor.u32 s1, s6;
	v13 =	vimm.f32 $0.0e+00;
	v21 =	vadd.f32 v5, v21;
	v28 =	vadd.f32 v6, v22  }
0x259: {  	s5 =	sor.u32 s1, s5;
	v31 =	vld [tilespmem:s6+$0x0];
	v5 =	vmul.f32 v15, v4;
	v17 =	vadd.f32 v7, v19;
	v6 =	vadd.f32 v27, v12  }
0x25a: {  	s30 =	sadd.s32 $0xA780, s2;
	s3 =	sor.u32 s1, s3;
	v7 =	vadd.f32 v11, v12;
	v27 =	vld [tilespmem:s5+$0x0];
	v15 =	vimm.f32 $0.0e+00;
	v11 =	vimm.f32 $0.0e+00  }
0x25b: {  	s31 =	sor.u32 s1, s30;
	s23 =	sadd.s32 $0xA800, s2;
	v36 =	vmul.f32 v20, v4;
	v32 =	vmul.f32 v26, v4;
	v26 =	vld [tilespmem:s3+$0x0];
	v34 =	vadd.f32 v5, v12  }
0x25c: {  	s9 =	simm.s32 $0x100;
	s1 =	sor.u32 s1, s23;
	v24 =	vld [tilespmem:s31+$0x0];
	v22 =	vadd.f32 v8, v6;
	v19 =	vadd.f32 v37, v7;
	v8 =	vimm.f32 $0.0e+00  }
0x25d: {  	s16 =	simm.s32 $0x20;
	s6 =	simm.s32 $0x0;
	s8 =	sor.u32 s0, s30;
	v20 =	vld [tilespmem:s1+$0x0];
	v7 =	vimm.f32 $0.0e+00;
	v6 =	vimm.f32 $0.0e+00;
	v5 =	vimm.f32 $0.0e+00  }
.LBB2_7:
0x25e: {  	s1 =	sand.u32 $0x60, s16;
	v31 =	vmul.f32 v31, v4;
	v33 =	vadd.f32 v30, v33;
	v34 =	vadd.f32 v25, v34;
	v25 =	vld [tilespmem:s8+$0x0];
	s3 =	sor.u32 s0, s23;
	s4 =	sadd.s32 $0x20, s4  }
0x25f: {  	s2 =	sand.u32 $0x1C00, s9;
	s5 =	sand.u32 $0x380, s16;
	v12 =	vadd.f32 v36, v12;
	v15 =	vadd.f32 v35, v15;
	s0 =	sor.u32 $0x10, s1;
	v27 =	vmul.f32 v27, v4;
	v30 =	vld [tilespmem:s3+$0x0]  }
0x260: {  	s3 =	sadd.s32 $0x8480, s2;
	v13 =	vadd.f32 v32, v13;
	v35 =	vld [tilespmem:s4+$0x0];
	s7 =	sor.u32 s0, s5;
	v11 =	vadd.f32 v31, v11;
	v26 =	vmul.f32 v26, v4  }
0x261: {  	s5 =	sadd.s32 $0x8500, s2;
	s8 =	sor.u32 s0, s3;
	v12 =	vadd.f32 v23, v12;
	v15 =	vadd.f32 v18, v15;
	v31 =	vld [tilespmem:s7+$0x4080];
	v24 =	vmul.f32 v24, v4  }
0x262: {  	s7 =	sadd.s32 $0x8580, s2;
	v13 =	vadd.f32 v16, v13;
	v18 =	vld [tilespmem:s8+$0x0];
	s8 =	sor.u32 s0, s5;
	v32 =	vmul.f32 v20, v4;
	v11 =	vadd.f32 v14, v11  }
0x263: {  	s10 =	sadd.s32 $0x8600, s2;
	v8 =	vadd.f32 v27, v8;
	v7 =	vadd.f32 v26, v7;
	v14 =	vld [tilespmem:s8+$0x0];
	s8 =	sor.u32 s0, s7;
	v16 =	vmul.f32 v25, v3  }
0x264: {  	s13 =	sadd.s32 $0x8680, s2;
	v6 =	vadd.f32 v24, v6;
	v20 =	vld [tilespmem:s8+$0x0];
	s8 =	sor.u32 s0, s10;
	v5 =	vadd.f32 v32, v5;
	v24 =	vmul.f32 v30, v3  }
0x265: {  	s15 =	sadd.s32 $0x8700, s2;
	v8 =	vadd.f32 v10, v8;
	v7 =	vadd.f32 v9, v7;
	v23 =	vld [tilespmem:s8+$0x0];
	s8 =	sor.u32 s0, s13;
	v4 =	vmov v35  }
0x266: {  	s19 =	sadd.s32 $0x8780, s2;
	v6 =	vadd.f32 v16, v6;
	v9 =	vld [tilespmem:s8+$0x0];
	s8 =	sor.u32 s0, s15;
	v5 =	vadd.f32 v24, v5;
	v3 =	vmov v31  }
0x267: {  	s20 =	sadd.s32 $0x8800, s2;
	v10 =	vld [tilespmem:s8+$0x0];
	s8 =	sor.u32 s0, s19  }
0x268: {  	s18 =	sadd.s32 $0xA480, s2;
	v16 =	vld [tilespmem:s8+$0x0];
	s8 =	sor.u32 s0, s20  }
0x269: {  	s17 =	sadd.s32 $0xA500, s2;
	v24 =	vld [tilespmem:s8+$0x0];
	s8 =	sor.u32 s0, s18  }
0x26a: {  	s14 =	sadd.s32 $0xA580, s2;
	v26 =	vld [tilespmem:s8+$0x0];
	s8 =	sor.u32 s0, s17  }
0x26b: {  	s11 =	sadd.s32 $0xA600, s2;
	v27 =	vld [tilespmem:s8+$0x0];
	s8 =	sor.u32 s0, s14  }
0x26c: {  	s12 =	sadd.s32 $0xA680, s2;
	s21 =	sor.u32 s0, s11;
	v31 =	vld [tilespmem:s8+$0x0]  }
0x26d: {  	s8 =	sadd.s32 $0xA700, s2;
	v32 =	vld [tilespmem:s21+$0x0];
	s21 =	sor.u32 s0, s12  }
0x26e: {  	v35 =	vld [tilespmem:s21+$0x0];
	s21 =	sor.u32 s0, s8  }
0x26f: {  	s3 =	sor.u32 s1, s3;
	v36 =	vld [tilespmem:s21+$0x0]  }
0x270: {  	v38 =	vmul.f32 v18, v3;
	v39 =	vmul.f32 v14, v3;
	v37 =	vld [tilespmem:s3+$0x0];
	s3 =	sor.u32 s1, s5  }
0x271: {  	v20 =	vmul.f32 v20, v3;
	v41 =	vmul.f32 v23, v3;
	v40 =	vld [tilespmem:s3+$0x0];
	s3 =	sor.u32 s1, s7  }
0x272: {  	v43 =	vmul.f32 v9, v3;
	v44 =	vmul.f32 v10, v3;
	v42 =	vld [tilespmem:s3+$0x0];
	s3 =	sor.u32 s1, s10  }
0x273: {  	v30 =	vmul.f32 v16, v3;
	v25 =	vmul.f32 v24, v3;
	v45 =	vld [tilespmem:s3+$0x0];
	s3 =	sor.u32 s1, s13  }
0x274: {  	v23 =	vmul.f32 v26, v3;
	v18 =	vmul.f32 v27, v3;
	v24 =	vld [tilespmem:s3+$0x0];
	s3 =	sor.u32 s1, s15  }
0x275: {  	v16 =	vmul.f32 v31, v3;
	v14 =	vmul.f32 v32, v3;
	v26 =	vld [tilespmem:s3+$0x0];
	s3 =	sor.u32 s1, s19  }
0x276: {  	v10 =	vmul.f32 v35, v3;
	v9 =	vmul.f32 v36, v3;
	v27 =	vld [tilespmem:s3+$0x0];
	s3 =	sor.u32 s1, s20  }
0x277: {  	v31 =	vmul.f32 v37, v4;
	v32 =	vmul.f32 v40, v4;
	v35 =	vld [tilespmem:s3+$0x0];
	s3 =	sor.u32 s1, s18  }
0x278: {  	v36 =	vmul.f32 v42, v4;
	v37 =	vmul.f32 v45, v4;
	v40 =	vld [tilespmem:s3+$0x0];
	s3 =	sor.u32 s1, s17  }
0x279: {  	s6 =	sadd.s32 $0x2, s6;
	v29 =	vadd.f32 v31, v29;
	v21 =	vadd.f32 v32, v21;
	v24 =	vmul.f32 v24, v4;
	v32 =	vld [tilespmem:s3+$0x0];
	s3 =	sor.u32 s1, s14  }
0x27a: {  	p0 =	slt.u32 s6, $0x3E;
	v28 =	vadd.f32 v36, v28;
	v17 =	vadd.f32 v37, v17;
	v26 =	vmul.f32 v26, v4;
	v37 =	vld [tilespmem:s3+$0x0];
	s3 =	sor.u32 s1, s11  }
.Ltmp2:
0x27b: {  	v29 =	vadd.f32 v38, v29;
	v21 =	vadd.f32 v39, v21;
	v42 =	vmul.f32 v27, v4;
	v31 =	vld [tilespmem:s3+$0x0];
	s3 =	sor.u32 s1, s12;
	(pc) =	sbr.rel @p0 .LBB2_7-.Ltmp2, $4  }
0x27c: {  	s5 =	sadd.s32 $0xA780, s2;
	v28 =	vadd.f32 v20, v28;
	v35 =	vmul.f32 v35, v4;
	v27 =	vld [tilespmem:s3+$0x0];
	s3 =	sor.u32 s1, s8;
	v17 =	vadd.f32 v41, v17  }
0x27d: {  	s23 =	sadd.s32 $0xA800, s2;
	v22 =	vadd.f32 v24, v22;
	v19 =	vadd.f32 v26, v19;
	v36 =	vmul.f32 v40, v4;
	v26 =	vld [tilespmem:s3+$0x0];
	s3 =	sor.u32 s1, s5  }
0x27e: {  	v33 =	vadd.f32 v42, v33;
	s1 =	sor.u32 s1, s23;
	v34 =	vadd.f32 v35, v34;
	v35 =	vmul.f32 v32, v4;
	v24 =	vld [tilespmem:s3+$0x0]  }
0x27f: {  	s9 =	sadd.s32 $0x100, s9;
	s16 =	sadd.s32 $0x20, s16;
	s8 =	sor.u32 s0, s5;
	v22 =	vadd.f32 v43, v22;
	v19 =	vadd.f32 v44, v19;
	v32 =	vmul.f32 v37, v4;
	v20 =	vld [tilespmem:s1+$0x0]  }
0x280: {  	(xrf2) =	vadd.scan.msk.f32 $0xffff, v29;
	_ =	sdelay $0x9  }
0x281: {  	v29, _, _ =	vpop (xrf2)  }
0x282: {  	(v2sf) =	vpush v29, $0xF;
	_ =	sdelay $0x1  }
0x283: {  	(xrf2) =	vadd.scan.msk.f32 $0xffff, v21;
	_ =	sdelay $0x1  }
0x284: {  	s1 =	rddreg [dreg:$0x15]  }
0x285: {  	s3 =	sand.u32 $0x3, s1  }
0x286: {  	s1 =	sshll.u32 s3, $0x4  }
0x287: {  	v21 =	vld [tilespmem:s1+$0x4000];
	_ =	sdelay $0x4  }
0x288: {  	(v2sf) =	vpush v21, $0x0;
	v42, _, _ =	vpop (xrf2)  }
0x289: {  	(v2sf) =	vpush v42, $0xF;
	_ =	sdelay $0x1  }
0x28a: {  	(xrf2) =	vadd.scan.msk.f32 $0xffff, v28;
	s4 =	spop (v2sf)  }
0x28b: {  	s29 =	ssub.f32 $0.0e+00, s4;
	_ =	sdelay $0x1  }
0x28c: {  	v43 =	vmov s29  }
0x28d: {  	v28 =	vmul.f32 $1.442695020e+00, v43;
	_ =	sdelay $0x1  }
0x28e: {  	v28 =	vbroadcast v28, $0x0;
	_ =	sdelay $0x1  }
0x28f: {  	(erf) = vpow2.f32 v28;
	_ =	sdelay $0x1  }
0x290: {  	(v2sf) =	vpush v21, $0x1;
	v44, _, _ =	vpop (xrf2)  }
0x291: {  	(v2sf) =	vpush v44, $0xF  }
0x292: {  	s14 =	spop (v2sf)  }
0x293: {  	(xrf2) =	vadd.scan.msk.f32 $0xffff, v17;
	s20 =	spop (v2sf)  }
0x294: {  	s30 =	ssub.f32 $0.0e+00, s20;
	_ =	sdelay $0x1  }
0x295: {  	v17 =	vmov s30  }
0x296: {  	v17 =	vmul.f32 $1.442695020e+00, v17;
	v45 =	vpop (erf)  }
0x297: {  	v28 =	vadd.f32 $1.000000000e+00, v45  }
0x298: {  	v17 =	vbroadcast v17, $0x0  }
0x299: {  	(erf) = vrcp.f32 v28  }
0x29a: {  	(erf) = vpow2.f32 v17;
	_ =	sdelay $0x1  }
0x29b: {  	(v2sf) =	vpush v21, $0x2;
	v17, _, _ =	vpop (xrf2)  }
0x29c: {  	(v2sf) =	vpush v17, $0xF  }
0x29d: {  	s2 =	spop (v2sf)  }
0x29e: {  	s22 =	spop (v2sf);
	(xrf2) =	vadd.scan.msk.f32 $0xffff, v22  }
0x29f: {  	s5 =	ssub.f32 $0.0e+00, s22;
	_ =	sdelay $0x1  }
0x2a0: {  	v22 =	vmov s5;
	v17 =	vpop (erf)  }
0x2a1: {  	v22 =	vmul.f32 $1.442695020e+00, v22;
	v46 =	vpop (erf)  }
0x2a2: {  	v28 =	vadd.f32 $1.000000000e+00, v46  }
0x2a3: {  	v22 =	vbroadcast v22, $0x0  }
0x2a4: {  	(erf) = vrcp.f32 v28  }
0x2a5: {  	(erf) = vpow2.f32 v22;
	_ =	sdelay $0x1  }
0x2a6: {  	(v2sf) =	vpush v21, $0x3;
	v22, _, _ =	vpop (xrf2)  }
0x2a7: {  	(v2sf) =	vpush v22, $0xF  }
0x2a8: {  	s6 =	spop (v2sf)  }
0x2a9: {  	(xrf2) =	vadd.scan.msk.f32 $0xffff, v19;
	s25 =	spop (v2sf)  }
0x2aa: {  	s7 =	ssub.f32 $0.0e+00, s25;
	_ =	sdelay $0x1  }
0x2ab: {  	v22 =	vmov s7;
	v19 =	vpop (erf)  }
0x2ac: {  	v22 =	vmul.f32 $1.442695020e+00, v22;
	v47 =	vpop (erf)  }
0x2ad: {  	v28 =	vadd.f32 $1.000000000e+00, v47  }
0x2ae: {  	v22 =	vbroadcast v22, $0x0  }
0x2af: {  	(erf) = vrcp.f32 v28  }
0x2b0: {  	(erf) = vpow2.f32 v22;
	_ =	sdelay $0x1  }
0x2b1: {  	(v2sf) =	vpush v21, $0x4;
	v22, _, _ =	vpop (xrf2)  }
0x2b2: {  	v48 =	vadd.f32 v30, v33;
	(v2sf) =	vpush v22, $0xF  }
0x2b3: {  	s9 =	spop (v2sf)  }
0x2b4: {  	[dreg:$0x1c] =	wrdreg s9;
	(xrf2) =	vadd.scan.msk.f32 $0xffff, v48;
	s9 =	spop (v2sf)  }
0x2b5: {  	s10 =	ssub.f32 $0.0e+00, s9;
	_ =	sdelay $0x1  }
0x2b6: {  	v49 =	vmov s10;
	v22 =	vpop (erf)  }
0x2b7: {  	v28 =	vmul.f32 $1.442695020e+00, v49;
	v50 =	vpop (erf)  }
0x2b8: {  	v29 =	vadd.f32 $1.000000000e+00, v50  }
0x2b9: {  	v28 =	vbroadcast v28, $0x0  }
0x2ba: {  	(erf) = vrcp.f32 v29  }
0x2bb: {  	(erf) = vpow2.f32 v28;
	_ =	sdelay $0x1  }
0x2bc: {  	(v2sf) =	vpush v21, $0x5;
	v51, _, _ =	vpop (xrf2)  }
0x2bd: {  	v25 =	vadd.f32 v25, v34;
	(v2sf) =	vpush v51, $0xF  }
0x2be: {  	s11 =	spop (v2sf)  }
0x2bf: {  	(xrf2) =	vadd.scan.msk.f32 $0xffff, v25;
	s16 =	spop (v2sf)  }
0x2c0: {  	s12 =	ssub.f32 $0.0e+00, s16;
	_ =	sdelay $0x1  }
0x2c1: {  	v52 =	vmov s12;
	v25 =	vpop (erf)  }
0x2c2: {  	v28 =	vmul.f32 $1.442695020e+00, v52;
	v53 =	vpop (erf)  }
0x2c3: {  	v29 =	vadd.f32 $1.000000000e+00, v53  }
0x2c4: {  	v28 =	vbroadcast v28, $0x0  }
0x2c5: {  	(erf) = vrcp.f32 v29  }
0x2c6: {  	(erf) = vpow2.f32 v28  }
0x2c7: {  	v12 =	vadd.f32 v36, v12  }
0x2c8: {  	(v2sf) =	vpush v21, $0x6;
	v54, _, _ =	vpop (xrf2)  }
0x2c9: {  	v12 =	vadd.f32 v23, v12;
	(v2sf) =	vpush v54, $0xF  }
0x2ca: {  	s13 =	spop (v2sf)  }
0x2cb: {  	[dreg:$0x1b] =	wrdreg s6;
	(xrf2) =	vadd.scan.msk.f32 $0xffff, v12;
	s6 =	spop (v2sf)  }
0x2cc: {  	s15 =	ssub.f32 $0.0e+00, s6;
	_ =	sdelay $0x1  }
0x2cd: {  	v23 =	vmov s15;
	v12 =	vpop (erf)  }
0x2ce: {  	v23 =	vmul.f32 $1.442695020e+00, v23;
	v55 =	vpop (erf)  }
0x2cf: {  	v28 =	vadd.f32 $1.000000000e+00, v55  }
0x2d0: {  	v23 =	vbroadcast v23, $0x0  }
0x2d1: {  	(erf) = vrcp.f32 v28  }
0x2d2: {  	(erf) = vpow2.f32 v23  }
0x2d3: {  	v15 =	vadd.f32 v35, v15  }
0x2d4: {  	(v2sf) =	vpush v21, $0x7;
	v23, _, _ =	vpop (xrf2)  }
0x2d5: {  	v15 =	vadd.f32 v18, v15;
	(v2sf) =	vpush v23, $0xF  }
0x2d6: {  	s17 =	spop (v2sf)  }
0x2d7: {  	[dreg:$0x1a] =	wrdreg s2;
	s19 =	spop (v2sf);
	(xrf2) =	vadd.scan.msk.f32 $0xffff, v15  }
0x2d8: {  	s2 =	ssub.f32 $0.0e+00, s19;
	_ =	sdelay $0x1  }
0x2d9: {  	v18 =	vmov s2;
	v15 =	vpop (erf)  }
0x2da: {  	v18 =	vmul.f32 $1.442695020e+00, v18;
	v23 =	vpop (erf)  }
0x2db: {  	v23 =	vadd.f32 $1.000000000e+00, v23  }
0x2dc: {  	v18 =	vbroadcast v18, $0x0  }
0x2dd: {  	(erf) = vrcp.f32 v23  }
0x2de: {  	(erf) = vpow2.f32 v18  }
0x2df: {  	v13 =	vadd.f32 v32, v13  }
0x2e0: {  	(v2sf) =	vpush v21, $0x8;
	v18, _, _ =	vpop (xrf2)  }
0x2e1: {  	v13 =	vadd.f32 v16, v13;
	(v2sf) =	vpush v18, $0xF  }
0x2e2: {  	s7 =	spop (v2sf)  }
0x2e3: {  	(xrf2) =	vadd.scan.msk.f32 $0xffff, v13;
	s28 =	spop (v2sf)  }
0x2e4: {  	s18 =	ssub.f32 $0.0e+00, s28;
	_ =	sdelay $0x1  }
0x2e5: {  	v16 =	vmov s18;
	v13 =	vpop (erf)  }
0x2e6: {  	v16 =	vmul.f32 $1.442695020e+00, v16;
	v18 =	vpop (erf)  }
0x2e7: {  	v18 =	vadd.f32 $1.000000000e+00, v18  }
0x2e8: {  	v16 =	vbroadcast v16, $0x0  }
0x2e9: {  	v23 =	vmul.f32 v31, v4;
	(erf) = vrcp.f32 v18  }
0x2ea: {  	(erf) = vpow2.f32 v16  }
0x2eb: {  	v11 =	vadd.f32 v23, v11  }
0x2ec: {  	(v2sf) =	vpush v21, $0x9;
	v16, _, _ =	vpop (xrf2)  }
0x2ed: {  	v11 =	vadd.f32 v14, v11;
	(v2sf) =	vpush v16, $0xF  }
0x2ee: {  	s1 =	spop (v2sf)  }
0x2ef: {  	[dreg:$0x1d] =	wrdreg s11;
	(xrf2) =	vadd.scan.msk.f32 $0xffff, v11;
	s11 =	spop (v2sf)  }
0x2f0: {  	s5 =	ssub.f32 $0.0e+00, s11;
	_ =	sdelay $0x1  }
0x2f1: {  	v14 =	vmov s5;
	v11 =	vpop (erf)  }
0x2f2: {  	v14 =	vmul.f32 $1.442695020e+00, v14;
	v16 =	vpop (erf)  }
0x2f3: {  	v16 =	vadd.f32 $1.000000000e+00, v16  }
0x2f4: {  	v14 =	vbroadcast v14, $0x0  }
0x2f5: {  	v18 =	vmul.f32 v27, v4;
	(erf) = vrcp.f32 v16  }
0x2f6: {  	(erf) = vpow2.f32 v14  }
0x2f7: {  	v8 =	vadd.f32 v18, v8  }
0x2f8: {  	(v2sf) =	vpush v21, $0xA;
	v14, _, _ =	vpop (xrf2)  }
0x2f9: {  	v8 =	vadd.f32 v10, v8;
	(v2sf) =	vpush v14, $0xF  }
0x2fa: {  	s21 =	spop (v2sf)  }
0x2fb: {  	(xrf2) =	vadd.scan.msk.f32 $0xffff, v8;
	s10 =	spop (v2sf)  }
0x2fc: {  	s24 =	ssub.f32 $0.0e+00, s10;
	_ =	sdelay $0x1  }
0x2fd: {  	v8 =	vmov s24;
	v14 =	vpop (erf)  }
0x2fe: {  	v8 =	vmul.f32 $1.442695020e+00, v8;
	v10 =	vpop (erf)  }
0x2ff: {  	v10 =	vadd.f32 $1.000000000e+00, v10  }
0x300: {  	v8 =	vbroadcast v8, $0x0  }
0x301: {  	v16 =	vmul.f32 v26, v4;
	(erf) = vrcp.f32 v10  }
0x302: {  	(erf) = vpow2.f32 v8  }
0x303: {  	v7 =	vadd.f32 v16, v7  }
0x304: {  	(v2sf) =	vpush v21, $0xB;
	v8, _, _ =	vpop (xrf2)  }
0x305: {  	v7 =	vadd.f32 v9, v7;
	(v2sf) =	vpush v8, $0xF  }
0x306: {  	s18 =	spop (v2sf)  }
0x307: {  	(xrf2) =	vadd.scan.msk.f32 $0xffff, v7;
	s12 =	spop (v2sf)  }
0x308: {  	s29 =	ssub.f32 $0.0e+00, s12;
	_ =	sdelay $0x1  }
0x309: {  	v7 =	vmov s29;
	v9 =	vpop (erf)  }
0x30a: {  	v8 =	vld [tilespmem:s8+$0x0];
	v7 =	vmul.f32 $1.442695020e+00, v7;
	v10 =	vpop (erf)  }
0x30b: {  	v10 =	vadd.f32 $1.000000000e+00, v10  }
0x30c: {  	v7 =	vbroadcast v7, $0x0  }
0x30d: {  	v16 =	vmul.f32 v24, v4;
	(erf) = vrcp.f32 v10  }
0x30e: {  	(erf) = vpow2.f32 v7  }
0x30f: {  	v6 =	vadd.f32 v16, v6;
	v7 =	vmul.f32 v8, v3  }
0x310: {  	(v2sf) =	vpush v21, $0xC;
	v8, _, _ =	vpop (xrf2)  }
0x311: {  	(v2sf) =	vpush v8, $0xF;
	v6 =	vadd.f32 v7, v6  }
0x312: {  	s30 =	spop (v2sf)  }
0x313: {  	s8 =	spop (v2sf);
	(xrf2) =	vadd.scan.msk.f32 $0xffff, v6  }
0x314: {  	s2 =	ssub.f32 $0.0e+00, s8;
	_ =	sdelay $0x1  }
0x315: {  	s0 =	sor.u32 s0, s23;
	v6 =	vmov s2;
	v16 =	vpop (erf)  }
0x316: {  	v7 =	vld [tilespmem:s0+$0x0];
	v6 =	vmul.f32 $1.442695020e+00, v6;
	v8 =	vpop (erf)  }
0x317: {  	v8 =	vadd.f32 $1.000000000e+00, v8  }
0x318: {  	v6 =	vbroadcast v6, $0x0  }
0x319: {  	v4 =	vmul.f32 v20, v4;
	(erf) = vrcp.f32 v8  }
0x31a: {  	(erf) = vpow2.f32 v6  }
0x31b: {  	v4 =	vadd.f32 v4, v5;
	v3 =	vmul.f32 v7, v3  }
0x31c: {  	(v2sf) =	vpush v21, $0xD;
	v5, _, _ =	vpop (xrf2)  }
0x31d: {  	v3 =	vadd.f32 v3, v4;
	(v2sf) =	vpush v5, $0xF  }
0x31e: {  	s15 =	spop (v2sf)  }
0x31f: {  	(xrf2) =	vadd.scan.msk.f32 $0xffff, v3;
	s23 =	spop (v2sf)  }
0x320: {  	s5 =	ssub.f32 $0.0e+00, s23;
	_ =	sdelay $0x1  }
0x321: {  	v3 =	vmov s5;
	v18 =	vpop (erf)  }
0x322: {  	v3 =	vmul.f32 $1.442695020e+00, v3;
	v4 =	vpop (erf)  }
0x323: {  	v4 =	vadd.f32 $1.000000000e+00, v4  }
0x324: {  	v3 =	vbroadcast v3, $0x0  }
0x325: {  	(erf) = vrcp.f32 v4  }
0x326: {  	(erf) = vpow2.f32 v3;
	_ =	sdelay $0x1  }
0x327: {  	(v2sf) =	vpush v21, $0xE;
	v3, _, _ =	vpop (xrf2)  }
0x328: {  	(v2sf) =	vpush v3, $0xF  }
0x329: {  	[smem:$0x7F9] =	sst s30;
	s30 =	spop (v2sf)  }
0x32a: {  	[dreg:$0x1e] =	wrdreg s13;
	s5 =	spop (v2sf)  }
0x32b: {  	s13 =	ssub.f32 $0.0e+00, s5;
	_ =	sdelay $0x1  }
0x32c: {  	v3 =	vmov s13;
	v20 =	vpop (erf)  }
0x32d: {  	v3 =	vmul.f32 $1.442695020e+00, v3;
	v4 =	vpop (erf)  }
0x32e: {  	v4 =	vadd.f32 $1.000000000e+00, v4  }
0x32f: {  	v3 =	vbroadcast v3, $0x0  }
0x330: {  	(erf) = vrcp.f32 v4  }
0x331: {  	(erf) = vpow2.f32 v3;
	_ =	sdelay $0x3  }
0x332: {  	s13 =	spop (v2sf)  }
0x333: {  	s29 =	spop (v2sf)  }
0x334: {  	s24 =	ssub.f32 $0.0e+00, s29;
	_ =	sdelay $0x1  }
0x335: {  	v3 =	vmov s24;
	v23 =	vpop (erf)  }
0x336: {  	v3 =	vmul.f32 $1.442695020e+00, v3;
	v4 =	vpop (erf)  }
0x337: {  	v4 =	vadd.f32 $1.000000000e+00, v4  }
0x338: {  	v3 =	vbroadcast v3, $0x0  }
0x339: {  	(erf) = vrcp.f32 v4  }
0x33a: {  	(erf) = vpow2.f32 v3  }
0x33b: {  	p1 =	slt.u32 s26, $0xFE;
	p0 =	seq.s32 s3, $0x3  }
0x33c: {  	p0 =	por !p1, !p0;
	s0 =	sshrl.u32 s26, $0x1  }
0x33d: {  	p0 =	por !p0, !p0;
	[dreg:$0x18] =	wrdreg s0  }
0x33e: {  	s24 =	sadd.s32 @p0 $0x1, s0;
	s0 =	rddreg [dreg:$0x7]  }
0x33f: {  	s31 =	sadd.s32 @p0 s0, s24  }
0x340: {  	(v2sf) =	vpush v21, $0xF;
	s24 =	sshll.u32 @p0 s24, $0x7;
	s31 =	sshrl.u32 @p0 s31, $0x3  }
0x341: {  	[smem:$0x7F8] =	sst s21;
	s24 =	sand.u32 @p0 $0x380, s24;
	s21 =	sshll.u32 @p0 s31, $0xD  }
0x342: {  	[dreg:$0x1f] =	wrdreg s17;
	s21 =	sor.u32 @p0 s24, s21;
	v21 =	vpop (erf)  }
0x343: {  	s17 =	simm.s32 @p0 $0x4080;
	s0 =	rddreg [dreg:$0x0];
	s21 =	sshrl.u32 @p0 s21, $0x3;
	v3 =	vpop (erf)  }
0x344: {  	s26 =	simm.s32 @p0 $0x80;
	s21 =	sadd.s32 @p0 s0, s21;
	s0 =	simm.s32 @p0 $0x400;
	v3 =	vadd.f32 $1.000000000e+00, v3  }
0x345: {  	[tilespmem:s17], [sflag:$0x5] =	stream.strided.gather @p0 [hbm4b:s21+s26], $0x400, s0, s26, $0x38;
	[tilespmem:$0x14880] =	vst v63  }
0x346: {  	[dreg:$0x17] =	wrdreg s3;
	s0 =	sshll.u32 @p0 s31, $0xA;
	(erf) = vrcp.f32 v3  }
0x347: {  	s19 =	smul.f32 s7, s19;
	s2 =	rddreg [dreg:$0x6];
	s0 =	sor.u32 @p0 s24, s0  }
0x348: {  	s17 =	simm.s32 @p0 $0x0;
	s26 =	rddreg [dreg:$0x1e];
	s0 =	sshrl.u32 @p0 s0, $0x3  }
0x349: {  	s21 =	simm.s32 @p0 $0x4000;
	s26 =	smul.f32 s26, s16;
	s0 =	sadd.s32 @p0 s2, s0  }
0x34a: {  	[tilespmem:s21], [sflag:$0x6] =	stream.linear.gather @p0 [hbm4b:s0+s17], $0x80, $0x38;
	[tilespmem:$0x14880] =	vst v63  }
0x34b: {  	s2 =	smul.f32 s14, s4;
	s17 =	rddreg [dreg:$0x1a]  }
0x34c: {  	s21 =	rddreg [dreg:$0x1b];
	s20 =	smul.f32 s17, s20  }
0x34d: {  	s3 =	simm.s32 $0x4;
	s24 =	rddreg [dreg:$0x1c];
	s21 =	smul.f32 s21, s22  }
0x34e: {  	s31 =	simm.s32 $0x0;
	s22 =	smul.f32 s24, s25;
	s25 =	rddreg [dreg:$0x1d]  }
0x34f: {  	s16 =	sand.u32 $0x60, s31;
	s24 =	smul.f32 s25, s9;
	s25 =	spop (v2sf);
	v24 =	vpop (erf)  }
0x350: {  	s17 =	sand.u32 $0x1C00, s31;
	v4 =	vmul.f32 s2, v17;
	s2 =	smul.f32 s18, s10;
	_ =	swait.ge [sflag:s3], $0x4000  }
0x351: {  	s14 =	sadd.s32 $0x10480, s17;
	s9 =	sadd.s32 $0x10680, s17;
	[sflag:s3] =	ssyncset.done $0x0  }
0x352: {  	s0 =	sor.u32 s16, s14;
	s4 =	rddreg [dreg:$0x1f];
	[sflag:s3] =	ssyncadd.s32 $0xFFFFC000  }
0x353: {  	s18 =	sadd.s32 $0x12700, s17;
	s3 =	smul.f32 s4, s6;
	s4 =	sor.u32 s16, s9;
	v26 =	vld [tilespmem:s0+$0x0]  }
0x354: {  	s28 =	smul.f32 s1, s28;
	s10 =	sadd.s32 $0x12680, s17;
	v8 =	vmul.f32 s22, v25;
	s22 =	sor.u32 s16, s18;
	v27 =	vld [tilespmem:s4+$0x0]  }
0x355: {  	v7 =	vmul.f32 s26, v15;
	s26 =	sor.u32 s16, s10;
	s1 =	sld [smem:$0x7F8];
	s6 =	sadd.s32 $0x10700, s17;
	v25 =	vld [tilespmem:s22+$0x0]  }
0x356: {  	s7 =	sadd.s32 $0x10780, s17;
	v3 =	vmul.f32 s21, v22;
	s21 =	sld [smem:$0x7F9];
	s4 =	sor.u32 s16, s6;
	v58 =	vld [tilespmem:s26+$0x0]  }
0x357: {  	s15 =	smul.f32 s15, s8;
	s8 =	sadd.s32 $0x12500, s17;
	s0 =	sor.u32 s16, s7;
	v56 =	vld [tilespmem:s4+$0x0]  }
0x358: {  	s22 =	sor.u32 s16, s8;
	s4 =	sadd.s32 $0x10500, s17;
	s1 =	smul.f32 s1, s11;
	v57 =	vld [tilespmem:s0+$0x0]  }
0x359: {  	v17 =	vmul.f32 s28, v14;
	v5 =	vmul.f32 s20, v19;
	s20 =	smul.f32 s21, s12;
	s12 =	sadd.s32 $0x10600, s17;
	v59 =	vld [tilespmem:s22+$0x0];
	s0 =	sor.u32 s16, s4  }
0x35a: {  	v6 =	vmul.f32 s24, v12;
	v12 =	vmul.f32 s19, v11;
	s11 =	sadd.s32 $0x12480, s17;
	s21 =	smul.f32 s30, s23;
	s24 =	sor.u32 s16, s12;
	v19 =	vld [tilespmem:s0+$0x0]  }
0x35b: {  	v11 =	vmul.f32 s15, v20;
	v10 =	vmul.f32 s3, v13;
	s23 =	smul.f32 s13, s5;
	s5 =	sadd.s32 $0x10800, s17;
	s0 =	sor.u32 s16, s11;
	v60 =	vld [tilespmem:s24+$0x0]  }
0x35c: {  	s26 =	smul.f32 s25, s29;
	v13 =	vmul.f32 s2, v16;
	s29 =	sor.u32 s16, s5;
	v9 =	vmul.f32 s1, v9;
	v22 =	vld [tilespmem:s0+$0x0];
	s0 =	sadd.s32 $0x10580, s17  }
0x35d: {  	s19 =	sadd.s32 $0x12600, s17;
	v15 =	vmul.f32 s20, v18;
	v16 =	vmul.f32 s23, v21;
	v21 =	vld [tilespmem:s29+$0x0];
	s28 =	sor.u32 s16, s0  }
0x35e: {  	s30 =	sadd.s32 $0x12580, s17;
	v14 =	vmul.f32 s21, v23;
	v18 =	vmul.f32 s26, v24;
	s21 =	sor.u32 s16, s19;
	v20 =	vld [tilespmem:s28+$0x0]  }
0x35f: {  	s22 =	sadd.s32 $0x12800, s17;
	s15 =	sor.u32 s16, s30;
	v23 =	vmul.f32 v26, v4;
	v24 =	vmul.f32 v27, v6;
	v27 =	vld [tilespmem:s21+$0x0]  }
0x360: {  	s20 =	sadd.s32 $0x12780, s17;
	s24 =	sor.u32 s16, s22;
	v26 =	vld [tilespmem:s15+$0x0];
	v28 =	vmul.f32 v56, v7;
	v29 =	vmul.f32 v57, v10  }
0x361: {  	s23 =	sor.u32 s16, s20;
	v62 =	vld [tilespmem:s24+$0x0];
	v19 =	vmul.f32 v19, v5;
	v63 =	vmul.f32 v60, v8  }
0x362: {  	v61 =	vld [tilespmem:s23+$0x0];
	v23 =	vadd.f32 v24, v23;
	v21 =	vmul.f32 v21, v12;
	v22 =	vmul.f32 v22, v17  }
0x363: {  	v24 =	vmul.f32 v59, v9;
	v19 =	vadd.f32 v28, v19;
	v20 =	vmul.f32 v20, v3  }
0x364: {  	v21 =	vadd.f32 v21, v63;
	v27 =	vmul.f32 v27, v15;
	v22 =	vadd.f32 v22, v23  }
0x365: {  	v23 =	vmul.f32 v26, v13;
	v26 =	vmul.f32 v58, v11;
	v20 =	vadd.f32 v29, v20  }
0x366: {  	v19 =	vadd.f32 v24, v19;
	v24 =	vmul.f32 v25, v14;
	v21 =	vadd.f32 v27, v21  }
0x367: {  	v25 =	vmul.f32 v62, v18;
	v20 =	vadd.f32 v23, v20;
	v23 =	vmul.f32 v61, v16  }
0x368: {  	v22 =	vadd.f32 v26, v22;
	v19 =	vadd.f32 v24, v19  }
0x369: {  	s25 =	simm.s32 $0x14480;
	v21 =	vadd.f32 v25, v21;
	v20 =	vadd.f32 v23, v20  }
0x36a: {  	v23 =	vld [tilespmem:s25+$0x0]  }
0x36b: {  	v19 =	vadd.f32 v19, v22;
	v20 =	vadd.f32 v21, v20;
	_ =	sdelay $0x1  }
0x36c: {  	v19 =	vadd.f32 v20, v19;
	_ =	sdelay $0x1  }
0x36d: {  	v19 =	vadd.f32 v19, v23  }
0x36e: {  	s1 =	sor.u32 $0x10, s16  }
0x36f: {  	s3 =	sor.u32 s1, s20;
	[tilespmem:s25+$0x0] =	vst v19  }
0x370: {  	s26 =	sor.u32 s1, s30;
	v19 =	vld [tilespmem:s3+$0x0]  }
0x371: {  	s2 =	sor.u32 s1, s19;
	v20 =	vld [tilespmem:s26+$0x0]  }
0x372: {  	s20 =	simm.s32 $0x0;
	s28 =	sor.u32 s1, s22;
	v21 =	vld [tilespmem:s2+$0x0]  }
0x373: {  	s29 =	sor.u32 s1, s11;
	s30 =	sor.u32 s1, s8;
	s12 =	sor.u32 s1, s12;
	v23 =	vld [tilespmem:s28+$0x0]  }
0x374: {  	s5 =	sor.u32 s1, s5;
	s13 =	sor.u32 s1, s4;
	s8 =	sor.u32 s1, s7;
	v24 =	vld [tilespmem:s29+$0x0]  }
0x375: {  	s11 =	sor.u32 s1, s14;
	s6 =	sor.u32 s1, s6;
	s4 =	simm.s32 $0x0;
	v22 =	vld [tilespmem:s30+$0x0]  }
0x376: {  	s7 =	sor.u32 s1, s0;
	s0 =	sor.u32 s1, s10;
	s21 =	simm.s32 $0x0;
	v25 =	vld [tilespmem:s5+$0x0]  }
0x377: {  	s3 =	sor.u32 s1, s9;
	s2 =	sor.u32 s1, s18;
	v26 =	vld [tilespmem:s12+$0x0];
	s9 =	simm.s32 $0x144A0  }
.LBB2_9:
0x378: {  	s20 =	sadd.s32 $0x2, s20;
	v27 =	vld [tilespmem:s11+$0x0];
	s31 =	sadd.s32 $0x100, s31;
	s21 =	sadd.s32 $0x20, s21  }
0x379: {  	p1 =	slt.u32 s20, $0x3E;
	v28 =	vld [tilespmem:s13+$0x0]  }
0x37a: {  	v29 =	vld [tilespmem:s8+$0x0]  }
0x37b: {  	v23 =	vmul.f32 v23, v18;
	v24 =	vmul.f32 v24, v17;
	v30 =	vld [tilespmem:s6+$0x0]  }
0x37c: {  	v31 =	vld [tilespmem:s7+$0x0];
	v26 =	vmul.f32 v26, v8  }
0x37d: {  	v25 =	vmul.f32 v25, v12;
	v32 =	vld [tilespmem:s3+$0x0]  }
0x37e: {  	v27 =	vmul.f32 v27, v4;
	v28 =	vmul.f32 v28, v5;
	v33 =	vld [tilespmem:s2+$0x0]  }
0x37f: {  	v21 =	vmul.f32 v21, v15;
	v25 =	vadd.f32 v25, v26;
	v29 =	vmul.f32 v29, v10  }
0x380: {  	v20 =	vmul.f32 v20, v13;
	v26 =	vmul.f32 v30, v7  }
0x381: {  	v22 =	vmul.f32 v22, v9;
	v30 =	vld [tilespmem:s0+$0x0];
	v31 =	vmul.f32 v31, v3  }
0x382: {  	v19 =	vmul.f32 v19, v16;
	v32 =	vmul.f32 v32, v6  }
0x383: {  	v21 =	vadd.f32 v21, v25;
	v26 =	vadd.f32 v26, v28;
	v28 =	vmul.f32 v33, v14  }
0x384: {  	v25 =	vadd.f32 v32, v27;
	v27 =	vadd.f32 v29, v31  }
0x385: {  	v21 =	vadd.f32 v23, v21;
	v22 =	vadd.f32 v22, v26  }
0x386: {  	v23 =	vadd.f32 v24, v25;
	v24 =	vmul.f32 v30, v11;
	v20 =	vadd.f32 v20, v27  }
0x387: {  	s0 =	sand.u32 $0x380, s4;
	s4 =	smov.u32 s21;
	v22 =	vadd.f32 v28, v22  }
0x388: {  	s0 =	sor.u32 s1, s0;
	v23 =	vadd.f32 v24, v23;
	v19 =	vadd.f32 v19, v20  }
0x389: {  	v20 =	vld [tilespmem:s0+$0x14480]  }
0x38a: {  	v22 =	vadd.f32 v22, v23;
	v19 =	vadd.f32 v21, v19;
	_ =	sdelay $0x1  }
0x38b: {  	v19 =	vadd.f32 v19, v22;
	_ =	sdelay $0x1  }
0x38c: {  	s16 =	sand.u32 $0x1C00, s31;
	s1 =	sand.u32 $0x60, s21;
	v19 =	vadd.f32 v19, v20  }
0x38d: {  	s8 =	sadd.s32 $0x10800, s16;
	s3 =	sadd.s32 $0x10480, s16;
	s2 =	sadd.s32 $0x10680, s16  }
0x38e: {  	s6 =	sadd.s32 $0x10700, s16;
	s5 =	sor.u32 s1, s3;
	s10 =	sor.u32 s1, s2;
	[tilespmem:s0+$0x14480] =	vst v19  }
0x38f: {  	s7 =	sadd.s32 $0x10580, s16;
	s19 =	sor.u32 s1, s8;
	s0 =	sor.u32 s1, s6;
	v19 =	vld [tilespmem:s5+$0x0]  }
0x390: {  	s13 =	sadd.s32 $0x12480, s16;
	s11 =	sadd.s32 $0x10780, s16;
	v20 =	vld [tilespmem:s10+$0x0];
	s10 =	sadd.s32 $0x10500, s16  }
0x391: {  	s12 =	sor.u32 s1, s13;
	s22 =	sor.u32 s1, s7;
	v21 =	vld [tilespmem:s0+$0x0];
	s0 =	sor.u32 s1, s11  }
0x392: {  	s14 =	sadd.s32 $0x12500, s16;
	s5 =	sor.u32 s1, s10;
	v22 =	vld [tilespmem:s0+$0x0];
	s0 =	sadd.s32 $0x10600, s16  }
0x393: {  	s23 =	sor.u32 s1, s14;
	v23 =	vld [tilespmem:s5+$0x0];
	s5 =	sadd.s32 $0x12700, s16;
	s24 =	sor.u32 s1, s0  }
0x394: {  	s17 =	sadd.s32 $0x12580, s16;
	v19 =	vmul.f32 v19, v4;
	v24 =	vld [tilespmem:s12+$0x0];
	s12 =	sadd.s32 $0x12680, s16;
	s15 =	sor.u32 s1, s5  }
0x395: {  	s25 =	sor.u32 s1, s17;
	v20 =	vmul.f32 v20, v6;
	s18 =	sor.u32 s1, s12;
	v25 =	vld [tilespmem:s15+$0x0];
	s15 =	sadd.s32 $0x12600, s16  }
0x396: {  	v26 =	vld [tilespmem:s18+$0x0];
	s18 =	sadd.s32 $0x12780, s16;
	s26 =	sor.u32 s1, s15;
	s16 =	sadd.s32 $0x12800, s16  }
0x397: {  	v19 =	vadd.f32 v20, v19;
	v20 =	vld [tilespmem:s23+$0x0];
	s23 =	sor.u32 s1, s18;
	s28 =	sor.u32 s1, s16  }
0x398: {  	v21 =	vmul.f32 v21, v7;
	v23 =	vmul.f32 v23, v5;
	v27 =	vld [tilespmem:s24+$0x0]  }
0x399: {  	v22 =	vmul.f32 v22, v10;
	v28 =	vld [tilespmem:s22+$0x0]  }
0x39a: {  	v21 =	vadd.f32 v21, v23;
	v23 =	vld [tilespmem:s19+$0x0]  }
0x39b: {  	v29 =	vld [tilespmem:s25+$0x0]  }
0x39c: {  	v24 =	vmul.f32 v24, v17;
	v20 =	vmul.f32 v20, v9;
	v30 =	vld [tilespmem:s26+$0x0]  }
0x39d: {  	v31 =	vld [tilespmem:s23+$0x0];
	v27 =	vmul.f32 v27, v8  }
0x39e: {  	v19 =	vadd.f32 v24, v19;
	v24 =	vmul.f32 v26, v11;
	v26 =	vmul.f32 v28, v3;
	v28 =	vld [tilespmem:s28+$0x0]  }
0x39f: {  	v20 =	vadd.f32 v20, v21;
	v21 =	vmul.f32 v23, v12  }
0x3a0: {  	v19 =	vadd.f32 v24, v19;
	v22 =	vadd.f32 v22, v26;
	v23 =	vmul.f32 v29, v13  }
0x3a1: {  	v24 =	vmul.f32 v25, v14;
	v21 =	vadd.f32 v21, v27;
	v25 =	vmul.f32 v30, v15  }
0x3a2: {  	v22 =	vadd.f32 v23, v22;
	v23 =	vmul.f32 v31, v16  }
0x3a3: {  	v20 =	vadd.f32 v24, v20;
	v21 =	vadd.f32 v25, v21;
	v24 =	vmul.f32 v28, v18  }
0x3a4: {  	v22 =	vadd.f32 v23, v22  }
0x3a5: {  	v19 =	vadd.f32 v20, v19;
	v21 =	vadd.f32 v24, v21  }
0x3a6: {  	v20 =	vld [tilespmem:s9+$0x0]  }
0x3a7: {  	v21 =	vadd.f32 v21, v22;
	_ =	sdelay $0x1  }
0x3a8: {  	v19 =	vadd.f32 v21, v19;
	_ =	sdelay $0x1  }
0x3a9: {  	v19 =	vadd.f32 v19, v20  }
0x3aa: {  	s1 =	sor.u32 $0x10, s1  }
0x3ab: {  	s14 =	sor.u32 s1, s14;
	s19 =	sor.u32 s1, s13;
	s13 =	sor.u32 s1, s18;
	[tilespmem:s9+$0x0] =	vst v19  }
0x3ac: {  	s17 =	sor.u32 s1, s17;
	s22 =	sor.u32 s1, s8;
	s18 =	sor.u32 s1, s0;
	v19 =	vld [tilespmem:s13+$0x0]  }
0x3ad: {  	s8 =	sor.u32 s1, s11;
	s0 =	sor.u32 s1, s15;
	s13 =	sor.u32 s1, s10;
	v20 =	vld [tilespmem:s17+$0x0]  }
0x3ae: {  	s6 =	sor.u32 s1, s6;
	s11 =	sor.u32 s1, s3;
	v21 =	vld [tilespmem:s0+$0x0];
	s0 =	sor.u32 s1, s16  }
.Ltmp3:
0x3af: {  	s7 =	sor.u32 s1, s7;
	s3 =	sor.u32 s1, s2;
	v23 =	vld [tilespmem:s0+$0x0];
	(pc) =	sbr.rel @p1 .LBB2_9-.Ltmp3, $4  }
0x3b0: {  	s2 =	sor.u32 s1, s5;
	s0 =	sor.u32 s1, s12;
	v24 =	vld [tilespmem:s19+$0x0]  }
0x3b1: {  	v22 =	vld [tilespmem:s14+$0x0]  }
0x3b2: {  	v25 =	vld [tilespmem:s22+$0x0]  }
0x3b3: {  	s9 =	sadd.s32 $0x20, s9;
	v26 =	vld [tilespmem:s18+$0x0]  }
0x3b4: {  	v27 =	vld [tilespmem:s11+$0x0]  }
0x3b5: {  	v28 =	vld [tilespmem:s13+$0x0]  }
0x3b6: {  	v29 =	vld [tilespmem:s8+$0x0]  }
0x3b7: {  	v30 =	vld [tilespmem:s6+$0x0]  }
0x3b8: {  	v31 =	vld [tilespmem:s7+$0x0]  }
0x3b9: {  	v56 =	vld [tilespmem:s3+$0x0];
	v18 =	vmul.f32 v23, v18;
	v15 =	vmul.f32 v21, v15  }
0x3ba: {  	v59 =	vmul.f32 v20, v13;
	v60 =	vmul.f32 v19, v16  }
0x3bb: {  	v12 =	vmul.f32 v25, v12;
	v8 =	vmul.f32 v26, v8  }
0x3bc: {  	v57 =	vld [tilespmem:s2+$0x0];
	v4 =	vmul.f32 v27, v4;
	v5 =	vmul.f32 v28, v5  }
0x3bd: {  	v58 =	vld [tilespmem:s0+$0x0];
	v10 =	vmul.f32 v29, v10;
	v7 =	vmul.f32 v30, v7  }
0x3be: {  	v3 =	vmul.f32 v31, v3;
	v6 =	vmul.f32 v56, v6  }
0x3bf: {  	v9 =	vmul.f32 v22, v9;
	v8 =	vadd.f32 v12, v8;
	v5 =	vadd.f32 v7, v5  }
0x3c0: {  	v17 =	vmul.f32 v24, v17;
	v4 =	vadd.f32 v6, v4;
	v3 =	vadd.f32 v10, v3  }
0x3c1: {  	v61 =	vmul.f32 v57, v14;
	v8 =	vadd.f32 v15, v8;
	v5 =	vadd.f32 v9, v5  }
0x3c2: {  	v62 =	vmul.f32 v58, v11;
	v4 =	vadd.f32 v17, v4;
	v3 =	vadd.f32 v59, v3  }
0x3c3: {  	s29 =	sand.u32 $0x380, s4;
	v8 =	vadd.f32 v18, v8;
	v5 =	vadd.f32 v61, v5  }
0x3c4: {  	s0 =	sor.u32 s1, s29;
	v4 =	vadd.f32 v62, v4;
	v3 =	vadd.f32 v60, v3  }
0x3c5: {  	v63 =	vld [tilespmem:s0+$0x14480]  }
0x3c6: {  	s30 =	rddreg [dreg:$0x17];
	v4 =	vadd.f32 v5, v4;
	v3 =	vadd.f32 v8, v3  }
0x3c7: {  	s2 =	rddreg [dreg:$0x18]  }
0x3c8: {  	p1 =	sne.s32 s30, $0x3;
	s1 =	rddreg [dreg:$0x7];
	v3 =	vadd.f32 v3, v4  }
0x3c9: {  	s3 =	rddreg [dreg:$0x8];
	s1 =	sadd.s32 @!p1 s1, s2;
	s2 =	sshll.u32 @!p1 s2, $0x4  }
0x3ca: {  	p0 =	por !p0, p1;
	s1 =	sshll.u32 @!p1 s1, $0x7;
	s2 =	sand.u32 @!p1 $0x70, s2;
	v3 =	vadd.f32 v3, v63  }
0x3cb: {  	s1 =	sand.u32 @!p1 $0x7FC00, s1;
	s2 =	sadd.s32 @!p1 s3, s2;
	s3 =	simm.s32 @!p1 $0x14480  }
0x3cc: {  	s1 =	sadd.s32 @!p1 s1, s2;
	s2 =	simm.s32 @!p1 $0x400;
	[tilespmem:s0+$0x14480] =	vst v3;
	s0 =	simm.s32 @!p1 $0x80  }
0x3cd: {  	[hbm4b:s1+s0] =	stream.strided.scatter @!p1 [tilespmem:s3], [sflag:$0x7], $0x400, s2, s0, $0x38;
	[tilespmem:$0x14880] =	vst v63  }
0x3ce: {  	s0 =	simm.s32 @!p0 $0x5  }
0x3cf: {  	_ =	swait.ge @!p0 [sflag:s0], $0x400  }
0x3d0: {  	[sflag:s0] =	ssyncset.done @!p0 $0x0  }
0x3d1: {  	[sflag:s0] =	ssyncadd.s32 @!p0 $0xFFFFFC00;
	s0 =	simm.s32 @!p0 $0x6  }
0x3d2: {  	_ =	swait.ge @!p0 [sflag:s0], $0x80  }
0x3d3: {  	s31 =	rddreg [dreg:$0x14]  }
0x3d4: {  	s7 =	sadd.s32 $0x1, s31  }
0x3d5: {  	p1 =	sne.s32 s7, $0x100  }
.Ltmp4:
0x3d6: {  	_ = 	snop;
	(pc) =	sbr.rel @p1 .LBB2_2-.Ltmp4, $3  }
0x3d7: {  	_ =	sdelay $0x1  }
0x3d8: {  	[sflag:s0] =	ssyncset.done @!p0 $0x0  }
0x3d9: {  	[sflag:s0] =	ssyncadd.s32 @!p0 $0xFFFFFF80  }
0x3da: {  	s1 =	simm.s32 $0x7  }
0x3db: {  	_ =	swait.ge [sflag:s1], $0x400  }
0x3dc: {  	s2 =	rddreg [dreg:$0x13]  }
0x3dd: {  	s0 =	rddreg [dreg:$0x12];
	s2 =	sadd.s32 $0x1, s2  }
0x3de: {  	p0 =	sne.s32 s2, s0  }
.Ltmp5:
0x3df: {  	_ = 	snop;
	(pc) =	sbr.rel @p0 .LBB2_1-.Ltmp5, $3  }
0x3e0: {  	_ =	sdelay $0x1  }
0x3e1: {  	[sflag:s1] =	ssyncset.done $0x0  }
0x3e2: {  	[sflag:s1] =	ssyncadd.s32 $0xFFFFFC00  }
0x3e3: {  	_ =	sfence.sel $0x180000  }
0x3e4: {  	[bflag:$0x0] =	sbarrier.arrive $0xFFFF  }
0x3e5: {  	_ =	strace $0x90000047  }
0x3e6: {  	s0 =	stileid.u32;
	[bflag:$0x2] =	sbarrier.arrive $0xFFFF  }
0x3e7: {  	p0 =	sne.s32 s0, $0x0;
	s0 =	rddreg [dreg:$0x5]  }
0x3e8: {  	s0 =	sadd.s32 @!p0 $0x100000, s0  }
0x3e9: {  	[sflag:s0] =	ssyncadd.tile.s32 @!p0 $0x1;
	_ =	shalt  }
.Lfunc_end2:
_tile_overlayer_lowered:
.L_overlay_start_2:
0x3ea: {  	(tag) =	ssettag $0x2  }
0x3eb: {  	s0 =	rddreg [dreg:$0x0];
	s2 =	stileid.u32  }
0x3ec: {  	s1 =	rddreg [dreg:$0x1];
	p0 =	sne.s32 s2, $0x0  }
0x3ed: {  	s3 =	rddreg [dreg:$0x2];
	[bflag:$0x3] =	sbarrier.arrive $0xFFFF;
	s2 =	simm.s32 @!p0 $0x1C08  }
0x3ee: {  	[timem:s3], [sflag:s2] =	dma.local @!p0 [hbm:s0], s1  }
0x3ef: {  	s0 =	simm.s32 @!p0 $0x8  }
0x3f0: {  	_ =	swait.ge @!p0 [sflag:s0], s1  }
0x3f1: {  	s1 =	ssub.s32 @!p0 $0x0, s1;
	[sflag:s0] =	ssyncset.done @!p0 $0x0  }
0x3f2: {  	[sflag:s0] =	ssyncadd.s32 @!p0 s1  }
0x3f3: {  	[bflag:$0x3] =	sbarrier.arrive $0xFFFF  }
0x3f4: {  	_ =	shalt  }

</sc_bundles>
